<compile_context>
chip_gen: v7x
topology: tpu7x:2x2x1
jax: 0.10.2.dev20260603
libtpu: 0.0.44.dev20260713+nightly
codegen_flags: <defaults>
</compile_context>

<pallas_src>
import functools

import jax
import jax.numpy as jnp
from jax import lax
from jax.experimental import pallas as pl
from jax.experimental.pallas import tpu as pltpu
from jax.experimental.pallas import tpu_sc as plsc

N = 20000
NPAD = 20480
NT = 16
PT = NPAD // NT
NV = PT // 16
K = 1000
KPAD = 1024
SENT = 0x7FFFFFFF
SQRT_MAGIC = 0x1FBD1DF5


def _keys_body(c0_ref, c1_ref, c2_ref, o_ref):
    m = jnp.maximum(jnp.maximum(c0_ref[...], c1_ref[...]), c2_ref[...])
    s = 1.0 / (1.0 + jnp.exp(-m))
    o_ref[...] = lax.bitcast_convert_type(s, jnp.int32)


def _make_keys(c0, c1, c2):
    return pl.pallas_call(
        _keys_body,
        out_shape=jax.ShapeDtypeStruct((NPAD // 128, 128), jnp.int32),
    )(c0, c1, c2)


def _lane(vec, i, iota):
    return jnp.sum(jnp.where(iota == i, vec, 0))


def _sc_body(keys_hbm, *rest):
    tabs = rest[:19]
    (bb_o, sc_o, dir_o, idx_o,
     keys_v, banks, ghist, mrg, sfull, cntv, lk, li,
     stagek, stagei, akey, aidx, bkey, bidx, cntb,
     gidx, abuf, obuf, dir_l,
     HIST, DEC, CNT, SURVK, SURVI, GAT, sem) = rest[19:]
    t = lax.axis_index("s")
    iota = lax.iota(jnp.int32, 16)
    ones = jnp.ones((16,), jnp.int32)
    zeros = jnp.zeros((16,), jnp.int32)

    pltpu.sync_copy(keys_hbm.at[pl.ds(t * PT, PT)], keys_v)

    def _round(r, carry):
        P, needed = carry
        shift = 24 - 8 * r
        maskc = jnp.where(r == 0, 0,
                          (-1) << jnp.minimum(shift + 8, 31))

        def _zero(i, _):
            banks[pl.ds(i * 16, 16)] = zeros
            return 0
        lax.fori_loop(0, 256, _zero, 0)

        def _hist(v, _):
            for j in range(4):
                u = keys_v[pl.ds((v * 4 + j) * 16, 16)]
                m = (u & maskc) == P
                d = (u >> shift) & 0xFF
                plsc.addupdate_scatter(banks, [iota * 256 + d], ones, mask=m)
            return 0
        lax.fori_loop(0, NV // 4, _hist, 0)

        def _merge(c, _):
            def _acc(l, a):
                return a + banks[pl.ds(l * 256 + c * 16, 16)]
            mrg[pl.ds(c * 16, 16)] = lax.fori_loop(0, 16, _acc, zeros)
            return 0
        lax.fori_loop(0, 16, _merge, 0)

        pltpu.sync_copy(mrg, HIST.at[pl.ds(r * 4096 + t * 256, 256)])
        plsc.subcore_barrier()

        @pl.when(t == 0)
        def _scan():
            pltpu.sync_copy(HIST.at[pl.ds(r * 4096, 4096)], ghist)

            def _gsum(c, _):
                def _acc(tt, a):
                    return a + ghist[pl.ds(tt * 256 + c * 16, 16)]
                mrg[pl.ds(c * 16, 16)] = lax.fori_loop(0, 16, _acc, zeros)
                return 0
            lax.fori_loop(0, 16, _gsum, 0)

            def _sfx(c2, R):
                c = 15 - c2
                h = mrg[pl.ds(c * 16, 16)]
                sfx = jnp.flip(jnp.cumsum(jnp.flip(h, 0)), 0) - h
                sfull[pl.ds(c * 16, 16)] = sfx + R
                return R + jnp.sum(h)
            lax.fori_loop(0, 16, _sfx, jnp.int32(0))

            def _cnt(c, a):
                m = sfull[pl.ds(c * 16, 16)] < needed
                return a + jnp.sum(m.astype(jnp.int32))
            ctrue = lax.fori_loop(0, 16, _cnt, jnp.int32(0))
            dstar = jnp.int32(256) - ctrue
            schunk = sfull[pl.ds((dstar >> 4) * 16, 16)]
            needed2 = needed - _lane(schunk, dstar & 15, iota)
            cntv[...] = jnp.where(iota == 0, dstar,
                                  jnp.where(iota == 1, needed2, 0))
            pltpu.sync_copy(cntv, DEC.at[pl.ds(r * 16, 16)])

        plsc.subcore_barrier()
        pltpu.sync_copy(DEC.at[pl.ds(r * 16, 16)], cntv)
        dec = cntv[...]
        dstar = _lane(dec, jnp.int32(0), iota)
        needed = _lane(dec, jnp.int32(1), iota)
        return (P | (dstar << shift), needed)

    T, needed_eq = lax.fori_loop(0, 4, _round,
                                 (jnp.int32(0), jnp.int32(K)))

    def _cnts(v, c):
        cg, ce = c
        for j in range(4):
            u = keys_v[pl.ds((v * 4 + j) * 16, 16)]
            cg = cg + jnp.sum((u > T).astype(jnp.int32))
            ce = ce + jnp.sum((u == T).astype(jnp.int32))
        return (cg, ce)
    cgt, ceq = lax.fori_loop(0, NV // 4, _cnts,
                             (jnp.int32(0), jnp.int32(0)))
    cntv[...] = jnp.where(iota == 0, cgt, jnp.where(iota == 1, ceq, 0))
    pltpu.sync_copy(cntv, CNT.at[pl.ds(t * 16, 16)])
    plsc.subcore_barrier()

    pltpu.sync_copy(CNT, mrg)
    gt_vec = plsc.load_gather(mrg, [iota * 16])
    eq_vec = plsc.load_gather(mrg, [iota * 16 + 1])
    eq_excl = jnp.cumsum(eq_vec) - eq_vec
    sel_eq = jnp.clip(needed_eq - eq_excl, 0, eq_vec)
    cnt_sel = gt_vec + sel_eq
    sel_excl = jnp.cumsum(cnt_sel) - cnt_sel
    my_limit = _lane(sel_eq, t, iota)

    def _fill(i, _):
        lk[pl.ds(i * 16, 16)] = zeros
        li[pl.ds(i * 16, 16)] = zeros + SENT
        return 0
    lax.fori_loop(0, 64, _fill, 0)

    def _compact(v, c):
        csel, ceqr = c
        for j in range(4):
            u = keys_v[pl.ds((v * 4 + j) * 16, 16)]
            idxv = t * PT + (v * 4 + j) * 16 + iota
            gt = u > T
            eq = u == T
            eqc = eq.astype(jnp.int32)
            eq_ex = jnp.cumsum(eqc) - eqc
            sel = gt | (eq & ((ceqr + eq_ex) < my_limit))
            sc = sel.astype(jnp.int32)
            s_ex = jnp.cumsum(sc) - sc
            pos = csel + s_ex
            plsc.store_scatter(lk, [pos], u, mask=sel)
            plsc.store_scatter(li, [pos], idxv, mask=sel)
            csel = csel + jnp.sum(sc)
            ceqr = ceqr + jnp.sum(eqc)
        return (csel, ceqr)
    lax.fori_loop(0, NV // 4, _compact, (jnp.int32(0), jnp.int32(0)))

    pltpu.sync_copy(lk, SURVK.at[pl.ds(t * KPAD, KPAD)])
    pltpu.sync_copy(li, SURVI.at[pl.ds(t * KPAD, KPAD)])
    plsc.subcore_barrier()

    @pl.when(t == 0)
    def _sort():
        pltpu.sync_copy(SURVK, stagek)
        pltpu.sync_copy(SURVI, stagei)

        def _fa(i, _):
            akey[pl.ds(i * 16, 16)] = zeros
            aidx[pl.ds(i * 16, 16)] = zeros + SENT
            return 0
        lax.fori_loop(0, 64, _fa, 0)

        def _tile(t2, _):
            cnt_t = _lane(cnt_sel, t2, iota)
            base_t = _lane(sel_excl, t2, iota)
            nvv = (cnt_t + 15) >> 4

            def _pull(v2, _):
                u = stagek[pl.ds(t2 * KPAD + v2 * 16, 16)]
                ii = stagei[pl.ds(t2 * KPAD + v2 * 16, 16)]
                m = (v2 * 16 + iota) < cnt_t
                p = base_t + v2 * 16 + iota
                slot = ((p & 63) << 4) | (p >> 6)
                plsc.store_scatter(akey, [slot], u, mask=m)
                plsc.store_scatter(aidx, [slot], ii, mask=m)
                return 0
            lax.fori_loop(0, nvv, _pull, 0)
            return 0
        lax.fori_loop(0, 16, _tile, 0)

        def _one_pass(sk, si, dk, di, shift, last):
            def _zc(i, _):
                for j in range(4):
                    cntb[pl.ds((i * 4 + j) * 16, 16)] = zeros
                return 0
            lax.fori_loop(0, 16, _zc, 0)

            def _h(v, _):
                for j in range(4):
                    u = sk[pl.ds((v * 4 + j) * 16, 16)]
                    d = 63 - ((u >> shift) & 63)
                    plsc.addupdate_scatter(cntb, [d * 16 + iota], ones)
                return 0
            lax.fori_loop(0, 16, _h, 0)

            def _sc(c, R):
                h = cntb[pl.ds(c * 16, 16)]
                cntb[pl.ds(c * 16, 16)] = jnp.cumsum(h) - h + R
                return R + jnp.sum(h)
            lax.fori_loop(0, 64, _sc, jnp.int32(0))

            def _p(v, _):
                for j in range(4):
                    u = sk[pl.ds((v * 4 + j) * 16, 16)]
                    d = 63 - ((u >> shift) & 63)
                    bi = d * 16 + iota
                    pos = plsc.load_gather(cntb, [bi])
                    plsc.store_scatter(cntb, [bi], pos + 1)
                    tslot = ((pos & 63) << 4) | (pos >> 6)
                    slot = jnp.where(last, pos, tslot)
                    plsc.store_scatter(dk, [slot], u)
                    ii = si[pl.ds((v * 4 + j) * 16, 16)]
                    plsc.store_scatter(di, [slot], ii)
                return 0
            lax.fori_loop(0, 16, _p, 0)

        def _dpass(i, _):
            _one_pass(akey, aidx, bkey, bidx, 12 * i, jnp.bool_(False))
            _one_pass(bkey, bidx, akey, aidx, 12 * i + 6, i == 2)
            return 0
        lax.fori_loop(0, 3, _dpass, 0)

        def _g(v, _):
            lk[pl.ds(v * 16, 16)] = jnp.minimum(aidx[pl.ds(v * 16, 16)],
                                                jnp.int32(N - 1))
            return 0
        lax.fori_loop(0, 64, _g, 0)
        pltpu.sync_copy(lk, GAT)
        pltpu.sync_copy(lk, idx_o)

    plsc.subcore_barrier()

    pltpu.sync_copy(GAT.at[pl.ds(t * 64, 64)], gidx)
    descs = [
        pltpu.async_copy(tabs[k].at[gidx], abuf.at[pl.ds(k * 64, 64)], sem)
        for k in range(19)
    ]
    for d in descs:
        d.wait()

    def _dec(g, _):
        def _col(k):
            return abuf[pl.ds(k * 64 + g * 16, 16)]

        xa = _col(0); ya = _col(1); za = _col(2)
        wa = _col(3); la = _col(4); ha = _col(5); ra = _col(6)
        xt = _col(7); yt = _col(8); zt = _col(9)
        wt = _col(10); lt = _col(11); ht = _col(12); rt = _col(13)

        za2 = za + ha * 0.5
        a2 = la * la + wa * wa
        yi = SQRT_MAGIC + (plsc.bitcast(a2, jnp.int32) >> 1)
        y = plsc.bitcast(yi, jnp.float32)
        y = 0.5 * (y + a2 / y)
        y = 0.5 * (y + a2 / y)
        y = 0.5 * (y + a2 / y)
        diag = y
        xg = xt * diag + xa
        yg = yt * diag + ya
        zg = zt * ha + za2
        lg = jnp.exp(lt) * la
        wg = jnp.exp(wt) * wa
        hg = jnp.exp(ht) * ha
        rg = rt + ra
        zg = zg - hg * 0.5

        for c, val in enumerate((xg, yg, zg, wg, lg, hg, rg)):
            obuf[pl.ds(c * 64 + g * 16, 16)] = val
        for c in range(3):
            x = _col(14 + c)
            obuf[pl.ds((7 + c) * 64 + g * 16, 16)] = 1.0 / (1.0 + jnp.exp(-x))
        d0 = _col(17)
        d1 = _col(18)
        dir_l[pl.ds(g * 16, 16)] = jnp.where(d1 > d0, 1, 0).astype(jnp.int32)
        return 0
    lax.fori_loop(0, 4, _dec, 0)

    for c in range(7):
        pltpu.sync_copy(obuf.at[pl.ds(c * 64, 64)],
                        bb_o.at[c, pl.ds(t * 64, 64)])
    for c in range(3):
        pltpu.sync_copy(obuf.at[pl.ds((7 + c) * 64, 64)],
                        sc_o.at[c, pl.ds(t * 64, 64)])
    pltpu.sync_copy(dir_l, dir_o.at[pl.ds(t * 64, 64)])


@functools.partial(jax.jit, static_argnums=())
def _sc_topk(keys, *cols):
    mesh = plsc.VectorSubcoreMesh(core_axis_name="c", subcore_axis_name="s",
                                  num_cores=1)
    f = pl.kernel(
        _sc_body,
        out_type=[
            jax.ShapeDtypeStruct((7, KPAD), jnp.float32),
            jax.ShapeDtypeStruct((3, KPAD), jnp.float32),
            jax.ShapeDtypeStruct((KPAD,), jnp.int32),
            jax.ShapeDtypeStruct((KPAD,), jnp.int32),
        ],
        mesh=mesh,
        compiler_params=pltpu.CompilerParams(needs_layout_passes=False,
                                             use_tc_tiling_on_sc=False),
        scratch_types=[
            pltpu.VMEM((PT,), jnp.int32),
            pltpu.VMEM((4096,), jnp.int32),
            pltpu.VMEM((4096,), jnp.int32),
            pltpu.VMEM((256,), jnp.int32),
            pltpu.VMEM((256,), jnp.int32),
            pltpu.VMEM((16,), jnp.int32),
            pltpu.VMEM((KPAD,), jnp.int32),
            pltpu.VMEM((KPAD,), jnp.int32),
            pltpu.VMEM((16 * KPAD,), jnp.int32),
            pltpu.VMEM((16 * KPAD,), jnp.int32),
            pltpu.VMEM((KPAD,), jnp.int32),
            pltpu.VMEM((KPAD,), jnp.int32),
            pltpu.VMEM((KPAD,), jnp.int32),
            pltpu.VMEM((KPAD,), jnp.int32),
            pltpu.VMEM((1024,), jnp.int32),
            pltpu.VMEM((64,), jnp.int32),
            pltpu.VMEM((19 * 64,), jnp.float32),
            pltpu.VMEM((10 * 64,), jnp.float32),
            pltpu.VMEM((64,), jnp.int32),
            pltpu.VMEM_SHARED((4 * 4096,), jnp.int32),
            pltpu.VMEM_SHARED((64,), jnp.int32),
            pltpu.VMEM_SHARED((256,), jnp.int32),
            pltpu.VMEM_SHARED((16 * KPAD,), jnp.int32),
            pltpu.VMEM_SHARED((16 * KPAD,), jnp.int32),
            pltpu.VMEM_SHARED((KPAD,), jnp.int32),
            pltpu.SemaphoreType.DMA,
        ],
    )
    return f(keys, *cols)


def kernel(cls_score, bbox_pred, dir_cls_pred, anchors):
    pad = jnp.full((NPAD - N,), -200.0, jnp.float32)
    cs = [jnp.concatenate([cls_score[:, i], pad]).reshape(NPAD // 128, 128)
          for i in range(3)]
    keys = _make_keys(*cs).reshape(NPAD)
    colsrc = ([anchors[:, c] for c in range(7)]
              + [bbox_pred[:, c] for c in range(7)]
              + [cls_score[:, c] for c in range(3)]
              + [dir_cls_pred[:, c] for c in range(2)])
    bb, sc, dr, _ = _sc_topk(keys, *colsrc)
    return (bb.T[:K], sc.T[:K], dr[:K])

# --- scband reference (transcript-rebuilt; emitter-appended) ---
"""Pipeline reference for scband-point-pillar-9122510536946 (READ-ONLY COPY).

The authoritative reference and input builder live on the scoring server;
editing this copy changes nothing except your own understanding.
"""

import jax, jax.numpy as jnp
import numpy as np

N = 20000
NUM_CLASSES = 3
BOX_CODE_SIZE = 7
NMS_PRE = 1000


def _decode(anchors, deltas):
    xa, ya, za, wa, la, ha, ra = jnp.split(anchors, BOX_CODE_SIZE, axis=-1)
    xt, yt, zt, wt, lt, ht, rt = jnp.split(deltas, BOX_CODE_SIZE, axis=-1)
    za = za + ha / 2.0
    diagonal = jnp.sqrt(la ** 2 + wa ** 2)
    xg = xt * diagonal + xa
    yg = yt * diagonal + ya
    zg = zt * ha + za
    lg = jnp.exp(lt) * la
    wg = jnp.exp(wt) * wa
    hg = jnp.exp(ht) * ha
    rg = rt + ra
    zg = zg - hg / 2.0
    return jnp.concatenate([xg, yg, zg, wg, lg, hg, rg], axis=-1)


def setup_inputs(seed: int = 0) -> dict:
    key = jax.random.key(seed)
    k1, k2, k3, k4 = jax.random.split(key, 4)
    cls_score = jax.random.normal(k1, (N, NUM_CLASSES), dtype=jnp.float32)
    bbox_pred = jax.random.normal(k2, (N, BOX_CODE_SIZE), dtype=jnp.float32) * 0.1
    dir_cls_pred = jax.random.normal(k3, (N, 2), dtype=jnp.float32)
    anchors = jax.random.uniform(k4, (N, BOX_CODE_SIZE), dtype=jnp.float32)
    return {
        "cls_score": cls_score,
        "bbox_pred": bbox_pred,
        "dir_cls_pred": dir_cls_pred,
        "anchors": anchors,
    }


def reference(cls_score, bbox_pred, dir_cls_pred, anchors):
    # dir_cls_pred -> argmax over 2 direction bins (torch.max(...)[1])
    dir_cls_score = jnp.argmax(dir_cls_pred, axis=-1)
    # class scores -> sigmoid
    scores = jax.nn.sigmoid(cls_score)
    # nms_pre top-k pre-selection on per-anchor max class score
    max_scores = jnp.max(scores, axis=1)
    _, topk_inds = jax.lax.top_k(max_scores, NMS_PRE)
    anchors_k = jnp.take(anchors, topk_inds, axis=0)
    bbox_k = jnp.take(bbox_pred, topk_inds, axis=0)
    scores_k = jnp.take(scores, topk_inds, axis=0)
    dir_k = jnp.take(dir_cls_score, topk_inds, axis=0)
    bboxes = _decode(anchors_k, bbox_k)
    return (bboxes, scores_k, dir_k)

if __name__ == "__main__":
    import jax
    _d = setup_inputs()
    print(jax.jit(kernel)(*tuple(_d.values())))

</pallas_src>

<mosaic_0001>
#map = affine_map<(d0, d1) -> (0)>
#map1 = affine_map<(d0, d1) -> (0, 0)>
module attributes {stable_mosaic.version = 14 : i64} {
  func.func @_sc_body(%arg0: i32, %arg1: i32, %arg2: memref<20480xi32, #tpu.memory_space<hbm>>, %arg3: memref<20000xf32, #tpu.memory_space<hbm>>, %arg4: memref<20000xf32, #tpu.memory_space<hbm>>, %arg5: memref<20000xf32, #tpu.memory_space<hbm>>, %arg6: memref<20000xf32, #tpu.memory_space<hbm>>, %arg7: memref<20000xf32, #tpu.memory_space<hbm>>, %arg8: memref<20000xf32, #tpu.memory_space<hbm>>, %arg9: memref<20000xf32, #tpu.memory_space<hbm>>, %arg10: memref<20000xf32, #tpu.memory_space<hbm>>, %arg11: memref<20000xf32, #tpu.memory_space<hbm>>, %arg12: memref<20000xf32, #tpu.memory_space<hbm>>, %arg13: memref<20000xf32, #tpu.memory_space<hbm>>, %arg14: memref<20000xf32, #tpu.memory_space<hbm>>, %arg15: memref<20000xf32, #tpu.memory_space<hbm>>, %arg16: memref<20000xf32, #tpu.memory_space<hbm>>, %arg17: memref<20000xf32, #tpu.memory_space<hbm>>, %arg18: memref<20000xf32, #tpu.memory_space<hbm>>, %arg19: memref<20000xf32, #tpu.memory_space<hbm>>, %arg20: memref<20000xf32, #tpu.memory_space<hbm>>, %arg21: memref<20000xf32, #tpu.memory_space<hbm>>, %arg22: memref<7x1024xf32, #tpu.memory_space<hbm>>, %arg23: memref<3x1024xf32, #tpu.memory_space<hbm>>, %arg24: memref<1024xi32, #tpu.memory_space<hbm>>, %arg25: memref<1024xi32, #tpu.memory_space<hbm>>, %arg26: memref<1280xi32, #tpu.memory_space<vmem>>, %arg27: memref<4096xi32, #tpu.memory_space<vmem>>, %arg28: memref<4096xi32, #tpu.memory_space<vmem>>, %arg29: memref<256xi32, #tpu.memory_space<vmem>>, %arg30: memref<256xi32, #tpu.memory_space<vmem>>, %arg31: memref<16xi32, #tpu.memory_space<vmem>>, %arg32: memref<1024xi32, #tpu.memory_space<vmem>>, %arg33: memref<1024xi32, #tpu.memory_space<vmem>>, %arg34: memref<16384xi32, #tpu.memory_space<vmem>>, %arg35: memref<16384xi32, #tpu.memory_space<vmem>>, %arg36: memref<1024xi32, #tpu.memory_space<vmem>>, %arg37: memref<1024xi32, #tpu.memory_space<vmem>>, %arg38: memref<1024xi32, #tpu.memory_space<vmem>>, %arg39: memref<1024xi32, #tpu.memory_space<vmem>>, %arg40: memref<1024xi32, #tpu.memory_space<vmem>>, %arg41: memref<64xi32, #tpu.memory_space<vmem>>, %arg42: memref<1216xf32, #tpu.memory_space<vmem>>, %arg43: memref<640xf32, #tpu.memory_space<vmem>>, %arg44: memref<64xi32, #tpu.memory_space<vmem>>, %arg45: memref<16384xi32, #tpu.memory_space<vmem_shared>>, %arg46: memref<64xi32, #tpu.memory_space<vmem_shared>>, %arg47: memref<256xi32, #tpu.memory_space<vmem_shared>>, %arg48: memref<16384xi32, #tpu.memory_space<vmem_shared>>, %arg49: memref<16384xi32, #tpu.memory_space<vmem_shared>>, %arg50: memref<1024xi32, #tpu.memory_space<vmem_shared>>, %arg51: memref<!tpu.dma_semaphore, #tpu.memory_space<semaphore_mem>>) attributes {dimension_semantics = [#tpu.dimension_semantics<core_parallel>, #tpu.dimension_semantics<subcore_parallel>], iteration_bounds = array<i64: 1, 16>, scalar_prefetch = 0 : i64, scratch_operands = 26 : i64, tpu.core_type = #tpu.core_type<sc_vector_subcore>, window_params = [{transform_indices = #map}, {transform_indices = #map}, {transform_indices = #map}, {transform_indices = #map}, {transform_indices = #map}, {transform_indices = #map}, {transform_indices = #map}, {transform_indices = #map}, {transform_indices = #map}, {transform_indices = #map}, {transform_indices = #map}, {transform_indices = #map}, {transform_indices = #map}, {transform_indices = #map}, {transform_indices = #map}, {transform_indices = #map}, {transform_indices = #map}, {transform_indices = #map}, {transform_indices = #map}, {transform_indices = #map}, {transform_indices = #map1}, {transform_indices = #map1}, {transform_indices = #map}, {transform_indices = #map}]} {
    %iota3A = tpu.iota {dimensions = array<i32: 0>} : vector<16xi32>
    %broadcast_in_dim3A = arith.constant 1 : i32
    %broadcast_in_dim3A_0 = vector.broadcast %broadcast_in_dim3A : i32 to vector<16xi32>
    %broadcast_in_dim3A_1 = arith.constant 0 : i32
    %broadcast_in_dim3A_2 = vector.broadcast %broadcast_in_dim3A_1 : i32 to vector<16xi32>
    %mul3A = arith.constant 1280 : i32
    %mul3A_3 = arith.muli %arg1, %mul3A : i32
    "tpu.region"() ({
      %run_scoped3A_273 = tpu.sem_alloc : memref<!tpu.dma_semaphore, #tpu.memory_space<semaphore_mem>>
      %dma_start3A_274 = tpu.memref_slice %arg2[%mul3A_3] : memref<20480xi32, #tpu.memory_space<hbm>> -> memref<1280xi32, #tpu.memory_space<hbm>>
      %dma_start3A_275 = tpu.memref_slice %arg2[%mul3A_3] : memref<20480xi32, #tpu.memory_space<hbm>> -> memref<1280xi32, #tpu.memory_space<hbm>>
      tpu.enqueue_dma source(%dma_start3A_275 : memref<1280xi32, #tpu.memory_space<hbm>>) target(%arg26 : memref<1280xi32, #tpu.memory_space<vmem>>) target_semaphore(%run_scoped3A_273 : memref<!tpu.dma_semaphore, #tpu.memory_space<semaphore_mem>>)
      %dma_wait3A_276 = tpu.memref_slice %arg2[%mul3A_3] : memref<20480xi32, #tpu.memory_space<hbm>> -> memref<1280xi32, #tpu.memory_space<hbm>>
      %dma_wait3A_277 = tpu.memref_slice %arg2[%mul3A_3] : memref<20480xi32, #tpu.memory_space<hbm>> -> memref<1280xi32, #tpu.memory_space<hbm>>
      tpu.wait_dma2 semaphore(%run_scoped3A_273 : memref<!tpu.dma_semaphore, #tpu.memory_space<semaphore_mem>>) src(%dma_wait3A_277 : memref<1280xi32, #tpu.memory_space<hbm>>) dst(%arg26 : memref<1280xi32, #tpu.memory_space<vmem>>)
      tpu.yield
    }) : () -> ()
    %scan3A = arith.constant 0 : i32
    %scan3A_4 = arith.constant 1000 : i32
    %scan3A_5 = arith.constant 0 : i32
    %scan3A_6 = arith.constant 4 : i32
    %scan3A_7 = arith.addi %scan3A_5, %scan3A_6 : i32
    %scan3A_8 = arith.constant 1 : i32
    %scan3A_9:2 = scf.for %scan3A_273 = %scan3A_5 to %scan3A_7 step %scan3A_8 iter_args(%scan3A_274 = %scan3A, %scan3A_275 = %scan3A_4) -> (i32, i32)  : i32 {
      %mul3A_276 = arith.constant 8 : i32
      %mul3A_277 = arith.muli %mul3A_276, %scan3A_273 : i32
      %sub3A_278 = arith.constant 24 : i32
      %sub3A_279 = arith.subi %sub3A_278, %mul3A_277 : i32
      %eq3A_280 = arith.constant 0 : i32
      %eq3A_281 = arith.cmpi eq, %scan3A_273, %eq3A_280 : i32
      %add3A_282 = arith.constant 8 : i32
      %add3A_283 = arith.addi %sub3A_279, %add3A_282 : i32
      %min3A_284 = arith.constant 31 : i32
      %min3A_285 = arith.minsi %add3A_283, %min3A_284 : i32
      %shift_left3A = arith.constant -1 : i32
      %shift_left3A_286 = arith.shli %shift_left3A, %min3A_285 : i32
      %jit3A_287 = arith.constant 0 : i32
      %select_n3A_288 = arith.select %eq3A_281, %jit3A_287, %shift_left3A_286 : i32
      %scan3A_289 = arith.constant 0 : i32
      %scan3A_290 = arith.constant 0 : i32
      %scan3A_291 = arith.constant 256 : i32
      %scan3A_292 = arith.addi %scan3A_290, %scan3A_291 : i32
      %scan3A_293 = arith.constant 1 : i32
      %scan3A_294 = scf.for %scan3A_346 = %scan3A_290 to %scan3A_292 step %scan3A_293 iter_args(%scan3A_347 = %scan3A_289) -> (i32)  : i32 {
        %mul3A_348 = arith.constant 16 : i32
        %mul3A_349 = arith.muli %scan3A_346, %mul3A_348 : i32
        %swap3A_350 = arith.index_cast %mul3A_349 : i32 to index
        %swap3A_351 = tpu.vector_load %arg27[%swap3A_350] {strides = array<i32>} : memref<4096xi32, #tpu.memory_space<vmem>>, vector<16xi32>,
        tpu.vector_store %arg27[%swap3A_350], %broadcast_in_dim3A_2 {strides = array<i32>} : memref<4096xi32, #tpu.memory_space<vmem>>, vector<16xi32>,
        %scan3A_352 = arith.constant 0 : i32
        scf.yield %scan3A_352 : i32
      }
      %scan3A_295 = arith.constant 256 : i32
      %scan3A_296 = arith.constant 0 : i32
      %scan3A_297 = arith.constant 0 : i32
      %scan3A_298 = arith.constant 20 : i32
      %scan3A_299 = arith.addi %scan3A_297, %scan3A_298 : i32
      %scan3A_300 = arith.constant 1 : i32
      %scan3A_301 = scf.for %scan3A_346 = %scan3A_297 to %scan3A_299 step %scan3A_300 iter_args(%scan3A_347 = %scan3A_296) -> (i32)  : i32 {
        %mul3A_348 = arith.constant 4 : i32
        %mul3A_349 = arith.muli %scan3A_346, %mul3A_348 : i32
        %add3A_350 = arith.constant 0 : i32
        %add3A_351 = arith.addi %mul3A_349, %add3A_350 : i32
        %mul3A_352 = arith.constant 16 : i32
        %mul3A_353 = arith.muli %add3A_351, %mul3A_352 : i32
        %get3A_354 = arith.index_cast %mul3A_353 : i32 to index
        %get3A_355 = tpu.vector_load %arg26[%get3A_354] {strides = array<i32>} : memref<1280xi32, #tpu.memory_space<vmem>>, vector<16xi32>,
        %and3A = vector.broadcast %select_n3A_288 : i32 to vector<16xi32>
        %and3A_356 = arith.andi %get3A_355, %and3A : vector<16xi32>
        %eq3A_357 = vector.broadcast %scan3A_274 : i32 to vector<16xi32>
        %eq3A_358 = arith.cmpi eq, %and3A_356, %eq3A_357 : vector<16xi32>
        %shift_right_arithmetic3A = vector.broadcast %sub3A_279 : i32 to vector<16xi32>
        %shift_right_arithmetic3A_359 = arith.shrsi %get3A_355, %shift_right_arithmetic3A : vector<16xi32>
        %and3A_360 = arith.constant 255 : i32
        %and3A_361 = vector.broadcast %and3A_360 : i32 to vector<16xi32>
        %and3A_362 = arith.andi %shift_right_arithmetic3A_359, %and3A_361 : vector<16xi32>
        %mul3A_363 = arith.constant 256 : i32
        %mul3A_364 = vector.broadcast %mul3A_363 : i32 to vector<16xi32>
        %mul3A_365 = arith.muli %iota3A, %mul3A_364 : vector<16xi32>
        %add3A_366 = arith.addi %mul3A_365, %and3A_362 : vector<16xi32>
        tpu.vector_store_idx %arg27[%add3A_366], %broadcast_in_dim3A_0 masked %eq3A_358 {add = true} : memref<4096xi32, #tpu.memory_space<vmem>>[vector<16xi32>], vector<16xi32>, vector<16xi1>
        %mul3A_367 = arith.constant 4 : i32
        %mul3A_368 = arith.muli %scan3A_346, %mul3A_367 : i32
        %add3A_369 = arith.constant 1 : i32
        %add3A_370 = arith.addi %mul3A_368, %add3A_369 : i32
        %mul3A_371 = arith.constant 16 : i32
        %mul3A_372 = arith.muli %add3A_370, %mul3A_371 : i32
        %get3A_373 = arith.index_cast %mul3A_372 : i32 to index
        %get3A_374 = tpu.vector_load %arg26[%get3A_373] {strides = array<i32>} : memref<1280xi32, #tpu.memory_space<vmem>>, vector<16xi32>,
        %and3A_375 = vector.broadcast %select_n3A_288 : i32 to vector<16xi32>
        %and3A_376 = arith.andi %get3A_374, %and3A_375 : vector<16xi32>
        %eq3A_377 = vector.broadcast %scan3A_274 : i32 to vector<16xi32>
        %eq3A_378 = arith.cmpi eq, %and3A_376, %eq3A_377 : vector<16xi32>
        %shift_right_arithmetic3A_379 = vector.broadcast %sub3A_279 : i32 to vector<16xi32>
        %shift_right_arithmetic3A_380 = arith.shrsi %get3A_374, %shift_right_arithmetic3A_379 : vector<16xi32>
        %and3A_381 = arith.constant 255 : i32
        %and3A_382 = vector.broadcast %and3A_381 : i32 to vector<16xi32>
        %and3A_383 = arith.andi %shift_right_arithmetic3A_380, %and3A_382 : vector<16xi32>
        %mul3A_384 = arith.constant 256 : i32
        %mul3A_385 = vector.broadcast %mul3A_384 : i32 to vector<16xi32>
        %mul3A_386 = arith.muli %iota3A, %mul3A_385 : vector<16xi32>
        %add3A_387 = arith.addi %mul3A_386, %and3A_383 : vector<16xi32>
        tpu.vector_store_idx %arg27[%add3A_387], %broadcast_in_dim3A_0 masked %eq3A_378 {add = true} : memref<4096xi32, #tpu.memory_space<vmem>>[vector<16xi32>], vector<16xi32>, vector<16xi1>
        %mul3A_388 = arith.constant 4 : i32
        %mul3A_389 = arith.muli %scan3A_346, %mul3A_388 : i32
        %add3A_390 = arith.constant 2 : i32
        %add3A_391 = arith.addi %mul3A_389, %add3A_390 : i32
        %mul3A_392 = arith.constant 16 : i32
        %mul3A_393 = arith.muli %add3A_391, %mul3A_392 : i32
        %get3A_394 = arith.index_cast %mul3A_393 : i32 to index
        %get3A_395 = tpu.vector_load %arg26[%get3A_394] {strides = array<i32>} : memref<1280xi32, #tpu.memory_space<vmem>>, vector<16xi32>,
        %and3A_396 = vector.broadcast %select_n3A_288 : i32 to vector<16xi32>
        %and3A_397 = arith.andi %get3A_395, %and3A_396 : vector<16xi32>
        %eq3A_398 = vector.broadcast %scan3A_274 : i32 to vector<16xi32>
        %eq3A_399 = arith.cmpi eq, %and3A_397, %eq3A_398 : vector<16xi32>
        %shift_right_arithmetic3A_400 = vector.broadcast %sub3A_279 : i32 to vector<16xi32>
        %shift_right_arithmetic3A_401 = arith.shrsi %get3A_395, %shift_right_arithmetic3A_400 : vector<16xi32>
        %and3A_402 = arith.constant 255 : i32
        %and3A_403 = vector.broadcast %and3A_402 : i32 to vector<16xi32>
        %and3A_404 = arith.andi %shift_right_arithmetic3A_401, %and3A_403 : vector<16xi32>
        %mul3A_405 = arith.constant 256 : i32
        %mul3A_406 = vector.broadcast %mul3A_405 : i32 to vector<16xi32>
        %mul3A_407 = arith.muli %iota3A, %mul3A_406 : vector<16xi32>
        %add3A_408 = arith.addi %mul3A_407, %and3A_404 : vector<16xi32>
        tpu.vector_store_idx %arg27[%add3A_408], %broadcast_in_dim3A_0 masked %eq3A_399 {add = true} : memref<4096xi32, #tpu.memory_space<vmem>>[vector<16xi32>], vector<16xi32>, vector<16xi1>
        %mul3A_409 = arith.constant 4 : i32
        %mul3A_410 = arith.muli %scan3A_346, %mul3A_409 : i32
        %add3A_411 = arith.constant 3 : i32
        %add3A_412 = arith.addi %mul3A_410, %add3A_411 : i32
        %mul3A_413 = arith.constant 16 : i32
        %mul3A_414 = arith.muli %add3A_412, %mul3A_413 : i32
        %get3A_415 = arith.index_cast %mul3A_414 : i32 to index
        %get3A_416 = tpu.vector_load %arg26[%get3A_415] {strides = array<i32>} : memref<1280xi32, #tpu.memory_space<vmem>>, vector<16xi32>,
        %and3A_417 = vector.broadcast %select_n3A_288 : i32 to vector<16xi32>
        %and3A_418 = arith.andi %get3A_416, %and3A_417 : vector<16xi32>
        %eq3A_419 = vector.broadcast %scan3A_274 : i32 to vector<16xi32>
        %eq3A_420 = arith.cmpi eq, %and3A_418, %eq3A_419 : vector<16xi32>
        %shift_right_arithmetic3A_421 = vector.broadcast %sub3A_279 : i32 to vector<16xi32>
        %shift_right_arithmetic3A_422 = arith.shrsi %get3A_416, %shift_right_arithmetic3A_421 : vector<16xi32>
        %and3A_423 = arith.constant 255 : i32
        %and3A_424 = vector.broadcast %and3A_423 : i32 to vector<16xi32>
        %and3A_425 = arith.andi %shift_right_arithmetic3A_422, %and3A_424 : vector<16xi32>
        %mul3A_426 = arith.constant 256 : i32
        %mul3A_427 = vector.broadcast %mul3A_426 : i32 to vector<16xi32>
        %mul3A_428 = arith.muli %iota3A, %mul3A_427 : vector<16xi32>
        %add3A_429 = arith.addi %mul3A_428, %and3A_425 : vector<16xi32>
        tpu.vector_store_idx %arg27[%add3A_429], %broadcast_in_dim3A_0 masked %eq3A_420 {add = true} : memref<4096xi32, #tpu.memory_space<vmem>>[vector<16xi32>], vector<16xi32>, vector<16xi1>
        %scan3A_430 = arith.constant 0 : i32
        scf.yield %scan3A_430 : i32
      }
      %scan3A_302 = arith.constant 20 : i32
      %scan3A_303 = arith.constant 0 : i32
      %scan3A_304 = arith.constant 0 : i32
      %scan3A_305 = arith.constant 16 : i32
      %scan3A_306 = arith.addi %scan3A_304, %scan3A_305 : i32
      %scan3A_307 = arith.constant 1 : i32
      %scan3A_308 = scf.for %scan3A_346 = %scan3A_304 to %scan3A_306 step %scan3A_307 iter_args(%scan3A_347 = %scan3A_303) -> (i32)  : i32 {
        %scan3A_348 = arith.constant 0 : i32
        %scan3A_349 = arith.constant 16 : i32
        %scan3A_350 = arith.addi %scan3A_348, %scan3A_349 : i32
        %scan3A_351 = arith.constant 1 : i32
        %scan3A_352 = scf.for %scan3A_359 = %scan3A_348 to %scan3A_350 step %scan3A_351 iter_args(%scan3A_360 = %broadcast_in_dim3A_2) -> (vector<16xi32>)  : i32 {
          %mul3A_361 = arith.constant 256 : i32
          %mul3A_362 = arith.muli %scan3A_359, %mul3A_361 : i32
          %mul3A_363 = arith.constant 16 : i32
          %mul3A_364 = arith.muli %scan3A_346, %mul3A_363 : i32
          %add3A_365 = arith.addi %mul3A_362, %mul3A_364 : i32
          %get3A_366 = arith.index_cast %add3A_365 : i32 to index
          %get3A_367 = tpu.vector_load %arg27[%get3A_366] {strides = array<i32>} : memref<4096xi32, #tpu.memory_space<vmem>>, vector<16xi32>,
          %add3A_368 = arith.addi %scan3A_360, %get3A_367 : vector<16xi32>
          scf.yield %add3A_368 : vector<16xi32>
        }
        %scan3A_353 = arith.constant 16 : i32
        %mul3A_354 = arith.constant 16 : i32
        %mul3A_355 = arith.muli %scan3A_346, %mul3A_354 : i32
        %swap3A_356 = arith.index_cast %mul3A_355 : i32 to index
        %swap3A_357 = tpu.vector_load %arg29[%swap3A_356] {strides = array<i32>} : memref<256xi32, #tpu.memory_space<vmem>>, vector<16xi32>,
        tpu.vector_store %arg29[%swap3A_356], %scan3A_352 {strides = array<i32>} : memref<256xi32, #tpu.memory_space<vmem>>, vector<16xi32>,
        %scan3A_358 = arith.constant 0 : i32
        scf.yield %scan3A_358 : i32
      }
      %scan3A_309 = arith.constant 16 : i32
      %mul3A_310 = arith.constant 4096 : i32
      %mul3A_311 = arith.muli %scan3A_273, %mul3A_310 : i32
      %mul3A_312 = arith.constant 256 : i32
      %mul3A_313 = arith.muli %arg1, %mul3A_312 : i32
      %add3A_314 = arith.addi %mul3A_311, %mul3A_313 : i32
      "tpu.region"() ({
        %run_scoped3A_346 = tpu.sem_alloc : memref<!tpu.dma_semaphore, #tpu.memory_space<semaphore_mem>>
        %dma_start3A_347 = tpu.memref_slice %arg45[%add3A_314] : memref<16384xi32, #tpu.memory_space<vmem_shared>> -> memref<256xi32, #tpu.memory_space<vmem_shared>>
        %dma_start3A_348 = tpu.memref_slice %arg45[%add3A_314] : memref<16384xi32, #tpu.memory_space<vmem_shared>> -> memref<256xi32, #tpu.memory_space<vmem_shared>>
        tpu.enqueue_dma source(%arg29 : memref<256xi32, #tpu.memory_space<vmem>>) target(%dma_start3A_348 : memref<256xi32, #tpu.memory_space<vmem_shared>>) target_semaphore(%run_scoped3A_346 : memref<!tpu.dma_semaphore, #tpu.memory_space<semaphore_mem>>)
        %dma_wait3A_349 = tpu.memref_slice %arg45[%add3A_314] : memref<16384xi32, #tpu.memory_space<vmem_shared>> -> memref<256xi32, #tpu.memory_space<vmem_shared>>
        %dma_wait3A_350 = tpu.memref_slice %arg45[%add3A_314] : memref<16384xi32, #tpu.memory_space<vmem_shared>> -> memref<256xi32, #tpu.memory_space<vmem_shared>>
        tpu.wait_dma2 semaphore(%run_scoped3A_346 : memref<!tpu.dma_semaphore, #tpu.memory_space<semaphore_mem>>) src(%arg29 : memref<256xi32, #tpu.memory_space<vmem>>) dst(%dma_wait3A_350 : memref<256xi32, #tpu.memory_space<vmem_shared>>)
        tpu.yield
      }) : () -> ()
      %barrier3A_315 = arith.constant 0 : index
      tpu.barrier barrier_id(%barrier3A_315)
      %eq3A_316 = arith.constant 0 : i32
      %eq3A_317 = arith.cmpi eq, %arg1, %eq3A_316 : i32
      %convert_element_type3A_318 = arith.extui %eq3A_317 : i1 to i32
      %cond3A_319 = arith.constant 0 : i32
      %cond3A_320 = arith.cmpi ne, %convert_element_type3A_318, %cond3A_319 : i32
      scf.if %cond3A_320 {
        %mul3A_346 = arith.constant 4096 : i32
        %mul3A_347 = arith.muli %scan3A_273, %mul3A_346 : i32
        "tpu.region"() ({
          %run_scoped3A_403 = tpu.sem_alloc : memref<!tpu.dma_semaphore, #tpu.memory_space<semaphore_mem>>
          %dma_start3A_404 = tpu.memref_slice %arg45[%mul3A_347] : memref<16384xi32, #tpu.memory_space<vmem_shared>> -> memref<4096xi32, #tpu.memory_space<vmem_shared>>
          %dma_start3A_405 = tpu.memref_slice %arg45[%mul3A_347] : memref<16384xi32, #tpu.memory_space<vmem_shared>> -> memref<4096xi32, #tpu.memory_space<vmem_shared>>
          tpu.enqueue_dma source(%dma_start3A_405 : memref<4096xi32, #tpu.memory_space<vmem_shared>>) target(%arg28 : memref<4096xi32, #tpu.memory_space<vmem>>) target_semaphore(%run_scoped3A_403 : memref<!tpu.dma_semaphore, #tpu.memory_space<semaphore_mem>>)
          %dma_wait3A_406 = tpu.memref_slice %arg45[%mul3A_347] : memref<16384xi32, #tpu.memory_space<vmem_shared>> -> memref<4096xi32, #tpu.memory_space<vmem_shared>>
          %dma_wait3A_407 = tpu.memref_slice %arg45[%mul3A_347] : memref<16384xi32, #tpu.memory_space<vmem_shared>> -> memref<4096xi32, #tpu.memory_space<vmem_shared>>
          tpu.wait_dma2 semaphore(%run_scoped3A_403 : memref<!tpu.dma_semaphore, #tpu.memory_space<semaphore_mem>>) src(%dma_wait3A_407 : memref<4096xi32, #tpu.memory_space<vmem_shared>>) dst(%arg28 : memref<4096xi32, #tpu.memory_space<vmem>>)
          tpu.yield
        }) : () -> ()
        %scan3A_348 = arith.constant 0 : i32
        %scan3A_349 = arith.constant 0 : i32
        %scan3A_350 = arith.constant 16 : i32
        %scan3A_351 = arith.addi %scan3A_349, %scan3A_350 : i32
        %scan3A_352 = arith.constant 1 : i32
        %scan3A_353 = scf.for %scan3A_403 = %scan3A_349 to %scan3A_351 step %scan3A_352 iter_args(%scan3A_404 = %scan3A_348) -> (i32)  : i32 {
          %scan3A_405 = arith.constant 0 : i32
          %scan3A_406 = arith.constant 16 : i32
          %scan3A_407 = arith.addi %scan3A_405, %scan3A_406 : i32
          %scan3A_408 = arith.constant 1 : i32
          %scan3A_409 = scf.for %scan3A_416 = %scan3A_405 to %scan3A_407 step %scan3A_408 iter_args(%scan3A_417 = %broadcast_in_dim3A_2) -> (vector<16xi32>)  : i32 {
            %mul3A_418 = arith.constant 256 : i32
            %mul3A_419 = arith.muli %scan3A_416, %mul3A_418 : i32
            %mul3A_420 = arith.constant 16 : i32
            %mul3A_421 = arith.muli %scan3A_403, %mul3A_420 : i32
            %add3A_422 = arith.addi %mul3A_419, %mul3A_421 : i32
            %get3A_423 = arith.index_cast %add3A_422 : i32 to index
            %get3A_424 = tpu.vector_load %arg28[%get3A_423] {strides = array<i32>} : memref<4096xi32, #tpu.memory_space<vmem>>, vector<16xi32>,
            %add3A_425 = arith.addi %scan3A_417, %get3A_424 : vector<16xi32>
            scf.yield %add3A_425 : vector<16xi32>
          }
          %scan3A_410 = arith.constant 16 : i32
          %mul3A_411 = arith.constant 16 : i32
          %mul3A_412 = arith.muli %scan3A_403, %mul3A_411 : i32
          %swap3A_413 = arith.index_cast %mul3A_412 : i32 to index
          %swap3A_414 = tpu.vector_load %arg29[%swap3A_413] {strides = array<i32>} : memref<256xi32, #tpu.memory_space<vmem>>, vector<16xi32>,
          tpu.vector_store %arg29[%swap3A_413], %scan3A_409 {strides = array<i32>} : memref<256xi32, #tpu.memory_space<vmem>>, vector<16xi32>,
          %scan3A_415 = arith.constant 0 : i32
          scf.yield %scan3A_415 : i32
        }
        %scan3A_354 = arith.constant 16 : i32
        %scan3A_355 = arith.constant 0 : i32
        %scan3A_356 = arith.constant 0 : i32
        %scan3A_357 = arith.constant 16 : i32
        %scan3A_358 = arith.addi %scan3A_356, %scan3A_357 : i32
        %scan3A_359 = arith.constant 1 : i32
        %scan3A_360 = scf.for %scan3A_403 = %scan3A_356 to %scan3A_358 step %scan3A_359 iter_args(%scan3A_404 = %scan3A_355) -> (i32)  : i32 {
          %sub3A_405 = arith.constant 15 : i32
          %sub3A_406 = arith.subi %sub3A_405, %scan3A_403 : i32
          %mul3A_407 = arith.constant 16 : i32
          %mul3A_408 = arith.muli %sub3A_406, %mul3A_407 : i32
          %get3A_409 = arith.index_cast %mul3A_408 : i32 to index
          %get3A_410 = tpu.vector_load %arg29[%get3A_409] {strides = array<i32>} : memref<256xi32, #tpu.memory_space<vmem>>, vector<16xi32>,
          %rev3A = arith.constant 15 : i32
          %rev3A_411 = vector.broadcast %rev3A : i32 to vector<16xi32>
          %rev3A_412 = tpu.iota {dimensions = array<i32: 0>} : vector<16xi32>
          %rev3A_413 = arith.subi %rev3A_411, %rev3A_412 : vector<16xi32>
          %rev3A_414 = tpu.dynamic_gather %get3A_410[%rev3A_413] in [0] : vector<16xi32>, vector<16xi32> -> vector<16xi32>
          %cumsum3A_415 = arith.constant true
          %cumsum3A_416 = vector.broadcast %cumsum3A_415 : i1 to vector<16xi1>
          %cumsum3A_417 = tpu.scan <sum>, %rev3A_414 masked %cumsum3A_416 : vector<16xi32>, vector<16xi1> -> vector<16xi32>
          %rev3A_418 = arith.constant 15 : i32
          %rev3A_419 = vector.broadcast %rev3A_418 : i32 to vector<16xi32>
          %rev3A_420 = tpu.iota {dimensions = array<i32: 0>} : vector<16xi32>
          %rev3A_421 = arith.subi %rev3A_419, %rev3A_420 : vector<16xi32>
          %rev3A_422 = tpu.dynamic_gather %cumsum3A_417[%rev3A_421] in [0] : vector<16xi32>, vector<16xi32> -> vector<16xi32>
          %sub3A_423 = arith.subi %rev3A_422, %get3A_410 : vector<16xi32>
          %add3A_424 = vector.broadcast %scan3A_404 : i32 to vector<16xi32>
          %add3A_425 = arith.addi %sub3A_423, %add3A_424 : vector<16xi32>
          %mul3A_426 = arith.constant 16 : i32
          %mul3A_427 = arith.muli %sub3A_406, %mul3A_426 : i32
          %swap3A_428 = arith.index_cast %mul3A_427 : i32 to index
          %swap3A_429 = tpu.vector_load %arg30[%swap3A_428] {strides = array<i32>} : memref<256xi32, #tpu.memory_space<vmem>>, vector<16xi32>,
          tpu.vector_store %arg30[%swap3A_428], %add3A_425 {strides = array<i32>} : memref<256xi32, #tpu.memory_space<vmem>>, vector<16xi32>,
          %reduce_sum3A_430 = arith.constant true
          %reduce_sum3A_431 = vector.broadcast %reduce_sum3A_430 : i1 to vector<16xi1>
          %reduce_sum3A_432 = tpu.scan <sum>, %get3A_410 masked %reduce_sum3A_431 : vector<16xi32>, vector<16xi1> -> vector<16xi32>
          %reduce_sum3A_433 = vector.extract %reduce_sum3A_432[15] : i32 from vector<16xi32>
          %add3A_434 = arith.addi %scan3A_404, %reduce_sum3A_433 : i32
          scf.yield %add3A_434 : i32
        }
        %scan3A_361 = arith.constant 16 : i32
        %scan3A_362 = arith.constant 0 : i32
        %scan3A_363 = arith.constant 0 : i32
        %scan3A_364 = arith.constant 16 : i32
        %scan3A_365 = arith.addi %scan3A_363, %scan3A_364 : i32
        %scan3A_366 = arith.constant 1 : i32
        %scan3A_367 = scf.for %scan3A_403 = %scan3A_363 to %scan3A_365 step %scan3A_366 iter_args(%scan3A_404 = %scan3A_362) -> (i32)  : i32 {
          %mul3A_405 = arith.constant 16 : i32
          %mul3A_406 = arith.muli %scan3A_403, %mul3A_405 : i32
          %get3A_407 = arith.index_cast %mul3A_406 : i32 to index
          %get3A_408 = tpu.vector_load %arg30[%get3A_407] {strides = array<i32>} : memref<256xi32, #tpu.memory_space<vmem>>, vector<16xi32>,
          %lt3A = vector.broadcast %scan3A_275 : i32 to vector<16xi32>
          %lt3A_409 = arith.cmpi slt, %get3A_408, %lt3A : vector<16xi32>
          %convert_element_type3A_410 = arith.extui %lt3A_409 : vector<16xi1> to vector<16xi32>
          %reduce_sum3A_411 = arith.constant true
          %reduce_sum3A_412 = vector.broadcast %reduce_sum3A_411 : i1 to vector<16xi1>
          %reduce_sum3A_413 = tpu.scan <sum>, %convert_element_type3A_410 masked %reduce_sum3A_412 : vector<16xi32>, vector<16xi1> -> vector<16xi32>
          %reduce_sum3A_414 = vector.extract %reduce_sum3A_413[15] : i32 from vector<16xi32>
          %add3A_415 = arith.addi %scan3A_404, %reduce_sum3A_414 : i32
          scf.yield %add3A_415 : i32
        }
        %scan3A_368 = arith.constant 16 : i32
        %sub3A_369 = arith.constant 256 : i32
        %sub3A_370 = arith.subi %sub3A_369, %scan3A_367 : i32
        %shift_right_arithmetic3A = arith.constant 4 : i32
        %shift_right_arithmetic3A_371 = arith.shrsi %sub3A_370, %shift_right_arithmetic3A : i32
        %mul3A_372 = arith.constant 16 : i32
        %mul3A_373 = arith.muli %shift_right_arithmetic3A_371, %mul3A_372 : i32
        %get3A_374 = arith.index_cast %mul3A_373 : i32 to index
        %get3A_375 = tpu.vector_load %arg30[%get3A_374] {strides = array<i32>} : memref<256xi32, #tpu.memory_space<vmem>>, vector<16xi32>,
        %and3A = arith.constant 15 : i32
        %and3A_376 = arith.andi %sub3A_370, %and3A : i32
        %eq3A_377 = vector.broadcast %and3A_376 : i32 to vector<16xi32>
        %eq3A_378 = arith.cmpi eq, %iota3A, %eq3A_377 : vector<16xi32>
        %jit3A_379 = arith.constant 0 : i32
        %broadcast_in_dim3A_380 = vector.broadcast %jit3A_379 : i32 to vector<16xi32>
        %select_n3A_381 = arith.select %eq3A_378, %get3A_375, %broadcast_in_dim3A_380 : vector<16xi1>, vector<16xi32>
        %reduce_sum3A_382 = arith.constant true
        %reduce_sum3A_383 = vector.broadcast %reduce_sum3A_382 : i1 to vector<16xi1>
        %reduce_sum3A_384 = tpu.scan <sum>, %select_n3A_381 masked %reduce_sum3A_383 : vector<16xi32>, vector<16xi1> -> vector<16xi32>
        %reduce_sum3A_385 = vector.extract %reduce_sum3A_384[15] : i32 from vector<16xi32>
        %sub3A_386 = arith.subi %scan3A_275, %reduce_sum3A_385 : i32
        %eq3A_387 = arith.constant 0 : i32
        %eq3A_388 = vector.broadcast %eq3A_387 : i32 to vector<16xi32>
        %eq3A_389 = arith.cmpi eq, %iota3A, %eq3A_388 : vector<16xi32>
        %eq3A_390 = arith.constant 1 : i32
        %eq3A_391 = vector.broadcast %eq3A_390 : i32 to vector<16xi32>
        %eq3A_392 = arith.cmpi eq, %iota3A, %eq3A_391 : vector<16xi32>
        %jit3A_393 = arith.constant 0 : i32
        %broadcast_in_dim3A_394 = vector.broadcast %sub3A_386 : i32 to vector<16xi32>
        %broadcast_in_dim3A_395 = vector.broadcast %jit3A_393 : i32 to vector<16xi32>
        %select_n3A_396 = arith.select %eq3A_392, %broadcast_in_dim3A_394, %broadcast_in_dim3A_395 : vector<16xi1>, vector<16xi32>
        %broadcast_in_dim3A_397 = vector.broadcast %sub3A_370 : i32 to vector<16xi32>
        %select_n3A_398 = arith.select %eq3A_389, %broadcast_in_dim3A_397, %select_n3A_396 : vector<16xi1>, vector<16xi32>
        %swap3A_399 = arith.constant 0 : index
        %swap3A_400 = tpu.vector_load %arg31[%swap3A_399] {strides = array<i32>} : memref<16xi32, #tpu.memory_space<vmem>>, vector<16xi32>,
        tpu.vector_store %arg31[%swap3A_399], %select_n3A_398 {strides = array<i32>} : memref<16xi32, #tpu.memory_space<vmem>>, vector<16xi32>,
        %mul3A_401 = arith.constant 16 : i32
        %mul3A_402 = arith.muli %scan3A_273, %mul3A_401 : i32
        "tpu.region"() ({
          %run_scoped3A_403 = tpu.sem_alloc : memref<!tpu.dma_semaphore, #tpu.memory_space<semaphore_mem>>
          %dma_start3A_404 = tpu.memref_slice %arg46[%mul3A_402] : memref<64xi32, #tpu.memory_space<vmem_shared>> -> memref<16xi32, #tpu.memory_space<vmem_shared>>
          %dma_start3A_405 = tpu.memref_slice %arg46[%mul3A_402] : memref<64xi32, #tpu.memory_space<vmem_shared>> -> memref<16xi32, #tpu.memory_space<vmem_shared>>
          tpu.enqueue_dma source(%arg31 : memref<16xi32, #tpu.memory_space<vmem>>) target(%dma_start3A_405 : memref<16xi32, #tpu.memory_space<vmem_shared>>) target_semaphore(%run_scoped3A_403 : memref<!tpu.dma_semaphore, #tpu.memory_space<semaphore_mem>>)
          %dma_wait3A_406 = tpu.memref_slice %arg46[%mul3A_402] : memref<64xi32, #tpu.memory_space<vmem_shared>> -> memref<16xi32, #tpu.memory_space<vmem_shared>>
          %dma_wait3A_407 = tpu.memref_slice %arg46[%mul3A_402] : memref<64xi32, #tpu.memory_space<vmem_shared>> -> memref<16xi32, #tpu.memory_space<vmem_shared>>
          tpu.wait_dma2 semaphore(%run_scoped3A_403 : memref<!tpu.dma_semaphore, #tpu.memory_space<semaphore_mem>>) src(%arg31 : memref<16xi32, #tpu.memory_space<vmem>>) dst(%dma_wait3A_407 : memref<16xi32, #tpu.memory_space<vmem_shared>>)
          tpu.yield
        }) : () -> ()
      } else {
      }
      %barrier3A_321 = arith.constant 0 : index
      tpu.barrier barrier_id(%barrier3A_321)
      %mul3A_322 = arith.constant 16 : i32
      %mul3A_323 = arith.muli %scan3A_273, %mul3A_322 : i32
      "tpu.region"() ({
        %run_scoped3A_346 = tpu.sem_alloc : memref<!tpu.dma_semaphore, #tpu.memory_space<semaphore_mem>>
        %dma_start3A_347 = tpu.memref_slice %arg46[%mul3A_323] : memref<64xi32, #tpu.memory_space<vmem_shared>> -> memref<16xi32, #tpu.memory_space<vmem_shared>>
        %dma_start3A_348 = tpu.memref_slice %arg46[%mul3A_323] : memref<64xi32, #tpu.memory_space<vmem_shared>> -> memref<16xi32, #tpu.memory_space<vmem_shared>>
        tpu.enqueue_dma source(%dma_start3A_348 : memref<16xi32, #tpu.memory_space<vmem_shared>>) target(%arg31 : memref<16xi32, #tpu.memory_space<vmem>>) target_semaphore(%run_scoped3A_346 : memref<!tpu.dma_semaphore, #tpu.memory_space<semaphore_mem>>)
        %dma_wait3A_349 = tpu.memref_slice %arg46[%mul3A_323] : memref<64xi32, #tpu.memory_space<vmem_shared>> -> memref<16xi32, #tpu.memory_space<vmem_shared>>
        %dma_wait3A_350 = tpu.memref_slice %arg46[%mul3A_323] : memref<64xi32, #tpu.memory_space<vmem_shared>> -> memref<16xi32, #tpu.memory_space<vmem_shared>>
        tpu.wait_dma2 semaphore(%run_scoped3A_346 : memref<!tpu.dma_semaphore, #tpu.memory_space<semaphore_mem>>) src(%dma_wait3A_350 : memref<16xi32, #tpu.memory_space<vmem_shared>>) dst(%arg31 : memref<16xi32, #tpu.memory_space<vmem>>)
        tpu.yield
      }) : () -> ()
      %get3A = arith.constant 0 : index
      %get3A_324 = tpu.vector_load %arg31[%get3A] {strides = array<i32>} : memref<16xi32, #tpu.memory_space<vmem>>, vector<16xi32>,
      %eq3A_325 = arith.constant 0 : i32
      %eq3A_326 = vector.broadcast %eq3A_325 : i32 to vector<16xi32>
      %eq3A_327 = arith.cmpi eq, %iota3A, %eq3A_326 : vector<16xi32>
      %jit3A_328 = arith.constant 0 : i32
      %broadcast_in_dim3A_329 = vector.broadcast %jit3A_328 : i32 to vector<16xi32>
      %select_n3A_330 = arith.select %eq3A_327, %get3A_324, %broadcast_in_dim3A_329 : vector<16xi1>, vector<16xi32>
      %reduce_sum3A_331 = arith.constant true
      %reduce_sum3A_332 = vector.broadcast %reduce_sum3A_331 : i1 to vector<16xi1>
      %reduce_sum3A_333 = tpu.scan <sum>, %select_n3A_330 masked %reduce_sum3A_332 : vector<16xi32>, vector<16xi1> -> vector<16xi32>
      %reduce_sum3A_334 = vector.extract %reduce_sum3A_333[15] : i32 from vector<16xi32>
      %eq3A_335 = arith.constant 1 : i32
      %eq3A_336 = vector.broadcast %eq3A_335 : i32 to vector<16xi32>
      %eq3A_337 = arith.cmpi eq, %iota3A, %eq3A_336 : vector<16xi32>
      %jit3A_338 = arith.constant 0 : i32
      %broadcast_in_dim3A_339 = vector.broadcast %jit3A_338 : i32 to vector<16xi32>
      %select_n3A_340 = arith.select %eq3A_337, %get3A_324, %broadcast_in_dim3A_339 : vector<16xi1>, vector<16xi32>
      %reduce_sum3A_341 = arith.constant true
      %reduce_sum3A_342 = vector.broadcast %reduce_sum3A_341 : i1 to vector<16xi1>
      %reduce_sum3A_343 = tpu.scan <sum>, %select_n3A_340 masked %reduce_sum3A_342 : vector<16xi32>, vector<16xi1> -> vector<16xi32>
      %reduce_sum3A_344 = vector.extract %reduce_sum3A_343[15] : i32 from vector<16xi32>
      %shift_left3A_345 = arith.shli %reduce_sum3A_334, %sub3A_279 : i32
      %or3A = arith.ori %scan3A_274, %shift_left3A_345 : i32
      scf.yield %or3A, %reduce_sum3A_344 : i32, i32
    }
    %scan3A_10 = arith.constant 4 : i32
    %scan3A_11 = arith.constant 0 : i32
    %scan3A_12 = arith.constant 0 : i32
    %scan3A_13 = arith.constant 0 : i32
    %scan3A_14 = arith.constant 20 : i32
    %scan3A_15 = arith.addi %scan3A_13, %scan3A_14 : i32
    %scan3A_16 = arith.constant 1 : i32
    %scan3A_17:2 = scf.for %scan3A_273 = %scan3A_13 to %scan3A_15 step %scan3A_16 iter_args(%scan3A_274 = %scan3A_11, %scan3A_275 = %scan3A_12) -> (i32, i32)  : i32 {
      %mul3A_276 = arith.constant 4 : i32
      %mul3A_277 = arith.muli %scan3A_273, %mul3A_276 : i32
      %add3A_278 = arith.constant 0 : i32
      %add3A_279 = arith.addi %mul3A_277, %add3A_278 : i32
      %mul3A_280 = arith.constant 16 : i32
      %mul3A_281 = arith.muli %add3A_279, %mul3A_280 : i32
      %get3A = arith.index_cast %mul3A_281 : i32 to index
      %get3A_282 = tpu.vector_load %arg26[%get3A] {strides = array<i32>} : memref<1280xi32, #tpu.memory_space<vmem>>, vector<16xi32>,
      %gt3A = vector.broadcast %scan3A_9#0 : i32 to vector<16xi32>
      %gt3A_283 = arith.cmpi sgt, %get3A_282, %gt3A : vector<16xi32>
      %convert_element_type3A_284 = arith.extui %gt3A_283 : vector<16xi1> to vector<16xi32>
      %reduce_sum3A_285 = arith.constant true
      %reduce_sum3A_286 = vector.broadcast %reduce_sum3A_285 : i1 to vector<16xi1>
      %reduce_sum3A_287 = tpu.scan <sum>, %convert_element_type3A_284 masked %reduce_sum3A_286 : vector<16xi32>, vector<16xi1> -> vector<16xi32>
      %reduce_sum3A_288 = vector.extract %reduce_sum3A_287[15] : i32 from vector<16xi32>
      %add3A_289 = arith.addi %scan3A_274, %reduce_sum3A_288 : i32
      %eq3A_290 = vector.broadcast %scan3A_9#0 : i32 to vector<16xi32>
      %eq3A_291 = arith.cmpi eq, %get3A_282, %eq3A_290 : vector<16xi32>
      %convert_element_type3A_292 = arith.extui %eq3A_291 : vector<16xi1> to vector<16xi32>
      %reduce_sum3A_293 = arith.constant true
      %reduce_sum3A_294 = vector.broadcast %reduce_sum3A_293 : i1 to vector<16xi1>
      %reduce_sum3A_295 = tpu.scan <sum>, %convert_element_type3A_292 masked %reduce_sum3A_294 : vector<16xi32>, vector<16xi1> -> vector<16xi32>
      %reduce_sum3A_296 = vector.extract %reduce_sum3A_295[15] : i32 from vector<16xi32>
      %add3A_297 = arith.addi %scan3A_275, %reduce_sum3A_296 : i32
      %mul3A_298 = arith.constant 4 : i32
      %mul3A_299 = arith.muli %scan3A_273, %mul3A_298 : i32
      %add3A_300 = arith.constant 1 : i32
      %add3A_301 = arith.addi %mul3A_299, %add3A_300 : i32
      %mul3A_302 = arith.constant 16 : i32
      %mul3A_303 = arith.muli %add3A_301, %mul3A_302 : i32
      %get3A_304 = arith.index_cast %mul3A_303 : i32 to index
      %get3A_305 = tpu.vector_load %arg26[%get3A_304] {strides = array<i32>} : memref<1280xi32, #tpu.memory_space<vmem>>, vector<16xi32>,
      %gt3A_306 = vector.broadcast %scan3A_9#0 : i32 to vector<16xi32>
      %gt3A_307 = arith.cmpi sgt, %get3A_305, %gt3A_306 : vector<16xi32>
      %convert_element_type3A_308 = arith.extui %gt3A_307 : vector<16xi1> to vector<16xi32>
      %reduce_sum3A_309 = arith.constant true
      %reduce_sum3A_310 = vector.broadcast %reduce_sum3A_309 : i1 to vector<16xi1>
      %reduce_sum3A_311 = tpu.scan <sum>, %convert_element_type3A_308 masked %reduce_sum3A_310 : vector<16xi32>, vector<16xi1> -> vector<16xi32>
      %reduce_sum3A_312 = vector.extract %reduce_sum3A_311[15] : i32 from vector<16xi32>
      %add3A_313 = arith.addi %add3A_289, %reduce_sum3A_312 : i32
      %eq3A_314 = vector.broadcast %scan3A_9#0 : i32 to vector<16xi32>
      %eq3A_315 = arith.cmpi eq, %get3A_305, %eq3A_314 : vector<16xi32>
      %convert_element_type3A_316 = arith.extui %eq3A_315 : vector<16xi1> to vector<16xi32>
      %reduce_sum3A_317 = arith.constant true
      %reduce_sum3A_318 = vector.broadcast %reduce_sum3A_317 : i1 to vector<16xi1>
      %reduce_sum3A_319 = tpu.scan <sum>, %convert_element_type3A_316 masked %reduce_sum3A_318 : vector<16xi32>, vector<16xi1> -> vector<16xi32>
      %reduce_sum3A_320 = vector.extract %reduce_sum3A_319[15] : i32 from vector<16xi32>
      %add3A_321 = arith.addi %add3A_297, %reduce_sum3A_320 : i32
      %mul3A_322 = arith.constant 4 : i32
      %mul3A_323 = arith.muli %scan3A_273, %mul3A_322 : i32
      %add3A_324 = arith.constant 2 : i32
      %add3A_325 = arith.addi %mul3A_323, %add3A_324 : i32
      %mul3A_326 = arith.constant 16 : i32
      %mul3A_327 = arith.muli %add3A_325, %mul3A_326 : i32
      %get3A_328 = arith.index_cast %mul3A_327 : i32 to index
      %get3A_329 = tpu.vector_load %arg26[%get3A_328] {strides = array<i32>} : memref<1280xi32, #tpu.memory_space<vmem>>, vector<16xi32>,
      %gt3A_330 = vector.broadcast %scan3A_9#0 : i32 to vector<16xi32>
      %gt3A_331 = arith.cmpi sgt, %get3A_329, %gt3A_330 : vector<16xi32>
      %convert_element_type3A_332 = arith.extui %gt3A_331 : vector<16xi1> to vector<16xi32>
      %reduce_sum3A_333 = arith.constant true
      %reduce_sum3A_334 = vector.broadcast %reduce_sum3A_333 : i1 to vector<16xi1>
      %reduce_sum3A_335 = tpu.scan <sum>, %convert_element_type3A_332 masked %reduce_sum3A_334 : vector<16xi32>, vector<16xi1> -> vector<16xi32>
      %reduce_sum3A_336 = vector.extract %reduce_sum3A_335[15] : i32 from vector<16xi32>
      %add3A_337 = arith.addi %add3A_313, %reduce_sum3A_336 : i32
      %eq3A_338 = vector.broadcast %scan3A_9#0 : i32 to vector<16xi32>
      %eq3A_339 = arith.cmpi eq, %get3A_329, %eq3A_338 : vector<16xi32>
      %convert_element_type3A_340 = arith.extui %eq3A_339 : vector<16xi1> to vector<16xi32>
      %reduce_sum3A_341 = arith.constant true
      %reduce_sum3A_342 = vector.broadcast %reduce_sum3A_341 : i1 to vector<16xi1>
      %reduce_sum3A_343 = tpu.scan <sum>, %convert_element_type3A_340 masked %reduce_sum3A_342 : vector<16xi32>, vector<16xi1> -> vector<16xi32>
      %reduce_sum3A_344 = vector.extract %reduce_sum3A_343[15] : i32 from vector<16xi32>
      %add3A_345 = arith.addi %add3A_321, %reduce_sum3A_344 : i32
      %mul3A_346 = arith.constant 4 : i32
      %mul3A_347 = arith.muli %scan3A_273, %mul3A_346 : i32
      %add3A_348 = arith.constant 3 : i32
      %add3A_349 = arith.addi %mul3A_347, %add3A_348 : i32
      %mul3A_350 = arith.constant 16 : i32
      %mul3A_351 = arith.muli %add3A_349, %mul3A_350 : i32
      %get3A_352 = arith.index_cast %mul3A_351 : i32 to index
      %get3A_353 = tpu.vector_load %arg26[%get3A_352] {strides = array<i32>} : memref<1280xi32, #tpu.memory_space<vmem>>, vector<16xi32>,
      %gt3A_354 = vector.broadcast %scan3A_9#0 : i32 to vector<16xi32>
      %gt3A_355 = arith.cmpi sgt, %get3A_353, %gt3A_354 : vector<16xi32>
      %convert_element_type3A_356 = arith.extui %gt3A_355 : vector<16xi1> to vector<16xi32>
      %reduce_sum3A_357 = arith.constant true
      %reduce_sum3A_358 = vector.broadcast %reduce_sum3A_357 : i1 to vector<16xi1>
      %reduce_sum3A_359 = tpu.scan <sum>, %convert_element_type3A_356 masked %reduce_sum3A_358 : vector<16xi32>, vector<16xi1> -> vector<16xi32>
      %reduce_sum3A_360 = vector.extract %reduce_sum3A_359[15] : i32 from vector<16xi32>
      %add3A_361 = arith.addi %add3A_337, %reduce_sum3A_360 : i32
      %eq3A_362 = vector.broadcast %scan3A_9#0 : i32 to vector<16xi32>
      %eq3A_363 = arith.cmpi eq, %get3A_353, %eq3A_362 : vector<16xi32>
      %convert_element_type3A_364 = arith.extui %eq3A_363 : vector<16xi1> to vector<16xi32>
      %reduce_sum3A_365 = arith.constant true
      %reduce_sum3A_366 = vector.broadcast %reduce_sum3A_365 : i1 to vector<16xi1>
      %reduce_sum3A_367 = tpu.scan <sum>, %convert_element_type3A_364 masked %reduce_sum3A_366 : vector<16xi32>, vector<16xi1> -> vector<16xi32>
      %reduce_sum3A_368 = vector.extract %reduce_sum3A_367[15] : i32 from vector<16xi32>
      %add3A_369 = arith.addi %add3A_345, %reduce_sum3A_368 : i32
      scf.yield %add3A_361, %add3A_369 : i32, i32
    }
    %scan3A_18 = arith.constant 20 : i32
    %eq3A = arith.constant 0 : i32
    %eq3A_19 = vector.broadcast %eq3A : i32 to vector<16xi32>
    %eq3A_20 = arith.cmpi eq, %iota3A, %eq3A_19 : vector<16xi32>
    %eq3A_21 = arith.constant 1 : i32
    %eq3A_22 = vector.broadcast %eq3A_21 : i32 to vector<16xi32>
    %eq3A_23 = arith.cmpi eq, %iota3A, %eq3A_22 : vector<16xi32>
    %jit3A = arith.constant 0 : i32
    %broadcast_in_dim3A_24 = vector.broadcast %scan3A_17#1 : i32 to vector<16xi32>
    %broadcast_in_dim3A_25 = vector.broadcast %jit3A : i32 to vector<16xi32>
    %select_n3A = arith.select %eq3A_23, %broadcast_in_dim3A_24, %broadcast_in_dim3A_25 : vector<16xi1>, vector<16xi32>
    %broadcast_in_dim3A_26 = vector.broadcast %scan3A_17#0 : i32 to vector<16xi32>
    %select_n3A_27 = arith.select %eq3A_20, %broadcast_in_dim3A_26, %select_n3A : vector<16xi1>, vector<16xi32>
    %swap3A = arith.constant 0 : index
    %swap3A_28 = tpu.vector_load %arg31[%swap3A] {strides = array<i32>} : memref<16xi32, #tpu.memory_space<vmem>>, vector<16xi32>,
    tpu.vector_store %arg31[%swap3A], %select_n3A_27 {strides = array<i32>} : memref<16xi32, #tpu.memory_space<vmem>>, vector<16xi32>,
    %mul3A_29 = arith.constant 16 : i32
    %mul3A_30 = arith.muli %arg1, %mul3A_29 : i32
    "tpu.region"() ({
      %run_scoped3A_273 = tpu.sem_alloc : memref<!tpu.dma_semaphore, #tpu.memory_space<semaphore_mem>>
      %dma_start3A_274 = tpu.memref_slice %arg47[%mul3A_30] : memref<256xi32, #tpu.memory_space<vmem_shared>> -> memref<16xi32, #tpu.memory_space<vmem_shared>>
      %dma_start3A_275 = tpu.memref_slice %arg47[%mul3A_30] : memref<256xi32, #tpu.memory_space<vmem_shared>> -> memref<16xi32, #tpu.memory_space<vmem_shared>>
      tpu.enqueue_dma source(%arg31 : memref<16xi32, #tpu.memory_space<vmem>>) target(%dma_start3A_275 : memref<16xi32, #tpu.memory_space<vmem_shared>>) target_semaphore(%run_scoped3A_273 : memref<!tpu.dma_semaphore, #tpu.memory_space<semaphore_mem>>)
      %dma_wait3A_276 = tpu.memref_slice %arg47[%mul3A_30] : memref<256xi32, #tpu.memory_space<vmem_shared>> -> memref<16xi32, #tpu.memory_space<vmem_shared>>
      %dma_wait3A_277 = tpu.memref_slice %arg47[%mul3A_30] : memref<256xi32, #tpu.memory_space<vmem_shared>> -> memref<16xi32, #tpu.memory_space<vmem_shared>>
      tpu.wait_dma2 semaphore(%run_scoped3A_273 : memref<!tpu.dma_semaphore, #tpu.memory_space<semaphore_mem>>) src(%arg31 : memref<16xi32, #tpu.memory_space<vmem>>) dst(%dma_wait3A_277 : memref<16xi32, #tpu.memory_space<vmem_shared>>)
      tpu.yield
    }) : () -> ()
    %barrier3A = arith.constant 0 : index
    tpu.barrier barrier_id(%barrier3A)
    "tpu.region"() ({
      %run_scoped3A_273 = tpu.sem_alloc : memref<!tpu.dma_semaphore, #tpu.memory_space<semaphore_mem>>
      tpu.enqueue_dma source(%arg47 : memref<256xi32, #tpu.memory_space<vmem_shared>>) target(%arg29 : memref<256xi32, #tpu.memory_space<vmem>>) target_semaphore(%run_scoped3A_273 : memref<!tpu.dma_semaphore, #tpu.memory_space<semaphore_mem>>)
      tpu.wait_dma2 semaphore(%run_scoped3A_273 : memref<!tpu.dma_semaphore, #tpu.memory_space<semaphore_mem>>) src(%arg47 : memref<256xi32, #tpu.memory_space<vmem_shared>>) dst(%arg29 : memref<256xi32, #tpu.memory_space<vmem>>)
      tpu.yield
    }) : () -> ()
    %mul3A_31 = arith.constant 16 : i32
    %mul3A_32 = vector.broadcast %mul3A_31 : i32 to vector<16xi32>
    %mul3A_33 = arith.muli %iota3A, %mul3A_32 : vector<16xi32>
    %gather3A = tpu.vector_load_idx %arg29[%mul3A_33] : memref<256xi32, #tpu.memory_space<vmem>>[vector<16xi32>], vector<16xi32>,
    %mul3A_34 = arith.constant 16 : i32
    %mul3A_35 = vector.broadcast %mul3A_34 : i32 to vector<16xi32>
    %mul3A_36 = arith.muli %iota3A, %mul3A_35 : vector<16xi32>
    %add3A = arith.constant 1 : i32
    %add3A_37 = vector.broadcast %add3A : i32 to vector<16xi32>
    %add3A_38 = arith.addi %mul3A_36, %add3A_37 : vector<16xi32>
    %gather3A_39 = tpu.vector_load_idx %arg29[%add3A_38] : memref<256xi32, #tpu.memory_space<vmem>>[vector<16xi32>], vector<16xi32>,
    %cumsum3A = arith.constant true
    %cumsum3A_40 = vector.broadcast %cumsum3A : i1 to vector<16xi1>
    %cumsum3A_41 = tpu.scan <sum>, %gather3A_39 masked %cumsum3A_40 : vector<16xi32>, vector<16xi1> -> vector<16xi32>
    %sub3A = arith.subi %cumsum3A_41, %gather3A_39 : vector<16xi32>
    %sub3A_42 = vector.broadcast %scan3A_9#1 : i32 to vector<16xi32>
    %sub3A_43 = arith.subi %sub3A_42, %sub3A : vector<16xi32>
    %jit3A_44 = arith.constant 0 : i32
    %max3A = vector.broadcast %jit3A_44 : i32 to vector<16xi32>
    %max3A_45 = arith.maxsi %max3A, %sub3A_43 : vector<16xi32>
    %min3A = arith.minsi %gather3A_39, %max3A_45 : vector<16xi32>
    %add3A_46 = arith.addi %gather3A, %min3A : vector<16xi32>
    %cumsum3A_47 = arith.constant true
    %cumsum3A_48 = vector.broadcast %cumsum3A_47 : i1 to vector<16xi1>
    %cumsum3A_49 = tpu.scan <sum>, %add3A_46 masked %cumsum3A_48 : vector<16xi32>, vector<16xi1> -> vector<16xi32>
    %sub3A_50 = arith.subi %cumsum3A_49, %add3A_46 : vector<16xi32>
    %eq3A_51 = vector.broadcast %arg1 : i32 to vector<16xi32>
    %eq3A_52 = arith.cmpi eq, %iota3A, %eq3A_51 : vector<16xi32>
    %jit3A_53 = arith.constant 0 : i32
    %broadcast_in_dim3A_54 = vector.broadcast %jit3A_53 : i32 to vector<16xi32>
    %select_n3A_55 = arith.select %eq3A_52, %min3A, %broadcast_in_dim3A_54 : vector<16xi1>, vector<16xi32>
    %reduce_sum3A = arith.constant true
    %reduce_sum3A_56 = vector.broadcast %reduce_sum3A : i1 to vector<16xi1>
    %reduce_sum3A_57 = tpu.scan <sum>, %select_n3A_55 masked %reduce_sum3A_56 : vector<16xi32>, vector<16xi1> -> vector<16xi32>
    %reduce_sum3A_58 = vector.extract %reduce_sum3A_57[15] : i32 from vector<16xi32>
    %scan3A_59 = arith.constant 0 : i32
    %scan3A_60 = arith.constant 0 : i32
    %scan3A_61 = arith.constant 64 : i32
    %scan3A_62 = arith.addi %scan3A_60, %scan3A_61 : i32
    %scan3A_63 = arith.constant 1 : i32
    %scan3A_64 = scf.for %scan3A_273 = %scan3A_60 to %scan3A_62 step %scan3A_63 iter_args(%scan3A_274 = %scan3A_59) -> (i32)  : i32 {
      %mul3A_275 = arith.constant 16 : i32
      %mul3A_276 = arith.muli %scan3A_273, %mul3A_275 : i32
      %swap3A_277 = arith.index_cast %mul3A_276 : i32 to index
      %swap3A_278 = tpu.vector_load %arg32[%swap3A_277] {strides = array<i32>} : memref<1024xi32, #tpu.memory_space<vmem>>, vector<16xi32>,
      tpu.vector_store %arg32[%swap3A_277], %broadcast_in_dim3A_2 {strides = array<i32>} : memref<1024xi32, #tpu.memory_space<vmem>>, vector<16xi32>,
      %add3A_279 = arith.constant 2147483647 : i32
      %add3A_280 = vector.broadcast %add3A_279 : i32 to vector<16xi32>
      %add3A_281 = arith.addi %broadcast_in_dim3A_2, %add3A_280 : vector<16xi32>
      %mul3A_282 = arith.constant 16 : i32
      %mul3A_283 = arith.muli %scan3A_273, %mul3A_282 : i32
      %swap3A_284 = arith.index_cast %mul3A_283 : i32 to index
      %swap3A_285 = tpu.vector_load %arg33[%swap3A_284] {strides = array<i32>} : memref<1024xi32, #tpu.memory_space<vmem>>, vector<16xi32>,
      tpu.vector_store %arg33[%swap3A_284], %add3A_281 {strides = array<i32>} : memref<1024xi32, #tpu.memory_space<vmem>>, vector<16xi32>,
      %scan3A_286 = arith.constant 0 : i32
      scf.yield %scan3A_286 : i32
    }
    %scan3A_65 = arith.constant 64 : i32
    %scan3A_66 = arith.constant 0 : i32
    %scan3A_67 = arith.constant 0 : i32
    %scan3A_68 = arith.constant 0 : i32
    %scan3A_69 = arith.constant 20 : i32
    %scan3A_70 = arith.addi %scan3A_68, %scan3A_69 : i32
    %scan3A_71 = arith.constant 1 : i32
    %scan3A_72:2 = scf.for %scan3A_273 = %scan3A_68 to %scan3A_70 step %scan3A_71 iter_args(%scan3A_274 = %scan3A_66, %scan3A_275 = %scan3A_67) -> (i32, i32)  : i32 {
      %mul3A_276 = arith.constant 4 : i32
      %mul3A_277 = arith.muli %scan3A_273, %mul3A_276 : i32
      %add3A_278 = arith.constant 0 : i32
      %add3A_279 = arith.addi %mul3A_277, %add3A_278 : i32
      %mul3A_280 = arith.constant 16 : i32
      %mul3A_281 = arith.muli %add3A_279, %mul3A_280 : i32
      %get3A = arith.index_cast %mul3A_281 : i32 to index
      %get3A_282 = tpu.vector_load %arg26[%get3A] {strides = array<i32>} : memref<1280xi32, #tpu.memory_space<vmem>>, vector<16xi32>,
      %mul3A_283 = arith.constant 1280 : i32
      %mul3A_284 = arith.muli %arg1, %mul3A_283 : i32
      %mul3A_285 = arith.constant 4 : i32
      %mul3A_286 = arith.muli %scan3A_273, %mul3A_285 : i32
      %add3A_287 = arith.constant 0 : i32
      %add3A_288 = arith.addi %mul3A_286, %add3A_287 : i32
      %mul3A_289 = arith.constant 16 : i32
      %mul3A_290 = arith.muli %add3A_288, %mul3A_289 : i32
      %add3A_291 = arith.addi %mul3A_284, %mul3A_290 : i32
      %add3A_292 = vector.broadcast %add3A_291 : i32 to vector<16xi32>
      %add3A_293 = arith.addi %add3A_292, %iota3A : vector<16xi32>
      %gt3A = vector.broadcast %scan3A_9#0 : i32 to vector<16xi32>
      %gt3A_294 = arith.cmpi sgt, %get3A_282, %gt3A : vector<16xi32>
      %eq3A_295 = vector.broadcast %scan3A_9#0 : i32 to vector<16xi32>
      %eq3A_296 = arith.cmpi eq, %get3A_282, %eq3A_295 : vector<16xi32>
      %convert_element_type3A_297 = arith.extui %eq3A_296 : vector<16xi1> to vector<16xi32>
      %cumsum3A_298 = arith.constant true
      %cumsum3A_299 = vector.broadcast %cumsum3A_298 : i1 to vector<16xi1>
      %cumsum3A_300 = tpu.scan <sum>, %convert_element_type3A_297 masked %cumsum3A_299 : vector<16xi32>, vector<16xi1> -> vector<16xi32>
      %sub3A_301 = arith.subi %cumsum3A_300, %convert_element_type3A_297 : vector<16xi32>
      %add3A_302 = vector.broadcast %scan3A_275 : i32 to vector<16xi32>
      %add3A_303 = arith.addi %add3A_302, %sub3A_301 : vector<16xi32>
      %lt3A = vector.broadcast %reduce_sum3A_58 : i32 to vector<16xi32>
      %lt3A_304 = arith.cmpi slt, %add3A_303, %lt3A : vector<16xi32>
      %and3A = arith.andi %eq3A_296, %lt3A_304 : vector<16xi1>
      %or3A = arith.ori %gt3A_294, %and3A : vector<16xi1>
      %convert_element_type3A_305 = arith.extui %or3A : vector<16xi1> to vector<16xi32>
      %cumsum3A_306 = arith.constant true
      %cumsum3A_307 = vector.broadcast %cumsum3A_306 : i1 to vector<16xi1>
      %cumsum3A_308 = tpu.scan <sum>, %convert_element_type3A_305 masked %cumsum3A_307 : vector<16xi32>, vector<16xi1> -> vector<16xi32>
      %sub3A_309 = arith.subi %cumsum3A_308, %convert_element_type3A_305 : vector<16xi32>
      %add3A_310 = vector.broadcast %scan3A_274 : i32 to vector<16xi32>
      %add3A_311 = arith.addi %add3A_310, %sub3A_309 : vector<16xi32>
      tpu.vector_store_idx %arg32[%add3A_311], %get3A_282 masked %or3A : memref<1024xi32, #tpu.memory_space<vmem>>[vector<16xi32>], vector<16xi32>, vector<16xi1>
      tpu.vector_store_idx %arg33[%add3A_311], %add3A_293 masked %or3A : memref<1024xi32, #tpu.memory_space<vmem>>[vector<16xi32>], vector<16xi32>, vector<16xi1>
      %reduce_sum3A_312 = arith.constant true
      %reduce_sum3A_313 = vector.broadcast %reduce_sum3A_312 : i1 to vector<16xi1>
      %reduce_sum3A_314 = tpu.scan <sum>, %convert_element_type3A_305 masked %reduce_sum3A_313 : vector<16xi32>, vector<16xi1> -> vector<16xi32>
      %reduce_sum3A_315 = vector.extract %reduce_sum3A_314[15] : i32 from vector<16xi32>
      %add3A_316 = arith.addi %scan3A_274, %reduce_sum3A_315 : i32
      %reduce_sum3A_317 = arith.constant true
      %reduce_sum3A_318 = vector.broadcast %reduce_sum3A_317 : i1 to vector<16xi1>
      %reduce_sum3A_319 = tpu.scan <sum>, %convert_element_type3A_297 masked %reduce_sum3A_318 : vector<16xi32>, vector<16xi1> -> vector<16xi32>
      %reduce_sum3A_320 = vector.extract %reduce_sum3A_319[15] : i32 from vector<16xi32>
      %add3A_321 = arith.addi %scan3A_275, %reduce_sum3A_320 : i32
      %mul3A_322 = arith.constant 4 : i32
      %mul3A_323 = arith.muli %scan3A_273, %mul3A_322 : i32
      %add3A_324 = arith.constant 1 : i32
      %add3A_325 = arith.addi %mul3A_323, %add3A_324 : i32
      %mul3A_326 = arith.constant 16 : i32
      %mul3A_327 = arith.muli %add3A_325, %mul3A_326 : i32
      %get3A_328 = arith.index_cast %mul3A_327 : i32 to index
      %get3A_329 = tpu.vector_load %arg26[%get3A_328] {strides = array<i32>} : memref<1280xi32, #tpu.memory_space<vmem>>, vector<16xi32>,
      %mul3A_330 = arith.constant 1280 : i32
      %mul3A_331 = arith.muli %arg1, %mul3A_330 : i32
      %mul3A_332 = arith.constant 4 : i32
      %mul3A_333 = arith.muli %scan3A_273, %mul3A_332 : i32
      %add3A_334 = arith.constant 1 : i32
      %add3A_335 = arith.addi %mul3A_333, %add3A_334 : i32
      %mul3A_336 = arith.constant 16 : i32
      %mul3A_337 = arith.muli %add3A_335, %mul3A_336 : i32
      %add3A_338 = arith.addi %mul3A_331, %mul3A_337 : i32
      %add3A_339 = vector.broadcast %add3A_338 : i32 to vector<16xi32>
      %add3A_340 = arith.addi %add3A_339, %iota3A : vector<16xi32>
      %gt3A_341 = vector.broadcast %scan3A_9#0 : i32 to vector<16xi32>
      %gt3A_342 = arith.cmpi sgt, %get3A_329, %gt3A_341 : vector<16xi32>
      %eq3A_343 = vector.broadcast %scan3A_9#0 : i32 to vector<16xi32>
      %eq3A_344 = arith.cmpi eq, %get3A_329, %eq3A_343 : vector<16xi32>
      %convert_element_type3A_345 = arith.extui %eq3A_344 : vector<16xi1> to vector<16xi32>
      %cumsum3A_346 = arith.constant true
      %cumsum3A_347 = vector.broadcast %cumsum3A_346 : i1 to vector<16xi1>
      %cumsum3A_348 = tpu.scan <sum>, %convert_element_type3A_345 masked %cumsum3A_347 : vector<16xi32>, vector<16xi1> -> vector<16xi32>
      %sub3A_349 = arith.subi %cumsum3A_348, %convert_element_type3A_345 : vector<16xi32>
      %add3A_350 = vector.broadcast %add3A_321 : i32 to vector<16xi32>
      %add3A_351 = arith.addi %add3A_350, %sub3A_349 : vector<16xi32>
      %lt3A_352 = vector.broadcast %reduce_sum3A_58 : i32 to vector<16xi32>
      %lt3A_353 = arith.cmpi slt, %add3A_351, %lt3A_352 : vector<16xi32>
      %and3A_354 = arith.andi %eq3A_344, %lt3A_353 : vector<16xi1>
      %or3A_355 = arith.ori %gt3A_342, %and3A_354 : vector<16xi1>
      %convert_element_type3A_356 = arith.extui %or3A_355 : vector<16xi1> to vector<16xi32>
      %cumsum3A_357 = arith.constant true
      %cumsum3A_358 = vector.broadcast %cumsum3A_357 : i1 to vector<16xi1>
      %cumsum3A_359 = tpu.scan <sum>, %convert_element_type3A_356 masked %cumsum3A_358 : vector<16xi32>, vector<16xi1> -> vector<16xi32>
      %sub3A_360 = arith.subi %cumsum3A_359, %convert_element_type3A_356 : vector<16xi32>
      %add3A_361 = vector.broadcast %add3A_316 : i32 to vector<16xi32>
      %add3A_362 = arith.addi %add3A_361, %sub3A_360 : vector<16xi32>
      tpu.vector_store_idx %arg32[%add3A_362], %get3A_329 masked %or3A_355 : memref<1024xi32, #tpu.memory_space<vmem>>[vector<16xi32>], vector<16xi32>, vector<16xi1>
      tpu.vector_store_idx %arg33[%add3A_362], %add3A_340 masked %or3A_355 : memref<1024xi32, #tpu.memory_space<vmem>>[vector<16xi32>], vector<16xi32>, vector<16xi1>
      %reduce_sum3A_363 = arith.constant true
      %reduce_sum3A_364 = vector.broadcast %reduce_sum3A_363 : i1 to vector<16xi1>
      %reduce_sum3A_365 = tpu.scan <sum>, %convert_element_type3A_356 masked %reduce_sum3A_364 : vector<16xi32>, vector<16xi1> -> vector<16xi32>
      %reduce_sum3A_366 = vector.extract %reduce_sum3A_365[15] : i32 from vector<16xi32>
      %add3A_367 = arith.addi %add3A_316, %reduce_sum3A_366 : i32
      %reduce_sum3A_368 = arith.constant true
      %reduce_sum3A_369 = vector.broadcast %reduce_sum3A_368 : i1 to vector<16xi1>
      %reduce_sum3A_370 = tpu.scan <sum>, %convert_element_type3A_345 masked %reduce_sum3A_369 : vector<16xi32>, vector<16xi1> -> vector<16xi32>
      %reduce_sum3A_371 = vector.extract %reduce_sum3A_370[15] : i32 from vector<16xi32>
      %add3A_372 = arith.addi %add3A_321, %reduce_sum3A_371 : i32
      %mul3A_373 = arith.constant 4 : i32
      %mul3A_374 = arith.muli %scan3A_273, %mul3A_373 : i32
      %add3A_375 = arith.constant 2 : i32
      %add3A_376 = arith.addi %mul3A_374, %add3A_375 : i32
      %mul3A_377 = arith.constant 16 : i32
      %mul3A_378 = arith.muli %add3A_376, %mul3A_377 : i32
      %get3A_379 = arith.index_cast %mul3A_378 : i32 to index
      %get3A_380 = tpu.vector_load %arg26[%get3A_379] {strides = array<i32>} : memref<1280xi32, #tpu.memory_space<vmem>>, vector<16xi32>,
      %mul3A_381 = arith.constant 1280 : i32
      %mul3A_382 = arith.muli %arg1, %mul3A_381 : i32
      %mul3A_383 = arith.constant 4 : i32
      %mul3A_384 = arith.muli %scan3A_273, %mul3A_383 : i32
      %add3A_385 = arith.constant 2 : i32
      %add3A_386 = arith.addi %mul3A_384, %add3A_385 : i32
      %mul3A_387 = arith.constant 16 : i32
      %mul3A_388 = arith.muli %add3A_386, %mul3A_387 : i32
      %add3A_389 = arith.addi %mul3A_382, %mul3A_388 : i32
      %add3A_390 = vector.broadcast %add3A_389 : i32 to vector<16xi32>
      %add3A_391 = arith.addi %add3A_390, %iota3A : vector<16xi32>
      %gt3A_392 = vector.broadcast %scan3A_9#0 : i32 to vector<16xi32>
      %gt3A_393 = arith.cmpi sgt, %get3A_380, %gt3A_392 : vector<16xi32>
      %eq3A_394 = vector.broadcast %scan3A_9#0 : i32 to vector<16xi32>
      %eq3A_395 = arith.cmpi eq, %get3A_380, %eq3A_394 : vector<16xi32>
      %convert_element_type3A_396 = arith.extui %eq3A_395 : vector<16xi1> to vector<16xi32>
      %cumsum3A_397 = arith.constant true
      %cumsum3A_398 = vector.broadcast %cumsum3A_397 : i1 to vector<16xi1>
      %cumsum3A_399 = tpu.scan <sum>, %convert_element_type3A_396 masked %cumsum3A_398 : vector<16xi32>, vector<16xi1> -> vector<16xi32>
      %sub3A_400 = arith.subi %cumsum3A_399, %convert_element_type3A_396 : vector<16xi32>
      %add3A_401 = vector.broadcast %add3A_372 : i32 to vector<16xi32>
      %add3A_402 = arith.addi %add3A_401, %sub3A_400 : vector<16xi32>
      %lt3A_403 = vector.broadcast %reduce_sum3A_58 : i32 to vector<16xi32>
      %lt3A_404 = arith.cmpi slt, %add3A_402, %lt3A_403 : vector<16xi32>
      %and3A_405 = arith.andi %eq3A_395, %lt3A_404 : vector<16xi1>
      %or3A_406 = arith.ori %gt3A_393, %and3A_405 : vector<16xi1>
      %convert_element_type3A_407 = arith.extui %or3A_406 : vector<16xi1> to vector<16xi32>
      %cumsum3A_408 = arith.constant true
      %cumsum3A_409 = vector.broadcast %cumsum3A_408 : i1 to vector<16xi1>
      %cumsum3A_410 = tpu.scan <sum>, %convert_element_type3A_407 masked %cumsum3A_409 : vector<16xi32>, vector<16xi1> -> vector<16xi32>
      %sub3A_411 = arith.subi %cumsum3A_410, %convert_element_type3A_407 : vector<16xi32>
      %add3A_412 = vector.broadcast %add3A_367 : i32 to vector<16xi32>
      %add3A_413 = arith.addi %add3A_412, %sub3A_411 : vector<16xi32>
      tpu.vector_store_idx %arg32[%add3A_413], %get3A_380 masked %or3A_406 : memref<1024xi32, #tpu.memory_space<vmem>>[vector<16xi32>], vector<16xi32>, vector<16xi1>
      tpu.vector_store_idx %arg33[%add3A_413], %add3A_391 masked %or3A_406 : memref<1024xi32, #tpu.memory_space<vmem>>[vector<16xi32>], vector<16xi32>, vector<16xi1>
      %reduce_sum3A_414 = arith.constant true
      %reduce_sum3A_415 = vector.broadcast %reduce_sum3A_414 : i1 to vector<16xi1>
      %reduce_sum3A_416 = tpu.scan <sum>, %convert_element_type3A_407 masked %reduce_sum3A_415 : vector<16xi32>, vector<16xi1> -> vector<16xi32>
      %reduce_sum3A_417 = vector.extract %reduce_sum3A_416[15] : i32 from vector<16xi32>
      %add3A_418 = arith.addi %add3A_367, %reduce_sum3A_417 : i32
      %reduce_sum3A_419 = arith.constant true
      %reduce_sum3A_420 = vector.broadcast %reduce_sum3A_419 : i1 to vector<16xi1>
      %reduce_sum3A_421 = tpu.scan <sum>, %convert_element_type3A_396 masked %reduce_sum3A_420 : vector<16xi32>, vector<16xi1> -> vector<16xi32>
      %reduce_sum3A_422 = vector.extract %reduce_sum3A_421[15] : i32 from vector<16xi32>
      %add3A_423 = arith.addi %add3A_372, %reduce_sum3A_422 : i32
      %mul3A_424 = arith.constant 4 : i32
      %mul3A_425 = arith.muli %scan3A_273, %mul3A_424 : i32
      %add3A_426 = arith.constant 3 : i32
      %add3A_427 = arith.addi %mul3A_425, %add3A_426 : i32
      %mul3A_428 = arith.constant 16 : i32
      %mul3A_429 = arith.muli %add3A_427, %mul3A_428 : i32
      %get3A_430 = arith.index_cast %mul3A_429 : i32 to index
      %get3A_431 = tpu.vector_load %arg26[%get3A_430] {strides = array<i32>} : memref<1280xi32, #tpu.memory_space<vmem>>, vector<16xi32>,
      %mul3A_432 = arith.constant 1280 : i32
      %mul3A_433 = arith.muli %arg1, %mul3A_432 : i32
      %mul3A_434 = arith.constant 4 : i32
      %mul3A_435 = arith.muli %scan3A_273, %mul3A_434 : i32
      %add3A_436 = arith.constant 3 : i32
      %add3A_437 = arith.addi %mul3A_435, %add3A_436 : i32
      %mul3A_438 = arith.constant 16 : i32
      %mul3A_439 = arith.muli %add3A_437, %mul3A_438 : i32
      %add3A_440 = arith.addi %mul3A_433, %mul3A_439 : i32
      %add3A_441 = vector.broadcast %add3A_440 : i32 to vector<16xi32>
      %add3A_442 = arith.addi %add3A_441, %iota3A : vector<16xi32>
      %gt3A_443 = vector.broadcast %scan3A_9#0 : i32 to vector<16xi32>
      %gt3A_444 = arith.cmpi sgt, %get3A_431, %gt3A_443 : vector<16xi32>
      %eq3A_445 = vector.broadcast %scan3A_9#0 : i32 to vector<16xi32>
      %eq3A_446 = arith.cmpi eq, %get3A_431, %eq3A_445 : vector<16xi32>
      %convert_element_type3A_447 = arith.extui %eq3A_446 : vector<16xi1> to vector<16xi32>
      %cumsum3A_448 = arith.constant true
      %cumsum3A_449 = vector.broadcast %cumsum3A_448 : i1 to vector<16xi1>
      %cumsum3A_450 = tpu.scan <sum>, %convert_element_type3A_447 masked %cumsum3A_449 : vector<16xi32>, vector<16xi1> -> vector<16xi32>
      %sub3A_451 = arith.subi %cumsum3A_450, %convert_element_type3A_447 : vector<16xi32>
      %add3A_452 = vector.broadcast %add3A_423 : i32 to vector<16xi32>
      %add3A_453 = arith.addi %add3A_452, %sub3A_451 : vector<16xi32>
      %lt3A_454 = vector.broadcast %reduce_sum3A_58 : i32 to vector<16xi32>
      %lt3A_455 = arith.cmpi slt, %add3A_453, %lt3A_454 : vector<16xi32>
      %and3A_456 = arith.andi %eq3A_446, %lt3A_455 : vector<16xi1>
      %or3A_457 = arith.ori %gt3A_444, %and3A_456 : vector<16xi1>
      %convert_element_type3A_458 = arith.extui %or3A_457 : vector<16xi1> to vector<16xi32>
      %cumsum3A_459 = arith.constant true
      %cumsum3A_460 = vector.broadcast %cumsum3A_459 : i1 to vector<16xi1>
      %cumsum3A_461 = tpu.scan <sum>, %convert_element_type3A_458 masked %cumsum3A_460 : vector<16xi32>, vector<16xi1> -> vector<16xi32>
      %sub3A_462 = arith.subi %cumsum3A_461, %convert_element_type3A_458 : vector<16xi32>
      %add3A_463 = vector.broadcast %add3A_418 : i32 to vector<16xi32>
      %add3A_464 = arith.addi %add3A_463, %sub3A_462 : vector<16xi32>
      tpu.vector_store_idx %arg32[%add3A_464], %get3A_431 masked %or3A_457 : memref<1024xi32, #tpu.memory_space<vmem>>[vector<16xi32>], vector<16xi32>, vector<16xi1>
      tpu.vector_store_idx %arg33[%add3A_464], %add3A_442 masked %or3A_457 : memref<1024xi32, #tpu.memory_space<vmem>>[vector<16xi32>], vector<16xi32>, vector<16xi1>
      %reduce_sum3A_465 = arith.constant true
      %reduce_sum3A_466 = vector.broadcast %reduce_sum3A_465 : i1 to vector<16xi1>
      %reduce_sum3A_467 = tpu.scan <sum>, %convert_element_type3A_458 masked %reduce_sum3A_466 : vector<16xi32>, vector<16xi1> -> vector<16xi32>
      %reduce_sum3A_468 = vector.extract %reduce_sum3A_467[15] : i32 from vector<16xi32>
      %add3A_469 = arith.addi %add3A_418, %reduce_sum3A_468 : i32
      %reduce_sum3A_470 = arith.constant true
      %reduce_sum3A_471 = vector.broadcast %reduce_sum3A_470 : i1 to vector<16xi1>
      %reduce_sum3A_472 = tpu.scan <sum>, %convert_element_type3A_447 masked %reduce_sum3A_471 : vector<16xi32>, vector<16xi1> -> vector<16xi32>
      %reduce_sum3A_473 = vector.extract %reduce_sum3A_472[15] : i32 from vector<16xi32>
      %add3A_474 = arith.addi %add3A_423, %reduce_sum3A_473 : i32
      scf.yield %add3A_469, %add3A_474 : i32, i32
    }
    %scan3A_73 = arith.constant 20 : i32
    %mul3A_74 = arith.constant 1024 : i32
    %mul3A_75 = arith.muli %arg1, %mul3A_74 : i32
    "tpu.region"() ({
      %run_scoped3A_273 = tpu.sem_alloc : memref<!tpu.dma_semaphore, #tpu.memory_space<semaphore_mem>>
      %dma_start3A_274 = tpu.memref_slice %arg48[%mul3A_75] : memref<16384xi32, #tpu.memory_space<vmem_shared>> -> memref<1024xi32, #tpu.memory_space<vmem_shared>>
      %dma_start3A_275 = tpu.memref_slice %arg48[%mul3A_75] : memref<16384xi32, #tpu.memory_space<vmem_shared>> -> memref<1024xi32, #tpu.memory_space<vmem_shared>>
      tpu.enqueue_dma source(%arg32 : memref<1024xi32, #tpu.memory_space<vmem>>) target(%dma_start3A_275 : memref<1024xi32, #tpu.memory_space<vmem_shared>>) target_semaphore(%run_scoped3A_273 : memref<!tpu.dma_semaphore, #tpu.memory_space<semaphore_mem>>)
      %dma_wait3A_276 = tpu.memref_slice %arg48[%mul3A_75] : memref<16384xi32, #tpu.memory_space<vmem_shared>> -> memref<1024xi32, #tpu.memory_space<vmem_shared>>
      %dma_wait3A_277 = tpu.memref_slice %arg48[%mul3A_75] : memref<16384xi32, #tpu.memory_space<vmem_shared>> -> memref<1024xi32, #tpu.memory_space<vmem_shared>>
      tpu.wait_dma2 semaphore(%run_scoped3A_273 : memref<!tpu.dma_semaphore, #tpu.memory_space<semaphore_mem>>) src(%arg32 : memref<1024xi32, #tpu.memory_space<vmem>>) dst(%dma_wait3A_277 : memref<1024xi32, #tpu.memory_space<vmem_shared>>)
      tpu.yield
    }) : () -> ()
    %mul3A_76 = arith.constant 1024 : i32
    %mul3A_77 = arith.muli %arg1, %mul3A_76 : i32
    "tpu.region"() ({
      %run_scoped3A_273 = tpu.sem_alloc : memref<!tpu.dma_semaphore, #tpu.memory_space<semaphore_mem>>
      %dma_start3A_274 = tpu.memref_slice %arg49[%mul3A_77] : memref<16384xi32, #tpu.memory_space<vmem_shared>> -> memref<1024xi32, #tpu.memory_space<vmem_shared>>
      %dma_start3A_275 = tpu.memref_slice %arg49[%mul3A_77] : memref<16384xi32, #tpu.memory_space<vmem_shared>> -> memref<1024xi32, #tpu.memory_space<vmem_shared>>
      tpu.enqueue_dma source(%arg33 : memref<1024xi32, #tpu.memory_space<vmem>>) target(%dma_start3A_275 : memref<1024xi32, #tpu.memory_space<vmem_shared>>) target_semaphore(%run_scoped3A_273 : memref<!tpu.dma_semaphore, #tpu.memory_space<semaphore_mem>>)
      %dma_wait3A_276 = tpu.memref_slice %arg49[%mul3A_77] : memref<16384xi32, #tpu.memory_space<vmem_shared>> -> memref<1024xi32, #tpu.memory_space<vmem_shared>>
      %dma_wait3A_277 = tpu.memref_slice %arg49[%mul3A_77] : memref<16384xi32, #tpu.memory_space<vmem_shared>> -> memref<1024xi32, #tpu.memory_space<vmem_shared>>
      tpu.wait_dma2 semaphore(%run_scoped3A_273 : memref<!tpu.dma_semaphore, #tpu.memory_space<semaphore_mem>>) src(%arg33 : memref<1024xi32, #tpu.memory_space<vmem>>) dst(%dma_wait3A_277 : memref<1024xi32, #tpu.memory_space<vmem_shared>>)
      tpu.yield
    }) : () -> ()
    %barrier3A_78 = arith.constant 0 : index
    tpu.barrier barrier_id(%barrier3A_78)
    %eq3A_79 = arith.constant 0 : i32
    %eq3A_80 = arith.cmpi eq, %arg1, %eq3A_79 : i32
    %convert_element_type3A = arith.extui %eq3A_80 : i1 to i32
    %cond3A = arith.constant 0 : i32
    %cond3A_81 = arith.cmpi ne, %convert_element_type3A, %cond3A : i32
    scf.if %cond3A_81 {
      "tpu.region"() ({
        %run_scoped3A_301 = tpu.sem_alloc : memref<!tpu.dma_semaphore, #tpu.memory_space<semaphore_mem>>
        tpu.enqueue_dma source(%arg48 : memref<16384xi32, #tpu.memory_space<vmem_shared>>) target(%arg34 : memref<16384xi32, #tpu.memory_space<vmem>>) target_semaphore(%run_scoped3A_301 : memref<!tpu.dma_semaphore, #tpu.memory_space<semaphore_mem>>)
        tpu.wait_dma2 semaphore(%run_scoped3A_301 : memref<!tpu.dma_semaphore, #tpu.memory_space<semaphore_mem>>) src(%arg48 : memref<16384xi32, #tpu.memory_space<vmem_shared>>) dst(%arg34 : memref<16384xi32, #tpu.memory_space<vmem>>)
        tpu.yield
      }) : () -> ()
      "tpu.region"() ({
        %run_scoped3A_301 = tpu.sem_alloc : memref<!tpu.dma_semaphore, #tpu.memory_space<semaphore_mem>>
        tpu.enqueue_dma source(%arg49 : memref<16384xi32, #tpu.memory_space<vmem_shared>>) target(%arg35 : memref<16384xi32, #tpu.memory_space<vmem>>) target_semaphore(%run_scoped3A_301 : memref<!tpu.dma_semaphore, #tpu.memory_space<semaphore_mem>>)
        tpu.wait_dma2 semaphore(%run_scoped3A_301 : memref<!tpu.dma_semaphore, #tpu.memory_space<semaphore_mem>>) src(%arg49 : memref<16384xi32, #tpu.memory_space<vmem_shared>>) dst(%arg35 : memref<16384xi32, #tpu.memory_space<vmem>>)
        tpu.yield
      }) : () -> ()
      %scan3A_273 = arith.constant 0 : i32
      %scan3A_274 = arith.constant 0 : i32
      %scan3A_275 = arith.constant 64 : i32
      %scan3A_276 = arith.addi %scan3A_274, %scan3A_275 : i32
      %scan3A_277 = arith.constant 1 : i32
      %scan3A_278 = scf.for %scan3A_301 = %scan3A_274 to %scan3A_276 step %scan3A_277 iter_args(%scan3A_302 = %scan3A_273) -> (i32)  : i32 {
        %mul3A_303 = arith.constant 16 : i32
        %mul3A_304 = arith.muli %scan3A_301, %mul3A_303 : i32
        %swap3A_305 = arith.index_cast %mul3A_304 : i32 to index
        %swap3A_306 = tpu.vector_load %arg36[%swap3A_305] {strides = array<i32>} : memref<1024xi32, #tpu.memory_space<vmem>>, vector<16xi32>,
        tpu.vector_store %arg36[%swap3A_305], %broadcast_in_dim3A_2 {strides = array<i32>} : memref<1024xi32, #tpu.memory_space<vmem>>, vector<16xi32>,
        %add3A_307 = arith.constant 2147483647 : i32
        %add3A_308 = vector.broadcast %add3A_307 : i32 to vector<16xi32>
        %add3A_309 = arith.addi %broadcast_in_dim3A_2, %add3A_308 : vector<16xi32>
        %mul3A_310 = arith.constant 16 : i32
        %mul3A_311 = arith.muli %scan3A_301, %mul3A_310 : i32
        %swap3A_312 = arith.index_cast %mul3A_311 : i32 to index
        %swap3A_313 = tpu.vector_load %arg37[%swap3A_312] {strides = array<i32>} : memref<1024xi32, #tpu.memory_space<vmem>>, vector<16xi32>,
        tpu.vector_store %arg37[%swap3A_312], %add3A_309 {strides = array<i32>} : memref<1024xi32, #tpu.memory_space<vmem>>, vector<16xi32>,
        %scan3A_314 = arith.constant 0 : i32
        scf.yield %scan3A_314 : i32
      }
      %scan3A_279 = arith.constant 64 : i32
      %scan3A_280 = arith.constant 0 : i32
      %scan3A_281 = arith.constant 0 : i32
      %scan3A_282 = arith.constant 16 : i32
      %scan3A_283 = arith.addi %scan3A_281, %scan3A_282 : i32
      %scan3A_284 = arith.constant 1 : i32
      %scan3A_285 = scf.for %scan3A_301 = %scan3A_281 to %scan3A_283 step %scan3A_284 iter_args(%scan3A_302 = %scan3A_280) -> (i32)  : i32 {
        %eq3A_303 = vector.broadcast %scan3A_301 : i32 to vector<16xi32>
        %eq3A_304 = arith.cmpi eq, %iota3A, %eq3A_303 : vector<16xi32>
        %jit3A_305 = arith.constant 0 : i32
        %broadcast_in_dim3A_306 = vector.broadcast %jit3A_305 : i32 to vector<16xi32>
        %select_n3A_307 = arith.select %eq3A_304, %add3A_46, %broadcast_in_dim3A_306 : vector<16xi1>, vector<16xi32>
        %reduce_sum3A_308 = arith.constant true
        %reduce_sum3A_309 = vector.broadcast %reduce_sum3A_308 : i1 to vector<16xi1>
        %reduce_sum3A_310 = tpu.scan <sum>, %select_n3A_307 masked %reduce_sum3A_309 : vector<16xi32>, vector<16xi1> -> vector<16xi32>
        %reduce_sum3A_311 = vector.extract %reduce_sum3A_310[15] : i32 from vector<16xi32>
        %eq3A_312 = vector.broadcast %scan3A_301 : i32 to vector<16xi32>
        %eq3A_313 = arith.cmpi eq, %iota3A, %eq3A_312 : vector<16xi32>
        %jit3A_314 = arith.constant 0 : i32
        %broadcast_in_dim3A_315 = vector.broadcast %jit3A_314 : i32 to vector<16xi32>
        %select_n3A_316 = arith.select %eq3A_313, %sub3A_50, %broadcast_in_dim3A_315 : vector<16xi1>, vector<16xi32>
        %reduce_sum3A_317 = arith.constant true
        %reduce_sum3A_318 = vector.broadcast %reduce_sum3A_317 : i1 to vector<16xi1>
        %reduce_sum3A_319 = tpu.scan <sum>, %select_n3A_316 masked %reduce_sum3A_318 : vector<16xi32>, vector<16xi1> -> vector<16xi32>
        %reduce_sum3A_320 = vector.extract %reduce_sum3A_319[15] : i32 from vector<16xi32>
        %add3A_321 = arith.constant 15 : i32
        %add3A_322 = arith.addi %reduce_sum3A_311, %add3A_321 : i32
        %shift_right_arithmetic3A = arith.constant 4 : i32
        %shift_right_arithmetic3A_323 = arith.shrsi %add3A_322, %shift_right_arithmetic3A : i32
        %while3A = arith.constant 0 : i32
        %while3A_324 = arith.constant 0 : i32
        %while3A_325 = arith.subi %shift_right_arithmetic3A_323, %while3A : i32
        %while3A_326 = arith.addi %while3A, %while3A_325 : i32
        %while3A_327 = arith.constant 1 : i32
        %while3A_328 = arith.divsi %while3A_325, %while3A_327 : i32
        %while3A_329 = arith.muli %while3A_328, %while3A_327 : i32
        %while3A_330 = arith.addi %while3A, %while3A_329 : i32
        %while3A_331 = arith.constant 1 : i32
        %while3A_332 = scf.for %while3A_336 = %while3A to %while3A_330 step %while3A_331 iter_args(%while3A_337 = %while3A_324) -> (i32)  : i32 {
          %mul3A_338 = arith.constant 1024 : i32
          %mul3A_339 = arith.muli %scan3A_301, %mul3A_338 : i32
          %mul3A_340 = arith.constant 16 : i32
          %mul3A_341 = arith.muli %while3A_336, %mul3A_340 : i32
          %add3A_342 = arith.addi %mul3A_339, %mul3A_341 : i32
          %get3A = arith.index_cast %add3A_342 : i32 to index
          %get3A_343 = tpu.vector_load %arg34[%get3A] {strides = array<i32>} : memref<16384xi32, #tpu.memory_space<vmem>>, vector<16xi32>,
          %mul3A_344 = arith.constant 1024 : i32
          %mul3A_345 = arith.muli %scan3A_301, %mul3A_344 : i32
          %mul3A_346 = arith.constant 16 : i32
          %mul3A_347 = arith.muli %while3A_336, %mul3A_346 : i32
          %add3A_348 = arith.addi %mul3A_345, %mul3A_347 : i32
          %get3A_349 = arith.index_cast %add3A_348 : i32 to index
          %get3A_350 = tpu.vector_load %arg35[%get3A_349] {strides = array<i32>} : memref<16384xi32, #tpu.memory_space<vmem>>, vector<16xi32>,
          %mul3A_351 = arith.constant 16 : i32
          %mul3A_352 = arith.muli %while3A_336, %mul3A_351 : i32
          %add3A_353 = vector.broadcast %mul3A_352 : i32 to vector<16xi32>
          %add3A_354 = arith.addi %add3A_353, %iota3A : vector<16xi32>
          %lt3A = vector.broadcast %reduce_sum3A_311 : i32 to vector<16xi32>
          %lt3A_355 = arith.cmpi slt, %add3A_354, %lt3A : vector<16xi32>
          %mul3A_356 = arith.constant 16 : i32
          %mul3A_357 = arith.muli %while3A_336, %mul3A_356 : i32
          %add3A_358 = arith.addi %reduce_sum3A_320, %mul3A_357 : i32
          %add3A_359 = vector.broadcast %add3A_358 : i32 to vector<16xi32>
          %add3A_360 = arith.addi %add3A_359, %iota3A : vector<16xi32>
          %and3A = arith.constant 63 : i32
          %and3A_361 = vector.broadcast %and3A : i32 to vector<16xi32>
          %and3A_362 = arith.andi %add3A_360, %and3A_361 : vector<16xi32>
          %shift_left3A = arith.constant 4 : i32
          %shift_left3A_363 = vector.broadcast %shift_left3A : i32 to vector<16xi32>
          %shift_left3A_364 = arith.shli %and3A_362, %shift_left3A_363 : vector<16xi32>
          %shift_right_arithmetic3A_365 = arith.constant 6 : i32
          %shift_right_arithmetic3A_366 = vector.broadcast %shift_right_arithmetic3A_365 : i32 to vector<16xi32>
          %shift_right_arithmetic3A_367 = arith.shrsi %add3A_360, %shift_right_arithmetic3A_366 : vector<16xi32>
          %or3A = arith.ori %shift_left3A_364, %shift_right_arithmetic3A_367 : vector<16xi32>
          tpu.vector_store_idx %arg36[%or3A], %get3A_343 masked %lt3A_355 : memref<1024xi32, #tpu.memory_space<vmem>>[vector<16xi32>], vector<16xi32>, vector<16xi1>
          tpu.vector_store_idx %arg37[%or3A], %get3A_350 masked %lt3A_355 : memref<1024xi32, #tpu.memory_space<vmem>>[vector<16xi32>], vector<16xi32>, vector<16xi1>
          %while3A_368 = arith.constant 0 : i32
          scf.yield %while3A_368 : i32
        }
        %while3A_333 = arith.constant 1 : i32
        %while3A_334 = scf.for %while3A_336 = %while3A_330 to %while3A_326 step %while3A_333 iter_args(%while3A_337 = %while3A_332) -> (i32)  : i32 {
          %mul3A_338 = arith.constant 1024 : i32
          %mul3A_339 = arith.muli %scan3A_301, %mul3A_338 : i32
          %mul3A_340 = arith.constant 16 : i32
          %mul3A_341 = arith.muli %while3A_336, %mul3A_340 : i32
          %add3A_342 = arith.addi %mul3A_339, %mul3A_341 : i32
          %get3A = arith.index_cast %add3A_342 : i32 to index
          %get3A_343 = tpu.vector_load %arg34[%get3A] {strides = array<i32>} : memref<16384xi32, #tpu.memory_space<vmem>>, vector<16xi32>,
          %mul3A_344 = arith.constant 1024 : i32
          %mul3A_345 = arith.muli %scan3A_301, %mul3A_344 : i32
          %mul3A_346 = arith.constant 16 : i32
          %mul3A_347 = arith.muli %while3A_336, %mul3A_346 : i32
          %add3A_348 = arith.addi %mul3A_345, %mul3A_347 : i32
          %get3A_349 = arith.index_cast %add3A_348 : i32 to index
          %get3A_350 = tpu.vector_load %arg35[%get3A_349] {strides = array<i32>} : memref<16384xi32, #tpu.memory_space<vmem>>, vector<16xi32>,
          %mul3A_351 = arith.constant 16 : i32
          %mul3A_352 = arith.muli %while3A_336, %mul3A_351 : i32
          %add3A_353 = vector.broadcast %mul3A_352 : i32 to vector<16xi32>
          %add3A_354 = arith.addi %add3A_353, %iota3A : vector<16xi32>
          %lt3A = vector.broadcast %reduce_sum3A_311 : i32 to vector<16xi32>
          %lt3A_355 = arith.cmpi slt, %add3A_354, %lt3A : vector<16xi32>
          %mul3A_356 = arith.constant 16 : i32
          %mul3A_357 = arith.muli %while3A_336, %mul3A_356 : i32
          %add3A_358 = arith.addi %reduce_sum3A_320, %mul3A_357 : i32
          %add3A_359 = vector.broadcast %add3A_358 : i32 to vector<16xi32>
          %add3A_360 = arith.addi %add3A_359, %iota3A : vector<16xi32>
          %and3A = arith.constant 63 : i32
          %and3A_361 = vector.broadcast %and3A : i32 to vector<16xi32>
          %and3A_362 = arith.andi %add3A_360, %and3A_361 : vector<16xi32>
          %shift_left3A = arith.constant 4 : i32
          %shift_left3A_363 = vector.broadcast %shift_left3A : i32 to vector<16xi32>
          %shift_left3A_364 = arith.shli %and3A_362, %shift_left3A_363 : vector<16xi32>
          %shift_right_arithmetic3A_365 = arith.constant 6 : i32
          %shift_right_arithmetic3A_366 = vector.broadcast %shift_right_arithmetic3A_365 : i32 to vector<16xi32>
          %shift_right_arithmetic3A_367 = arith.shrsi %add3A_360, %shift_right_arithmetic3A_366 : vector<16xi32>
          %or3A = arith.ori %shift_left3A_364, %shift_right_arithmetic3A_367 : vector<16xi32>
          tpu.vector_store_idx %arg36[%or3A], %get3A_343 masked %lt3A_355 : memref<1024xi32, #tpu.memory_space<vmem>>[vector<16xi32>], vector<16xi32>, vector<16xi1>
          tpu.vector_store_idx %arg37[%or3A], %get3A_350 masked %lt3A_355 : memref<1024xi32, #tpu.memory_space<vmem>>[vector<16xi32>], vector<16xi32>, vector<16xi1>
          %while3A_368 = arith.constant 0 : i32
          scf.yield %while3A_368 : i32
        }
        %scan3A_335 = arith.constant 0 : i32
        scf.yield %scan3A_335 : i32
      }
      %scan3A_286 = arith.constant 16 : i32
      %scan3A_287 = arith.constant 0 : i32
      %scan3A_288 = arith.constant 0 : i32
      %scan3A_289 = arith.constant 3 : i32
      %scan3A_290 = arith.addi %scan3A_288, %scan3A_289 : i32
      %scan3A_291 = arith.constant 1 : i32
      %scan3A_292 = scf.for %scan3A_301 = %scan3A_288 to %scan3A_290 step %scan3A_291 iter_args(%scan3A_302 = %scan3A_287) -> (i32)  : i32 {
        %mul3A_303 = arith.constant 12 : i32
        %mul3A_304 = arith.muli %mul3A_303, %scan3A_301 : i32
        %scan3A_305 = arith.constant 0 : i32
        %scan3A_306 = arith.constant 0 : i32
        %scan3A_307 = arith.constant 16 : i32
        %scan3A_308 = arith.addi %scan3A_306, %scan3A_307 : i32
        %scan3A_309 = arith.constant 1 : i32
        %scan3A_310 = scf.for %scan3A_369 = %scan3A_306 to %scan3A_308 step %scan3A_309 iter_args(%scan3A_370 = %scan3A_305) -> (i32)  : i32 {
          %mul3A_371 = arith.constant 4 : i32
          %mul3A_372 = arith.muli %scan3A_369, %mul3A_371 : i32
          %add3A_373 = arith.constant 0 : i32
          %add3A_374 = arith.addi %mul3A_372, %add3A_373 : i32
          %mul3A_375 = arith.constant 16 : i32
          %mul3A_376 = arith.muli %add3A_374, %mul3A_375 : i32
          %swap3A_377 = arith.index_cast %mul3A_376 : i32 to index
          %swap3A_378 = tpu.vector_load %arg40[%swap3A_377] {strides = array<i32>} : memref<1024xi32, #tpu.memory_space<vmem>>, vector<16xi32>,
          tpu.vector_store %arg40[%swap3A_377], %broadcast_in_dim3A_2 {strides = array<i32>} : memref<1024xi32, #tpu.memory_space<vmem>>, vector<16xi32>,
          %mul3A_379 = arith.constant 4 : i32
          %mul3A_380 = arith.muli %scan3A_369, %mul3A_379 : i32
          %add3A_381 = arith.constant 1 : i32
          %add3A_382 = arith.addi %mul3A_380, %add3A_381 : i32
          %mul3A_383 = arith.constant 16 : i32
          %mul3A_384 = arith.muli %add3A_382, %mul3A_383 : i32
          %swap3A_385 = arith.index_cast %mul3A_384 : i32 to index
          %swap3A_386 = tpu.vector_load %arg40[%swap3A_385] {strides = array<i32>} : memref<1024xi32, #tpu.memory_space<vmem>>, vector<16xi32>,
          tpu.vector_store %arg40[%swap3A_385], %broadcast_in_dim3A_2 {strides = array<i32>} : memref<1024xi32, #tpu.memory_space<vmem>>, vector<16xi32>,
          %mul3A_387 = arith.constant 4 : i32
          %mul3A_388 = arith.muli %scan3A_369, %mul3A_387 : i32
          %add3A_389 = arith.constant 2 : i32
          %add3A_390 = arith.addi %mul3A_388, %add3A_389 : i32
          %mul3A_391 = arith.constant 16 : i32
          %mul3A_392 = arith.muli %add3A_390, %mul3A_391 : i32
          %swap3A_393 = arith.index_cast %mul3A_392 : i32 to index
          %swap3A_394 = tpu.vector_load %arg40[%swap3A_393] {strides = array<i32>} : memref<1024xi32, #tpu.memory_space<vmem>>, vector<16xi32>,
          tpu.vector_store %arg40[%swap3A_393], %broadcast_in_dim3A_2 {strides = array<i32>} : memref<1024xi32, #tpu.memory_space<vmem>>, vector<16xi32>,
          %mul3A_395 = arith.constant 4 : i32
          %mul3A_396 = arith.muli %scan3A_369, %mul3A_395 : i32
          %add3A_397 = arith.constant 3 : i32
          %add3A_398 = arith.addi %mul3A_396, %add3A_397 : i32
          %mul3A_399 = arith.constant 16 : i32
          %mul3A_400 = arith.muli %add3A_398, %mul3A_399 : i32
          %swap3A_401 = arith.index_cast %mul3A_400 : i32 to index
          %swap3A_402 = tpu.vector_load %arg40[%swap3A_401] {strides = array<i32>} : memref<1024xi32, #tpu.memory_space<vmem>>, vector<16xi32>,
          tpu.vector_store %arg40[%swap3A_401], %broadcast_in_dim3A_2 {strides = array<i32>} : memref<1024xi32, #tpu.memory_space<vmem>>, vector<16xi32>,
          %scan3A_403 = arith.constant 0 : i32
          scf.yield %scan3A_403 : i32
        }
        %scan3A_311 = arith.constant 16 : i32
        %scan3A_312 = arith.constant 0 : i32
        %scan3A_313 = arith.constant 0 : i32
        %scan3A_314 = arith.constant 16 : i32
        %scan3A_315 = arith.addi %scan3A_313, %scan3A_314 : i32
        %scan3A_316 = arith.constant 1 : i32
        %scan3A_317 = scf.for %scan3A_369 = %scan3A_313 to %scan3A_315 step %scan3A_316 iter_args(%scan3A_370 = %scan3A_312) -> (i32)  : i32 {
          %mul3A_371 = arith.constant 4 : i32
          %mul3A_372 = arith.muli %scan3A_369, %mul3A_371 : i32
          %add3A_373 = arith.constant 0 : i32
          %add3A_374 = arith.addi %mul3A_372, %add3A_373 : i32
          %mul3A_375 = arith.constant 16 : i32
          %mul3A_376 = arith.muli %add3A_374, %mul3A_375 : i32
          %get3A = arith.index_cast %mul3A_376 : i32 to index
          %get3A_377 = tpu.vector_load %arg36[%get3A] {strides = array<i32>} : memref<1024xi32, #tpu.memory_space<vmem>>, vector<16xi32>,
          %shift_right_arithmetic3A = vector.broadcast %mul3A_304 : i32 to vector<16xi32>
          %shift_right_arithmetic3A_378 = arith.shrsi %get3A_377, %shift_right_arithmetic3A : vector<16xi32>
          %and3A = arith.constant 63 : i32
          %and3A_379 = vector.broadcast %and3A : i32 to vector<16xi32>
          %and3A_380 = arith.andi %shift_right_arithmetic3A_378, %and3A_379 : vector<16xi32>
          %sub3A_381 = arith.constant 63 : i32
          %sub3A_382 = vector.broadcast %sub3A_381 : i32 to vector<16xi32>
          %sub3A_383 = arith.subi %sub3A_382, %and3A_380 : vector<16xi32>
          %mul3A_384 = arith.constant 16 : i32
          %mul3A_385 = vector.broadcast %mul3A_384 : i32 to vector<16xi32>
          %mul3A_386 = arith.muli %sub3A_383, %mul3A_385 : vector<16xi32>
          %add3A_387 = arith.addi %mul3A_386, %iota3A : vector<16xi32>
          tpu.vector_store_idx %arg40[%add3A_387], %broadcast_in_dim3A_0 {add = true} : memref<1024xi32, #tpu.memory_space<vmem>>[vector<16xi32>], vector<16xi32>,
          %mul3A_388 = arith.constant 4 : i32
          %mul3A_389 = arith.muli %scan3A_369, %mul3A_388 : i32
          %add3A_390 = arith.constant 1 : i32
          %add3A_391 = arith.addi %mul3A_389, %add3A_390 : i32
          %mul3A_392 = arith.constant 16 : i32
          %mul3A_393 = arith.muli %add3A_391, %mul3A_392 : i32
          %get3A_394 = arith.index_cast %mul3A_393 : i32 to index
          %get3A_395 = tpu.vector_load %arg36[%get3A_394] {strides = array<i32>} : memref<1024xi32, #tpu.memory_space<vmem>>, vector<16xi32>,
          %shift_right_arithmetic3A_396 = vector.broadcast %mul3A_304 : i32 to vector<16xi32>
          %shift_right_arithmetic3A_397 = arith.shrsi %get3A_395, %shift_right_arithmetic3A_396 : vector<16xi32>
          %and3A_398 = arith.constant 63 : i32
          %and3A_399 = vector.broadcast %and3A_398 : i32 to vector<16xi32>
          %and3A_400 = arith.andi %shift_right_arithmetic3A_397, %and3A_399 : vector<16xi32>
          %sub3A_401 = arith.constant 63 : i32
          %sub3A_402 = vector.broadcast %sub3A_401 : i32 to vector<16xi32>
          %sub3A_403 = arith.subi %sub3A_402, %and3A_400 : vector<16xi32>
          %mul3A_404 = arith.constant 16 : i32
          %mul3A_405 = vector.broadcast %mul3A_404 : i32 to vector<16xi32>
          %mul3A_406 = arith.muli %sub3A_403, %mul3A_405 : vector<16xi32>
          %add3A_407 = arith.addi %mul3A_406, %iota3A : vector<16xi32>
          tpu.vector_store_idx %arg40[%add3A_407], %broadcast_in_dim3A_0 {add = true} : memref<1024xi32, #tpu.memory_space<vmem>>[vector<16xi32>], vector<16xi32>,
          %mul3A_408 = arith.constant 4 : i32
          %mul3A_409 = arith.muli %scan3A_369, %mul3A_408 : i32
          %add3A_410 = arith.constant 2 : i32
          %add3A_411 = arith.addi %mul3A_409, %add3A_410 : i32
          %mul3A_412 = arith.constant 16 : i32
          %mul3A_413 = arith.muli %add3A_411, %mul3A_412 : i32
          %get3A_414 = arith.index_cast %mul3A_413 : i32 to index
          %get3A_415 = tpu.vector_load %arg36[%get3A_414] {strides = array<i32>} : memref<1024xi32, #tpu.memory_space<vmem>>, vector<16xi32>,
          %shift_right_arithmetic3A_416 = vector.broadcast %mul3A_304 : i32 to vector<16xi32>
          %shift_right_arithmetic3A_417 = arith.shrsi %get3A_415, %shift_right_arithmetic3A_416 : vector<16xi32>
          %and3A_418 = arith.constant 63 : i32
          %and3A_419 = vector.broadcast %and3A_418 : i32 to vector<16xi32>
          %and3A_420 = arith.andi %shift_right_arithmetic3A_417, %and3A_419 : vector<16xi32>
          %sub3A_421 = arith.constant 63 : i32
          %sub3A_422 = vector.broadcast %sub3A_421 : i32 to vector<16xi32>
          %sub3A_423 = arith.subi %sub3A_422, %and3A_420 : vector<16xi32>
          %mul3A_424 = arith.constant 16 : i32
          %mul3A_425 = vector.broadcast %mul3A_424 : i32 to vector<16xi32>
          %mul3A_426 = arith.muli %sub3A_423, %mul3A_425 : vector<16xi32>
          %add3A_427 = arith.addi %mul3A_426, %iota3A : vector<16xi32>
          tpu.vector_store_idx %arg40[%add3A_427], %broadcast_in_dim3A_0 {add = true} : memref<1024xi32, #tpu.memory_space<vmem>>[vector<16xi32>], vector<16xi32>,
          %mul3A_428 = arith.constant 4 : i32
          %mul3A_429 = arith.muli %scan3A_369, %mul3A_428 : i32
          %add3A_430 = arith.constant 3 : i32
          %add3A_431 = arith.addi %mul3A_429, %add3A_430 : i32
          %mul3A_432 = arith.constant 16 : i32
          %mul3A_433 = arith.muli %add3A_431, %mul3A_432 : i32
          %get3A_434 = arith.index_cast %mul3A_433 : i32 to index
          %get3A_435 = tpu.vector_load %arg36[%get3A_434] {strides = array<i32>} : memref<1024xi32, #tpu.memory_space<vmem>>, vector<16xi32>,
          %shift_right_arithmetic3A_436 = vector.broadcast %mul3A_304 : i32 to vector<16xi32>
          %shift_right_arithmetic3A_437 = arith.shrsi %get3A_435, %shift_right_arithmetic3A_436 : vector<16xi32>
          %and3A_438 = arith.constant 63 : i32
          %and3A_439 = vector.broadcast %and3A_438 : i32 to vector<16xi32>
          %and3A_440 = arith.andi %shift_right_arithmetic3A_437, %and3A_439 : vector<16xi32>
          %sub3A_441 = arith.constant 63 : i32
          %sub3A_442 = vector.broadcast %sub3A_441 : i32 to vector<16xi32>
          %sub3A_443 = arith.subi %sub3A_442, %and3A_440 : vector<16xi32>
          %mul3A_444 = arith.constant 16 : i32
          %mul3A_445 = vector.broadcast %mul3A_444 : i32 to vector<16xi32>
          %mul3A_446 = arith.muli %sub3A_443, %mul3A_445 : vector<16xi32>
          %add3A_447 = arith.addi %mul3A_446, %iota3A : vector<16xi32>
          tpu.vector_store_idx %arg40[%add3A_447], %broadcast_in_dim3A_0 {add = true} : memref<1024xi32, #tpu.memory_space<vmem>>[vector<16xi32>], vector<16xi32>,
          %scan3A_448 = arith.constant 0 : i32
          scf.yield %scan3A_448 : i32
        }
        %scan3A_318 = arith.constant 16 : i32
        %scan3A_319 = arith.constant 0 : i32
        %scan3A_320 = arith.constant 0 : i32
        %scan3A_321 = arith.constant 64 : i32
        %scan3A_322 = arith.addi %scan3A_320, %scan3A_321 : i32
        %scan3A_323 = arith.constant 1 : i32
        %scan3A_324 = scf.for %scan3A_369 = %scan3A_320 to %scan3A_322 step %scan3A_323 iter_args(%scan3A_370 = %scan3A_319) -> (i32)  : i32 {
          %mul3A_371 = arith.constant 16 : i32
          %mul3A_372 = arith.muli %scan3A_369, %mul3A_371 : i32
          %get3A = arith.index_cast %mul3A_372 : i32 to index
          %get3A_373 = tpu.vector_load %arg40[%get3A] {strides = array<i32>} : memref<1024xi32, #tpu.memory_space<vmem>>, vector<16xi32>,
          %cumsum3A_374 = arith.constant true
          %cumsum3A_375 = vector.broadcast %cumsum3A_374 : i1 to vector<16xi1>
          %cumsum3A_376 = tpu.scan <sum>, %get3A_373 masked %cumsum3A_375 : vector<16xi32>, vector<16xi1> -> vector<16xi32>
          %sub3A_377 = arith.subi %cumsum3A_376, %get3A_373 : vector<16xi32>
          %add3A_378 = vector.broadcast %scan3A_370 : i32 to vector<16xi32>
          %add3A_379 = arith.addi %sub3A_377, %add3A_378 : vector<16xi32>
          %mul3A_380 = arith.constant 16 : i32
          %mul3A_381 = arith.muli %scan3A_369, %mul3A_380 : i32
          %swap3A_382 = arith.index_cast %mul3A_381 : i32 to index
          %swap3A_383 = tpu.vector_load %arg40[%swap3A_382] {strides = array<i32>} : memref<1024xi32, #tpu.memory_space<vmem>>, vector<16xi32>,
          tpu.vector_store %arg40[%swap3A_382], %add3A_379 {strides = array<i32>} : memref<1024xi32, #tpu.memory_space<vmem>>, vector<16xi32>,
          %reduce_sum3A_384 = arith.constant true
          %reduce_sum3A_385 = vector.broadcast %reduce_sum3A_384 : i1 to vector<16xi1>
          %reduce_sum3A_386 = tpu.scan <sum>, %get3A_373 masked %reduce_sum3A_385 : vector<16xi32>, vector<16xi1> -> vector<16xi32>
          %reduce_sum3A_387 = vector.extract %reduce_sum3A_386[15] : i32 from vector<16xi32>
          %add3A_388 = arith.addi %scan3A_370, %reduce_sum3A_387 : i32
          scf.yield %add3A_388 : i32
        }
        %scan3A_325 = arith.constant 64 : i32
        %scan3A_326 = arith.constant false
        %scan3A_327 = arith.constant 0 : i32
        %scan3A_328 = arith.constant 0 : i32
        %scan3A_329 = arith.constant 16 : i32
        %scan3A_330 = arith.addi %scan3A_328, %scan3A_329 : i32
        %scan3A_331 = arith.constant 1 : i32
        %scan3A_332 = scf.for %scan3A_369 = %scan3A_328 to %scan3A_330 step %scan3A_331 iter_args(%scan3A_370 = %scan3A_327) -> (i32)  : i32 {
          %mul3A_371 = arith.constant 4 : i32
          %mul3A_372 = arith.muli %scan3A_369, %mul3A_371 : i32
          %add3A_373 = arith.constant 0 : i32
          %add3A_374 = arith.addi %mul3A_372, %add3A_373 : i32
          %mul3A_375 = arith.constant 16 : i32
          %mul3A_376 = arith.muli %add3A_374, %mul3A_375 : i32
          %get3A = arith.index_cast %mul3A_376 : i32 to index
          %get3A_377 = tpu.vector_load %arg36[%get3A] {strides = array<i32>} : memref<1024xi32, #tpu.memory_space<vmem>>, vector<16xi32>,
          %shift_right_arithmetic3A = vector.broadcast %mul3A_304 : i32 to vector<16xi32>
          %shift_right_arithmetic3A_378 = arith.shrsi %get3A_377, %shift_right_arithmetic3A : vector<16xi32>
          %and3A = arith.constant 63 : i32
          %and3A_379 = vector.broadcast %and3A : i32 to vector<16xi32>
          %and3A_380 = arith.andi %shift_right_arithmetic3A_378, %and3A_379 : vector<16xi32>
          %sub3A_381 = arith.constant 63 : i32
          %sub3A_382 = vector.broadcast %sub3A_381 : i32 to vector<16xi32>
          %sub3A_383 = arith.subi %sub3A_382, %and3A_380 : vector<16xi32>
          %mul3A_384 = arith.constant 16 : i32
          %mul3A_385 = vector.broadcast %mul3A_384 : i32 to vector<16xi32>
          %mul3A_386 = arith.muli %sub3A_383, %mul3A_385 : vector<16xi32>
          %add3A_387 = arith.addi %mul3A_386, %iota3A : vector<16xi32>
          %gather3A_388 = tpu.vector_load_idx %arg40[%add3A_387] : memref<1024xi32, #tpu.memory_space<vmem>>[vector<16xi32>], vector<16xi32>,
          %add3A_389 = arith.constant 1 : i32
          %add3A_390 = vector.broadcast %add3A_389 : i32 to vector<16xi32>
          %add3A_391 = arith.addi %gather3A_388, %add3A_390 : vector<16xi32>
          tpu.vector_store_idx %arg40[%add3A_387], %add3A_391 : memref<1024xi32, #tpu.memory_space<vmem>>[vector<16xi32>], vector<16xi32>,
          %and3A_392 = arith.constant 63 : i32
          %and3A_393 = vector.broadcast %and3A_392 : i32 to vector<16xi32>
          %and3A_394 = arith.andi %gather3A_388, %and3A_393 : vector<16xi32>
          %shift_left3A = arith.constant 4 : i32
          %shift_left3A_395 = vector.broadcast %shift_left3A : i32 to vector<16xi32>
          %shift_left3A_396 = arith.shli %and3A_394, %shift_left3A_395 : vector<16xi32>
          %shift_right_arithmetic3A_397 = arith.constant 6 : i32
          %shift_right_arithmetic3A_398 = vector.broadcast %shift_right_arithmetic3A_397 : i32 to vector<16xi32>
          %shift_right_arithmetic3A_399 = arith.shrsi %gather3A_388, %shift_right_arithmetic3A_398 : vector<16xi32>
          %or3A = arith.ori %shift_left3A_396, %shift_right_arithmetic3A_399 : vector<16xi32>
          %select_n3A_400 = arith.select %scan3A_326, %gather3A_388, %or3A : vector<16xi32>
          tpu.vector_store_idx %arg38[%select_n3A_400], %get3A_377 : memref<1024xi32, #tpu.memory_space<vmem>>[vector<16xi32>], vector<16xi32>,
          %mul3A_401 = arith.constant 4 : i32
          %mul3A_402 = arith.muli %scan3A_369, %mul3A_401 : i32
          %add3A_403 = arith.constant 0 : i32
          %add3A_404 = arith.addi %mul3A_402, %add3A_403 : i32
          %mul3A_405 = arith.constant 16 : i32
          %mul3A_406 = arith.muli %add3A_404, %mul3A_405 : i32
          %get3A_407 = arith.index_cast %mul3A_406 : i32 to index
          %get3A_408 = tpu.vector_load %arg37[%get3A_407] {strides = array<i32>} : memref<1024xi32, #tpu.memory_space<vmem>>, vector<16xi32>,
          tpu.vector_store_idx %arg39[%select_n3A_400], %get3A_408 : memref<1024xi32, #tpu.memory_space<vmem>>[vector<16xi32>], vector<16xi32>,
          %mul3A_409 = arith.constant 4 : i32
          %mul3A_410 = arith.muli %scan3A_369, %mul3A_409 : i32
          %add3A_411 = arith.constant 1 : i32
          %add3A_412 = arith.addi %mul3A_410, %add3A_411 : i32
          %mul3A_413 = arith.constant 16 : i32
          %mul3A_414 = arith.muli %add3A_412, %mul3A_413 : i32
          %get3A_415 = arith.index_cast %mul3A_414 : i32 to index
          %get3A_416 = tpu.vector_load %arg36[%get3A_415] {strides = array<i32>} : memref<1024xi32, #tpu.memory_space<vmem>>, vector<16xi32>,
          %shift_right_arithmetic3A_417 = vector.broadcast %mul3A_304 : i32 to vector<16xi32>
          %shift_right_arithmetic3A_418 = arith.shrsi %get3A_416, %shift_right_arithmetic3A_417 : vector<16xi32>
          %and3A_419 = arith.constant 63 : i32
          %and3A_420 = vector.broadcast %and3A_419 : i32 to vector<16xi32>
          %and3A_421 = arith.andi %shift_right_arithmetic3A_418, %and3A_420 : vector<16xi32>
          %sub3A_422 = arith.constant 63 : i32
          %sub3A_423 = vector.broadcast %sub3A_422 : i32 to vector<16xi32>
          %sub3A_424 = arith.subi %sub3A_423, %and3A_421 : vector<16xi32>
          %mul3A_425 = arith.constant 16 : i32
          %mul3A_426 = vector.broadcast %mul3A_425 : i32 to vector<16xi32>
          %mul3A_427 = arith.muli %sub3A_424, %mul3A_426 : vector<16xi32>
          %add3A_428 = arith.addi %mul3A_427, %iota3A : vector<16xi32>
          %gather3A_429 = tpu.vector_load_idx %arg40[%add3A_428] : memref<1024xi32, #tpu.memory_space<vmem>>[vector<16xi32>], vector<16xi32>,
          %add3A_430 = arith.constant 1 : i32
          %add3A_431 = vector.broadcast %add3A_430 : i32 to vector<16xi32>
          %add3A_432 = arith.addi %gather3A_429, %add3A_431 : vector<16xi32>
          tpu.vector_store_idx %arg40[%add3A_428], %add3A_432 : memref<1024xi32, #tpu.memory_space<vmem>>[vector<16xi32>], vector<16xi32>,
          %and3A_433 = arith.constant 63 : i32
          %and3A_434 = vector.broadcast %and3A_433 : i32 to vector<16xi32>
          %and3A_435 = arith.andi %gather3A_429, %and3A_434 : vector<16xi32>
          %shift_left3A_436 = arith.constant 4 : i32
          %shift_left3A_437 = vector.broadcast %shift_left3A_436 : i32 to vector<16xi32>
          %shift_left3A_438 = arith.shli %and3A_435, %shift_left3A_437 : vector<16xi32>
          %shift_right_arithmetic3A_439 = arith.constant 6 : i32
          %shift_right_arithmetic3A_440 = vector.broadcast %shift_right_arithmetic3A_439 : i32 to vector<16xi32>
          %shift_right_arithmetic3A_441 = arith.shrsi %gather3A_429, %shift_right_arithmetic3A_440 : vector<16xi32>
          %or3A_442 = arith.ori %shift_left3A_438, %shift_right_arithmetic3A_441 : vector<16xi32>
          %select_n3A_443 = arith.select %scan3A_326, %gather3A_429, %or3A_442 : vector<16xi32>
          tpu.vector_store_idx %arg38[%select_n3A_443], %get3A_416 : memref<1024xi32, #tpu.memory_space<vmem>>[vector<16xi32>], vector<16xi32>,
          %mul3A_444 = arith.constant 4 : i32
          %mul3A_445 = arith.muli %scan3A_369, %mul3A_444 : i32
          %add3A_446 = arith.constant 1 : i32
          %add3A_447 = arith.addi %mul3A_445, %add3A_446 : i32
          %mul3A_448 = arith.constant 16 : i32
          %mul3A_449 = arith.muli %add3A_447, %mul3A_448 : i32
          %get3A_450 = arith.index_cast %mul3A_449 : i32 to index
          %get3A_451 = tpu.vector_load %arg37[%get3A_450] {strides = array<i32>} : memref<1024xi32, #tpu.memory_space<vmem>>, vector<16xi32>,
          tpu.vector_store_idx %arg39[%select_n3A_443], %get3A_451 : memref<1024xi32, #tpu.memory_space<vmem>>[vector<16xi32>], vector<16xi32>,
          %mul3A_452 = arith.constant 4 : i32
          %mul3A_453 = arith.muli %scan3A_369, %mul3A_452 : i32
          %add3A_454 = arith.constant 2 : i32
          %add3A_455 = arith.addi %mul3A_453, %add3A_454 : i32
          %mul3A_456 = arith.constant 16 : i32
          %mul3A_457 = arith.muli %add3A_455, %mul3A_456 : i32
          %get3A_458 = arith.index_cast %mul3A_457 : i32 to index
          %get3A_459 = tpu.vector_load %arg36[%get3A_458] {strides = array<i32>} : memref<1024xi32, #tpu.memory_space<vmem>>, vector<16xi32>,
          %shift_right_arithmetic3A_460 = vector.broadcast %mul3A_304 : i32 to vector<16xi32>
          %shift_right_arithmetic3A_461 = arith.shrsi %get3A_459, %shift_right_arithmetic3A_460 : vector<16xi32>
          %and3A_462 = arith.constant 63 : i32
          %and3A_463 = vector.broadcast %and3A_462 : i32 to vector<16xi32>
          %and3A_464 = arith.andi %shift_right_arithmetic3A_461, %and3A_463 : vector<16xi32>
          %sub3A_465 = arith.constant 63 : i32
          %sub3A_466 = vector.broadcast %sub3A_465 : i32 to vector<16xi32>
          %sub3A_467 = arith.subi %sub3A_466, %and3A_464 : vector<16xi32>
          %mul3A_468 = arith.constant 16 : i32
          %mul3A_469 = vector.broadcast %mul3A_468 : i32 to vector<16xi32>
          %mul3A_470 = arith.muli %sub3A_467, %mul3A_469 : vector<16xi32>
          %add3A_471 = arith.addi %mul3A_470, %iota3A : vector<16xi32>
          %gather3A_472 = tpu.vector_load_idx %arg40[%add3A_471] : memref<1024xi32, #tpu.memory_space<vmem>>[vector<16xi32>], vector<16xi32>,
          %add3A_473 = arith.constant 1 : i32
          %add3A_474 = vector.broadcast %add3A_473 : i32 to vector<16xi32>
          %add3A_475 = arith.addi %gather3A_472, %add3A_474 : vector<16xi32>
          tpu.vector_store_idx %arg40[%add3A_471], %add3A_475 : memref<1024xi32, #tpu.memory_space<vmem>>[vector<16xi32>], vector<16xi32>,
          %and3A_476 = arith.constant 63 : i32
          %and3A_477 = vector.broadcast %and3A_476 : i32 to vector<16xi32>
          %and3A_478 = arith.andi %gather3A_472, %and3A_477 : vector<16xi32>
          %shift_left3A_479 = arith.constant 4 : i32
          %shift_left3A_480 = vector.broadcast %shift_left3A_479 : i32 to vector<16xi32>
          %shift_left3A_481 = arith.shli %and3A_478, %shift_left3A_480 : vector<16xi32>
          %shift_right_arithmetic3A_482 = arith.constant 6 : i32
          %shift_right_arithmetic3A_483 = vector.broadcast %shift_right_arithmetic3A_482 : i32 to vector<16xi32>
          %shift_right_arithmetic3A_484 = arith.shrsi %gather3A_472, %shift_right_arithmetic3A_483 : vector<16xi32>
          %or3A_485 = arith.ori %shift_left3A_481, %shift_right_arithmetic3A_484 : vector<16xi32>
          %select_n3A_486 = arith.select %scan3A_326, %gather3A_472, %or3A_485 : vector<16xi32>
          tpu.vector_store_idx %arg38[%select_n3A_486], %get3A_459 : memref<1024xi32, #tpu.memory_space<vmem>>[vector<16xi32>], vector<16xi32>,
          %mul3A_487 = arith.constant 4 : i32
          %mul3A_488 = arith.muli %scan3A_369, %mul3A_487 : i32
          %add3A_489 = arith.constant 2 : i32
          %add3A_490 = arith.addi %mul3A_488, %add3A_489 : i32
          %mul3A_491 = arith.constant 16 : i32
          %mul3A_492 = arith.muli %add3A_490, %mul3A_491 : i32
          %get3A_493 = arith.index_cast %mul3A_492 : i32 to index
          %get3A_494 = tpu.vector_load %arg37[%get3A_493] {strides = array<i32>} : memref<1024xi32, #tpu.memory_space<vmem>>, vector<16xi32>,
          tpu.vector_store_idx %arg39[%select_n3A_486], %get3A_494 : memref<1024xi32, #tpu.memory_space<vmem>>[vector<16xi32>], vector<16xi32>,
          %mul3A_495 = arith.constant 4 : i32
          %mul3A_496 = arith.muli %scan3A_369, %mul3A_495 : i32
          %add3A_497 = arith.constant 3 : i32
          %add3A_498 = arith.addi %mul3A_496, %add3A_497 : i32
          %mul3A_499 = arith.constant 16 : i32
          %mul3A_500 = arith.muli %add3A_498, %mul3A_499 : i32
          %get3A_501 = arith.index_cast %mul3A_500 : i32 to index
          %get3A_502 = tpu.vector_load %arg36[%get3A_501] {strides = array<i32>} : memref<1024xi32, #tpu.memory_space<vmem>>, vector<16xi32>,
          %shift_right_arithmetic3A_503 = vector.broadcast %mul3A_304 : i32 to vector<16xi32>
          %shift_right_arithmetic3A_504 = arith.shrsi %get3A_502, %shift_right_arithmetic3A_503 : vector<16xi32>
          %and3A_505 = arith.constant 63 : i32
          %and3A_506 = vector.broadcast %and3A_505 : i32 to vector<16xi32>
          %and3A_507 = arith.andi %shift_right_arithmetic3A_504, %and3A_506 : vector<16xi32>
          %sub3A_508 = arith.constant 63 : i32
          %sub3A_509 = vector.broadcast %sub3A_508 : i32 to vector<16xi32>
          %sub3A_510 = arith.subi %sub3A_509, %and3A_507 : vector<16xi32>
          %mul3A_511 = arith.constant 16 : i32
          %mul3A_512 = vector.broadcast %mul3A_511 : i32 to vector<16xi32>
          %mul3A_513 = arith.muli %sub3A_510, %mul3A_512 : vector<16xi32>
          %add3A_514 = arith.addi %mul3A_513, %iota3A : vector<16xi32>
          %gather3A_515 = tpu.vector_load_idx %arg40[%add3A_514] : memref<1024xi32, #tpu.memory_space<vmem>>[vector<16xi32>], vector<16xi32>,
          %add3A_516 = arith.constant 1 : i32
          %add3A_517 = vector.broadcast %add3A_516 : i32 to vector<16xi32>
          %add3A_518 = arith.addi %gather3A_515, %add3A_517 : vector<16xi32>
          tpu.vector_store_idx %arg40[%add3A_514], %add3A_518 : memref<1024xi32, #tpu.memory_space<vmem>>[vector<16xi32>], vector<16xi32>,
          %and3A_519 = arith.constant 63 : i32
          %and3A_520 = vector.broadcast %and3A_519 : i32 to vector<16xi32>
          %and3A_521 = arith.andi %gather3A_515, %and3A_520 : vector<16xi32>
          %shift_left3A_522 = arith.constant 4 : i32
          %shift_left3A_523 = vector.broadcast %shift_left3A_522 : i32 to vector<16xi32>
          %shift_left3A_524 = arith.shli %and3A_521, %shift_left3A_523 : vector<16xi32>
          %shift_right_arithmetic3A_525 = arith.constant 6 : i32
          %shift_right_arithmetic3A_526 = vector.broadcast %shift_right_arithmetic3A_525 : i32 to vector<16xi32>
          %shift_right_arithmetic3A_527 = arith.shrsi %gather3A_515, %shift_right_arithmetic3A_526 : vector<16xi32>
          %or3A_528 = arith.ori %shift_left3A_524, %shift_right_arithmetic3A_527 : vector<16xi32>
          %select_n3A_529 = arith.select %scan3A_326, %gather3A_515, %or3A_528 : vector<16xi32>
          tpu.vector_store_idx %arg38[%select_n3A_529], %get3A_502 : memref<1024xi32, #tpu.memory_space<vmem>>[vector<16xi32>], vector<16xi32>,
          %mul3A_530 = arith.constant 4 : i32
          %mul3A_531 = arith.muli %scan3A_369, %mul3A_530 : i32
          %add3A_532 = arith.constant 3 : i32
          %add3A_533 = arith.addi %mul3A_531, %add3A_532 : i32
          %mul3A_534 = arith.constant 16 : i32
          %mul3A_535 = arith.muli %add3A_533, %mul3A_534 : i32
          %get3A_536 = arith.index_cast %mul3A_535 : i32 to index
          %get3A_537 = tpu.vector_load %arg37[%get3A_536] {strides = array<i32>} : memref<1024xi32, #tpu.memory_space<vmem>>, vector<16xi32>,
          tpu.vector_store_idx %arg39[%select_n3A_529], %get3A_537 : memref<1024xi32, #tpu.memory_space<vmem>>[vector<16xi32>], vector<16xi32>,
          %scan3A_538 = arith.constant 0 : i32
          scf.yield %scan3A_538 : i32
        }
        %scan3A_333 = arith.constant 16 : i32
        %mul3A_334 = arith.constant 12 : i32
        %mul3A_335 = arith.muli %mul3A_334, %scan3A_301 : i32
        %add3A_336 = arith.constant 6 : i32
        %add3A_337 = arith.addi %mul3A_335, %add3A_336 : i32
        %eq3A_338 = arith.constant 2 : i32
        %eq3A_339 = arith.cmpi eq, %scan3A_301, %eq3A_338 : i32
        %scan3A_340 = arith.constant 0 : i32
        %scan3A_341 = arith.constant 0 : i32
        %scan3A_342 = arith.constant 16 : i32
        %scan3A_343 = arith.addi %scan3A_341, %scan3A_342 : i32
        %scan3A_344 = arith.constant 1 : i32
        %scan3A_345 = scf.for %scan3A_369 = %scan3A_341 to %scan3A_343 step %scan3A_344 iter_args(%scan3A_370 = %scan3A_340) -> (i32)  : i32 {
          %mul3A_371 = arith.constant 4 : i32
          %mul3A_372 = arith.muli %scan3A_369, %mul3A_371 : i32
          %add3A_373 = arith.constant 0 : i32
          %add3A_374 = arith.addi %mul3A_372, %add3A_373 : i32
          %mul3A_375 = arith.constant 16 : i32
          %mul3A_376 = arith.muli %add3A_374, %mul3A_375 : i32
          %swap3A_377 = arith.index_cast %mul3A_376 : i32 to index
          %swap3A_378 = tpu.vector_load %arg40[%swap3A_377] {strides = array<i32>} : memref<1024xi32, #tpu.memory_space<vmem>>, vector<16xi32>,
          tpu.vector_store %arg40[%swap3A_377], %broadcast_in_dim3A_2 {strides = array<i32>} : memref<1024xi32, #tpu.memory_space<vmem>>, vector<16xi32>,
          %mul3A_379 = arith.constant 4 : i32
          %mul3A_380 = arith.muli %scan3A_369, %mul3A_379 : i32
          %add3A_381 = arith.constant 1 : i32
          %add3A_382 = arith.addi %mul3A_380, %add3A_381 : i32
          %mul3A_383 = arith.constant 16 : i32
          %mul3A_384 = arith.muli %add3A_382, %mul3A_383 : i32
          %swap3A_385 = arith.index_cast %mul3A_384 : i32 to index
          %swap3A_386 = tpu.vector_load %arg40[%swap3A_385] {strides = array<i32>} : memref<1024xi32, #tpu.memory_space<vmem>>, vector<16xi32>,
          tpu.vector_store %arg40[%swap3A_385], %broadcast_in_dim3A_2 {strides = array<i32>} : memref<1024xi32, #tpu.memory_space<vmem>>, vector<16xi32>,
          %mul3A_387 = arith.constant 4 : i32
          %mul3A_388 = arith.muli %scan3A_369, %mul3A_387 : i32
          %add3A_389 = arith.constant 2 : i32
          %add3A_390 = arith.addi %mul3A_388, %add3A_389 : i32
          %mul3A_391 = arith.constant 16 : i32
          %mul3A_392 = arith.muli %add3A_390, %mul3A_391 : i32
          %swap3A_393 = arith.index_cast %mul3A_392 : i32 to index
          %swap3A_394 = tpu.vector_load %arg40[%swap3A_393] {strides = array<i32>} : memref<1024xi32, #tpu.memory_space<vmem>>, vector<16xi32>,
          tpu.vector_store %arg40[%swap3A_393], %broadcast_in_dim3A_2 {strides = array<i32>} : memref<1024xi32, #tpu.memory_space<vmem>>, vector<16xi32>,
          %mul3A_395 = arith.constant 4 : i32
          %mul3A_396 = arith.muli %scan3A_369, %mul3A_395 : i32
          %add3A_397 = arith.constant 3 : i32
          %add3A_398 = arith.addi %mul3A_396, %add3A_397 : i32
          %mul3A_399 = arith.constant 16 : i32
          %mul3A_400 = arith.muli %add3A_398, %mul3A_399 : i32
          %swap3A_401 = arith.index_cast %mul3A_400 : i32 to index
          %swap3A_402 = tpu.vector_load %arg40[%swap3A_401] {strides = array<i32>} : memref<1024xi32, #tpu.memory_space<vmem>>, vector<16xi32>,
          tpu.vector_store %arg40[%swap3A_401], %broadcast_in_dim3A_2 {strides = array<i32>} : memref<1024xi32, #tpu.memory_space<vmem>>, vector<16xi32>,
          %scan3A_403 = arith.constant 0 : i32
          scf.yield %scan3A_403 : i32
        }
        %scan3A_346 = arith.constant 16 : i32
        %scan3A_347 = arith.constant 0 : i32
        %scan3A_348 = arith.constant 0 : i32
        %scan3A_349 = arith.constant 16 : i32
        %scan3A_350 = arith.addi %scan3A_348, %scan3A_349 : i32
        %scan3A_351 = arith.constant 1 : i32
        %scan3A_352 = scf.for %scan3A_369 = %scan3A_348 to %scan3A_350 step %scan3A_351 iter_args(%scan3A_370 = %scan3A_347) -> (i32)  : i32 {
          %mul3A_371 = arith.constant 4 : i32
          %mul3A_372 = arith.muli %scan3A_369, %mul3A_371 : i32
          %add3A_373 = arith.constant 0 : i32
          %add3A_374 = arith.addi %mul3A_372, %add3A_373 : i32
          %mul3A_375 = arith.constant 16 : i32
          %mul3A_376 = arith.muli %add3A_374, %mul3A_375 : i32
          %get3A = arith.index_cast %mul3A_376 : i32 to index
          %get3A_377 = tpu.vector_load %arg38[%get3A] {strides = array<i32>} : memref<1024xi32, #tpu.memory_space<vmem>>, vector<16xi32>,
          %shift_right_arithmetic3A = vector.broadcast %add3A_337 : i32 to vector<16xi32>
          %shift_right_arithmetic3A_378 = arith.shrsi %get3A_377, %shift_right_arithmetic3A : vector<16xi32>
          %and3A = arith.constant 63 : i32
          %and3A_379 = vector.broadcast %and3A : i32 to vector<16xi32>
          %and3A_380 = arith.andi %shift_right_arithmetic3A_378, %and3A_379 : vector<16xi32>
          %sub3A_381 = arith.constant 63 : i32
          %sub3A_382 = vector.broadcast %sub3A_381 : i32 to vector<16xi32>
          %sub3A_383 = arith.subi %sub3A_382, %and3A_380 : vector<16xi32>
          %mul3A_384 = arith.constant 16 : i32
          %mul3A_385 = vector.broadcast %mul3A_384 : i32 to vector<16xi32>
          %mul3A_386 = arith.muli %sub3A_383, %mul3A_385 : vector<16xi32>
          %add3A_387 = arith.addi %mul3A_386, %iota3A : vector<16xi32>
          tpu.vector_store_idx %arg40[%add3A_387], %broadcast_in_dim3A_0 {add = true} : memref<1024xi32, #tpu.memory_space<vmem>>[vector<16xi32>], vector<16xi32>,
          %mul3A_388 = arith.constant 4 : i32
          %mul3A_389 = arith.muli %scan3A_369, %mul3A_388 : i32
          %add3A_390 = arith.constant 1 : i32
          %add3A_391 = arith.addi %mul3A_389, %add3A_390 : i32
          %mul3A_392 = arith.constant 16 : i32
          %mul3A_393 = arith.muli %add3A_391, %mul3A_392 : i32
          %get3A_394 = arith.index_cast %mul3A_393 : i32 to index
          %get3A_395 = tpu.vector_load %arg38[%get3A_394] {strides = array<i32>} : memref<1024xi32, #tpu.memory_space<vmem>>, vector<16xi32>,
          %shift_right_arithmetic3A_396 = vector.broadcast %add3A_337 : i32 to vector<16xi32>
          %shift_right_arithmetic3A_397 = arith.shrsi %get3A_395, %shift_right_arithmetic3A_396 : vector<16xi32>
          %and3A_398 = arith.constant 63 : i32
          %and3A_399 = vector.broadcast %and3A_398 : i32 to vector<16xi32>
          %and3A_400 = arith.andi %shift_right_arithmetic3A_397, %and3A_399 : vector<16xi32>
          %sub3A_401 = arith.constant 63 : i32
          %sub3A_402 = vector.broadcast %sub3A_401 : i32 to vector<16xi32>
          %sub3A_403 = arith.subi %sub3A_402, %and3A_400 : vector<16xi32>
          %mul3A_404 = arith.constant 16 : i32
          %mul3A_405 = vector.broadcast %mul3A_404 : i32 to vector<16xi32>
          %mul3A_406 = arith.muli %sub3A_403, %mul3A_405 : vector<16xi32>
          %add3A_407 = arith.addi %mul3A_406, %iota3A : vector<16xi32>
          tpu.vector_store_idx %arg40[%add3A_407], %broadcast_in_dim3A_0 {add = true} : memref<1024xi32, #tpu.memory_space<vmem>>[vector<16xi32>], vector<16xi32>,
          %mul3A_408 = arith.constant 4 : i32
          %mul3A_409 = arith.muli %scan3A_369, %mul3A_408 : i32
          %add3A_410 = arith.constant 2 : i32
          %add3A_411 = arith.addi %mul3A_409, %add3A_410 : i32
          %mul3A_412 = arith.constant 16 : i32
          %mul3A_413 = arith.muli %add3A_411, %mul3A_412 : i32
          %get3A_414 = arith.index_cast %mul3A_413 : i32 to index
          %get3A_415 = tpu.vector_load %arg38[%get3A_414] {strides = array<i32>} : memref<1024xi32, #tpu.memory_space<vmem>>, vector<16xi32>,
          %shift_right_arithmetic3A_416 = vector.broadcast %add3A_337 : i32 to vector<16xi32>
          %shift_right_arithmetic3A_417 = arith.shrsi %get3A_415, %shift_right_arithmetic3A_416 : vector<16xi32>
          %and3A_418 = arith.constant 63 : i32
          %and3A_419 = vector.broadcast %and3A_418 : i32 to vector<16xi32>
          %and3A_420 = arith.andi %shift_right_arithmetic3A_417, %and3A_419 : vector<16xi32>
          %sub3A_421 = arith.constant 63 : i32
          %sub3A_422 = vector.broadcast %sub3A_421 : i32 to vector<16xi32>
          %sub3A_423 = arith.subi %sub3A_422, %and3A_420 : vector<16xi32>
          %mul3A_424 = arith.constant 16 : i32
          %mul3A_425 = vector.broadcast %mul3A_424 : i32 to vector<16xi32>
          %mul3A_426 = arith.muli %sub3A_423, %mul3A_425 : vector<16xi32>
          %add3A_427 = arith.addi %mul3A_426, %iota3A : vector<16xi32>
          tpu.vector_store_idx %arg40[%add3A_427], %broadcast_in_dim3A_0 {add = true} : memref<1024xi32, #tpu.memory_space<vmem>>[vector<16xi32>], vector<16xi32>,
          %mul3A_428 = arith.constant 4 : i32
          %mul3A_429 = arith.muli %scan3A_369, %mul3A_428 : i32
          %add3A_430 = arith.constant 3 : i32
          %add3A_431 = arith.addi %mul3A_429, %add3A_430 : i32
          %mul3A_432 = arith.constant 16 : i32
          %mul3A_433 = arith.muli %add3A_431, %mul3A_432 : i32
          %get3A_434 = arith.index_cast %mul3A_433 : i32 to index
          %get3A_435 = tpu.vector_load %arg38[%get3A_434] {strides = array<i32>} : memref<1024xi32, #tpu.memory_space<vmem>>, vector<16xi32>,
          %shift_right_arithmetic3A_436 = vector.broadcast %add3A_337 : i32 to vector<16xi32>
          %shift_right_arithmetic3A_437 = arith.shrsi %get3A_435, %shift_right_arithmetic3A_436 : vector<16xi32>
          %and3A_438 = arith.constant 63 : i32
          %and3A_439 = vector.broadcast %and3A_438 : i32 to vector<16xi32>
          %and3A_440 = arith.andi %shift_right_arithmetic3A_437, %and3A_439 : vector<16xi32>
          %sub3A_441 = arith.constant 63 : i32
          %sub3A_442 = vector.broadcast %sub3A_441 : i32 to vector<16xi32>
          %sub3A_443 = arith.subi %sub3A_442, %and3A_440 : vector<16xi32>
          %mul3A_444 = arith.constant 16 : i32
          %mul3A_445 = vector.broadcast %mul3A_444 : i32 to vector<16xi32>
          %mul3A_446 = arith.muli %sub3A_443, %mul3A_445 : vector<16xi32>
          %add3A_447 = arith.addi %mul3A_446, %iota3A : vector<16xi32>
          tpu.vector_store_idx %arg40[%add3A_447], %broadcast_in_dim3A_0 {add = true} : memref<1024xi32, #tpu.memory_space<vmem>>[vector<16xi32>], vector<16xi32>,
          %scan3A_448 = arith.constant 0 : i32
          scf.yield %scan3A_448 : i32
        }
        %scan3A_353 = arith.constant 16 : i32
        %scan3A_354 = arith.constant 0 : i32
        %scan3A_355 = arith.constant 0 : i32
        %scan3A_356 = arith.constant 64 : i32
        %scan3A_357 = arith.addi %scan3A_355, %scan3A_356 : i32
        %scan3A_358 = arith.constant 1 : i32
        %scan3A_359 = scf.for %scan3A_369 = %scan3A_355 to %scan3A_357 step %scan3A_358 iter_args(%scan3A_370 = %scan3A_354) -> (i32)  : i32 {
          %mul3A_371 = arith.constant 16 : i32
          %mul3A_372 = arith.muli %scan3A_369, %mul3A_371 : i32
          %get3A = arith.index_cast %mul3A_372 : i32 to index
          %get3A_373 = tpu.vector_load %arg40[%get3A] {strides = array<i32>} : memref<1024xi32, #tpu.memory_space<vmem>>, vector<16xi32>,
          %cumsum3A_374 = arith.constant true
          %cumsum3A_375 = vector.broadcast %cumsum3A_374 : i1 to vector<16xi1>
          %cumsum3A_376 = tpu.scan <sum>, %get3A_373 masked %cumsum3A_375 : vector<16xi32>, vector<16xi1> -> vector<16xi32>
          %sub3A_377 = arith.subi %cumsum3A_376, %get3A_373 : vector<16xi32>
          %add3A_378 = vector.broadcast %scan3A_370 : i32 to vector<16xi32>
          %add3A_379 = arith.addi %sub3A_377, %add3A_378 : vector<16xi32>
          %mul3A_380 = arith.constant 16 : i32
          %mul3A_381 = arith.muli %scan3A_369, %mul3A_380 : i32
          %swap3A_382 = arith.index_cast %mul3A_381 : i32 to index
          %swap3A_383 = tpu.vector_load %arg40[%swap3A_382] {strides = array<i32>} : memref<1024xi32, #tpu.memory_space<vmem>>, vector<16xi32>,
          tpu.vector_store %arg40[%swap3A_382], %add3A_379 {strides = array<i32>} : memref<1024xi32, #tpu.memory_space<vmem>>, vector<16xi32>,
          %reduce_sum3A_384 = arith.constant true
          %reduce_sum3A_385 = vector.broadcast %reduce_sum3A_384 : i1 to vector<16xi1>
          %reduce_sum3A_386 = tpu.scan <sum>, %get3A_373 masked %reduce_sum3A_385 : vector<16xi32>, vector<16xi1> -> vector<16xi32>
          %reduce_sum3A_387 = vector.extract %reduce_sum3A_386[15] : i32 from vector<16xi32>
          %add3A_388 = arith.addi %scan3A_370, %reduce_sum3A_387 : i32
          scf.yield %add3A_388 : i32
        }
        %scan3A_360 = arith.constant 64 : i32
        %scan3A_361 = arith.constant 0 : i32
        %scan3A_362 = arith.constant 0 : i32
        %scan3A_363 = arith.constant 16 : i32
        %scan3A_364 = arith.addi %scan3A_362, %scan3A_363 : i32
        %scan3A_365 = arith.constant 1 : i32
        %scan3A_366 = scf.for %scan3A_369 = %scan3A_362 to %scan3A_364 step %scan3A_365 iter_args(%scan3A_370 = %scan3A_361) -> (i32)  : i32 {
          %mul3A_371 = arith.constant 4 : i32
          %mul3A_372 = arith.muli %scan3A_369, %mul3A_371 : i32
          %add3A_373 = arith.constant 0 : i32
          %add3A_374 = arith.addi %mul3A_372, %add3A_373 : i32
          %mul3A_375 = arith.constant 16 : i32
          %mul3A_376 = arith.muli %add3A_374, %mul3A_375 : i32
          %get3A = arith.index_cast %mul3A_376 : i32 to index
          %get3A_377 = tpu.vector_load %arg38[%get3A] {strides = array<i32>} : memref<1024xi32, #tpu.memory_space<vmem>>, vector<16xi32>,
          %shift_right_arithmetic3A = vector.broadcast %add3A_337 : i32 to vector<16xi32>
          %shift_right_arithmetic3A_378 = arith.shrsi %get3A_377, %shift_right_arithmetic3A : vector<16xi32>
          %and3A = arith.constant 63 : i32
          %and3A_379 = vector.broadcast %and3A : i32 to vector<16xi32>
          %and3A_380 = arith.andi %shift_right_arithmetic3A_378, %and3A_379 : vector<16xi32>
          %sub3A_381 = arith.constant 63 : i32
          %sub3A_382 = vector.broadcast %sub3A_381 : i32 to vector<16xi32>
          %sub3A_383 = arith.subi %sub3A_382, %and3A_380 : vector<16xi32>
          %mul3A_384 = arith.constant 16 : i32
          %mul3A_385 = vector.broadcast %mul3A_384 : i32 to vector<16xi32>
          %mul3A_386 = arith.muli %sub3A_383, %mul3A_385 : vector<16xi32>
          %add3A_387 = arith.addi %mul3A_386, %iota3A : vector<16xi32>
          %gather3A_388 = tpu.vector_load_idx %arg40[%add3A_387] : memref<1024xi32, #tpu.memory_space<vmem>>[vector<16xi32>], vector<16xi32>,
          %add3A_389 = arith.constant 1 : i32
          %add3A_390 = vector.broadcast %add3A_389 : i32 to vector<16xi32>
          %add3A_391 = arith.addi %gather3A_388, %add3A_390 : vector<16xi32>
          tpu.vector_store_idx %arg40[%add3A_387], %add3A_391 : memref<1024xi32, #tpu.memory_space<vmem>>[vector<16xi32>], vector<16xi32>,
          %and3A_392 = arith.constant 63 : i32
          %and3A_393 = vector.broadcast %and3A_392 : i32 to vector<16xi32>
          %and3A_394 = arith.andi %gather3A_388, %and3A_393 : vector<16xi32>
          %shift_left3A = arith.constant 4 : i32
          %shift_left3A_395 = vector.broadcast %shift_left3A : i32 to vector<16xi32>
          %shift_left3A_396 = arith.shli %and3A_394, %shift_left3A_395 : vector<16xi32>
          %shift_right_arithmetic3A_397 = arith.constant 6 : i32
          %shift_right_arithmetic3A_398 = vector.broadcast %shift_right_arithmetic3A_397 : i32 to vector<16xi32>
          %shift_right_arithmetic3A_399 = arith.shrsi %gather3A_388, %shift_right_arithmetic3A_398 : vector<16xi32>
          %or3A = arith.ori %shift_left3A_396, %shift_right_arithmetic3A_399 : vector<16xi32>
          %select_n3A_400 = arith.select %eq3A_339, %gather3A_388, %or3A : vector<16xi32>
          tpu.vector_store_idx %arg36[%select_n3A_400], %get3A_377 : memref<1024xi32, #tpu.memory_space<vmem>>[vector<16xi32>], vector<16xi32>,
          %mul3A_401 = arith.constant 4 : i32
          %mul3A_402 = arith.muli %scan3A_369, %mul3A_401 : i32
          %add3A_403 = arith.constant 0 : i32
          %add3A_404 = arith.addi %mul3A_402, %add3A_403 : i32
          %mul3A_405 = arith.constant 16 : i32
          %mul3A_406 = arith.muli %add3A_404, %mul3A_405 : i32
          %get3A_407 = arith.index_cast %mul3A_406 : i32 to index
          %get3A_408 = tpu.vector_load %arg39[%get3A_407] {strides = array<i32>} : memref<1024xi32, #tpu.memory_space<vmem>>, vector<16xi32>,
          tpu.vector_store_idx %arg37[%select_n3A_400], %get3A_408 : memref<1024xi32, #tpu.memory_space<vmem>>[vector<16xi32>], vector<16xi32>,
          %mul3A_409 = arith.constant 4 : i32
          %mul3A_410 = arith.muli %scan3A_369, %mul3A_409 : i32
          %add3A_411 = arith.constant 1 : i32
          %add3A_412 = arith.addi %mul3A_410, %add3A_411 : i32
          %mul3A_413 = arith.constant 16 : i32
          %mul3A_414 = arith.muli %add3A_412, %mul3A_413 : i32
          %get3A_415 = arith.index_cast %mul3A_414 : i32 to index
          %get3A_416 = tpu.vector_load %arg38[%get3A_415] {strides = array<i32>} : memref<1024xi32, #tpu.memory_space<vmem>>, vector<16xi32>,
          %shift_right_arithmetic3A_417 = vector.broadcast %add3A_337 : i32 to vector<16xi32>
          %shift_right_arithmetic3A_418 = arith.shrsi %get3A_416, %shift_right_arithmetic3A_417 : vector<16xi32>
          %and3A_419 = arith.constant 63 : i32
          %and3A_420 = vector.broadcast %and3A_419 : i32 to vector<16xi32>
          %and3A_421 = arith.andi %shift_right_arithmetic3A_418, %and3A_420 : vector<16xi32>
          %sub3A_422 = arith.constant 63 : i32
          %sub3A_423 = vector.broadcast %sub3A_422 : i32 to vector<16xi32>
          %sub3A_424 = arith.subi %sub3A_423, %and3A_421 : vector<16xi32>
          %mul3A_425 = arith.constant 16 : i32
          %mul3A_426 = vector.broadcast %mul3A_425 : i32 to vector<16xi32>
          %mul3A_427 = arith.muli %sub3A_424, %mul3A_426 : vector<16xi32>
          %add3A_428 = arith.addi %mul3A_427, %iota3A : vector<16xi32>
          %gather3A_429 = tpu.vector_load_idx %arg40[%add3A_428] : memref<1024xi32, #tpu.memory_space<vmem>>[vector<16xi32>], vector<16xi32>,
          %add3A_430 = arith.constant 1 : i32
          %add3A_431 = vector.broadcast %add3A_430 : i32 to vector<16xi32>
          %add3A_432 = arith.addi %gather3A_429, %add3A_431 : vector<16xi32>
          tpu.vector_store_idx %arg40[%add3A_428], %add3A_432 : memref<1024xi32, #tpu.memory_space<vmem>>[vector<16xi32>], vector<16xi32>,
          %and3A_433 = arith.constant 63 : i32
          %and3A_434 = vector.broadcast %and3A_433 : i32 to vector<16xi32>
          %and3A_435 = arith.andi %gather3A_429, %and3A_434 : vector<16xi32>
          %shift_left3A_436 = arith.constant 4 : i32
          %shift_left3A_437 = vector.broadcast %shift_left3A_436 : i32 to vector<16xi32>
          %shift_left3A_438 = arith.shli %and3A_435, %shift_left3A_437 : vector<16xi32>
          %shift_right_arithmetic3A_439 = arith.constant 6 : i32
          %shift_right_arithmetic3A_440 = vector.broadcast %shift_right_arithmetic3A_439 : i32 to vector<16xi32>
          %shift_right_arithmetic3A_441 = arith.shrsi %gather3A_429, %shift_right_arithmetic3A_440 : vector<16xi32>
          %or3A_442 = arith.ori %shift_left3A_438, %shift_right_arithmetic3A_441 : vector<16xi32>
          %select_n3A_443 = arith.select %eq3A_339, %gather3A_429, %or3A_442 : vector<16xi32>
          tpu.vector_store_idx %arg36[%select_n3A_443], %get3A_416 : memref<1024xi32, #tpu.memory_space<vmem>>[vector<16xi32>], vector<16xi32>,
          %mul3A_444 = arith.constant 4 : i32
          %mul3A_445 = arith.muli %scan3A_369, %mul3A_444 : i32
          %add3A_446 = arith.constant 1 : i32
          %add3A_447 = arith.addi %mul3A_445, %add3A_446 : i32
          %mul3A_448 = arith.constant 16 : i32
          %mul3A_449 = arith.muli %add3A_447, %mul3A_448 : i32
          %get3A_450 = arith.index_cast %mul3A_449 : i32 to index
          %get3A_451 = tpu.vector_load %arg39[%get3A_450] {strides = array<i32>} : memref<1024xi32, #tpu.memory_space<vmem>>, vector<16xi32>,
          tpu.vector_store_idx %arg37[%select_n3A_443], %get3A_451 : memref<1024xi32, #tpu.memory_space<vmem>>[vector<16xi32>], vector<16xi32>,
          %mul3A_452 = arith.constant 4 : i32
          %mul3A_453 = arith.muli %scan3A_369, %mul3A_452 : i32
          %add3A_454 = arith.constant 2 : i32
          %add3A_455 = arith.addi %mul3A_453, %add3A_454 : i32
          %mul3A_456 = arith.constant 16 : i32
          %mul3A_457 = arith.muli %add3A_455, %mul3A_456 : i32
          %get3A_458 = arith.index_cast %mul3A_457 : i32 to index
          %get3A_459 = tpu.vector_load %arg38[%get3A_458] {strides = array<i32>} : memref<1024xi32, #tpu.memory_space<vmem>>, vector<16xi32>,
          %shift_right_arithmetic3A_460 = vector.broadcast %add3A_337 : i32 to vector<16xi32>
          %shift_right_arithmetic3A_461 = arith.shrsi %get3A_459, %shift_right_arithmetic3A_460 : vector<16xi32>
          %and3A_462 = arith.constant 63 : i32
          %and3A_463 = vector.broadcast %and3A_462 : i32 to vector<16xi32>
          %and3A_464 = arith.andi %shift_right_arithmetic3A_461, %and3A_463 : vector<16xi32>
          %sub3A_465 = arith.constant 63 : i32
          %sub3A_466 = vector.broadcast %sub3A_465 : i32 to vector<16xi32>
          %sub3A_467 = arith.subi %sub3A_466, %and3A_464 : vector<16xi32>
          %mul3A_468 = arith.constant 16 : i32
          %mul3A_469 = vector.broadcast %mul3A_468 : i32 to vector<16xi32>
          %mul3A_470 = arith.muli %sub3A_467, %mul3A_469 : vector<16xi32>
          %add3A_471 = arith.addi %mul3A_470, %iota3A : vector<16xi32>
          %gather3A_472 = tpu.vector_load_idx %arg40[%add3A_471] : memref<1024xi32, #tpu.memory_space<vmem>>[vector<16xi32>], vector<16xi32>,
          %add3A_473 = arith.constant 1 : i32
          %add3A_474 = vector.broadcast %add3A_473 : i32 to vector<16xi32>
          %add3A_475 = arith.addi %gather3A_472, %add3A_474 : vector<16xi32>
          tpu.vector_store_idx %arg40[%add3A_471], %add3A_475 : memref<1024xi32, #tpu.memory_space<vmem>>[vector<16xi32>], vector<16xi32>,
          %and3A_476 = arith.constant 63 : i32
          %and3A_477 = vector.broadcast %and3A_476 : i32 to vector<16xi32>
          %and3A_478 = arith.andi %gather3A_472, %and3A_477 : vector<16xi32>
          %shift_left3A_479 = arith.constant 4 : i32
          %shift_left3A_480 = vector.broadcast %shift_left3A_479 : i32 to vector<16xi32>
          %shift_left3A_481 = arith.shli %and3A_478, %shift_left3A_480 : vector<16xi32>
          %shift_right_arithmetic3A_482 = arith.constant 6 : i32
          %shift_right_arithmetic3A_483 = vector.broadcast %shift_right_arithmetic3A_482 : i32 to vector<16xi32>
          %shift_right_arithmetic3A_484 = arith.shrsi %gather3A_472, %shift_right_arithmetic3A_483 : vector<16xi32>
          %or3A_485 = arith.ori %shift_left3A_481, %shift_right_arithmetic3A_484 : vector<16xi32>
          %select_n3A_486 = arith.select %eq3A_339, %gather3A_472, %or3A_485 : vector<16xi32>
          tpu.vector_store_idx %arg36[%select_n3A_486], %get3A_459 : memref<1024xi32, #tpu.memory_space<vmem>>[vector<16xi32>], vector<16xi32>,
          %mul3A_487 = arith.constant 4 : i32
          %mul3A_488 = arith.muli %scan3A_369, %mul3A_487 : i32
          %add3A_489 = arith.constant 2 : i32
          %add3A_490 = arith.addi %mul3A_488, %add3A_489 : i32
          %mul3A_491 = arith.constant 16 : i32
          %mul3A_492 = arith.muli %add3A_490, %mul3A_491 : i32
          %get3A_493 = arith.index_cast %mul3A_492 : i32 to index
          %get3A_494 = tpu.vector_load %arg39[%get3A_493] {strides = array<i32>} : memref<1024xi32, #tpu.memory_space<vmem>>, vector<16xi32>,
          tpu.vector_store_idx %arg37[%select_n3A_486], %get3A_494 : memref<1024xi32, #tpu.memory_space<vmem>>[vector<16xi32>], vector<16xi32>,
          %mul3A_495 = arith.constant 4 : i32
          %mul3A_496 = arith.muli %scan3A_369, %mul3A_495 : i32
          %add3A_497 = arith.constant 3 : i32
          %add3A_498 = arith.addi %mul3A_496, %add3A_497 : i32
          %mul3A_499 = arith.constant 16 : i32
          %mul3A_500 = arith.muli %add3A_498, %mul3A_499 : i32
          %get3A_501 = arith.index_cast %mul3A_500 : i32 to index
          %get3A_502 = tpu.vector_load %arg38[%get3A_501] {strides = array<i32>} : memref<1024xi32, #tpu.memory_space<vmem>>, vector<16xi32>,
          %shift_right_arithmetic3A_503 = vector.broadcast %add3A_337 : i32 to vector<16xi32>
          %shift_right_arithmetic3A_504 = arith.shrsi %get3A_502, %shift_right_arithmetic3A_503 : vector<16xi32>
          %and3A_505 = arith.constant 63 : i32
          %and3A_506 = vector.broadcast %and3A_505 : i32 to vector<16xi32>
          %and3A_507 = arith.andi %shift_right_arithmetic3A_504, %and3A_506 : vector<16xi32>
          %sub3A_508 = arith.constant 63 : i32
          %sub3A_509 = vector.broadcast %sub3A_508 : i32 to vector<16xi32>
          %sub3A_510 = arith.subi %sub3A_509, %and3A_507 : vector<16xi32>
          %mul3A_511 = arith.constant 16 : i32
          %mul3A_512 = vector.broadcast %mul3A_511 : i32 to vector<16xi32>
          %mul3A_513 = arith.muli %sub3A_510, %mul3A_512 : vector<16xi32>
          %add3A_514 = arith.addi %mul3A_513, %iota3A : vector<16xi32>
          %gather3A_515 = tpu.vector_load_idx %arg40[%add3A_514] : memref<1024xi32, #tpu.memory_space<vmem>>[vector<16xi32>], vector<16xi32>,
          %add3A_516 = arith.constant 1 : i32
          %add3A_517 = vector.broadcast %add3A_516 : i32 to vector<16xi32>
          %add3A_518 = arith.addi %gather3A_515, %add3A_517 : vector<16xi32>
          tpu.vector_store_idx %arg40[%add3A_514], %add3A_518 : memref<1024xi32, #tpu.memory_space<vmem>>[vector<16xi32>], vector<16xi32>,
          %and3A_519 = arith.constant 63 : i32
          %and3A_520 = vector.broadcast %and3A_519 : i32 to vector<16xi32>
          %and3A_521 = arith.andi %gather3A_515, %and3A_520 : vector<16xi32>
          %shift_left3A_522 = arith.constant 4 : i32
          %shift_left3A_523 = vector.broadcast %shift_left3A_522 : i32 to vector<16xi32>
          %shift_left3A_524 = arith.shli %and3A_521, %shift_left3A_523 : vector<16xi32>
          %shift_right_arithmetic3A_525 = arith.constant 6 : i32
          %shift_right_arithmetic3A_526 = vector.broadcast %shift_right_arithmetic3A_525 : i32 to vector<16xi32>
          %shift_right_arithmetic3A_527 = arith.shrsi %gather3A_515, %shift_right_arithmetic3A_526 : vector<16xi32>
          %or3A_528 = arith.ori %shift_left3A_524, %shift_right_arithmetic3A_527 : vector<16xi32>
          %select_n3A_529 = arith.select %eq3A_339, %gather3A_515, %or3A_528 : vector<16xi32>
          tpu.vector_store_idx %arg36[%select_n3A_529], %get3A_502 : memref<1024xi32, #tpu.memory_space<vmem>>[vector<16xi32>], vector<16xi32>,
          %mul3A_530 = arith.constant 4 : i32
          %mul3A_531 = arith.muli %scan3A_369, %mul3A_530 : i32
          %add3A_532 = arith.constant 3 : i32
          %add3A_533 = arith.addi %mul3A_531, %add3A_532 : i32
          %mul3A_534 = arith.constant 16 : i32
          %mul3A_535 = arith.muli %add3A_533, %mul3A_534 : i32
          %get3A_536 = arith.index_cast %mul3A_535 : i32 to index
          %get3A_537 = tpu.vector_load %arg39[%get3A_536] {strides = array<i32>} : memref<1024xi32, #tpu.memory_space<vmem>>, vector<16xi32>,
          tpu.vector_store_idx %arg37[%select_n3A_529], %get3A_537 : memref<1024xi32, #tpu.memory_space<vmem>>[vector<16xi32>], vector<16xi32>,
          %scan3A_538 = arith.constant 0 : i32
          scf.yield %scan3A_538 : i32
        }
        %scan3A_367 = arith.constant 16 : i32
        %scan3A_368 = arith.constant 0 : i32
        scf.yield %scan3A_368 : i32
      }
      %scan3A_293 = arith.constant 3 : i32
      %scan3A_294 = arith.constant 0 : i32
      %scan3A_295 = arith.constant 0 : i32
      %scan3A_296 = arith.constant 64 : i32
      %scan3A_297 = arith.addi %scan3A_295, %scan3A_296 : i32
      %scan3A_298 = arith.constant 1 : i32
      %scan3A_299 = scf.for %scan3A_301 = %scan3A_295 to %scan3A_297 step %scan3A_298 iter_args(%scan3A_302 = %scan3A_294) -> (i32)  : i32 {
        %mul3A_303 = arith.constant 16 : i32
        %mul3A_304 = arith.muli %scan3A_301, %mul3A_303 : i32
        %get3A = arith.index_cast %mul3A_304 : i32 to index
        %get3A_305 = tpu.vector_load %arg37[%get3A] {strides = array<i32>} : memref<1024xi32, #tpu.memory_space<vmem>>, vector<16xi32>,
        %min3A_306 = arith.constant 19999 : i32
        %min3A_307 = vector.broadcast %min3A_306 : i32 to vector<16xi32>
        %min3A_308 = arith.minsi %get3A_305, %min3A_307 : vector<16xi32>
        %mul3A_309 = arith.constant 16 : i32
        %mul3A_310 = arith.muli %scan3A_301, %mul3A_309 : i32
        %swap3A_311 = arith.index_cast %mul3A_310 : i32 to index
        %swap3A_312 = tpu.vector_load %arg32[%swap3A_311] {strides = array<i32>} : memref<1024xi32, #tpu.memory_space<vmem>>, vector<16xi32>,
        tpu.vector_store %arg32[%swap3A_311], %min3A_308 {strides = array<i32>} : memref<1024xi32, #tpu.memory_space<vmem>>, vector<16xi32>,
        %scan3A_313 = arith.constant 0 : i32
        scf.yield %scan3A_313 : i32
      }
      %scan3A_300 = arith.constant 64 : i32
      "tpu.region"() ({
        %run_scoped3A_301 = tpu.sem_alloc : memref<!tpu.dma_semaphore, #tpu.memory_space<semaphore_mem>>
        tpu.enqueue_dma source(%arg32 : memref<1024xi32, #tpu.memory_space<vmem>>) target(%arg50 : memref<1024xi32, #tpu.memory_space<vmem_shared>>) target_semaphore(%run_scoped3A_301 : memref<!tpu.dma_semaphore, #tpu.memory_space<semaphore_mem>>)
        tpu.wait_dma2 semaphore(%run_scoped3A_301 : memref<!tpu.dma_semaphore, #tpu.memory_space<semaphore_mem>>) src(%arg32 : memref<1024xi32, #tpu.memory_space<vmem>>) dst(%arg50 : memref<1024xi32, #tpu.memory_space<vmem_shared>>)
        tpu.yield
      }) : () -> ()
      "tpu.region"() ({
        %run_scoped3A_301 = tpu.sem_alloc : memref<!tpu.dma_semaphore, #tpu.memory_space<semaphore_mem>>
        tpu.enqueue_dma source(%arg32 : memref<1024xi32, #tpu.memory_space<vmem>>) target(%arg25 : memref<1024xi32, #tpu.memory_space<hbm>>) target_semaphore(%run_scoped3A_301 : memref<!tpu.dma_semaphore, #tpu.memory_space<semaphore_mem>>)
        tpu.wait_dma2 semaphore(%run_scoped3A_301 : memref<!tpu.dma_semaphore, #tpu.memory_space<semaphore_mem>>) src(%arg32 : memref<1024xi32, #tpu.memory_space<vmem>>) dst(%arg25 : memref<1024xi32, #tpu.memory_space<hbm>>)
        tpu.yield
      }) : () -> ()
    } else {
    }
    %barrier3A_82 = arith.constant 0 : index
    tpu.barrier barrier_id(%barrier3A_82)
    %mul3A_83 = arith.constant 64 : i32
    %mul3A_84 = arith.muli %arg1, %mul3A_83 : i32
    "tpu.region"() ({
      %run_scoped3A_273 = tpu.sem_alloc : memref<!tpu.dma_semaphore, #tpu.memory_space<semaphore_mem>>
      %dma_start3A_274 = tpu.memref_slice %arg50[%mul3A_84] : memref<1024xi32, #tpu.memory_space<vmem_shared>> -> memref<64xi32, #tpu.memory_space<vmem_shared>>
      %dma_start3A_275 = tpu.memref_slice %arg50[%mul3A_84] : memref<1024xi32, #tpu.memory_space<vmem_shared>> -> memref<64xi32, #tpu.memory_space<vmem_shared>>
      tpu.enqueue_dma source(%dma_start3A_275 : memref<64xi32, #tpu.memory_space<vmem_shared>>) target(%arg41 : memref<64xi32, #tpu.memory_space<vmem>>) target_semaphore(%run_scoped3A_273 : memref<!tpu.dma_semaphore, #tpu.memory_space<semaphore_mem>>)
      %dma_wait3A_276 = tpu.memref_slice %arg50[%mul3A_84] : memref<1024xi32, #tpu.memory_space<vmem_shared>> -> memref<64xi32, #tpu.memory_space<vmem_shared>>
      %dma_wait3A_277 = tpu.memref_slice %arg50[%mul3A_84] : memref<1024xi32, #tpu.memory_space<vmem_shared>> -> memref<64xi32, #tpu.memory_space<vmem_shared>>
      tpu.wait_dma2 semaphore(%run_scoped3A_273 : memref<!tpu.dma_semaphore, #tpu.memory_space<semaphore_mem>>) src(%dma_wait3A_277 : memref<64xi32, #tpu.memory_space<vmem_shared>>) dst(%arg41 : memref<64xi32, #tpu.memory_space<vmem>>)
      tpu.yield
    }) : () -> ()
    %dma_start3A = arith.constant 0 : i32
    %dma_start3A_85 = tpu.memref_slice %arg42[%dma_start3A] : memref<1216xf32, #tpu.memory_space<vmem>> -> memref<64xf32, #tpu.memory_space<vmem>>
    %dma_start3A_86 = arith.constant 0 : i32
    %dma_start3A_87 = tpu.memref_slice %arg3[%dma_start3A_86] : memref<20000xf32, #tpu.memory_space<hbm>> -> memref<20000xf32, #tpu.memory_space<hbm>>
    tpu.enqueue_indirect_dma source(%dma_start3A_87 : memref<20000xf32, #tpu.memory_space<hbm>>) target(%dma_start3A_85 : memref<64xf32, #tpu.memory_space<vmem>>) offsets(%arg41 : memref<64xi32, #tpu.memory_space<vmem>>) semaphore(%arg51 : memref<!tpu.dma_semaphore, #tpu.memory_space<semaphore_mem>>)
    %dma_start3A_88 = arith.constant 64 : i32
    %dma_start3A_89 = tpu.memref_slice %arg42[%dma_start3A_88] : memref<1216xf32, #tpu.memory_space<vmem>> -> memref<64xf32, #tpu.memory_space<vmem>>
    %dma_start3A_90 = arith.constant 0 : i32
    %dma_start3A_91 = tpu.memref_slice %arg4[%dma_start3A_90] : memref<20000xf32, #tpu.memory_space<hbm>> -> memref<20000xf32, #tpu.memory_space<hbm>>
    tpu.enqueue_indirect_dma source(%dma_start3A_91 : memref<20000xf32, #tpu.memory_space<hbm>>) target(%dma_start3A_89 : memref<64xf32, #tpu.memory_space<vmem>>) offsets(%arg41 : memref<64xi32, #tpu.memory_space<vmem>>) semaphore(%arg51 : memref<!tpu.dma_semaphore, #tpu.memory_space<semaphore_mem>>)
    %dma_start3A_92 = arith.constant 128 : i32
    %dma_start3A_93 = tpu.memref_slice %arg42[%dma_start3A_92] : memref<1216xf32, #tpu.memory_space<vmem>> -> memref<64xf32, #tpu.memory_space<vmem>>
    %dma_start3A_94 = arith.constant 0 : i32
    %dma_start3A_95 = tpu.memref_slice %arg5[%dma_start3A_94] : memref<20000xf32, #tpu.memory_space<hbm>> -> memref<20000xf32, #tpu.memory_space<hbm>>
    tpu.enqueue_indirect_dma source(%dma_start3A_95 : memref<20000xf32, #tpu.memory_space<hbm>>) target(%dma_start3A_93 : memref<64xf32, #tpu.memory_space<vmem>>) offsets(%arg41 : memref<64xi32, #tpu.memory_space<vmem>>) semaphore(%arg51 : memref<!tpu.dma_semaphore, #tpu.memory_space<semaphore_mem>>)
    %dma_start3A_96 = arith.constant 192 : i32
    %dma_start3A_97 = tpu.memref_slice %arg42[%dma_start3A_96] : memref<1216xf32, #tpu.memory_space<vmem>> -> memref<64xf32, #tpu.memory_space<vmem>>
    %dma_start3A_98 = arith.constant 0 : i32
    %dma_start3A_99 = tpu.memref_slice %arg6[%dma_start3A_98] : memref<20000xf32, #tpu.memory_space<hbm>> -> memref<20000xf32, #tpu.memory_space<hbm>>
    tpu.enqueue_indirect_dma source(%dma_start3A_99 : memref<20000xf32, #tpu.memory_space<hbm>>) target(%dma_start3A_97 : memref<64xf32, #tpu.memory_space<vmem>>) offsets(%arg41 : memref<64xi32, #tpu.memory_space<vmem>>) semaphore(%arg51 : memref<!tpu.dma_semaphore, #tpu.memory_space<semaphore_mem>>)
    %dma_start3A_100 = arith.constant 256 : i32
    %dma_start3A_101 = tpu.memref_slice %arg42[%dma_start3A_100] : memref<1216xf32, #tpu.memory_space<vmem>> -> memref<64xf32, #tpu.memory_space<vmem>>
    %dma_start3A_102 = arith.constant 0 : i32
    %dma_start3A_103 = tpu.memref_slice %arg7[%dma_start3A_102] : memref<20000xf32, #tpu.memory_space<hbm>> -> memref<20000xf32, #tpu.memory_space<hbm>>
    tpu.enqueue_indirect_dma source(%dma_start3A_103 : memref<20000xf32, #tpu.memory_space<hbm>>) target(%dma_start3A_101 : memref<64xf32, #tpu.memory_space<vmem>>) offsets(%arg41 : memref<64xi32, #tpu.memory_space<vmem>>) semaphore(%arg51 : memref<!tpu.dma_semaphore, #tpu.memory_space<semaphore_mem>>)
    %dma_start3A_104 = arith.constant 320 : i32
    %dma_start3A_105 = tpu.memref_slice %arg42[%dma_start3A_104] : memref<1216xf32, #tpu.memory_space<vmem>> -> memref<64xf32, #tpu.memory_space<vmem>>
    %dma_start3A_106 = arith.constant 0 : i32
    %dma_start3A_107 = tpu.memref_slice %arg8[%dma_start3A_106] : memref<20000xf32, #tpu.memory_space<hbm>> -> memref<20000xf32, #tpu.memory_space<hbm>>
    tpu.enqueue_indirect_dma source(%dma_start3A_107 : memref<20000xf32, #tpu.memory_space<hbm>>) target(%dma_start3A_105 : memref<64xf32, #tpu.memory_space<vmem>>) offsets(%arg41 : memref<64xi32, #tpu.memory_space<vmem>>) semaphore(%arg51 : memref<!tpu.dma_semaphore, #tpu.memory_space<semaphore_mem>>)
    %dma_start3A_108 = arith.constant 384 : i32
    %dma_start3A_109 = tpu.memref_slice %arg42[%dma_start3A_108] : memref<1216xf32, #tpu.memory_space<vmem>> -> memref<64xf32, #tpu.memory_space<vmem>>
    %dma_start3A_110 = arith.constant 0 : i32
    %dma_start3A_111 = tpu.memref_slice %arg9[%dma_start3A_110] : memref<20000xf32, #tpu.memory_space<hbm>> -> memref<20000xf32, #tpu.memory_space<hbm>>
    tpu.enqueue_indirect_dma source(%dma_start3A_111 : memref<20000xf32, #tpu.memory_space<hbm>>) target(%dma_start3A_109 : memref<64xf32, #tpu.memory_space<vmem>>) offsets(%arg41 : memref<64xi32, #tpu.memory_space<vmem>>) semaphore(%arg51 : memref<!tpu.dma_semaphore, #tpu.memory_space<semaphore_mem>>)
    %dma_start3A_112 = arith.constant 448 : i32
    %dma_start3A_113 = tpu.memref_slice %arg42[%dma_start3A_112] : memref<1216xf32, #tpu.memory_space<vmem>> -> memref<64xf32, #tpu.memory_space<vmem>>
    %dma_start3A_114 = arith.constant 0 : i32
    %dma_start3A_115 = tpu.memref_slice %arg10[%dma_start3A_114] : memref<20000xf32, #tpu.memory_space<hbm>> -> memref<20000xf32, #tpu.memory_space<hbm>>
    tpu.enqueue_indirect_dma source(%dma_start3A_115 : memref<20000xf32, #tpu.memory_space<hbm>>) target(%dma_start3A_113 : memref<64xf32, #tpu.memory_space<vmem>>) offsets(%arg41 : memref<64xi32, #tpu.memory_space<vmem>>) semaphore(%arg51 : memref<!tpu.dma_semaphore, #tpu.memory_space<semaphore_mem>>)
    %dma_start3A_116 = arith.constant 512 : i32
    %dma_start3A_117 = tpu.memref_slice %arg42[%dma_start3A_116] : memref<1216xf32, #tpu.memory_space<vmem>> -> memref<64xf32, #tpu.memory_space<vmem>>
    %dma_start3A_118 = arith.constant 0 : i32
    %dma_start3A_119 = tpu.memref_slice %arg11[%dma_start3A_118] : memref<20000xf32, #tpu.memory_space<hbm>> -> memref<20000xf32, #tpu.memory_space<hbm>>
    tpu.enqueue_indirect_dma source(%dma_start3A_119 : memref<20000xf32, #tpu.memory_space<hbm>>) target(%dma_start3A_117 : memref<64xf32, #tpu.memory_space<vmem>>) offsets(%arg41 : memref<64xi32, #tpu.memory_space<vmem>>) semaphore(%arg51 : memref<!tpu.dma_semaphore, #tpu.memory_space<semaphore_mem>>)
    %dma_start3A_120 = arith.constant 576 : i32
    %dma_start3A_121 = tpu.memref_slice %arg42[%dma_start3A_120] : memref<1216xf32, #tpu.memory_space<vmem>> -> memref<64xf32, #tpu.memory_space<vmem>>
    %dma_start3A_122 = arith.constant 0 : i32
    %dma_start3A_123 = tpu.memref_slice %arg12[%dma_start3A_122] : memref<20000xf32, #tpu.memory_space<hbm>> -> memref<20000xf32, #tpu.memory_space<hbm>>
    tpu.enqueue_indirect_dma source(%dma_start3A_123 : memref<20000xf32, #tpu.memory_space<hbm>>) target(%dma_start3A_121 : memref<64xf32, #tpu.memory_space<vmem>>) offsets(%arg41 : memref<64xi32, #tpu.memory_space<vmem>>) semaphore(%arg51 : memref<!tpu.dma_semaphore, #tpu.memory_space<semaphore_mem>>)
    %dma_start3A_124 = arith.constant 640 : i32
    %dma_start3A_125 = tpu.memref_slice %arg42[%dma_start3A_124] : memref<1216xf32, #tpu.memory_space<vmem>> -> memref<64xf32, #tpu.memory_space<vmem>>
    %dma_start3A_126 = arith.constant 0 : i32
    %dma_start3A_127 = tpu.memref_slice %arg13[%dma_start3A_126] : memref<20000xf32, #tpu.memory_space<hbm>> -> memref<20000xf32, #tpu.memory_space<hbm>>
    tpu.enqueue_indirect_dma source(%dma_start3A_127 : memref<20000xf32, #tpu.memory_space<hbm>>) target(%dma_start3A_125 : memref<64xf32, #tpu.memory_space<vmem>>) offsets(%arg41 : memref<64xi32, #tpu.memory_space<vmem>>) semaphore(%arg51 : memref<!tpu.dma_semaphore, #tpu.memory_space<semaphore_mem>>)
    %dma_start3A_128 = arith.constant 704 : i32
    %dma_start3A_129 = tpu.memref_slice %arg42[%dma_start3A_128] : memref<1216xf32, #tpu.memory_space<vmem>> -> memref<64xf32, #tpu.memory_space<vmem>>
    %dma_start3A_130 = arith.constant 0 : i32
    %dma_start3A_131 = tpu.memref_slice %arg14[%dma_start3A_130] : memref<20000xf32, #tpu.memory_space<hbm>> -> memref<20000xf32, #tpu.memory_space<hbm>>
    tpu.enqueue_indirect_dma source(%dma_start3A_131 : memref<20000xf32, #tpu.memory_space<hbm>>) target(%dma_start3A_129 : memref<64xf32, #tpu.memory_space<vmem>>) offsets(%arg41 : memref<64xi32, #tpu.memory_space<vmem>>) semaphore(%arg51 : memref<!tpu.dma_semaphore, #tpu.memory_space<semaphore_mem>>)
    %dma_start3A_132 = arith.constant 768 : i32
    %dma_start3A_133 = tpu.memref_slice %arg42[%dma_start3A_132] : memref<1216xf32, #tpu.memory_space<vmem>> -> memref<64xf32, #tpu.memory_space<vmem>>
    %dma_start3A_134 = arith.constant 0 : i32
    %dma_start3A_135 = tpu.memref_slice %arg15[%dma_start3A_134] : memref<20000xf32, #tpu.memory_space<hbm>> -> memref<20000xf32, #tpu.memory_space<hbm>>
    tpu.enqueue_indirect_dma source(%dma_start3A_135 : memref<20000xf32, #tpu.memory_space<hbm>>) target(%dma_start3A_133 : memref<64xf32, #tpu.memory_space<vmem>>) offsets(%arg41 : memref<64xi32, #tpu.memory_space<vmem>>) semaphore(%arg51 : memref<!tpu.dma_semaphore, #tpu.memory_space<semaphore_mem>>)
    %dma_start3A_136 = arith.constant 832 : i32
    %dma_start3A_137 = tpu.memref_slice %arg42[%dma_start3A_136] : memref<1216xf32, #tpu.memory_space<vmem>> -> memref<64xf32, #tpu.memory_space<vmem>>
    %dma_start3A_138 = arith.constant 0 : i32
    %dma_start3A_139 = tpu.memref_slice %arg16[%dma_start3A_138] : memref<20000xf32, #tpu.memory_space<hbm>> -> memref<20000xf32, #tpu.memory_space<hbm>>
    tpu.enqueue_indirect_dma source(%dma_start3A_139 : memref<20000xf32, #tpu.memory_space<hbm>>) target(%dma_start3A_137 : memref<64xf32, #tpu.memory_space<vmem>>) offsets(%arg41 : memref<64xi32, #tpu.memory_space<vmem>>) semaphore(%arg51 : memref<!tpu.dma_semaphore, #tpu.memory_space<semaphore_mem>>)
    %dma_start3A_140 = arith.constant 896 : i32
    %dma_start3A_141 = tpu.memref_slice %arg42[%dma_start3A_140] : memref<1216xf32, #tpu.memory_space<vmem>> -> memref<64xf32, #tpu.memory_space<vmem>>
    %dma_start3A_142 = arith.constant 0 : i32
    %dma_start3A_143 = tpu.memref_slice %arg17[%dma_start3A_142] : memref<20000xf32, #tpu.memory_space<hbm>> -> memref<20000xf32, #tpu.memory_space<hbm>>
    tpu.enqueue_indirect_dma source(%dma_start3A_143 : memref<20000xf32, #tpu.memory_space<hbm>>) target(%dma_start3A_141 : memref<64xf32, #tpu.memory_space<vmem>>) offsets(%arg41 : memref<64xi32, #tpu.memory_space<vmem>>) semaphore(%arg51 : memref<!tpu.dma_semaphore, #tpu.memory_space<semaphore_mem>>)
    %dma_start3A_144 = arith.constant 960 : i32
    %dma_start3A_145 = tpu.memref_slice %arg42[%dma_start3A_144] : memref<1216xf32, #tpu.memory_space<vmem>> -> memref<64xf32, #tpu.memory_space<vmem>>
    %dma_start3A_146 = arith.constant 0 : i32
    %dma_start3A_147 = tpu.memref_slice %arg18[%dma_start3A_146] : memref<20000xf32, #tpu.memory_space<hbm>> -> memref<20000xf32, #tpu.memory_space<hbm>>
    tpu.enqueue_indirect_dma source(%dma_start3A_147 : memref<20000xf32, #tpu.memory_space<hbm>>) target(%dma_start3A_145 : memref<64xf32, #tpu.memory_space<vmem>>) offsets(%arg41 : memref<64xi32, #tpu.memory_space<vmem>>) semaphore(%arg51 : memref<!tpu.dma_semaphore, #tpu.memory_space<semaphore_mem>>)
    %dma_start3A_148 = arith.constant 1024 : i32
    %dma_start3A_149 = tpu.memref_slice %arg42[%dma_start3A_148] : memref<1216xf32, #tpu.memory_space<vmem>> -> memref<64xf32, #tpu.memory_space<vmem>>
    %dma_start3A_150 = arith.constant 0 : i32
    %dma_start3A_151 = tpu.memref_slice %arg19[%dma_start3A_150] : memref<20000xf32, #tpu.memory_space<hbm>> -> memref<20000xf32, #tpu.memory_space<hbm>>
    tpu.enqueue_indirect_dma source(%dma_start3A_151 : memref<20000xf32, #tpu.memory_space<hbm>>) target(%dma_start3A_149 : memref<64xf32, #tpu.memory_space<vmem>>) offsets(%arg41 : memref<64xi32, #tpu.memory_space<vmem>>) semaphore(%arg51 : memref<!tpu.dma_semaphore, #tpu.memory_space<semaphore_mem>>)
    %dma_start3A_152 = arith.constant 1088 : i32
    %dma_start3A_153 = tpu.memref_slice %arg42[%dma_start3A_152] : memref<1216xf32, #tpu.memory_space<vmem>> -> memref<64xf32, #tpu.memory_space<vmem>>
    %dma_start3A_154 = arith.constant 0 : i32
    %dma_start3A_155 = tpu.memref_slice %arg20[%dma_start3A_154] : memref<20000xf32, #tpu.memory_space<hbm>> -> memref<20000xf32, #tpu.memory_space<hbm>>
    tpu.enqueue_indirect_dma source(%dma_start3A_155 : memref<20000xf32, #tpu.memory_space<hbm>>) target(%dma_start3A_153 : memref<64xf32, #tpu.memory_space<vmem>>) offsets(%arg41 : memref<64xi32, #tpu.memory_space<vmem>>) semaphore(%arg51 : memref<!tpu.dma_semaphore, #tpu.memory_space<semaphore_mem>>)
    %dma_start3A_156 = arith.constant 1152 : i32
    %dma_start3A_157 = tpu.memref_slice %arg42[%dma_start3A_156] : memref<1216xf32, #tpu.memory_space<vmem>> -> memref<64xf32, #tpu.memory_space<vmem>>
    %dma_start3A_158 = arith.constant 0 : i32
    %dma_start3A_159 = tpu.memref_slice %arg21[%dma_start3A_158] : memref<20000xf32, #tpu.memory_space<hbm>> -> memref<20000xf32, #tpu.memory_space<hbm>>
    tpu.enqueue_indirect_dma source(%dma_start3A_159 : memref<20000xf32, #tpu.memory_space<hbm>>) target(%dma_start3A_157 : memref<64xf32, #tpu.memory_space<vmem>>) offsets(%arg41 : memref<64xi32, #tpu.memory_space<vmem>>) semaphore(%arg51 : memref<!tpu.dma_semaphore, #tpu.memory_space<semaphore_mem>>)
    %dma_wait3A = arith.constant 0 : i32
    %dma_wait3A_160 = tpu.memref_slice %arg42[%dma_wait3A] : memref<1216xf32, #tpu.memory_space<vmem>> -> memref<64xf32, #tpu.memory_space<vmem>>
    %dma_wait3A_161 = arith.constant 0 : i32
    %dma_wait3A_162 = tpu.memref_slice %arg3[%dma_wait3A_161] : memref<20000xf32, #tpu.memory_space<hbm>> -> memref<20000xf32, #tpu.memory_space<hbm>>
    tpu.wait_indirect_dma semaphore(%arg51 : memref<!tpu.dma_semaphore, #tpu.memory_space<semaphore_mem>>) src(%dma_wait3A_162 : memref<20000xf32, #tpu.memory_space<hbm>>) dst(%dma_wait3A_160 : memref<64xf32, #tpu.memory_space<vmem>>)
    %dma_wait3A_163 = arith.constant 64 : i32
    %dma_wait3A_164 = tpu.memref_slice %arg42[%dma_wait3A_163] : memref<1216xf32, #tpu.memory_space<vmem>> -> memref<64xf32, #tpu.memory_space<vmem>>
    %dma_wait3A_165 = arith.constant 0 : i32
    %dma_wait3A_166 = tpu.memref_slice %arg4[%dma_wait3A_165] : memref<20000xf32, #tpu.memory_space<hbm>> -> memref<20000xf32, #tpu.memory_space<hbm>>
    tpu.wait_indirect_dma semaphore(%arg51 : memref<!tpu.dma_semaphore, #tpu.memory_space<semaphore_mem>>) src(%dma_wait3A_166 : memref<20000xf32, #tpu.memory_space<hbm>>) dst(%dma_wait3A_164 : memref<64xf32, #tpu.memory_space<vmem>>)
    %dma_wait3A_167 = arith.constant 128 : i32
    %dma_wait3A_168 = tpu.memref_slice %arg42[%dma_wait3A_167] : memref<1216xf32, #tpu.memory_space<vmem>> -> memref<64xf32, #tpu.memory_space<vmem>>
    %dma_wait3A_169 = arith.constant 0 : i32
    %dma_wait3A_170 = tpu.memref_slice %arg5[%dma_wait3A_169] : memref<20000xf32, #tpu.memory_space<hbm>> -> memref<20000xf32, #tpu.memory_space<hbm>>
    tpu.wait_indirect_dma semaphore(%arg51 : memref<!tpu.dma_semaphore, #tpu.memory_space<semaphore_mem>>) src(%dma_wait3A_170 : memref<20000xf32, #tpu.memory_space<hbm>>) dst(%dma_wait3A_168 : memref<64xf32, #tpu.memory_space<vmem>>)
    %dma_wait3A_171 = arith.constant 192 : i32
    %dma_wait3A_172 = tpu.memref_slice %arg42[%dma_wait3A_171] : memref<1216xf32, #tpu.memory_space<vmem>> -> memref<64xf32, #tpu.memory_space<vmem>>
    %dma_wait3A_173 = arith.constant 0 : i32
    %dma_wait3A_174 = tpu.memref_slice %arg6[%dma_wait3A_173] : memref<20000xf32, #tpu.memory_space<hbm>> -> memref<20000xf32, #tpu.memory_space<hbm>>
    tpu.wait_indirect_dma semaphore(%arg51 : memref<!tpu.dma_semaphore, #tpu.memory_space<semaphore_mem>>) src(%dma_wait3A_174 : memref<20000xf32, #tpu.memory_space<hbm>>) dst(%dma_wait3A_172 : memref<64xf32, #tpu.memory_space<vmem>>)
    %dma_wait3A_175 = arith.constant 256 : i32
    %dma_wait3A_176 = tpu.memref_slice %arg42[%dma_wait3A_175] : memref<1216xf32, #tpu.memory_space<vmem>> -> memref<64xf32, #tpu.memory_space<vmem>>
    %dma_wait3A_177 = arith.constant 0 : i32
    %dma_wait3A_178 = tpu.memref_slice %arg7[%dma_wait3A_177] : memref<20000xf32, #tpu.memory_space<hbm>> -> memref<20000xf32, #tpu.memory_space<hbm>>
    tpu.wait_indirect_dma semaphore(%arg51 : memref<!tpu.dma_semaphore, #tpu.memory_space<semaphore_mem>>) src(%dma_wait3A_178 : memref<20000xf32, #tpu.memory_space<hbm>>) dst(%dma_wait3A_176 : memref<64xf32, #tpu.memory_space<vmem>>)
    %dma_wait3A_179 = arith.constant 320 : i32
    %dma_wait3A_180 = tpu.memref_slice %arg42[%dma_wait3A_179] : memref<1216xf32, #tpu.memory_space<vmem>> -> memref<64xf32, #tpu.memory_space<vmem>>
    %dma_wait3A_181 = arith.constant 0 : i32
    %dma_wait3A_182 = tpu.memref_slice %arg8[%dma_wait3A_181] : memref<20000xf32, #tpu.memory_space<hbm>> -> memref<20000xf32, #tpu.memory_space<hbm>>
    tpu.wait_indirect_dma semaphore(%arg51 : memref<!tpu.dma_semaphore, #tpu.memory_space<semaphore_mem>>) src(%dma_wait3A_182 : memref<20000xf32, #tpu.memory_space<hbm>>) dst(%dma_wait3A_180 : memref<64xf32, #tpu.memory_space<vmem>>)
    %dma_wait3A_183 = arith.constant 384 : i32
    %dma_wait3A_184 = tpu.memref_slice %arg42[%dma_wait3A_183] : memref<1216xf32, #tpu.memory_space<vmem>> -> memref<64xf32, #tpu.memory_space<vmem>>
    %dma_wait3A_185 = arith.constant 0 : i32
    %dma_wait3A_186 = tpu.memref_slice %arg9[%dma_wait3A_185] : memref<20000xf32, #tpu.memory_space<hbm>> -> memref<20000xf32, #tpu.memory_space<hbm>>
    tpu.wait_indirect_dma semaphore(%arg51 : memref<!tpu.dma_semaphore, #tpu.memory_space<semaphore_mem>>) src(%dma_wait3A_186 : memref<20000xf32, #tpu.memory_space<hbm>>) dst(%dma_wait3A_184 : memref<64xf32, #tpu.memory_space<vmem>>)
    %dma_wait3A_187 = arith.constant 448 : i32
    %dma_wait3A_188 = tpu.memref_slice %arg42[%dma_wait3A_187] : memref<1216xf32, #tpu.memory_space<vmem>> -> memref<64xf32, #tpu.memory_space<vmem>>
    %dma_wait3A_189 = arith.constant 0 : i32
    %dma_wait3A_190 = tpu.memref_slice %arg10[%dma_wait3A_189] : memref<20000xf32, #tpu.memory_space<hbm>> -> memref<20000xf32, #tpu.memory_space<hbm>>
    tpu.wait_indirect_dma semaphore(%arg51 : memref<!tpu.dma_semaphore, #tpu.memory_space<semaphore_mem>>) src(%dma_wait3A_190 : memref<20000xf32, #tpu.memory_space<hbm>>) dst(%dma_wait3A_188 : memref<64xf32, #tpu.memory_space<vmem>>)
    %dma_wait3A_191 = arith.constant 512 : i32
    %dma_wait3A_192 = tpu.memref_slice %arg42[%dma_wait3A_191] : memref<1216xf32, #tpu.memory_space<vmem>> -> memref<64xf32, #tpu.memory_space<vmem>>
    %dma_wait3A_193 = arith.constant 0 : i32
    %dma_wait3A_194 = tpu.memref_slice %arg11[%dma_wait3A_193] : memref<20000xf32, #tpu.memory_space<hbm>> -> memref<20000xf32, #tpu.memory_space<hbm>>
    tpu.wait_indirect_dma semaphore(%arg51 : memref<!tpu.dma_semaphore, #tpu.memory_space<semaphore_mem>>) src(%dma_wait3A_194 : memref<20000xf32, #tpu.memory_space<hbm>>) dst(%dma_wait3A_192 : memref<64xf32, #tpu.memory_space<vmem>>)
    %dma_wait3A_195 = arith.constant 576 : i32
    %dma_wait3A_196 = tpu.memref_slice %arg42[%dma_wait3A_195] : memref<1216xf32, #tpu.memory_space<vmem>> -> memref<64xf32, #tpu.memory_space<vmem>>
    %dma_wait3A_197 = arith.constant 0 : i32
    %dma_wait3A_198 = tpu.memref_slice %arg12[%dma_wait3A_197] : memref<20000xf32, #tpu.memory_space<hbm>> -> memref<20000xf32, #tpu.memory_space<hbm>>
    tpu.wait_indirect_dma semaphore(%arg51 : memref<!tpu.dma_semaphore, #tpu.memory_space<semaphore_mem>>) src(%dma_wait3A_198 : memref<20000xf32, #tpu.memory_space<hbm>>) dst(%dma_wait3A_196 : memref<64xf32, #tpu.memory_space<vmem>>)
    %dma_wait3A_199 = arith.constant 640 : i32
    %dma_wait3A_200 = tpu.memref_slice %arg42[%dma_wait3A_199] : memref<1216xf32, #tpu.memory_space<vmem>> -> memref<64xf32, #tpu.memory_space<vmem>>
    %dma_wait3A_201 = arith.constant 0 : i32
    %dma_wait3A_202 = tpu.memref_slice %arg13[%dma_wait3A_201] : memref<20000xf32, #tpu.memory_space<hbm>> -> memref<20000xf32, #tpu.memory_space<hbm>>
    tpu.wait_indirect_dma semaphore(%arg51 : memref<!tpu.dma_semaphore, #tpu.memory_space<semaphore_mem>>) src(%dma_wait3A_202 : memref<20000xf32, #tpu.memory_space<hbm>>) dst(%dma_wait3A_200 : memref<64xf32, #tpu.memory_space<vmem>>)
    %dma_wait3A_203 = arith.constant 704 : i32
    %dma_wait3A_204 = tpu.memref_slice %arg42[%dma_wait3A_203] : memref<1216xf32, #tpu.memory_space<vmem>> -> memref<64xf32, #tpu.memory_space<vmem>>
    %dma_wait3A_205 = arith.constant 0 : i32
    %dma_wait3A_206 = tpu.memref_slice %arg14[%dma_wait3A_205] : memref<20000xf32, #tpu.memory_space<hbm>> -> memref<20000xf32, #tpu.memory_space<hbm>>
    tpu.wait_indirect_dma semaphore(%arg51 : memref<!tpu.dma_semaphore, #tpu.memory_space<semaphore_mem>>) src(%dma_wait3A_206 : memref<20000xf32, #tpu.memory_space<hbm>>) dst(%dma_wait3A_204 : memref<64xf32, #tpu.memory_space<vmem>>)
    %dma_wait3A_207 = arith.constant 768 : i32
    %dma_wait3A_208 = tpu.memref_slice %arg42[%dma_wait3A_207] : memref<1216xf32, #tpu.memory_space<vmem>> -> memref<64xf32, #tpu.memory_space<vmem>>
    %dma_wait3A_209 = arith.constant 0 : i32
    %dma_wait3A_210 = tpu.memref_slice %arg15[%dma_wait3A_209] : memref<20000xf32, #tpu.memory_space<hbm>> -> memref<20000xf32, #tpu.memory_space<hbm>>
    tpu.wait_indirect_dma semaphore(%arg51 : memref<!tpu.dma_semaphore, #tpu.memory_space<semaphore_mem>>) src(%dma_wait3A_210 : memref<20000xf32, #tpu.memory_space<hbm>>) dst(%dma_wait3A_208 : memref<64xf32, #tpu.memory_space<vmem>>)
    %dma_wait3A_211 = arith.constant 832 : i32
    %dma_wait3A_212 = tpu.memref_slice %arg42[%dma_wait3A_211] : memref<1216xf32, #tpu.memory_space<vmem>> -> memref<64xf32, #tpu.memory_space<vmem>>
    %dma_wait3A_213 = arith.constant 0 : i32
    %dma_wait3A_214 = tpu.memref_slice %arg16[%dma_wait3A_213] : memref<20000xf32, #tpu.memory_space<hbm>> -> memref<20000xf32, #tpu.memory_space<hbm>>
    tpu.wait_indirect_dma semaphore(%arg51 : memref<!tpu.dma_semaphore, #tpu.memory_space<semaphore_mem>>) src(%dma_wait3A_214 : memref<20000xf32, #tpu.memory_space<hbm>>) dst(%dma_wait3A_212 : memref<64xf32, #tpu.memory_space<vmem>>)
    %dma_wait3A_215 = arith.constant 896 : i32
    %dma_wait3A_216 = tpu.memref_slice %arg42[%dma_wait3A_215] : memref<1216xf32, #tpu.memory_space<vmem>> -> memref<64xf32, #tpu.memory_space<vmem>>
    %dma_wait3A_217 = arith.constant 0 : i32
    %dma_wait3A_218 = tpu.memref_slice %arg17[%dma_wait3A_217] : memref<20000xf32, #tpu.memory_space<hbm>> -> memref<20000xf32, #tpu.memory_space<hbm>>
    tpu.wait_indirect_dma semaphore(%arg51 : memref<!tpu.dma_semaphore, #tpu.memory_space<semaphore_mem>>) src(%dma_wait3A_218 : memref<20000xf32, #tpu.memory_space<hbm>>) dst(%dma_wait3A_216 : memref<64xf32, #tpu.memory_space<vmem>>)
    %dma_wait3A_219 = arith.constant 960 : i32
    %dma_wait3A_220 = tpu.memref_slice %arg42[%dma_wait3A_219] : memref<1216xf32, #tpu.memory_space<vmem>> -> memref<64xf32, #tpu.memory_space<vmem>>
    %dma_wait3A_221 = arith.constant 0 : i32
    %dma_wait3A_222 = tpu.memref_slice %arg18[%dma_wait3A_221] : memref<20000xf32, #tpu.memory_space<hbm>> -> memref<20000xf32, #tpu.memory_space<hbm>>
    tpu.wait_indirect_dma semaphore(%arg51 : memref<!tpu.dma_semaphore, #tpu.memory_space<semaphore_mem>>) src(%dma_wait3A_222 : memref<20000xf32, #tpu.memory_space<hbm>>) dst(%dma_wait3A_220 : memref<64xf32, #tpu.memory_space<vmem>>)
    %dma_wait3A_223 = arith.constant 1024 : i32
    %dma_wait3A_224 = tpu.memref_slice %arg42[%dma_wait3A_223] : memref<1216xf32, #tpu.memory_space<vmem>> -> memref<64xf32, #tpu.memory_space<vmem>>
    %dma_wait3A_225 = arith.constant 0 : i32
    %dma_wait3A_226 = tpu.memref_slice %arg19[%dma_wait3A_225] : memref<20000xf32, #tpu.memory_space<hbm>> -> memref<20000xf32, #tpu.memory_space<hbm>>
    tpu.wait_indirect_dma semaphore(%arg51 : memref<!tpu.dma_semaphore, #tpu.memory_space<semaphore_mem>>) src(%dma_wait3A_226 : memref<20000xf32, #tpu.memory_space<hbm>>) dst(%dma_wait3A_224 : memref<64xf32, #tpu.memory_space<vmem>>)
    %dma_wait3A_227 = arith.constant 1088 : i32
    %dma_wait3A_228 = tpu.memref_slice %arg42[%dma_wait3A_227] : memref<1216xf32, #tpu.memory_space<vmem>> -> memref<64xf32, #tpu.memory_space<vmem>>
    %dma_wait3A_229 = arith.constant 0 : i32
    %dma_wait3A_230 = tpu.memref_slice %arg20[%dma_wait3A_229] : memref<20000xf32, #tpu.memory_space<hbm>> -> memref<20000xf32, #tpu.memory_space<hbm>>
    tpu.wait_indirect_dma semaphore(%arg51 : memref<!tpu.dma_semaphore, #tpu.memory_space<semaphore_mem>>) src(%dma_wait3A_230 : memref<20000xf32, #tpu.memory_space<hbm>>) dst(%dma_wait3A_228 : memref<64xf32, #tpu.memory_space<vmem>>)
    %dma_wait3A_231 = arith.constant 1152 : i32
    %dma_wait3A_232 = tpu.memref_slice %arg42[%dma_wait3A_231] : memref<1216xf32, #tpu.memory_space<vmem>> -> memref<64xf32, #tpu.memory_space<vmem>>
    %dma_wait3A_233 = arith.constant 0 : i32
    %dma_wait3A_234 = tpu.memref_slice %arg21[%dma_wait3A_233] : memref<20000xf32, #tpu.memory_space<hbm>> -> memref<20000xf32, #tpu.memory_space<hbm>>
    tpu.wait_indirect_dma semaphore(%arg51 : memref<!tpu.dma_semaphore, #tpu.memory_space<semaphore_mem>>) src(%dma_wait3A_234 : memref<20000xf32, #tpu.memory_space<hbm>>) dst(%dma_wait3A_232 : memref<64xf32, #tpu.memory_space<vmem>>)
    %scan3A_235 = arith.constant 0 : i32
    %scan3A_236 = arith.constant 0 : i32
    %scan3A_237 = arith.constant 4 : i32
    %scan3A_238 = arith.addi %scan3A_236, %scan3A_237 : i32
    %scan3A_239 = arith.constant 1 : i32
    %scan3A_240 = scf.for %scan3A_273 = %scan3A_236 to %scan3A_238 step %scan3A_239 iter_args(%scan3A_274 = %scan3A_235) -> (i32)  : i32 {
      %mul3A_275 = arith.constant 16 : i32
      %mul3A_276 = arith.muli %scan3A_273, %mul3A_275 : i32
      %add3A_277 = arith.constant 0 : i32
      %add3A_278 = arith.addi %add3A_277, %mul3A_276 : i32
      %get3A = arith.index_cast %add3A_278 : i32 to index
      %get3A_279 = tpu.vector_load %arg42[%get3A] {strides = array<i32>} : memref<1216xf32, #tpu.memory_space<vmem>>, vector<16xf32>,
      %mul3A_280 = arith.constant 16 : i32
      %mul3A_281 = arith.muli %scan3A_273, %mul3A_280 : i32
      %add3A_282 = arith.constant 64 : i32
      %add3A_283 = arith.addi %add3A_282, %mul3A_281 : i32
      %get3A_284 = arith.index_cast %add3A_283 : i32 to index
      %get3A_285 = tpu.vector_load %arg42[%get3A_284] {strides = array<i32>} : memref<1216xf32, #tpu.memory_space<vmem>>, vector<16xf32>,
      %mul3A_286 = arith.constant 16 : i32
      %mul3A_287 = arith.muli %scan3A_273, %mul3A_286 : i32
      %add3A_288 = arith.constant 128 : i32
      %add3A_289 = arith.addi %add3A_288, %mul3A_287 : i32
      %get3A_290 = arith.index_cast %add3A_289 : i32 to index
      %get3A_291 = tpu.vector_load %arg42[%get3A_290] {strides = array<i32>} : memref<1216xf32, #tpu.memory_space<vmem>>, vector<16xf32>,
      %mul3A_292 = arith.constant 16 : i32
      %mul3A_293 = arith.muli %scan3A_273, %mul3A_292 : i32
      %add3A_294 = arith.constant 192 : i32
      %add3A_295 = arith.addi %add3A_294, %mul3A_293 : i32
      %get3A_296 = arith.index_cast %add3A_295 : i32 to index
      %get3A_297 = tpu.vector_load %arg42[%get3A_296] {strides = array<i32>} : memref<1216xf32, #tpu.memory_space<vmem>>, vector<16xf32>,
      %mul3A_298 = arith.constant 16 : i32
      %mul3A_299 = arith.muli %scan3A_273, %mul3A_298 : i32
      %add3A_300 = arith.constant 256 : i32
      %add3A_301 = arith.addi %add3A_300, %mul3A_299 : i32
      %get3A_302 = arith.index_cast %add3A_301 : i32 to index
      %get3A_303 = tpu.vector_load %arg42[%get3A_302] {strides = array<i32>} : memref<1216xf32, #tpu.memory_space<vmem>>, vector<16xf32>,
      %mul3A_304 = arith.constant 16 : i32
      %mul3A_305 = arith.muli %scan3A_273, %mul3A_304 : i32
      %add3A_306 = arith.constant 320 : i32
      %add3A_307 = arith.addi %add3A_306, %mul3A_305 : i32
      %get3A_308 = arith.index_cast %add3A_307 : i32 to index
      %get3A_309 = tpu.vector_load %arg42[%get3A_308] {strides = array<i32>} : memref<1216xf32, #tpu.memory_space<vmem>>, vector<16xf32>,
      %mul3A_310 = arith.constant 16 : i32
      %mul3A_311 = arith.muli %scan3A_273, %mul3A_310 : i32
      %add3A_312 = arith.constant 384 : i32
      %add3A_313 = arith.addi %add3A_312, %mul3A_311 : i32
      %get3A_314 = arith.index_cast %add3A_313 : i32 to index
      %get3A_315 = tpu.vector_load %arg42[%get3A_314] {strides = array<i32>} : memref<1216xf32, #tpu.memory_space<vmem>>, vector<16xf32>,
      %mul3A_316 = arith.constant 16 : i32
      %mul3A_317 = arith.muli %scan3A_273, %mul3A_316 : i32
      %add3A_318 = arith.constant 448 : i32
      %add3A_319 = arith.addi %add3A_318, %mul3A_317 : i32
      %get3A_320 = arith.index_cast %add3A_319 : i32 to index
      %get3A_321 = tpu.vector_load %arg42[%get3A_320] {strides = array<i32>} : memref<1216xf32, #tpu.memory_space<vmem>>, vector<16xf32>,
      %mul3A_322 = arith.constant 16 : i32
      %mul3A_323 = arith.muli %scan3A_273, %mul3A_322 : i32
      %add3A_324 = arith.constant 512 : i32
      %add3A_325 = arith.addi %add3A_324, %mul3A_323 : i32
      %get3A_326 = arith.index_cast %add3A_325 : i32 to index
      %get3A_327 = tpu.vector_load %arg42[%get3A_326] {strides = array<i32>} : memref<1216xf32, #tpu.memory_space<vmem>>, vector<16xf32>,
      %mul3A_328 = arith.constant 16 : i32
      %mul3A_329 = arith.muli %scan3A_273, %mul3A_328 : i32
      %add3A_330 = arith.constant 576 : i32
      %add3A_331 = arith.addi %add3A_330, %mul3A_329 : i32
      %get3A_332 = arith.index_cast %add3A_331 : i32 to index
      %get3A_333 = tpu.vector_load %arg42[%get3A_332] {strides = array<i32>} : memref<1216xf32, #tpu.memory_space<vmem>>, vector<16xf32>,
      %mul3A_334 = arith.constant 16 : i32
      %mul3A_335 = arith.muli %scan3A_273, %mul3A_334 : i32
      %add3A_336 = arith.constant 640 : i32
      %add3A_337 = arith.addi %add3A_336, %mul3A_335 : i32
      %get3A_338 = arith.index_cast %add3A_337 : i32 to index
      %get3A_339 = tpu.vector_load %arg42[%get3A_338] {strides = array<i32>} : memref<1216xf32, #tpu.memory_space<vmem>>, vector<16xf32>,
      %mul3A_340 = arith.constant 16 : i32
      %mul3A_341 = arith.muli %scan3A_273, %mul3A_340 : i32
      %add3A_342 = arith.constant 704 : i32
      %add3A_343 = arith.addi %add3A_342, %mul3A_341 : i32
      %get3A_344 = arith.index_cast %add3A_343 : i32 to index
      %get3A_345 = tpu.vector_load %arg42[%get3A_344] {strides = array<i32>} : memref<1216xf32, #tpu.memory_space<vmem>>, vector<16xf32>,
      %mul3A_346 = arith.constant 16 : i32
      %mul3A_347 = arith.muli %scan3A_273, %mul3A_346 : i32
      %add3A_348 = arith.constant 768 : i32
      %add3A_349 = arith.addi %add3A_348, %mul3A_347 : i32
      %get3A_350 = arith.index_cast %add3A_349 : i32 to index
      %get3A_351 = tpu.vector_load %arg42[%get3A_350] {strides = array<i32>} : memref<1216xf32, #tpu.memory_space<vmem>>, vector<16xf32>,
      %mul3A_352 = arith.constant 16 : i32
      %mul3A_353 = arith.muli %scan3A_273, %mul3A_352 : i32
      %add3A_354 = arith.constant 832 : i32
      %add3A_355 = arith.addi %add3A_354, %mul3A_353 : i32
      %get3A_356 = arith.index_cast %add3A_355 : i32 to index
      %get3A_357 = tpu.vector_load %arg42[%get3A_356] {strides = array<i32>} : memref<1216xf32, #tpu.memory_space<vmem>>, vector<16xf32>,
      %mul3A_358 = arith.constant 5.000000e-01 : f32
      %mul3A_359 = vector.broadcast %mul3A_358 : f32 to vector<16xf32>
      %mul3A_360 = arith.mulf %get3A_309, %mul3A_359 : vector<16xf32>
      %add3A_361 = arith.addf %get3A_291, %mul3A_360 : vector<16xf32>
      %mul3A_362 = arith.mulf %get3A_303, %get3A_303 : vector<16xf32>
      %mul3A_363 = arith.mulf %get3A_297, %get3A_297 : vector<16xf32>
      %add3A_364 = arith.addf %mul3A_362, %mul3A_363 : vector<16xf32>
      %bitcast3A = vector.bitcast %add3A_364 : vector<16xf32> to vector<16xi32>
      %shift_right_arithmetic3A = arith.constant 1 : i32
      %shift_right_arithmetic3A_365 = vector.broadcast %shift_right_arithmetic3A : i32 to vector<16xi32>
      %shift_right_arithmetic3A_366 = arith.shrsi %bitcast3A, %shift_right_arithmetic3A_365 : vector<16xi32>
      %add3A_367 = arith.constant 532487669 : i32
      %add3A_368 = vector.broadcast %add3A_367 : i32 to vector<16xi32>
      %add3A_369 = arith.addi %add3A_368, %shift_right_arithmetic3A_366 : vector<16xi32>
      %bitcast3A_370 = vector.bitcast %add3A_369 : vector<16xi32> to vector<16xf32>
      %div3A = arith.divf %add3A_364, %bitcast3A_370 : vector<16xf32>
      %add3A_371 = arith.addf %bitcast3A_370, %div3A : vector<16xf32>
      %mul3A_372 = arith.constant 5.000000e-01 : f32
      %mul3A_373 = vector.broadcast %mul3A_372 : f32 to vector<16xf32>
      %mul3A_374 = arith.mulf %mul3A_373, %add3A_371 : vector<16xf32>
      %div3A_375 = arith.divf %add3A_364, %mul3A_374 : vector<16xf32>
      %add3A_376 = arith.addf %mul3A_374, %div3A_375 : vector<16xf32>
      %mul3A_377 = arith.constant 5.000000e-01 : f32
      %mul3A_378 = vector.broadcast %mul3A_377 : f32 to vector<16xf32>
      %mul3A_379 = arith.mulf %mul3A_378, %add3A_376 : vector<16xf32>
      %div3A_380 = arith.divf %add3A_364, %mul3A_379 : vector<16xf32>
      %add3A_381 = arith.addf %mul3A_379, %div3A_380 : vector<16xf32>
      %mul3A_382 = arith.constant 5.000000e-01 : f32
      %mul3A_383 = vector.broadcast %mul3A_382 : f32 to vector<16xf32>
      %mul3A_384 = arith.mulf %mul3A_383, %add3A_381 : vector<16xf32>
      %mul3A_385 = arith.mulf %get3A_321, %mul3A_384 : vector<16xf32>
      %add3A_386 = arith.addf %mul3A_385, %get3A_279 : vector<16xf32>
      %mul3A_387 = arith.mulf %get3A_327, %mul3A_384 : vector<16xf32>
      %add3A_388 = arith.addf %mul3A_387, %get3A_285 : vector<16xf32>
      %mul3A_389 = arith.mulf %get3A_333, %get3A_309 : vector<16xf32>
      %add3A_390 = arith.addf %mul3A_389, %add3A_361 : vector<16xf32>
      %exp3A = math.exp %get3A_345 : vector<16xf32>
      %mul3A_391 = arith.mulf %exp3A, %get3A_303 : vector<16xf32>
      %exp3A_392 = math.exp %get3A_339 : vector<16xf32>
      %mul3A_393 = arith.mulf %exp3A_392, %get3A_297 : vector<16xf32>
      %exp3A_394 = math.exp %get3A_351 : vector<16xf32>
      %mul3A_395 = arith.mulf %exp3A_394, %get3A_309 : vector<16xf32>
      %add3A_396 = arith.addf %get3A_357, %get3A_315 : vector<16xf32>
      %mul3A_397 = arith.constant 5.000000e-01 : f32
      %mul3A_398 = vector.broadcast %mul3A_397 : f32 to vector<16xf32>
      %mul3A_399 = arith.mulf %mul3A_395, %mul3A_398 : vector<16xf32>
      %sub3A_400 = arith.subf %add3A_390, %mul3A_399 : vector<16xf32>
      %mul3A_401 = arith.constant 16 : i32
      %mul3A_402 = arith.muli %scan3A_273, %mul3A_401 : i32
      %add3A_403 = arith.constant 0 : i32
      %add3A_404 = arith.addi %add3A_403, %mul3A_402 : i32
      %swap3A_405 = arith.index_cast %add3A_404 : i32 to index
      %swap3A_406 = tpu.vector_load %arg43[%swap3A_405] {strides = array<i32>} : memref<640xf32, #tpu.memory_space<vmem>>, vector<16xf32>,
      tpu.vector_store %arg43[%swap3A_405], %add3A_386 {strides = array<i32>} : memref<640xf32, #tpu.memory_space<vmem>>, vector<16xf32>,
      %mul3A_407 = arith.constant 16 : i32
      %mul3A_408 = arith.muli %scan3A_273, %mul3A_407 : i32
      %add3A_409 = arith.constant 64 : i32
      %add3A_410 = arith.addi %add3A_409, %mul3A_408 : i32
      %swap3A_411 = arith.index_cast %add3A_410 : i32 to index
      %swap3A_412 = tpu.vector_load %arg43[%swap3A_411] {strides = array<i32>} : memref<640xf32, #tpu.memory_space<vmem>>, vector<16xf32>,
      tpu.vector_store %arg43[%swap3A_411], %add3A_388 {strides = array<i32>} : memref<640xf32, #tpu.memory_space<vmem>>, vector<16xf32>,
      %mul3A_413 = arith.constant 16 : i32
      %mul3A_414 = arith.muli %scan3A_273, %mul3A_413 : i32
      %add3A_415 = arith.constant 128 : i32
      %add3A_416 = arith.addi %add3A_415, %mul3A_414 : i32
      %swap3A_417 = arith.index_cast %add3A_416 : i32 to index
      %swap3A_418 = tpu.vector_load %arg43[%swap3A_417] {strides = array<i32>} : memref<640xf32, #tpu.memory_space<vmem>>, vector<16xf32>,
      tpu.vector_store %arg43[%swap3A_417], %sub3A_400 {strides = array<i32>} : memref<640xf32, #tpu.memory_space<vmem>>, vector<16xf32>,
      %mul3A_419 = arith.constant 16 : i32
      %mul3A_420 = arith.muli %scan3A_273, %mul3A_419 : i32
      %add3A_421 = arith.constant 192 : i32
      %add3A_422 = arith.addi %add3A_421, %mul3A_420 : i32
      %swap3A_423 = arith.index_cast %add3A_422 : i32 to index
      %swap3A_424 = tpu.vector_load %arg43[%swap3A_423] {strides = array<i32>} : memref<640xf32, #tpu.memory_space<vmem>>, vector<16xf32>,
      tpu.vector_store %arg43[%swap3A_423], %mul3A_393 {strides = array<i32>} : memref<640xf32, #tpu.memory_space<vmem>>, vector<16xf32>,
      %mul3A_425 = arith.constant 16 : i32
      %mul3A_426 = arith.muli %scan3A_273, %mul3A_425 : i32
      %add3A_427 = arith.constant 256 : i32
      %add3A_428 = arith.addi %add3A_427, %mul3A_426 : i32
      %swap3A_429 = arith.index_cast %add3A_428 : i32 to index
      %swap3A_430 = tpu.vector_load %arg43[%swap3A_429] {strides = array<i32>} : memref<640xf32, #tpu.memory_space<vmem>>, vector<16xf32>,
      tpu.vector_store %arg43[%swap3A_429], %mul3A_391 {strides = array<i32>} : memref<640xf32, #tpu.memory_space<vmem>>, vector<16xf32>,
      %mul3A_431 = arith.constant 16 : i32
      %mul3A_432 = arith.muli %scan3A_273, %mul3A_431 : i32
      %add3A_433 = arith.constant 320 : i32
      %add3A_434 = arith.addi %add3A_433, %mul3A_432 : i32
      %swap3A_435 = arith.index_cast %add3A_434 : i32 to index
      %swap3A_436 = tpu.vector_load %arg43[%swap3A_435] {strides = array<i32>} : memref<640xf32, #tpu.memory_space<vmem>>, vector<16xf32>,
      tpu.vector_store %arg43[%swap3A_435], %mul3A_395 {strides = array<i32>} : memref<640xf32, #tpu.memory_space<vmem>>, vector<16xf32>,
      %mul3A_437 = arith.constant 16 : i32
      %mul3A_438 = arith.muli %scan3A_273, %mul3A_437 : i32
      %add3A_439 = arith.constant 384 : i32
      %add3A_440 = arith.addi %add3A_439, %mul3A_438 : i32
      %swap3A_441 = arith.index_cast %add3A_440 : i32 to index
      %swap3A_442 = tpu.vector_load %arg43[%swap3A_441] {strides = array<i32>} : memref<640xf32, #tpu.memory_space<vmem>>, vector<16xf32>,
      tpu.vector_store %arg43[%swap3A_441], %add3A_396 {strides = array<i32>} : memref<640xf32, #tpu.memory_space<vmem>>, vector<16xf32>,
      %mul3A_443 = arith.constant 16 : i32
      %mul3A_444 = arith.muli %scan3A_273, %mul3A_443 : i32
      %add3A_445 = arith.constant 896 : i32
      %add3A_446 = arith.addi %add3A_445, %mul3A_444 : i32
      %get3A_447 = arith.index_cast %add3A_446 : i32 to index
      %get3A_448 = tpu.vector_load %arg42[%get3A_447] {strides = array<i32>} : memref<1216xf32, #tpu.memory_space<vmem>>, vector<16xf32>,
      %neg3A = arith.constant 0.000000e+00 : f32
      %neg3A_449 = vector.broadcast %neg3A : f32 to vector<16xf32>
      %neg3A_450 = arith.subf %neg3A_449, %get3A_448 : vector<16xf32>
      %exp3A_451 = math.exp %neg3A_450 : vector<16xf32>
      %add3A_452 = arith.constant 1.000000e+00 : f32
      %add3A_453 = vector.broadcast %add3A_452 : f32 to vector<16xf32>
      %add3A_454 = arith.addf %add3A_453, %exp3A_451 : vector<16xf32>
      %div3A_455 = arith.constant 1.000000e+00 : f32
      %div3A_456 = vector.broadcast %div3A_455 : f32 to vector<16xf32>
      %div3A_457 = arith.divf %div3A_456, %add3A_454 : vector<16xf32>
      %mul3A_458 = arith.constant 16 : i32
      %mul3A_459 = arith.muli %scan3A_273, %mul3A_458 : i32
      %add3A_460 = arith.constant 448 : i32
      %add3A_461 = arith.addi %add3A_460, %mul3A_459 : i32
      %swap3A_462 = arith.index_cast %add3A_461 : i32 to index
      %swap3A_463 = tpu.vector_load %arg43[%swap3A_462] {strides = array<i32>} : memref<640xf32, #tpu.memory_space<vmem>>, vector<16xf32>,
      tpu.vector_store %arg43[%swap3A_462], %div3A_457 {strides = array<i32>} : memref<640xf32, #tpu.memory_space<vmem>>, vector<16xf32>,
      %mul3A_464 = arith.constant 16 : i32
      %mul3A_465 = arith.muli %scan3A_273, %mul3A_464 : i32
      %add3A_466 = arith.constant 960 : i32
      %add3A_467 = arith.addi %add3A_466, %mul3A_465 : i32
      %get3A_468 = arith.index_cast %add3A_467 : i32 to index
      %get3A_469 = tpu.vector_load %arg42[%get3A_468] {strides = array<i32>} : memref<1216xf32, #tpu.memory_space<vmem>>, vector<16xf32>,
      %neg3A_470 = arith.constant 0.000000e+00 : f32
      %neg3A_471 = vector.broadcast %neg3A_470 : f32 to vector<16xf32>
      %neg3A_472 = arith.subf %neg3A_471, %get3A_469 : vector<16xf32>
      %exp3A_473 = math.exp %neg3A_472 : vector<16xf32>
      %add3A_474 = arith.constant 1.000000e+00 : f32
      %add3A_475 = vector.broadcast %add3A_474 : f32 to vector<16xf32>
      %add3A_476 = arith.addf %add3A_475, %exp3A_473 : vector<16xf32>
      %div3A_477 = arith.constant 1.000000e+00 : f32
      %div3A_478 = vector.broadcast %div3A_477 : f32 to vector<16xf32>
      %div3A_479 = arith.divf %div3A_478, %add3A_476 : vector<16xf32>
      %mul3A_480 = arith.constant 16 : i32
      %mul3A_481 = arith.muli %scan3A_273, %mul3A_480 : i32
      %add3A_482 = arith.constant 512 : i32
      %add3A_483 = arith.addi %add3A_482, %mul3A_481 : i32
      %swap3A_484 = arith.index_cast %add3A_483 : i32 to index
      %swap3A_485 = tpu.vector_load %arg43[%swap3A_484] {strides = array<i32>} : memref<640xf32, #tpu.memory_space<vmem>>, vector<16xf32>,
      tpu.vector_store %arg43[%swap3A_484], %div3A_479 {strides = array<i32>} : memref<640xf32, #tpu.memory_space<vmem>>, vector<16xf32>,
      %mul3A_486 = arith.constant 16 : i32
      %mul3A_487 = arith.muli %scan3A_273, %mul3A_486 : i32
      %add3A_488 = arith.constant 1024 : i32
      %add3A_489 = arith.addi %add3A_488, %mul3A_487 : i32
      %get3A_490 = arith.index_cast %add3A_489 : i32 to index
      %get3A_491 = tpu.vector_load %arg42[%get3A_490] {strides = array<i32>} : memref<1216xf32, #tpu.memory_space<vmem>>, vector<16xf32>,
      %neg3A_492 = arith.constant 0.000000e+00 : f32
      %neg3A_493 = vector.broadcast %neg3A_492 : f32 to vector<16xf32>
      %neg3A_494 = arith.subf %neg3A_493, %get3A_491 : vector<16xf32>
      %exp3A_495 = math.exp %neg3A_494 : vector<16xf32>
      %add3A_496 = arith.constant 1.000000e+00 : f32
      %add3A_497 = vector.broadcast %add3A_496 : f32 to vector<16xf32>
      %add3A_498 = arith.addf %add3A_497, %exp3A_495 : vector<16xf32>
      %div3A_499 = arith.constant 1.000000e+00 : f32
      %div3A_500 = vector.broadcast %div3A_499 : f32 to vector<16xf32>
      %div3A_501 = arith.divf %div3A_500, %add3A_498 : vector<16xf32>
      %mul3A_502 = arith.constant 16 : i32
      %mul3A_503 = arith.muli %scan3A_273, %mul3A_502 : i32
      %add3A_504 = arith.constant 576 : i32
      %add3A_505 = arith.addi %add3A_504, %mul3A_503 : i32
      %swap3A_506 = arith.index_cast %add3A_505 : i32 to index
      %swap3A_507 = tpu.vector_load %arg43[%swap3A_506] {strides = array<i32>} : memref<640xf32, #tpu.memory_space<vmem>>, vector<16xf32>,
      tpu.vector_store %arg43[%swap3A_506], %div3A_501 {strides = array<i32>} : memref<640xf32, #tpu.memory_space<vmem>>, vector<16xf32>,
      %mul3A_508 = arith.constant 16 : i32
      %mul3A_509 = arith.muli %scan3A_273, %mul3A_508 : i32
      %add3A_510 = arith.constant 1088 : i32
      %add3A_511 = arith.addi %add3A_510, %mul3A_509 : i32
      %get3A_512 = arith.index_cast %add3A_511 : i32 to index
      %get3A_513 = tpu.vector_load %arg42[%get3A_512] {strides = array<i32>} : memref<1216xf32, #tpu.memory_space<vmem>>, vector<16xf32>,
      %mul3A_514 = arith.constant 16 : i32
      %mul3A_515 = arith.muli %scan3A_273, %mul3A_514 : i32
      %add3A_516 = arith.constant 1152 : i32
      %add3A_517 = arith.addi %add3A_516, %mul3A_515 : i32
      %get3A_518 = arith.index_cast %add3A_517 : i32 to index
      %get3A_519 = tpu.vector_load %arg42[%get3A_518] {strides = array<i32>} : memref<1216xf32, #tpu.memory_space<vmem>>, vector<16xf32>,
      %gt3A = arith.cmpf ogt, %get3A_519, %get3A_513 : vector<16xf32>
      %jit3A_520 = arith.constant 1 : i32
      %jit3A_521 = arith.constant 0 : i32
      %broadcast_in_dim3A_522 = vector.broadcast %jit3A_520 : i32 to vector<16xi32>
      %broadcast_in_dim3A_523 = vector.broadcast %jit3A_521 : i32 to vector<16xi32>
      %select_n3A_524 = arith.select %gt3A, %broadcast_in_dim3A_522, %broadcast_in_dim3A_523 : vector<16xi1>, vector<16xi32>
      %mul3A_525 = arith.constant 16 : i32
      %mul3A_526 = arith.muli %scan3A_273, %mul3A_525 : i32
      %swap3A_527 = arith.index_cast %mul3A_526 : i32 to index
      %swap3A_528 = tpu.vector_load %arg44[%swap3A_527] {strides = array<i32>} : memref<64xi32, #tpu.memory_space<vmem>>, vector<16xi32>,
      tpu.vector_store %arg44[%swap3A_527], %select_n3A_524 {strides = array<i32>} : memref<64xi32, #tpu.memory_space<vmem>>, vector<16xi32>,
      %scan3A_529 = arith.constant 0 : i32
      scf.yield %scan3A_529 : i32
    }
    %scan3A_241 = arith.constant 4 : i32
    %mul3A_242 = arith.constant 64 : i32
    %mul3A_243 = arith.muli %arg1, %mul3A_242 : i32
    %run_scoped3A = arith.constant 0 : i32
    "tpu.region"() ({
      %run_scoped3A_273 = tpu.sem_alloc : memref<!tpu.dma_semaphore, #tpu.memory_space<semaphore_mem>>
      %dma_start3A_274 = arith.constant 0 : i32
      %dma_start3A_275 = tpu.memref_slice %arg43[%dma_start3A_274] : memref<640xf32, #tpu.memory_space<vmem>> -> memref<64xf32, #tpu.memory_space<vmem>>
      %dma_start3A_276 = tpu.memref_slice %arg22[%run_scoped3A, %mul3A_243] : memref<7x1024xf32, #tpu.memory_space<hbm>> -> memref<1x64xf32, #tpu.memory_space<hbm>>
      %dma_start3A_277 = tpu.memref_squeeze %dma_start3A_276 : memref<1x64xf32, #tpu.memory_space<hbm>> -> memref<64xf32, #tpu.memory_space<hbm>>
      %dma_start3A_278 = tpu.memref_slice %arg22[%run_scoped3A, %mul3A_243] : memref<7x1024xf32, #tpu.memory_space<hbm>> -> memref<1x64xf32, #tpu.memory_space<hbm>>
      %dma_start3A_279 = tpu.memref_squeeze %dma_start3A_278 : memref<1x64xf32, #tpu.memory_space<hbm>> -> memref<64xf32, #tpu.memory_space<hbm>>
      %dma_start3A_280 = arith.constant 0 : i32
      %dma_start3A_281 = tpu.memref_slice %arg43[%dma_start3A_280] : memref<640xf32, #tpu.memory_space<vmem>> -> memref<64xf32, #tpu.memory_space<vmem>>
      tpu.enqueue_dma source(%dma_start3A_281 : memref<64xf32, #tpu.memory_space<vmem>>) target(%dma_start3A_279 : memref<64xf32, #tpu.memory_space<hbm>>) target_semaphore(%run_scoped3A_273 : memref<!tpu.dma_semaphore, #tpu.memory_space<semaphore_mem>>)
      %dma_wait3A_282 = arith.constant 0 : i32
      %dma_wait3A_283 = tpu.memref_slice %arg43[%dma_wait3A_282] : memref<640xf32, #tpu.memory_space<vmem>> -> memref<64xf32, #tpu.memory_space<vmem>>
      %dma_wait3A_284 = tpu.memref_slice %arg22[%run_scoped3A, %mul3A_243] : memref<7x1024xf32, #tpu.memory_space<hbm>> -> memref<1x64xf32, #tpu.memory_space<hbm>>
      %dma_wait3A_285 = tpu.memref_squeeze %dma_wait3A_284 : memref<1x64xf32, #tpu.memory_space<hbm>> -> memref<64xf32, #tpu.memory_space<hbm>>
      %dma_wait3A_286 = tpu.memref_slice %arg22[%run_scoped3A, %mul3A_243] : memref<7x1024xf32, #tpu.memory_space<hbm>> -> memref<1x64xf32, #tpu.memory_space<hbm>>
      %dma_wait3A_287 = tpu.memref_squeeze %dma_wait3A_286 : memref<1x64xf32, #tpu.memory_space<hbm>> -> memref<64xf32, #tpu.memory_space<hbm>>
      %dma_wait3A_288 = arith.constant 0 : i32
      %dma_wait3A_289 = tpu.memref_slice %arg43[%dma_wait3A_288] : memref<640xf32, #tpu.memory_space<vmem>> -> memref<64xf32, #tpu.memory_space<vmem>>
      tpu.wait_dma2 semaphore(%run_scoped3A_273 : memref<!tpu.dma_semaphore, #tpu.memory_space<semaphore_mem>>) src(%dma_wait3A_289 : memref<64xf32, #tpu.memory_space<vmem>>) dst(%dma_wait3A_287 : memref<64xf32, #tpu.memory_space<hbm>>)
      tpu.yield
    }) : () -> ()
    %mul3A_244 = arith.constant 64 : i32
    %mul3A_245 = arith.muli %arg1, %mul3A_244 : i32
    %run_scoped3A_246 = arith.constant 1 : i32
    "tpu.region"() ({
      %run_scoped3A_273 = tpu.sem_alloc : memref<!tpu.dma_semaphore, #tpu.memory_space<semaphore_mem>>
      %dma_start3A_274 = arith.constant 64 : i32
      %dma_start3A_275 = tpu.memref_slice %arg43[%dma_start3A_274] : memref<640xf32, #tpu.memory_space<vmem>> -> memref<64xf32, #tpu.memory_space<vmem>>
      %dma_start3A_276 = tpu.memref_slice %arg22[%run_scoped3A_246, %mul3A_245] : memref<7x1024xf32, #tpu.memory_space<hbm>> -> memref<1x64xf32, #tpu.memory_space<hbm>>
      %dma_start3A_277 = tpu.memref_squeeze %dma_start3A_276 : memref<1x64xf32, #tpu.memory_space<hbm>> -> memref<64xf32, #tpu.memory_space<hbm>>
      %dma_start3A_278 = tpu.memref_slice %arg22[%run_scoped3A_246, %mul3A_245] : memref<7x1024xf32, #tpu.memory_space<hbm>> -> memref<1x64xf32, #tpu.memory_space<hbm>>
      %dma_start3A_279 = tpu.memref_squeeze %dma_start3A_278 : memref<1x64xf32, #tpu.memory_space<hbm>> -> memref<64xf32, #tpu.memory_space<hbm>>
      %dma_start3A_280 = arith.constant 64 : i32
      %dma_start3A_281 = tpu.memref_slice %arg43[%dma_start3A_280] : memref<640xf32, #tpu.memory_space<vmem>> -> memref<64xf32, #tpu.memory_space<vmem>>
      tpu.enqueue_dma source(%dma_start3A_281 : memref<64xf32, #tpu.memory_space<vmem>>) target(%dma_start3A_279 : memref<64xf32, #tpu.memory_space<hbm>>) target_semaphore(%run_scoped3A_273 : memref<!tpu.dma_semaphore, #tpu.memory_space<semaphore_mem>>)
      %dma_wait3A_282 = arith.constant 64 : i32
      %dma_wait3A_283 = tpu.memref_slice %arg43[%dma_wait3A_282] : memref<640xf32, #tpu.memory_space<vmem>> -> memref<64xf32, #tpu.memory_space<vmem>>
      %dma_wait3A_284 = tpu.memref_slice %arg22[%run_scoped3A_246, %mul3A_245] : memref<7x1024xf32, #tpu.memory_space<hbm>> -> memref<1x64xf32, #tpu.memory_space<hbm>>
      %dma_wait3A_285 = tpu.memref_squeeze %dma_wait3A_284 : memref<1x64xf32, #tpu.memory_space<hbm>> -> memref<64xf32, #tpu.memory_space<hbm>>
      %dma_wait3A_286 = tpu.memref_slice %arg22[%run_scoped3A_246, %mul3A_245] : memref<7x1024xf32, #tpu.memory_space<hbm>> -> memref<1x64xf32, #tpu.memory_space<hbm>>
      %dma_wait3A_287 = tpu.memref_squeeze %dma_wait3A_286 : memref<1x64xf32, #tpu.memory_space<hbm>> -> memref<64xf32, #tpu.memory_space<hbm>>
      %dma_wait3A_288 = arith.constant 64 : i32
      %dma_wait3A_289 = tpu.memref_slice %arg43[%dma_wait3A_288] : memref<640xf32, #tpu.memory_space<vmem>> -> memref<64xf32, #tpu.memory_space<vmem>>
      tpu.wait_dma2 semaphore(%run_scoped3A_273 : memref<!tpu.dma_semaphore, #tpu.memory_space<semaphore_mem>>) src(%dma_wait3A_289 : memref<64xf32, #tpu.memory_space<vmem>>) dst(%dma_wait3A_287 : memref<64xf32, #tpu.memory_space<hbm>>)
      tpu.yield
    }) : () -> ()
    %mul3A_247 = arith.constant 64 : i32
    %mul3A_248 = arith.muli %arg1, %mul3A_247 : i32
    %run_scoped3A_249 = arith.constant 2 : i32
    "tpu.region"() ({
      %run_scoped3A_273 = tpu.sem_alloc : memref<!tpu.dma_semaphore, #tpu.memory_space<semaphore_mem>>
      %dma_start3A_274 = arith.constant 128 : i32
      %dma_start3A_275 = tpu.memref_slice %arg43[%dma_start3A_274] : memref<640xf32, #tpu.memory_space<vmem>> -> memref<64xf32, #tpu.memory_space<vmem>>
      %dma_start3A_276 = tpu.memref_slice %arg22[%run_scoped3A_249, %mul3A_248] : memref<7x1024xf32, #tpu.memory_space<hbm>> -> memref<1x64xf32, #tpu.memory_space<hbm>>
      %dma_start3A_277 = tpu.memref_squeeze %dma_start3A_276 : memref<1x64xf32, #tpu.memory_space<hbm>> -> memref<64xf32, #tpu.memory_space<hbm>>
      %dma_start3A_278 = tpu.memref_slice %arg22[%run_scoped3A_249, %mul3A_248] : memref<7x1024xf32, #tpu.memory_space<hbm>> -> memref<1x64xf32, #tpu.memory_space<hbm>>
      %dma_start3A_279 = tpu.memref_squeeze %dma_start3A_278 : memref<1x64xf32, #tpu.memory_space<hbm>> -> memref<64xf32, #tpu.memory_space<hbm>>
      %dma_start3A_280 = arith.constant 128 : i32
      %dma_start3A_281 = tpu.memref_slice %arg43[%dma_start3A_280] : memref<640xf32, #tpu.memory_space<vmem>> -> memref<64xf32, #tpu.memory_space<vmem>>
      tpu.enqueue_dma source(%dma_start3A_281 : memref<64xf32, #tpu.memory_space<vmem>>) target(%dma_start3A_279 : memref<64xf32, #tpu.memory_space<hbm>>) target_semaphore(%run_scoped3A_273 : memref<!tpu.dma_semaphore, #tpu.memory_space<semaphore_mem>>)
      %dma_wait3A_282 = arith.constant 128 : i32
      %dma_wait3A_283 = tpu.memref_slice %arg43[%dma_wait3A_282] : memref<640xf32, #tpu.memory_space<vmem>> -> memref<64xf32, #tpu.memory_space<vmem>>
      %dma_wait3A_284 = tpu.memref_slice %arg22[%run_scoped3A_249, %mul3A_248] : memref<7x1024xf32, #tpu.memory_space<hbm>> -> memref<1x64xf32, #tpu.memory_space<hbm>>
      %dma_wait3A_285 = tpu.memref_squeeze %dma_wait3A_284 : memref<1x64xf32, #tpu.memory_space<hbm>> -> memref<64xf32, #tpu.memory_space<hbm>>
      %dma_wait3A_286 = tpu.memref_slice %arg22[%run_scoped3A_249, %mul3A_248] : memref<7x1024xf32, #tpu.memory_space<hbm>> -> memref<1x64xf32, #tpu.memory_space<hbm>>
      %dma_wait3A_287 = tpu.memref_squeeze %dma_wait3A_286 : memref<1x64xf32, #tpu.memory_space<hbm>> -> memref<64xf32, #tpu.memory_space<hbm>>
      %dma_wait3A_288 = arith.constant 128 : i32
      %dma_wait3A_289 = tpu.memref_slice %arg43[%dma_wait3A_288] : memref<640xf32, #tpu.memory_space<vmem>> -> memref<64xf32, #tpu.memory_space<vmem>>
      tpu.wait_dma2 semaphore(%run_scoped3A_273 : memref<!tpu.dma_semaphore, #tpu.memory_space<semaphore_mem>>) src(%dma_wait3A_289 : memref<64xf32, #tpu.memory_space<vmem>>) dst(%dma_wait3A_287 : memref<64xf32, #tpu.memory_space<hbm>>)
      tpu.yield
    }) : () -> ()
    %mul3A_250 = arith.constant 64 : i32
    %mul3A_251 = arith.muli %arg1, %mul3A_250 : i32
    %run_scoped3A_252 = arith.constant 3 : i32
    "tpu.region"() ({
      %run_scoped3A_273 = tpu.sem_alloc : memref<!tpu.dma_semaphore, #tpu.memory_space<semaphore_mem>>
      %dma_start3A_274 = arith.constant 192 : i32
      %dma_start3A_275 = tpu.memref_slice %arg43[%dma_start3A_274] : memref<640xf32, #tpu.memory_space<vmem>> -> memref<64xf32, #tpu.memory_space<vmem>>
      %dma_start3A_276 = tpu.memref_slice %arg22[%run_scoped3A_252, %mul3A_251] : memref<7x1024xf32, #tpu.memory_space<hbm>> -> memref<1x64xf32, #tpu.memory_space<hbm>>
      %dma_start3A_277 = tpu.memref_squeeze %dma_start3A_276 : memref<1x64xf32, #tpu.memory_space<hbm>> -> memref<64xf32, #tpu.memory_space<hbm>>
      %dma_start3A_278 = tpu.memref_slice %arg22[%run_scoped3A_252, %mul3A_251] : memref<7x1024xf32, #tpu.memory_space<hbm>> -> memref<1x64xf32, #tpu.memory_space<hbm>>
      %dma_start3A_279 = tpu.memref_squeeze %dma_start3A_278 : memref<1x64xf32, #tpu.memory_space<hbm>> -> memref<64xf32, #tpu.memory_space<hbm>>
      %dma_start3A_280 = arith.constant 192 : i32
      %dma_start3A_281 = tpu.memref_slice %arg43[%dma_start3A_280] : memref<640xf32, #tpu.memory_space<vmem>> -> memref<64xf32, #tpu.memory_space<vmem>>
      tpu.enqueue_dma source(%dma_start3A_281 : memref<64xf32, #tpu.memory_space<vmem>>) target(%dma_start3A_279 : memref<64xf32, #tpu.memory_space<hbm>>) target_semaphore(%run_scoped3A_273 : memref<!tpu.dma_semaphore, #tpu.memory_space<semaphore_mem>>)
      %dma_wait3A_282 = arith.constant 192 : i32
      %dma_wait3A_283 = tpu.memref_slice %arg43[%dma_wait3A_282] : memref<640xf32, #tpu.memory_space<vmem>> -> memref<64xf32, #tpu.memory_space<vmem>>
      %dma_wait3A_284 = tpu.memref_slice %arg22[%run_scoped3A_252, %mul3A_251] : memref<7x1024xf32, #tpu.memory_space<hbm>> -> memref<1x64xf32, #tpu.memory_space<hbm>>
      %dma_wait3A_285 = tpu.memref_squeeze %dma_wait3A_284 : memref<1x64xf32, #tpu.memory_space<hbm>> -> memref<64xf32, #tpu.memory_space<hbm>>
      %dma_wait3A_286 = tpu.memref_slice %arg22[%run_scoped3A_252, %mul3A_251] : memref<7x1024xf32, #tpu.memory_space<hbm>> -> memref<1x64xf32, #tpu.memory_space<hbm>>
      %dma_wait3A_287 = tpu.memref_squeeze %dma_wait3A_286 : memref<1x64xf32, #tpu.memory_space<hbm>> -> memref<64xf32, #tpu.memory_space<hbm>>
      %dma_wait3A_288 = arith.constant 192 : i32
      %dma_wait3A_289 = tpu.memref_slice %arg43[%dma_wait3A_288] : memref<640xf32, #tpu.memory_space<vmem>> -> memref<64xf32, #tpu.memory_space<vmem>>
      tpu.wait_dma2 semaphore(%run_scoped3A_273 : memref<!tpu.dma_semaphore, #tpu.memory_space<semaphore_mem>>) src(%dma_wait3A_289 : memref<64xf32, #tpu.memory_space<vmem>>) dst(%dma_wait3A_287 : memref<64xf32, #tpu.memory_space<hbm>>)
      tpu.yield
    }) : () -> ()
    %mul3A_253 = arith.constant 64 : i32
    %mul3A_254 = arith.muli %arg1, %mul3A_253 : i32
    %run_scoped3A_255 = arith.constant 4 : i32
    "tpu.region"() ({
      %run_scoped3A_273 = tpu.sem_alloc : memref<!tpu.dma_semaphore, #tpu.memory_space<semaphore_mem>>
      %dma_start3A_274 = arith.constant 256 : i32
      %dma_start3A_275 = tpu.memref_slice %arg43[%dma_start3A_274] : memref<640xf32, #tpu.memory_space<vmem>> -> memref<64xf32, #tpu.memory_space<vmem>>
      %dma_start3A_276 = tpu.memref_slice %arg22[%run_scoped3A_255, %mul3A_254] : memref<7x1024xf32, #tpu.memory_space<hbm>> -> memref<1x64xf32, #tpu.memory_space<hbm>>
      %dma_start3A_277 = tpu.memref_squeeze %dma_start3A_276 : memref<1x64xf32, #tpu.memory_space<hbm>> -> memref<64xf32, #tpu.memory_space<hbm>>
      %dma_start3A_278 = tpu.memref_slice %arg22[%run_scoped3A_255, %mul3A_254] : memref<7x1024xf32, #tpu.memory_space<hbm>> -> memref<1x64xf32, #tpu.memory_space<hbm>>
      %dma_start3A_279 = tpu.memref_squeeze %dma_start3A_278 : memref<1x64xf32, #tpu.memory_space<hbm>> -> memref<64xf32, #tpu.memory_space<hbm>>
      %dma_start3A_280 = arith.constant 256 : i32
      %dma_start3A_281 = tpu.memref_slice %arg43[%dma_start3A_280] : memref<640xf32, #tpu.memory_space<vmem>> -> memref<64xf32, #tpu.memory_space<vmem>>
      tpu.enqueue_dma source(%dma_start3A_281 : memref<64xf32, #tpu.memory_space<vmem>>) target(%dma_start3A_279 : memref<64xf32, #tpu.memory_space<hbm>>) target_semaphore(%run_scoped3A_273 : memref<!tpu.dma_semaphore, #tpu.memory_space<semaphore_mem>>)
      %dma_wait3A_282 = arith.constant 256 : i32
      %dma_wait3A_283 = tpu.memref_slice %arg43[%dma_wait3A_282] : memref<640xf32, #tpu.memory_space<vmem>> -> memref<64xf32, #tpu.memory_space<vmem>>
      %dma_wait3A_284 = tpu.memref_slice %arg22[%run_scoped3A_255, %mul3A_254] : memref<7x1024xf32, #tpu.memory_space<hbm>> -> memref<1x64xf32, #tpu.memory_space<hbm>>
      %dma_wait3A_285 = tpu.memref_squeeze %dma_wait3A_284 : memref<1x64xf32, #tpu.memory_space<hbm>> -> memref<64xf32, #tpu.memory_space<hbm>>
      %dma_wait3A_286 = tpu.memref_slice %arg22[%run_scoped3A_255, %mul3A_254] : memref<7x1024xf32, #tpu.memory_space<hbm>> -> memref<1x64xf32, #tpu.memory_space<hbm>>
      %dma_wait3A_287 = tpu.memref_squeeze %dma_wait3A_286 : memref<1x64xf32, #tpu.memory_space<hbm>> -> memref<64xf32, #tpu.memory_space<hbm>>
      %dma_wait3A_288 = arith.constant 256 : i32
      %dma_wait3A_289 = tpu.memref_slice %arg43[%dma_wait3A_288] : memref<640xf32, #tpu.memory_space<vmem>> -> memref<64xf32, #tpu.memory_space<vmem>>
      tpu.wait_dma2 semaphore(%run_scoped3A_273 : memref<!tpu.dma_semaphore, #tpu.memory_space<semaphore_mem>>) src(%dma_wait3A_289 : memref<64xf32, #tpu.memory_space<vmem>>) dst(%dma_wait3A_287 : memref<64xf32, #tpu.memory_space<hbm>>)
      tpu.yield
    }) : () -> ()
    %mul3A_256 = arith.constant 64 : i32
    %mul3A_257 = arith.muli %arg1, %mul3A_256 : i32
    %run_scoped3A_258 = arith.constant 5 : i32
    "tpu.region"() ({
      %run_scoped3A_273 = tpu.sem_alloc : memref<!tpu.dma_semaphore, #tpu.memory_space<semaphore_mem>>
      %dma_start3A_274 = arith.constant 320 : i32
      %dma_start3A_275 = tpu.memref_slice %arg43[%dma_start3A_274] : memref<640xf32, #tpu.memory_space<vmem>> -> memref<64xf32, #tpu.memory_space<vmem>>
      %dma_start3A_276 = tpu.memref_slice %arg22[%run_scoped3A_258, %mul3A_257] : memref<7x1024xf32, #tpu.memory_space<hbm>> -> memref<1x64xf32, #tpu.memory_space<hbm>>
      %dma_start3A_277 = tpu.memref_squeeze %dma_start3A_276 : memref<1x64xf32, #tpu.memory_space<hbm>> -> memref<64xf32, #tpu.memory_space<hbm>>
      %dma_start3A_278 = tpu.memref_slice %arg22[%run_scoped3A_258, %mul3A_257] : memref<7x1024xf32, #tpu.memory_space<hbm>> -> memref<1x64xf32, #tpu.memory_space<hbm>>
      %dma_start3A_279 = tpu.memref_squeeze %dma_start3A_278 : memref<1x64xf32, #tpu.memory_space<hbm>> -> memref<64xf32, #tpu.memory_space<hbm>>
      %dma_start3A_280 = arith.constant 320 : i32
      %dma_start3A_281 = tpu.memref_slice %arg43[%dma_start3A_280] : memref<640xf32, #tpu.memory_space<vmem>> -> memref<64xf32, #tpu.memory_space<vmem>>
      tpu.enqueue_dma source(%dma_start3A_281 : memref<64xf32, #tpu.memory_space<vmem>>) target(%dma_start3A_279 : memref<64xf32, #tpu.memory_space<hbm>>) target_semaphore(%run_scoped3A_273 : memref<!tpu.dma_semaphore, #tpu.memory_space<semaphore_mem>>)
      %dma_wait3A_282 = arith.constant 320 : i32
      %dma_wait3A_283 = tpu.memref_slice %arg43[%dma_wait3A_282] : memref<640xf32, #tpu.memory_space<vmem>> -> memref<64xf32, #tpu.memory_space<vmem>>
      %dma_wait3A_284 = tpu.memref_slice %arg22[%run_scoped3A_258, %mul3A_257] : memref<7x1024xf32, #tpu.memory_space<hbm>> -> memref<1x64xf32, #tpu.memory_space<hbm>>
      %dma_wait3A_285 = tpu.memref_squeeze %dma_wait3A_284 : memref<1x64xf32, #tpu.memory_space<hbm>> -> memref<64xf32, #tpu.memory_space<hbm>>
      %dma_wait3A_286 = tpu.memref_slice %arg22[%run_scoped3A_258, %mul3A_257] : memref<7x1024xf32, #tpu.memory_space<hbm>> -> memref<1x64xf32, #tpu.memory_space<hbm>>
      %dma_wait3A_287 = tpu.memref_squeeze %dma_wait3A_286 : memref<1x64xf32, #tpu.memory_space<hbm>> -> memref<64xf32, #tpu.memory_space<hbm>>
      %dma_wait3A_288 = arith.constant 320 : i32
      %dma_wait3A_289 = tpu.memref_slice %arg43[%dma_wait3A_288] : memref<640xf32, #tpu.memory_space<vmem>> -> memref<64xf32, #tpu.memory_space<vmem>>
      tpu.wait_dma2 semaphore(%run_scoped3A_273 : memref<!tpu.dma_semaphore, #tpu.memory_space<semaphore_mem>>) src(%dma_wait3A_289 : memref<64xf32, #tpu.memory_space<vmem>>) dst(%dma_wait3A_287 : memref<64xf32, #tpu.memory_space<hbm>>)
      tpu.yield
    }) : () -> ()
    %mul3A_259 = arith.constant 64 : i32
    %mul3A_260 = arith.muli %arg1, %mul3A_259 : i32
    %run_scoped3A_261 = arith.constant 6 : i32
    "tpu.region"() ({
      %run_scoped3A_273 = tpu.sem_alloc : memref<!tpu.dma_semaphore, #tpu.memory_space<semaphore_mem>>
      %dma_start3A_274 = arith.constant 384 : i32
      %dma_start3A_275 = tpu.memref_slice %arg43[%dma_start3A_274] : memref<640xf32, #tpu.memory_space<vmem>> -> memref<64xf32, #tpu.memory_space<vmem>>
      %dma_start3A_276 = tpu.memref_slice %arg22[%run_scoped3A_261, %mul3A_260] : memref<7x1024xf32, #tpu.memory_space<hbm>> -> memref<1x64xf32, #tpu.memory_space<hbm>>
      %dma_start3A_277 = tpu.memref_squeeze %dma_start3A_276 : memref<1x64xf32, #tpu.memory_space<hbm>> -> memref<64xf32, #tpu.memory_space<hbm>>
      %dma_start3A_278 = tpu.memref_slice %arg22[%run_scoped3A_261, %mul3A_260] : memref<7x1024xf32, #tpu.memory_space<hbm>> -> memref<1x64xf32, #tpu.memory_space<hbm>>
      %dma_start3A_279 = tpu.memref_squeeze %dma_start3A_278 : memref<1x64xf32, #tpu.memory_space<hbm>> -> memref<64xf32, #tpu.memory_space<hbm>>
      %dma_start3A_280 = arith.constant 384 : i32
      %dma_start3A_281 = tpu.memref_slice %arg43[%dma_start3A_280] : memref<640xf32, #tpu.memory_space<vmem>> -> memref<64xf32, #tpu.memory_space<vmem>>
      tpu.enqueue_dma source(%dma_start3A_281 : memref<64xf32, #tpu.memory_space<vmem>>) target(%dma_start3A_279 : memref<64xf32, #tpu.memory_space<hbm>>) target_semaphore(%run_scoped3A_273 : memref<!tpu.dma_semaphore, #tpu.memory_space<semaphore_mem>>)
      %dma_wait3A_282 = arith.constant 384 : i32
      %dma_wait3A_283 = tpu.memref_slice %arg43[%dma_wait3A_282] : memref<640xf32, #tpu.memory_space<vmem>> -> memref<64xf32, #tpu.memory_space<vmem>>
      %dma_wait3A_284 = tpu.memref_slice %arg22[%run_scoped3A_261, %mul3A_260] : memref<7x1024xf32, #tpu.memory_space<hbm>> -> memref<1x64xf32, #tpu.memory_space<hbm>>
      %dma_wait3A_285 = tpu.memref_squeeze %dma_wait3A_284 : memref<1x64xf32, #tpu.memory_space<hbm>> -> memref<64xf32, #tpu.memory_space<hbm>>
      %dma_wait3A_286 = tpu.memref_slice %arg22[%run_scoped3A_261, %mul3A_260] : memref<7x1024xf32, #tpu.memory_space<hbm>> -> memref<1x64xf32, #tpu.memory_space<hbm>>
      %dma_wait3A_287 = tpu.memref_squeeze %dma_wait3A_286 : memref<1x64xf32, #tpu.memory_space<hbm>> -> memref<64xf32, #tpu.memory_space<hbm>>
      %dma_wait3A_288 = arith.constant 384 : i32
      %dma_wait3A_289 = tpu.memref_slice %arg43[%dma_wait3A_288] : memref<640xf32, #tpu.memory_space<vmem>> -> memref<64xf32, #tpu.memory_space<vmem>>
      tpu.wait_dma2 semaphore(%run_scoped3A_273 : memref<!tpu.dma_semaphore, #tpu.memory_space<semaphore_mem>>) src(%dma_wait3A_289 : memref<64xf32, #tpu.memory_space<vmem>>) dst(%dma_wait3A_287 : memref<64xf32, #tpu.memory_space<hbm>>)
      tpu.yield
    }) : () -> ()
    %mul3A_262 = arith.constant 64 : i32
    %mul3A_263 = arith.muli %arg1, %mul3A_262 : i32
    %run_scoped3A_264 = arith.constant 0 : i32
    "tpu.region"() ({
      %run_scoped3A_273 = tpu.sem_alloc : memref<!tpu.dma_semaphore, #tpu.memory_space<semaphore_mem>>
      %dma_start3A_274 = arith.constant 448 : i32
      %dma_start3A_275 = tpu.memref_slice %arg43[%dma_start3A_274] : memref<640xf32, #tpu.memory_space<vmem>> -> memref<64xf32, #tpu.memory_space<vmem>>
      %dma_start3A_276 = tpu.memref_slice %arg23[%run_scoped3A_264, %mul3A_263] : memref<3x1024xf32, #tpu.memory_space<hbm>> -> memref<1x64xf32, #tpu.memory_space<hbm>>
      %dma_start3A_277 = tpu.memref_squeeze %dma_start3A_276 : memref<1x64xf32, #tpu.memory_space<hbm>> -> memref<64xf32, #tpu.memory_space<hbm>>
      %dma_start3A_278 = tpu.memref_slice %arg23[%run_scoped3A_264, %mul3A_263] : memref<3x1024xf32, #tpu.memory_space<hbm>> -> memref<1x64xf32, #tpu.memory_space<hbm>>
      %dma_start3A_279 = tpu.memref_squeeze %dma_start3A_278 : memref<1x64xf32, #tpu.memory_space<hbm>> -> memref<64xf32, #tpu.memory_space<hbm>>
      %dma_start3A_280 = arith.constant 448 : i32
      %dma_start3A_281 = tpu.memref_slice %arg43[%dma_start3A_280] : memref<640xf32, #tpu.memory_space<vmem>> -> memref<64xf32, #tpu.memory_space<vmem>>
      tpu.enqueue_dma source(%dma_start3A_281 : memref<64xf32, #tpu.memory_space<vmem>>) target(%dma_start3A_279 : memref<64xf32, #tpu.memory_space<hbm>>) target_semaphore(%run_scoped3A_273 : memref<!tpu.dma_semaphore, #tpu.memory_space<semaphore_mem>>)
      %dma_wait3A_282 = arith.constant 448 : i32
      %dma_wait3A_283 = tpu.memref_slice %arg43[%dma_wait3A_282] : memref<640xf32, #tpu.memory_space<vmem>> -> memref<64xf32, #tpu.memory_space<vmem>>
      %dma_wait3A_284 = tpu.memref_slice %arg23[%run_scoped3A_264, %mul3A_263] : memref<3x1024xf32, #tpu.memory_space<hbm>> -> memref<1x64xf32, #tpu.memory_space<hbm>>
      %dma_wait3A_285 = tpu.memref_squeeze %dma_wait3A_284 : memref<1x64xf32, #tpu.memory_space<hbm>> -> memref<64xf32, #tpu.memory_space<hbm>>
      %dma_wait3A_286 = tpu.memref_slice %arg23[%run_scoped3A_264, %mul3A_263] : memref<3x1024xf32, #tpu.memory_space<hbm>> -> memref<1x64xf32, #tpu.memory_space<hbm>>
      %dma_wait3A_287 = tpu.memref_squeeze %dma_wait3A_286 : memref<1x64xf32, #tpu.memory_space<hbm>> -> memref<64xf32, #tpu.memory_space<hbm>>
      %dma_wait3A_288 = arith.constant 448 : i32
      %dma_wait3A_289 = tpu.memref_slice %arg43[%dma_wait3A_288] : memref<640xf32, #tpu.memory_space<vmem>> -> memref<64xf32, #tpu.memory_space<vmem>>
      tpu.wait_dma2 semaphore(%run_scoped3A_273 : memref<!tpu.dma_semaphore, #tpu.memory_space<semaphore_mem>>) src(%dma_wait3A_289 : memref<64xf32, #tpu.memory_space<vmem>>) dst(%dma_wait3A_287 : memref<64xf32, #tpu.memory_space<hbm>>)
      tpu.yield
    }) : () -> ()
    %mul3A_265 = arith.constant 64 : i32
    %mul3A_266 = arith.muli %arg1, %mul3A_265 : i32
    %run_scoped3A_267 = arith.constant 1 : i32
    "tpu.region"() ({
      %run_scoped3A_273 = tpu.sem_alloc : memref<!tpu.dma_semaphore, #tpu.memory_space<semaphore_mem>>
      %dma_start3A_274 = arith.constant 512 : i32
      %dma_start3A_275 = tpu.memref_slice %arg43[%dma_start3A_274] : memref<640xf32, #tpu.memory_space<vmem>> -> memref<64xf32, #tpu.memory_space<vmem>>
      %dma_start3A_276 = tpu.memref_slice %arg23[%run_scoped3A_267, %mul3A_266] : memref<3x1024xf32, #tpu.memory_space<hbm>> -> memref<1x64xf32, #tpu.memory_space<hbm>>
      %dma_start3A_277 = tpu.memref_squeeze %dma_start3A_276 : memref<1x64xf32, #tpu.memory_space<hbm>> -> memref<64xf32, #tpu.memory_space<hbm>>
      %dma_start3A_278 = tpu.memref_slice %arg23[%run_scoped3A_267, %mul3A_266] : memref<3x1024xf32, #tpu.memory_space<hbm>> -> memref<1x64xf32, #tpu.memory_space<hbm>>
      %dma_start3A_279 = tpu.memref_squeeze %dma_start3A_278 : memref<1x64xf32, #tpu.memory_space<hbm>> -> memref<64xf32, #tpu.memory_space<hbm>>
      %dma_start3A_280 = arith.constant 512 : i32
      %dma_start3A_281 = tpu.memref_slice %arg43[%dma_start3A_280] : memref<640xf32, #tpu.memory_space<vmem>> -> memref<64xf32, #tpu.memory_space<vmem>>
      tpu.enqueue_dma source(%dma_start3A_281 : memref<64xf32, #tpu.memory_space<vmem>>) target(%dma_start3A_279 : memref<64xf32, #tpu.memory_space<hbm>>) target_semaphore(%run_scoped3A_273 : memref<!tpu.dma_semaphore, #tpu.memory_space<semaphore_mem>>)
      %dma_wait3A_282 = arith.constant 512 : i32
      %dma_wait3A_283 = tpu.memref_slice %arg43[%dma_wait3A_282] : memref<640xf32, #tpu.memory_space<vmem>> -> memref<64xf32, #tpu.memory_space<vmem>>
      %dma_wait3A_284 = tpu.memref_slice %arg23[%run_scoped3A_267, %mul3A_266] : memref<3x1024xf32, #tpu.memory_space<hbm>> -> memref<1x64xf32, #tpu.memory_space<hbm>>
      %dma_wait3A_285 = tpu.memref_squeeze %dma_wait3A_284 : memref<1x64xf32, #tpu.memory_space<hbm>> -> memref<64xf32, #tpu.memory_space<hbm>>
      %dma_wait3A_286 = tpu.memref_slice %arg23[%run_scoped3A_267, %mul3A_266] : memref<3x1024xf32, #tpu.memory_space<hbm>> -> memref<1x64xf32, #tpu.memory_space<hbm>>
      %dma_wait3A_287 = tpu.memref_squeeze %dma_wait3A_286 : memref<1x64xf32, #tpu.memory_space<hbm>> -> memref<64xf32, #tpu.memory_space<hbm>>
      %dma_wait3A_288 = arith.constant 512 : i32
      %dma_wait3A_289 = tpu.memref_slice %arg43[%dma_wait3A_288] : memref<640xf32, #tpu.memory_space<vmem>> -> memref<64xf32, #tpu.memory_space<vmem>>
      tpu.wait_dma2 semaphore(%run_scoped3A_273 : memref<!tpu.dma_semaphore, #tpu.memory_space<semaphore_mem>>) src(%dma_wait3A_289 : memref<64xf32, #tpu.memory_space<vmem>>) dst(%dma_wait3A_287 : memref<64xf32, #tpu.memory_space<hbm>>)
      tpu.yield
    }) : () -> ()
    %mul3A_268 = arith.constant 64 : i32
    %mul3A_269 = arith.muli %arg1, %mul3A_268 : i32
    %run_scoped3A_270 = arith.constant 2 : i32
    "tpu.region"() ({
      %run_scoped3A_273 = tpu.sem_alloc : memref<!tpu.dma_semaphore, #tpu.memory_space<semaphore_mem>>
      %dma_start3A_274 = arith.constant 576 : i32
      %dma_start3A_275 = tpu.memref_slice %arg43[%dma_start3A_274] : memref<640xf32, #tpu.memory_space<vmem>> -> memref<64xf32, #tpu.memory_space<vmem>>
      %dma_start3A_276 = tpu.memref_slice %arg23[%run_scoped3A_270, %mul3A_269] : memref<3x1024xf32, #tpu.memory_space<hbm>> -> memref<1x64xf32, #tpu.memory_space<hbm>>
      %dma_start3A_277 = tpu.memref_squeeze %dma_start3A_276 : memref<1x64xf32, #tpu.memory_space<hbm>> -> memref<64xf32, #tpu.memory_space<hbm>>
      %dma_start3A_278 = tpu.memref_slice %arg23[%run_scoped3A_270, %mul3A_269] : memref<3x1024xf32, #tpu.memory_space<hbm>> -> memref<1x64xf32, #tpu.memory_space<hbm>>
      %dma_start3A_279 = tpu.memref_squeeze %dma_start3A_278 : memref<1x64xf32, #tpu.memory_space<hbm>> -> memref<64xf32, #tpu.memory_space<hbm>>
      %dma_start3A_280 = arith.constant 576 : i32
      %dma_start3A_281 = tpu.memref_slice %arg43[%dma_start3A_280] : memref<640xf32, #tpu.memory_space<vmem>> -> memref<64xf32, #tpu.memory_space<vmem>>
      tpu.enqueue_dma source(%dma_start3A_281 : memref<64xf32, #tpu.memory_space<vmem>>) target(%dma_start3A_279 : memref<64xf32, #tpu.memory_space<hbm>>) target_semaphore(%run_scoped3A_273 : memref<!tpu.dma_semaphore, #tpu.memory_space<semaphore_mem>>)
      %dma_wait3A_282 = arith.constant 576 : i32
      %dma_wait3A_283 = tpu.memref_slice %arg43[%dma_wait3A_282] : memref<640xf32, #tpu.memory_space<vmem>> -> memref<64xf32, #tpu.memory_space<vmem>>
      %dma_wait3A_284 = tpu.memref_slice %arg23[%run_scoped3A_270, %mul3A_269] : memref<3x1024xf32, #tpu.memory_space<hbm>> -> memref<1x64xf32, #tpu.memory_space<hbm>>
      %dma_wait3A_285 = tpu.memref_squeeze %dma_wait3A_284 : memref<1x64xf32, #tpu.memory_space<hbm>> -> memref<64xf32, #tpu.memory_space<hbm>>
      %dma_wait3A_286 = tpu.memref_slice %arg23[%run_scoped3A_270, %mul3A_269] : memref<3x1024xf32, #tpu.memory_space<hbm>> -> memref<1x64xf32, #tpu.memory_space<hbm>>
      %dma_wait3A_287 = tpu.memref_squeeze %dma_wait3A_286 : memref<1x64xf32, #tpu.memory_space<hbm>> -> memref<64xf32, #tpu.memory_space<hbm>>
      %dma_wait3A_288 = arith.constant 576 : i32
      %dma_wait3A_289 = tpu.memref_slice %arg43[%dma_wait3A_288] : memref<640xf32, #tpu.memory_space<vmem>> -> memref<64xf32, #tpu.memory_space<vmem>>
      tpu.wait_dma2 semaphore(%run_scoped3A_273 : memref<!tpu.dma_semaphore, #tpu.memory_space<semaphore_mem>>) src(%dma_wait3A_289 : memref<64xf32, #tpu.memory_space<vmem>>) dst(%dma_wait3A_287 : memref<64xf32, #tpu.memory_space<hbm>>)
      tpu.yield
    }) : () -> ()
    %mul3A_271 = arith.constant 64 : i32
    %mul3A_272 = arith.muli %arg1, %mul3A_271 : i32
    "tpu.region"() ({
      %run_scoped3A_273 = tpu.sem_alloc : memref<!tpu.dma_semaphore, #tpu.memory_space<semaphore_mem>>
      %dma_start3A_274 = tpu.memref_slice %arg24[%mul3A_272] : memref<1024xi32, #tpu.memory_space<hbm>> -> memref<64xi32, #tpu.memory_space<hbm>>
      %dma_start3A_275 = tpu.memref_slice %arg24[%mul3A_272] : memref<1024xi32, #tpu.memory_space<hbm>> -> memref<64xi32, #tpu.memory_space<hbm>>
      tpu.enqueue_dma source(%arg44 : memref<64xi32, #tpu.memory_space<vmem>>) target(%dma_start3A_275 : memref<64xi32, #tpu.memory_space<hbm>>) target_semaphore(%run_scoped3A_273 : memref<!tpu.dma_semaphore, #tpu.memory_space<semaphore_mem>>)
      %dma_wait3A_276 = tpu.memref_slice %arg24[%mul3A_272] : memref<1024xi32, #tpu.memory_space<hbm>> -> memref<64xi32, #tpu.memory_space<hbm>>
      %dma_wait3A_277 = tpu.memref_slice %arg24[%mul3A_272] : memref<1024xi32, #tpu.memory_space<hbm>> -> memref<64xi32, #tpu.memory_space<hbm>>
      tpu.wait_dma2 semaphore(%run_scoped3A_273 : memref<!tpu.dma_semaphore, #tpu.memory_space<semaphore_mem>>) src(%arg44 : memref<64xi32, #tpu.memory_space<vmem>>) dst(%dma_wait3A_277 : memref<64xi32, #tpu.memory_space<hbm>>)
      tpu.yield
    }) : () -> ()
    return
  }
}

</mosaic_0001>

<sc_bundles>
// kernel: _sc_topk.3.cloned.1.call-start
scs
__scs_entry_jumppad:
0x0: {  	(pc) =	sbr.rel $0x88, $3  }
0x1: {  	(tag) =	ssettag $0x0;
	lr =	simm.s32 $0x1  }
0x2: {  	[smem:$0x3F8D] =	sst lr;
	_ =	strace $0xD0000000  }
0x3: {  	_ = 	snop  }
0x4: {  	_ = 	snop  }
0x5: {  	_ = 	snop  }
0x6: {  	_ = 	snop  }
0x7: {  	_ = 	snop  }
__scs_overlays_trampoline_lowered:
0x8: {  	[smem:$0x3F9C] =	sst s0  }
0x9: {  	[smem:$0x3F9D] =	sst s1  }
0xa: {  	[smem:$0x3F9E] =	sst s2  }
0xb: {  	[smem:$0x3F9F] =	sst s3  }
0xc: {  	[smem:$0x3FA0] =	sst s4  }
0xd: {  	[smem:$0x3FA1] =	sst s5  }
0xe: {  	[smem:$0x3FA2] =	sst s6  }
0xf: {  	[smem:$0x3FA3] =	sst s7  }
0x10: {  	[smem:$0x3FA4] =	sst s8  }
0x11: {  	[smem:$0x3FA5] =	sst s9;
	s0 =	simm.s32 @!p0 $0x0  }
0x12: {  	s1 =	sld [smem:$0x3F8B];
	s0 =	simm.s32 @p0 $0x1  }
0x13: {  	[smem:$0x3FA6] =	sst s0;
	s0 =	simm.s32 @!p1 $0x0  }
0x14: {  	s2 =	sld [smem:$0x3F8A];
	s0 =	simm.s32 @p1 $0x1  }
0x15: {  	[smem:$0x3FA7] =	sst s0;
	s0 =	simm.s32 @!p2 $0x0  }
0x16: {  	s3 =	sld [smem:$0x3FDB];
	s0 =	simm.s32 @p2 $0x1  }
0x17: {  	s4 =	simm.s32 $0x1BF5;
	[smem:$0x3FA9] =	sst s0  }
0x18: {  	s0 =	sld [smem:$0x3F8C];
	_ =	swait.ge [sflag:s4], $0x0  }
0x19: {  	s7 =	sld [smem:$0x3F8D]  }
0x1a: {  	s8 =	sadd.s32 $0xFFFFE003, lr  }
0x1b: {  	s9 =	sadd.s32 $0xFFFFFEF7, lr;
	s5 =	simm.s32 $0xFFFFFFFF;
	p2 =	slt.u32 s8, $0xFFFFF086  }
0x1c: {  	p1 =	slt.u32 s9, $0xF7A;
	s5 =	simm.s32 @!p2 $0x0  }
0x1d: {  	s5 =	simm.s32 @p1 $0x1;
	p0 =	seq.s32 s7, s2  }
0x1e: {  	s7 =	smul.u32 @!p0 $0xF7A, s2;
	p2 =	seq.s32 @!p0 s5, $0x0  }
0x1f: {  	s9 =	smul.u32 $0xF7A, s1;
	s8 =	simm.s32 @!p0 $0x1BF5;
	p2 =	por !p2, p0  }
0x20: {  	[sflag:s8] =	ssyncset.s32 @!p0 $0xFFFFF086;
	s6 =	sadd.s32 @!p0 s3, s7;
	s7 =	simm.s32 @!p0 $0x108  }
0x21: {  	s3 =	sadd.s32 s3, s9;
	s6 =	sadd.s32 @!p0 $0x88, s6;
	s7 =	simm.s32 @p2 $0x1082  }
0x22: {  	[simem:s7], [sflag:s8] =	dma.local @!p0 [hbm:s6], $0xF7A  }
0x23: {  	s9 =	sor.u32 $0xD0000000, s2;
	s6 =	simm.s32 $0x108;
	_ =	swait.ge @!p0 [sflag:s8], $0x0  }
0x24: {  	s3 =	sadd.s32 $0x88, s3;
	s6 =	simm.s32 @!p1 $0x1082;
	[sflag:s4] =	ssyncset.s32 $0xFFFFF086  }
0x25: {  	[simem:s6], [sflag:s4] =	dma.local [hbm:s3], $0xF7A  }
0x26: {  	[smem:$0x3F8D] =	sst s1;
	(tag) =	ssettag s2;
	_ =	strace s9  }
0x27: {  	s1 =	sld [smem:$0x3F9D]  }
0x28: {  	s2 =	sld [smem:$0x3F9E]  }
0x29: {  	s4 =	sld [smem:$0x3FA0]  }
0x2a: {  	p0 =	seq.s32 s5, $0x0;
	s5 =	sld [smem:$0x3FA1]  }
0x2b: {  	s6 =	sld [smem:$0x3FA2]  }
0x2c: {  	s7 =	sld [smem:$0x3FA3]  }
0x2d: {  	s3 =	simm.s32 $0x108;
	s8 =	sld [smem:$0x3FA4]  }
0x2e: {  	s3 =	simm.s32 @!p0 $0x1082;
	s9 =	sld [smem:$0x3FA5]  }
0x2f: {  	lr =	sadd.s32 s0, s3;
	s0 =	sld [smem:$0x3F9C]  }
0x30: {  	s3 =	sld [smem:$0x3F9F]  }
0x31: {  	[smem:$0x3FA8] =	sst s10  }
0x32: {  	s10 =	sld [smem:$0x3FA6];
	_ =	sdelay $0x3  }
0x33: {  	p0 =	seq.s32 s10, $0x1;
	s10 =	sld [smem:$0x3FA8];
	_ =	sdelay $0x3  }
0x34: {  	[smem:$0x3FA8] =	sst s10  }
0x35: {  	s10 =	sld [smem:$0x3FA7];
	_ =	sdelay $0x3  }
0x36: {  	p1 =	seq.s32 s10, $0x1;
	s10 =	sld [smem:$0x3FA8];
	_ =	sdelay $0x3  }
0x37: {  	[smem:$0x3FA8] =	sst s10  }
0x38: {  	s10 =	sld [smem:$0x3FA9]  }
0x39: {  	_ = 	snop;
	(pc) =	sbr.ind lr, $3  }
0x3a: {  	_ = 	snop  }
0x3b: {  	_ = 	snop  }
0x3c: {  	p2 =	seq.s32 s10, $0x1;
	s10 =	sld [smem:$0x3FA8]  }
0x3d: {  	_ =	shalt  }
0x3e: {  	_ =	shalt  }
0x3f: {  	_ =	shalt  }
0x40: {  	_ =	shalt  }
0x41: {  	_ =	shalt  }
0x42: {  	_ =	shalt  }
0x43: {  	_ =	shalt  }
0x44: {  	_ =	shalt  }
0x45: {  	_ =	shalt  }
0x46: {  	_ =	shalt  }
0x47: {  	_ =	shalt  }
0x48: {  	_ =	shalt  }
0x49: {  	_ =	shalt  }
0x4a: {  	_ =	shalt  }
0x4b: {  	_ =	shalt  }
0x4c: {  	_ =	shalt  }
0x4d: {  	_ =	shalt  }
0x4e: {  	_ =	shalt  }
0x4f: {  	_ =	shalt  }
0x50: {  	_ =	shalt  }
0x51: {  	_ =	shalt  }
0x52: {  	_ =	shalt  }
0x53: {  	_ =	shalt  }
0x54: {  	_ =	shalt  }
0x55: {  	_ =	shalt  }
0x56: {  	_ =	shalt  }
0x57: {  	_ =	shalt  }
0x58: {  	_ =	shalt  }
0x59: {  	_ =	shalt  }
0x5a: {  	_ =	shalt  }
0x5b: {  	_ =	shalt  }
0x5c: {  	_ =	shalt  }
0x5d: {  	_ =	shalt  }
0x5e: {  	_ =	shalt  }
0x5f: {  	_ =	shalt  }
0x60: {  	_ =	shalt  }
0x61: {  	_ =	shalt  }
0x62: {  	_ =	shalt  }
0x63: {  	_ =	shalt  }
0x64: {  	_ =	shalt  }
0x65: {  	_ =	shalt  }
0x66: {  	_ =	shalt  }
0x67: {  	_ =	shalt  }
0x68: {  	_ =	shalt  }
0x69: {  	_ =	shalt  }
0x6a: {  	_ =	shalt  }
0x6b: {  	_ =	shalt  }
0x6c: {  	_ =	shalt  }
0x6d: {  	_ =	shalt  }
0x6e: {  	_ =	shalt  }
0x6f: {  	_ =	shalt  }
0x70: {  	_ =	shalt  }
0x71: {  	_ =	shalt  }
0x72: {  	_ =	shalt  }
0x73: {  	_ =	shalt  }
0x74: {  	_ =	shalt  }
0x75: {  	_ =	shalt  }
0x76: {  	_ =	shalt  }
0x77: {  	_ =	shalt  }
0x78: {  	_ =	shalt  }
0x79: {  	_ =	shalt  }
0x7a: {  	_ =	shalt  }
0x7b: {  	_ =	shalt  }
0x7c: {  	_ =	shalt  }
0x7d: {  	_ =	shalt  }
0x7e: {  	_ =	shalt  }
0x7f: {  	_ =	shalt  }
0x80: {  	_ =	shalt  }
0x81: {  	_ =	shalt  }
0x82: {  	_ =	shalt  }
0x83: {  	_ =	shalt  }
0x84: {  	_ =	shalt  }
0x85: {  	_ =	shalt  }
0x86: {  	_ =	shalt  }
0x87: {  	_ =	shalt  }
.Lfunc_end0:
.L_simem_size_0:
called_computation_lowered:
.L_overlay_start_0:
0x88: {  	s0 =	sld [smem:$0x3FD9]  }
0x89: {  	s1 =	sld [smem:$0x3FFE];
	_ =	sdelay $0x3  }
0x8a: {  	s0 =	sadd.s32 s1, s0  }
0x8b: {  	[smem:$0x3FB4] =	sst s0  }
0x8c: {  	_ = 	snop  }
0x8d: {  	s0 =	sld [smem:$0x3FC9]  }
0x8e: {  	s1 =	sld [smem:$0x3FC8]  }
0x8f: {  	s2 =	sld [smem:$0x3FC7]  }
0x90: {  	s3 =	sld [smem:$0x3FC6]  }
0x91: {  	s4 =	sld [smem:$0x3FC5]  }
0x92: {  	s5 =	sld [smem:$0x3FC4]  }
0x93: {  	s6 =	sld [smem:$0x3FC3]  }
0x94: {  	s7 =	sld [smem:$0x3FC2]  }
0x95: {  	s8 =	sld [smem:$0x3FC1]  }
0x96: {  	s9 =	sld [smem:$0x3FC0]  }
0x97: {  	s10 =	sld [smem:$0x3FBF]  }
0x98: {  	s11 =	sld [smem:$0x3FBE]  }
0x99: {  	s12 =	sld [smem:$0x3FBD]  }
0x9a: {  	s13 =	sld [smem:$0x3FBC]  }
0x9b: {  	s15 =	sld [smem:$0x3FBB]  }
0x9c: {  	s16 =	sld [smem:$0x3FBA]  }
0x9d: {  	s17 =	sld [smem:$0x3FB9]  }
0x9e: {  	s14 =	sld [smem:$0x3FD0]  }
0x9f: {  	s18 =	sld [smem:$0x3FB8]  }
0xa0: {  	s19 =	sld [smem:$0x3FB7]  }
0xa1: {  	s23 =	simm.s32 $0xA;
	s21 =	simm.s32 $0x10;
	s20 =	sld [smem:$0x3FB6]  }
0xa2: {  	[smem:s21], [sflag:s23] =	dma.local [hbm:s14], $0x1  }
0xa3: {  	_ =	swait.eq [sflag:s23], $0x1  }
0xa4: {  	s21 =	sld [smem:$0x11];
	[sflag:s23] =	ssyncset.done $0x0  }
0xa5: {  	s22 =	sld [smem:$0x12];
	[sflag:s23] =	ssyncadd.s32 $0xFFFFFFFF  }
0xa6: {  	s23 =	sld [smem:$0x13];
	(tm) =	ssettm $0x1  }
0xa7: {  	s26 =	sld [smem:$0x3FFB];
	_ =	sdelay $0x3  }
0xa8: {  	_ =	strace s26  }
0xa9: {  	s14 =	sld [smem:$0x3FFC];
	_ =	sdelay $0x3  }
0xaa: {  	_ =	strace s14  }
0xab: {  	s14 =	sld [smem:$0x3FFD];
	_ =	sdelay $0x3  }
0xac: {  	_ =	strace s14  }
0xad: {  	_ =	strace $0x8FFFFFFF  }
0xae: {  	s28 =	sld [smem:$0x3FDB];
	_ =	sdelay $0x1  }
0xaf: {  	s24 =	simm.s32 $_scs_section_size  }
0xb0: {  	s25 =	simm.s32 $_size__tile_task_arg_handler_lowered;
	s26 =	simm.s32 $_tile_task_arg_handler_lowered  }
0xb1: {  	s29 =	sshll.u32 s25, $0x1;
	s30 =	sshll.u32 s26, $0x1;
	s24 =	sadd.s32 s24, s28  }
0xb2: {  	s26 =	simm.s32 $0x1BFF;
	s28 =	simm.s32 $0x60;
	s25 =	sadd.s32 s30, s24  }
0xb3: {  	[timem:s28], [sflag:s26] =	dma.local [hbm:s25], s29  }
0xb4: {  	_ =	swait.ge [sflag:s26], s29  }
0xb5: {  	s31 =	simm.s32 $_tile_overlayer_lowered;
	s14 =	ssub.s32 $0x0, s29;
	[sflag:s26] =	ssyncset.done $0x0  }
0xb6: {  	s28 =	sshll.u32 s31, $0x1;
	s29 =	simm.s32 $_size__tile_overlayer_lowered;
	[sflag:s26] =	ssyncadd.s32 s14  }
0xb7: {  	s30 =	sadd.s32 s28, s24;
	s25 =	sshll.u32 s29, $0x1;
	s14 =	simm.s32 $0x0  }
0xb8: {  	[timem:s14], [sflag:s26] =	dma.local [hbm:s30], s25  }
0xb9: {  	_ =	swait.ge [sflag:s26], s25  }
0xba: {  	s25 =	ssub.s32 $0x0, s25;
	[sflag:s26] =	ssyncset.done $0x0  }
0xbb: {  	[sflag:s26] =	ssyncadd.s32 s25;
	_ =	sdelay $0x1  }
0xbc: {  	s31 =	simm.s32 $0x1B8B  }
0xbd: {  	_ =	swait.ge [sflag:s31], $0x1  }
0xbe: {  	[sflag:s31] =	ssyncset.done $0x0  }
0xbf: {  	s26 =	simm.s32 $0x1B8E;
	s28 =	sld [smem:$0x3FFE];
	[sflag:s31] =	ssyncadd.s32 $0xFFFFFFFF  }
0xc0: {  	s29 =	simm.s32 $execute0_lowered;
	[smem:$0x3FD2] =	sst s26  }
0xc1: {  	s26 =	sshll.u32 s29, $0x1;
	_ =	strace $0x80000046;
	[dreg:$0x1] =	wrdreg $0xFFFFFFFF  }
0xc2: {  	s30 =	simm.s32 $_size_execute0_lowered;
	s24 =	sadd.s32 s24, s26;
	[dreg:$0x0] =	wrdreg $0x0  }
0xc3: {  	s31 =	sshll.u32 s30, $0x1;
	[dreg:$0x2] =	wrdreg s24  }
0xc4: {  	[dreg:$0x3] =	wrdreg s31  }
0xc5: {  	[dreg:$0x4] =	wrdreg $0xC0  }
0xc6: {  	_ =	task [dreg:s14], $0x5FFFF  }
0xc7: {  	[dreg:$0x1] =	wrdreg $0xFFFFFFFF  }
0xc8: {  	[dreg:$0x0] =	wrdreg $0x30  }
0xc9: {  	[dreg:$0x2] =	wrdreg $0x0  }
0xca: {  	[dreg:$0x3] =	wrdreg s15  }
0xcb: {  	[dreg:$0x4] =	wrdreg s16  }
0xcc: {  	[dreg:$0x5] =	wrdreg s17  }
0xcd: {  	[dreg:$0x6] =	wrdreg s18  }
0xce: {  	[dreg:$0x7] =	wrdreg s19  }
0xcf: {  	[dreg:$0x8] =	wrdreg s20  }
0xd0: {  	[dreg:$0x9] =	wrdreg s28  }
0xd1: {  	[dreg:$0xa] =	wrdreg s21  }
0xd2: {  	[dreg:$0xb] =	wrdreg s22  }
0xd3: {  	[dreg:$0xc] =	wrdreg s23  }
0xd4: {  	[dreg:$0xd] =	wrdreg $0xCAD00  }
0xd5: {  	[dreg:$0xe] =	wrdreg $0xCED00  }
0xd6: {  	[dreg:$0xf] =	wrdreg $0xCED80  }
0xd7: {  	_ =	task [dreg:s14], $0x10FFFF  }
0xd8: {  	[dreg:$0x1] =	wrdreg $0xFFFFFFFF  }
0xd9: {  	[dreg:$0x0] =	wrdreg $0x30  }
0xda: {  	[dreg:$0x2] =	wrdreg $0xD  }
0xdb: {  	[dreg:$0x3] =	wrdreg $0xCEE80  }
0xdc: {  	[dreg:$0x4] =	wrdreg $0xD2E80  }
0xdd: {  	[dreg:$0x5] =	wrdreg $0xD6E80  }
0xde: {  	[dreg:$0x6] =	wrdreg $0x9  }
0xdf: {  	_ =	task [dreg:s14], $0x7FFFF  }
0xe0: {  	[dreg:$0x1] =	wrdreg $0xFFFFFFFF  }
0xe1: {  	[dreg:$0x0] =	wrdreg $0x60  }
0xe2: {  	[dreg:$0x2] =	wrdreg s0  }
0xe3: {  	[dreg:$0x3] =	wrdreg s1  }
0xe4: {  	[dreg:$0x4] =	wrdreg s2  }
0xe5: {  	[dreg:$0x5] =	wrdreg s3  }
0xe6: {  	[dreg:$0x6] =	wrdreg s4  }
0xe7: {  	[dreg:$0x7] =	wrdreg s5  }
0xe8: {  	[dreg:$0x8] =	wrdreg s6  }
0xe9: {  	[dreg:$0x9] =	wrdreg s7  }
0xea: {  	[dreg:$0xa] =	wrdreg s8  }
0xeb: {  	[dreg:$0xb] =	wrdreg s9  }
0xec: {  	[dreg:$0xc] =	wrdreg s10  }
0xed: {  	[dreg:$0xd] =	wrdreg s11  }
0xee: {  	[dreg:$0xe] =	wrdreg s12  }
0xef: {  	[dreg:$0xf] =	wrdreg s13  }
0xf0: {  	_ =	task.clear_ibuf [dreg:s14], $0x10FFFF;
	_ =	strace $0x90000046  }
0xf1: {  	s26 =	simm.s32 $0x9;
	_ =	strace $0x80000048  }
0xf2: {  	_ =	swait.ge [sflag:s26], $0x1  }
0xf3: {  	[sflag:s26] =	ssyncadd.s32 $0xFFFFFFFF  }
0xf4: {  	_ =	strace $0x90000048  }
0xf5: {  	_ =	sfence  }
0xf6: {  	s28 =	sld [smem:$0x0];
	_ =	sdelay $0x1  }
0xf7: {  	s29 =	srdreg.scid  }
0xf8: {  	s30 =	sshll.u32 s29, $0xD;
	s31 =	sshrl.u32 s29, $0x2  }
0xf9: {  	s1 =	sand.u32 $0x1, s29;
	s2 =	sand.u32 $0x4000, s30;
	s0 =	sadd.s32 s31, s28  }
0xfa: {  	s1 =	sor.u32 s2, s1;
	s0 =	sshll.u32 s0, $0x11  }
0xfb: {  	s0 =	sor.u32 s0, s1  }
0xfc: {  	s0 =	sadd.s32 $0x8F2B, s0  }
0xfd: {  	[sflag:s0] =	ssyncadd.remote.s32 $0x1  }
0xfe: {  	_ =	sfence.sel $0xFFFF  }
0xff: {  	[dreg:$0x0] =	wrdreg $0xFFFFFFFF;
	(pc) =	sbr.abs _section_cstart, $3  }
0x100: {  	[dreg:$0x1] =	wrdreg $0xFFFFFFFF  }
0x101: {  	_ =	task.clear_ibuf [dreg:s14], $0x2FFFF;
	_ =	strace $0x9FFFFFFF  }
0x102: {  	(tm) =	ssettm $0x7FFFFFFF  }
0x103: {  	_ =	shalt  }
tec
_tile_task_arg_handler_lowered:
.L_overlay_start_1:
0x0: {  	(tag) =	ssettag $0x1  }
0x1: {  	s0 =	rddreg [dreg:$0x0]  }
0x2: {  	s1 =	rddreg [dreg:$0x1]  }
0x3: {  	s2 =	rddreg [dreg:$0x2]  }
0x4: {  	s3 =	rddreg [dreg:$0x3]  }
0x5: {  	s4 =	rddreg [dreg:$0x4]  }
0x6: {  	s5 =	rddreg [dreg:$0x5]  }
0x7: {  	s6 =	rddreg [dreg:$0x6]  }
0x8: {  	s7 =	rddreg [dreg:$0x7]  }
0x9: {  	s8 =	rddreg [dreg:$0x8]  }
0xa: {  	s9 =	rddreg [dreg:$0x9]  }
0xb: {  	s10 =	rddreg [dreg:$0xa]  }
0xc: {  	s11 =	rddreg [dreg:$0xb]  }
0xd: {  	s12 =	rddreg [dreg:$0xc]  }
0xe: {  	s13 =	rddreg [dreg:$0xd]  }
0xf: {  	[smem:s0] =	sst s1  }
0x10: {  	[smem:s0+$0x1] =	sst s2  }
0x11: {  	[smem:s0+$0x2] =	sst s3  }
0x12: {  	[smem:s0+$0x3] =	sst s4  }
0x13: {  	[smem:s0+$0x4] =	sst s5  }
0x14: {  	[smem:s0+$0x5] =	sst s6  }
0x15: {  	[smem:s0+$0x6] =	sst s7  }
0x16: {  	[smem:s0+$0x7] =	sst s8  }
0x17: {  	[smem:s0+$0x8] =	sst s9  }
0x18: {  	[smem:s0+$0x9] =	sst s10  }
0x19: {  	[smem:s0+$0xA] =	sst s11  }
0x1a: {  	[smem:s0+$0xB] =	sst s12  }
0x1b: {  	[smem:s0+$0xC] =	sst s13;
	_ =	shalt  }
.Lfunc_end2:
execute0_lowered:
.L_overlay_start_2:
0x1c: {  	(tag) =	ssettag $0x2  }
0x1d: {  	s0 =	rddreg [dreg:$0x0];
	s8 =	simm.s32 $0x0  }
0x1e: {  	[smem:$0x7FF] =	sst s8  }
0x1f: {  	s11 =	sld [smem:$0x0]  }
0x20: {  	s9 =	sld [smem:$0x1]  }
0x21: {  	s1 =	sld [smem:$0x2]  }
0x22: {  	s18 =	sld [smem:$0x3]  }
0x23: {  	s19 =	sld [smem:$0x4]  }
0x24: {  	s20 =	sld [smem:$0x5]  }
0x25: {  	s2 =	sld [smem:$0x6]  }
0x26: {  	s3 =	sld [smem:$0x8]  }
0x27: {  	s21 =	sld [smem:$0x9]  }
0x28: {  	s10 =	sld [smem:$0xA]  }
0x29: {  	s12 =	sld [smem:$0xB]  }
0x2a: {  	s31 =	sld [smem:$0xC]  }
0x2b: {  	s26 =	sld [smem:$0xD]  }
0x2c: {  	s25 =	sld [smem:$0xE]  }
0x2d: {  	s24 =	sld [smem:$0xF]  }
0x2e: {  	s22 =	sld [smem:$0x10]  }
0x2f: {  	[dreg:$0x13] =	wrdreg s1  }
0x30: {  	[dreg:$0x12] =	wrdreg s18  }
0x31: {  	s28 =	stileid.u32;
	[dreg:$0x11] =	wrdreg s19  }
0x32: {  	s13 =	simm.s32 $0x2;
	s30 =	smul.u32 $0x500, s28;
	[dreg:$0x10] =	wrdreg s20  }
0x33: {  	s14 =	simm.s32 $0xFFFFFFFF;
	s15 =	simm.s32 $0x500;
	[dreg:$0xf] =	wrdreg s3  }
0x34: {  	s16 =	simm.s32 $0x2500;
	s23 =	sshrl.u32 s30, $0x3;
	[dreg:$0x14] =	wrdreg s21  }
0x35: {  	s17 =	simm.s32 $0x1500;
	s0 =	sadd.s32 s0, s23;
	[dreg:$0xe] =	wrdreg s22  }
.Ltmp0:
0x36: {  	s1 =	sld [smem:$0x7];
	_ =	strace $0x80000047;
	(pc) =	sbr.rel .LBB3_1-.Ltmp0, $4  }
0x37: {  	v0 =	vlaneseq.u32;
	[tilespmem:s8], [sflag:$0x2] =	stream.linear.gather [hbm4b:s0+s8], $0x500, $0x38;
	[tilespmem:$0xD728] =	vst v63  }
0x38: {  	v1 =	vimm.s32 $0x0;
	v3 =	vimm.s32 $0x1;
	v4 =	vmul.u32 $0xFFFFFFFF, v0;
	p0 =	seq.s32 s28, $0x0;
	s29 =	sshll.u32 s28, $0xA;
	_ =	swait.ge [sflag:s13], $0x500  }
0x39: {  	vm0 =	vcmask $0x300;
	vm1 =	vcmask $0x704;
	vm2 =	vmmov $0x1;
	s3 =	sadd.s32 $0xA00, s2;
	s20 =	simm.s32 $0x3E8;
	[sflag:s13] =	ssyncset.done $0x0  }
0x3a: {  	vm3 =	vcmask $0x308;
	v2 =	vmul.u32 $0x100, v0;
	v4 =	vadd.s32 $0xF, v4;
	s18 =	simm.s32 $0x2700;
	s19 =	simm.s32 $0x0;
	[sflag:s13] =	ssyncadd.s32 $0xFFFFFB00  }
.LBB3_8:
0x3b: {  	s0 =	sshll.u32 s19, $0x6  }
.LBB3_16:
0x3c: {  	s0 =	sshrl.u32 s0, $0x2  }
0x3d: {  	[bflag:$0x0] =	sbarrier.arrive $0xFFFF;
	s0 =	sadd.s32 s0, s12  }
0x3e: {  	[tilespmem:s18], [sflag:$0x2] =	stream.linear.gather [spmem:s0], $0x10, $0x38;
	[tilespmem:$0xD728] =	vst v63  }
0x3f: {  	_ =	swait.ge [sflag:s13], $0x10  }
0x40: {  	[sflag:s13] =	ssyncset.done $0x0  }
0x41: {  	[sflag:s13] =	ssyncadd.s32 $0xFFFFFFF0  }
0x42: {  	v5 =	vld [tilespmem:$0x2700];
	_ =	sdelay $0x4  }
0x43: {  	v6 =	vnsel vm2, $0x0, v5  }
0x44: {  	(xrf0) =	vadd.scan.msk.s32 $0xffff, v6  }
0x45: {  	v5 =	vsel vm3, $0x0, v5  }
0x46: {  	(xrf0) =	vadd.scan.msk.s32 $0xffff, v5;
	_ =	sdelay $0x3  }
0x47: {  	v5, _, _ =	vpop (xrf0)  }
0x48: {  	(v2sf) =	vpush v5, $0xF  }
0x49: {  	v5, _, _ =	vpop (xrf0)  }
0x4a: {  	(v2sf) =	vpush v5, $0xF;
	_ =	sdelay $0x8  }
0x4b: {  	s19 =	sadd.s32 $0x1, s19  }
0x4c: {  	p1 =	seq.s32 s19, $0x4  }
.Ltmp1:
0x4d: {  	_ = 	snop;
	(pc) =	sbr.rel @p1 .LBB3_17-.Ltmp1, $4  }
0x4e: {  	_ = 	snop  }
0x4f: {  	s23 =	spop (v2sf)  }
0x50: {  	s0 =	sshll.u32 s23, s21  }
0x51: {  	s20 =	spop (v2sf);
	s8 =	sor.u32 s8, s0  }
.LBB3_1:
0x52: {  	s0 =	simm.s32 $0x40;
	s2 =	simm.s32 $0x0  }
.LBB3_2:
0x53: {  	p1 =	seq.s32 s0, $0x3FC0;
	[tilespmem:s2+$0x500] =	vst v1;
	s2 =	smov.u32 s0;
	s0 =	sadd.s32 $0x40, s0  }
.Ltmp2:
0x54: {  	(pc) =	sbr.rel @!p1 .LBB3_2-.Ltmp2, $2  }
0x55: {  	_ =	sdelay $0x2  }
0x56: {  	s2 =	sshra.s32 s2, $0x2  }
0x57: {  	s0 =	sshll.u32 s19, $0x3  }
0x58: {  	s23 =	ssub.s32 $0x20, s0  }
0x59: {  	[tilespmem:s2+$0x500] =	vst v1;
	s2 =	smin.u32 s23, $0x1F  }
0x5a: {  	p1 =	seq.s32 s19, $0x0;
	s2 =	sshll.u32 s14, s2  }
0x5b: {  	s21 =	ssub.s32 $0x18, s0;
	s2 =	simm.s32 @p1 $0x0  }
0x5c: {  	v6 =	vmov s8;
	s0 =	simm.s32 $0x0;
	v7 =	vmov s21;
	v5 =	vmov s2  }
.LBB3_4:
0x5d: {  	s2 =	sshra.s32 s0, $0x2  }
0x5e: {  	v8 =	vld [tilespmem:s2+$0x0];
	_ =	sdelay $0x4  }
0x5f: {  	v9 =	vand.u32 v5, v8;
	v8 =	vshra.s32 v8, v7  }
0x60: {  	vm4 =	veq.s32 v9, v6;
	v8 =	vand.u32 $0xFF, v8  }
0x61: {  	v8 =	vor.u32 v2, v8;
	_ =	sdelay $0x4  }
0x62: {  	[tilespmem:v8+s15+$0x0] =	vst.idx.add.s32.msk vm4, v3  }
0x63: {  	v8 =	vld [tilespmem:s2+$0x10];
	_ =	sdelay $0x4  }
0x64: {  	v61 =	vand.u32 v5, v8;
	v8 =	vshra.s32 v8, v7  }
0x65: {  	vm4 =	veq.s32 v61, v6;
	v8 =	vand.u32 $0xFF, v8  }
0x66: {  	v8 =	vor.u32 v2, v8;
	_ =	sdelay $0x4  }
0x67: {  	[tilespmem:v8+s15+$0x0] =	vst.idx.add.s32.msk vm4, v3  }
0x68: {  	v8 =	vld [tilespmem:s2+$0x20];
	_ =	sdelay $0x4  }
0x69: {  	v62 =	vand.u32 v5, v8;
	v8 =	vshra.s32 v8, v7  }
0x6a: {  	vm4 =	veq.s32 v62, v6;
	v8 =	vand.u32 $0xFF, v8  }
0x6b: {  	v8 =	vor.u32 v2, v8;
	_ =	sdelay $0x4  }
0x6c: {  	[tilespmem:v8+s15+$0x0] =	vst.idx.add.s32.msk vm4, v3  }
0x6d: {  	v8 =	vld [tilespmem:s2+$0x30];
	_ =	sdelay $0x4  }
0x6e: {  	v63 =	vand.u32 v5, v8;
	v8 =	vshra.s32 v8, v7  }
0x6f: {  	vm4 =	veq.s32 v63, v6;
	v8 =	vand.u32 $0xFF, v8  }
0x70: {  	p1 =	sne.s32 s0, $0x1300;
	v8 =	vor.u32 v2, v8  }
.Ltmp3:
0x71: {  	_ = 	snop;
	(pc) =	sbr.rel @p1 .LBB3_4-.Ltmp3, $2  }
0x72: {  	_ =	sdelay $0x2  }
0x73: {  	s0 =	sadd.s32 $0x100, s0;
	[tilespmem:v8+s15+$0x0] =	vst.idx.add.s32.msk vm4, v3  }
0x74: {  	s22 =	simm.s32 $0x0  }
0x75: {  	v5 =	vld [tilespmem:s22+$0x500]  }
0x76: {  	v6 =	vld [tilespmem:s22+$0x600]  }
0x77: {  	v7 =	vld [tilespmem:s22+$0x700]  }
0x78: {  	v8 =	vld [tilespmem:s22+$0x800]  }
0x79: {  	v9 =	vld [tilespmem:s22+$0x900]  }
0x7a: {  	v10 =	vld [tilespmem:s22+$0xA00]  }
0x7b: {  	v5 =	vadd.s32 v5, v6;
	v6 =	vld [tilespmem:s22+$0xB00]  }
0x7c: {  	v5 =	vadd.s32 v5, v7;
	v7 =	vld [tilespmem:s22+$0xC00]  }
0x7d: {  	v5 =	vadd.s32 v5, v8;
	v8 =	vld [tilespmem:s22+$0xD00]  }
0x7e: {  	v5 =	vadd.s32 v5, v9;
	v9 =	vld [tilespmem:s22+$0xE00]  }
0x7f: {  	v5 =	vadd.s32 v5, v10;
	v10 =	vld [tilespmem:s22+$0xF00]  }
0x80: {  	v11 =	vld [tilespmem:s22+$0x1000];
	v5 =	vadd.s32 v5, v6  }
0x81: {  	v6 =	vld [tilespmem:s22+$0x1100];
	v5 =	vadd.s32 v5, v7  }
0x82: {  	v7 =	vld [tilespmem:s22+$0x1200];
	v5 =	vadd.s32 v5, v8  }
0x83: {  	v8 =	vld [tilespmem:s22+$0x1300];
	v5 =	vadd.s32 v5, v9  }
0x84: {  	s0 =	simm.s32 $0x10;
	v9 =	vld [tilespmem:s22+$0x1400];
	v10 =	vadd.s32 v5, v10  }
0x85: {  	s2 =	simm.s32 $0x80;
	v5 =	vld [tilespmem:s0+$0x500];
	v10 =	vadd.s32 v10, v11  }
.LBB3_6:
0x86: {  	p1 =	sne.s32 s2, $0x3C0;
	v11 =	vld [tilespmem:s0+$0x600];
	v6 =	vadd.s32 v10, v6  }
0x87: {  	v10 =	vld [tilespmem:s0+$0x700];
	v6 =	vadd.s32 v6, v7  }
0x88: {  	v7 =	vld [tilespmem:s0+$0x800];
	v6 =	vadd.s32 v6, v8  }
0x89: {  	v8 =	vld [tilespmem:s0+$0x900];
	v6 =	vadd.s32 v6, v9  }
0x8a: {  	v9 =	vld [tilespmem:s0+$0xA00];
	[tilespmem:s22+$0x2500] =	vst v6;
	s22 =	smov.u32 s0  }
0x8b: {  	v5 =	vadd.s32 v5, v11;
	v6 =	vld [tilespmem:s22+$0xB00]  }
0x8c: {  	v5 =	vadd.s32 v5, v10;
	v10 =	vld [tilespmem:s22+$0xC00]  }
0x8d: {  	v5 =	vadd.s32 v5, v7;
	v7 =	vld [tilespmem:s22+$0xD00]  }
0x8e: {  	v5 =	vadd.s32 v5, v8;
	v8 =	vld [tilespmem:s22+$0xE00]  }
0x8f: {  	v5 =	vadd.s32 v5, v9;
	v9 =	vld [tilespmem:s22+$0xF00]  }
0x90: {  	v5 =	vadd.s32 v5, v6;
	v11 =	vld [tilespmem:s22+$0x1000]  }
.Ltmp4:
0x91: {  	v5 =	vadd.s32 v5, v10;
	v6 =	vld [tilespmem:s22+$0x1100];
	(pc) =	sbr.rel @p1 .LBB3_6-.Ltmp4, $4  }
0x92: {  	v5 =	vadd.s32 v5, v7;
	v7 =	vld [tilespmem:s22+$0x1200]  }
0x93: {  	v5 =	vadd.s32 v5, v8;
	v8 =	vld [tilespmem:s22+$0x1300]  }
0x94: {  	s0 =	sshra.s32 s2, $0x2;
	v10 =	vadd.s32 v5, v9;
	v9 =	vld [tilespmem:s22+$0x1400]  }
0x95: {  	s2 =	sadd.s32 $0x40, s2;
	v5 =	vld [tilespmem:s0+$0x500];
	v10 =	vadd.s32 v10, v11  }
0x96: {  	v11 =	vld [tilespmem:s0+$0x600];
	v6 =	vadd.s32 v10, v6  }
0x97: {  	v55 =	vld [tilespmem:s0+$0x700];
	v6 =	vadd.s32 v6, v7  }
0x98: {  	v7 =	vld [tilespmem:s0+$0x800];
	v6 =	vadd.s32 v6, v8  }
0x99: {  	v56 =	vld [tilespmem:s0+$0x900];
	v6 =	vadd.s32 v6, v9  }
0x9a: {  	v57 =	vld [tilespmem:s0+$0xA00];
	[tilespmem:s22+$0x2500] =	vst v6  }
0x9b: {  	v5 =	vadd.s32 v5, v11;
	v6 =	vld [tilespmem:s0+$0xB00]  }
0x9c: {  	v58 =	vld [tilespmem:s0+$0xC00];
	v5 =	vadd.s32 v5, v55  }
0x9d: {  	v5 =	vadd.s32 v5, v7;
	v7 =	vld [tilespmem:s0+$0xD00]  }
0x9e: {  	v59 =	vld [tilespmem:s0+$0xE00];
	v5 =	vadd.s32 v5, v56  }
0x9f: {  	v60 =	vld [tilespmem:s0+$0xF00];
	v5 =	vadd.s32 v5, v57  }
0xa0: {  	v5 =	vadd.s32 v5, v6;
	v6 =	vld [tilespmem:s0+$0x1000]  }
0xa1: {  	v61 =	vld [tilespmem:s0+$0x1100];
	v5 =	vadd.s32 v5, v58  }
0xa2: {  	v5 =	vadd.s32 v5, v7;
	v7 =	vld [tilespmem:s0+$0x1200]  }
0xa3: {  	v62 =	vld [tilespmem:s0+$0x1300];
	v5 =	vadd.s32 v5, v59  }
0xa4: {  	v63 =	vld [tilespmem:s0+$0x1400];
	v5 =	vadd.s32 v5, v60  }
0xa5: {  	v5 =	vadd.s32 v5, v6  }
0xa6: {  	v5 =	vadd.s32 v5, v61  }
0xa7: {  	s2 =	sshll.u32 s19, $0xC;
	v5 =	vadd.s32 v5, v7  }
0xa8: {  	s2 =	sand.u32 $0x3FFFF000, s2;
	v5 =	vadd.s32 v5, v62  }
0xa9: {  	s4 =	sshrl.u32 s29, $0x2;
	s2 =	sadd.s32 s2, s10;
	v5 =	vadd.s32 v5, v63  }
0xaa: {  	s23 =	sadd.s32 s4, s2;
	[tilespmem:s0+$0x2500] =	vst v5  }
0xab: {  	[spmem:s23] =	stream.linear.scatter [tilespmem:s16], [sflag:$0x2], $0x100, $0x38;
	[tilespmem:$0xD728] =	vst v63  }
.Ltmp5:
0xac: {  	_ =	swait.ge [sflag:s13], $0x100;
	(pc) =	sbr.rel @!p0 .LBB3_8-.Ltmp5, $3  }
0xad: {  	[sflag:s13] =	ssyncset.done $0x0  }
0xae: {  	[sflag:s13] =	ssyncadd.s32 $0xFFFFFF00  }
0xaf: {  	[bflag:$0x0] =	sbarrier.arrive $0xFFFF;
	_ =	sdelay $0x1  }
0xb0: {  	[tilespmem:s17], [sflag:$0x2] =	stream.linear.gather [spmem:s2], $0x1000, $0x38;
	[tilespmem:$0xD728] =	vst v63  }
0xb1: {  	p2 =	por $0x0, $0x0  }
.Ltmp6:
0xb2: {  	_ = 	snop;
	(pc) =	sbr.rel @p2 .LBB3_10-.Ltmp6, $4  }
0xb3: {  	_ =	swait.ge [sflag:s13], $0x1000  }
0xb4: {  	[sflag:s13] =	ssyncset.done $0x0  }
0xb5: {  	s23 =	simm.s32 $0x0;
	[sflag:s13] =	ssyncadd.s32 $0xFFFFF000  }
0xb6: {  	s22 =	simm.s32 $0x0;
	p1 =	por $0x0, $0x0;
	v5 =	vld [tilespmem:s23+$0x1500]  }
0xb7: {  	v6 =	vld [tilespmem:s23+$0x1600]  }
0xb8: {  	v7 =	vld [tilespmem:s23+$0x1700]  }
0xb9: {  	v8 =	vld [tilespmem:s23+$0x1800]  }
0xba: {  	v9 =	vld [tilespmem:s23+$0x1900]  }
0xbb: {  	v10 =	vld [tilespmem:s23+$0x1A00]  }
0xbc: {  	v5 =	vadd.s32 v5, v6;
	v6 =	vld [tilespmem:s23+$0x1B00]  }
0xbd: {  	v5 =	vadd.s32 v5, v7;
	v7 =	vld [tilespmem:s23+$0x1C00]  }
0xbe: {  	v5 =	vadd.s32 v5, v8;
	v8 =	vld [tilespmem:s23+$0x1D00]  }
0xbf: {  	v5 =	vadd.s32 v5, v9;
	v9 =	vld [tilespmem:s23+$0x1E00]  }
0xc0: {  	v5 =	vadd.s32 v5, v10;
	v10 =	vld [tilespmem:s23+$0x1F00]  }
0xc1: {  	v11 =	vld [tilespmem:s23+$0x2000];
	p2 =	por $0x0, $0x0;
	v5 =	vadd.s32 v5, v6  }
.Ltmp7:
0xc2: {  	v6 =	vld [tilespmem:s23+$0x2100];
	v5 =	vadd.s32 v5, v7;
	(pc) =	sbr.rel @p2 .LBB3_13-.Ltmp7, $4  }
0xc3: {  	v7 =	vld [tilespmem:s23+$0x2200];
	v5 =	vadd.s32 v5, v8  }
0xc4: {  	v8 =	vld [tilespmem:s23+$0x2300];
	v5 =	vadd.s32 v5, v9  }
0xc5: {  	s0 =	simm.s32 $0x10;
	v9 =	vld [tilespmem:s23+$0x2400];
	v10 =	vadd.s32 v5, v10  }
0xc6: {  	s2 =	simm.s32 $0x80;
	p1 =	por $0x1, $0x1;
	v5 =	vld [tilespmem:s0+$0x1500];
	v10 =	vadd.s32 v10, v11  }
.LBB3_12:
0xc7: {  	p2 =	seq.s32 s2, $0x3C0;
	v11 =	vld [tilespmem:s0+$0x1600];
	v6 =	vadd.s32 v10, v6  }
0xc8: {  	v10 =	vld [tilespmem:s0+$0x1700];
	v6 =	vadd.s32 v6, v7  }
0xc9: {  	v7 =	vld [tilespmem:s0+$0x1800];
	v6 =	vadd.s32 v6, v8  }
0xca: {  	v8 =	vld [tilespmem:s0+$0x1900];
	v6 =	vadd.s32 v6, v9  }
0xcb: {  	v9 =	vld [tilespmem:s0+$0x1A00];
	[tilespmem:s23+$0x2500] =	vst v6;
	s23 =	smov.u32 s0  }
0xcc: {  	v5 =	vadd.s32 v5, v11;
	v6 =	vld [tilespmem:s23+$0x1B00]  }
0xcd: {  	v5 =	vadd.s32 v5, v10;
	v10 =	vld [tilespmem:s23+$0x1C00]  }
0xce: {  	v5 =	vadd.s32 v5, v7;
	v7 =	vld [tilespmem:s23+$0x1D00]  }
0xcf: {  	v5 =	vadd.s32 v5, v8;
	v8 =	vld [tilespmem:s23+$0x1E00]  }
0xd0: {  	v5 =	vadd.s32 v5, v9;
	v9 =	vld [tilespmem:s23+$0x1F00]  }
0xd1: {  	v5 =	vadd.s32 v5, v6;
	v11 =	vld [tilespmem:s23+$0x2000]  }
.Ltmp8:
0xd2: {  	v5 =	vadd.s32 v5, v10;
	v6 =	vld [tilespmem:s23+$0x2100];
	(pc) =	sbr.rel @!p2 .LBB3_12-.Ltmp8, $4  }
0xd3: {  	v5 =	vadd.s32 v5, v7;
	v7 =	vld [tilespmem:s23+$0x2200]  }
0xd4: {  	v5 =	vadd.s32 v5, v8;
	v8 =	vld [tilespmem:s23+$0x2300]  }
0xd5: {  	s0 =	sshra.s32 s2, $0x2;
	v10 =	vadd.s32 v5, v9;
	v9 =	vld [tilespmem:s23+$0x2400]  }
0xd6: {  	s2 =	sadd.s32 $0x40, s2;
	v5 =	vld [tilespmem:s0+$0x1500];
	v10 =	vadd.s32 v10, v11  }
.LBB3_13:
0xd7: {  	v11 =	vld [tilespmem:s0+$0x1600];
	v6 =	vadd.s32 @p1 v10, v6  }
0xd8: {  	v10 =	vld [tilespmem:s0+$0x1700];
	v6 =	vadd.s32 @p1 v6, v7  }
0xd9: {  	v7 =	vld [tilespmem:s0+$0x1800];
	v6 =	vadd.s32 @p1 v6, v8  }
0xda: {  	v8 =	vld [tilespmem:s0+$0x1900];
	v6 =	vadd.s32 @p1 v6, v9  }
0xdb: {  	v9 =	vld [tilespmem:s0+$0x1A00];
	[tilespmem:s23+$0x2500] =	vst @p1 v6  }
0xdc: {  	v5 =	vadd.s32 v5, v11;
	v6 =	vld [tilespmem:s0+$0x1B00]  }
0xdd: {  	v5 =	vadd.s32 v5, v10;
	v10 =	vld [tilespmem:s0+$0x1C00]  }
0xde: {  	v5 =	vadd.s32 v5, v7;
	v7 =	vld [tilespmem:s0+$0x1D00]  }
0xdf: {  	v5 =	vadd.s32 v5, v8;
	v8 =	vld [tilespmem:s0+$0x1E00]  }
0xe0: {  	v5 =	vadd.s32 v5, v9;
	v9 =	vld [tilespmem:s0+$0x1F00]  }
0xe1: {  	v5 =	vadd.s32 v5, v6;
	v6 =	vld [tilespmem:s0+$0x2000]  }
0xe2: {  	v5 =	vadd.s32 v5, v10;
	v10 =	vld [tilespmem:s0+$0x2100]  }
0xe3: {  	v5 =	vadd.s32 v5, v7;
	v7 =	vld [tilespmem:s0+$0x2200]  }
0xe4: {  	v5 =	vadd.s32 v5, v8;
	v8 =	vld [tilespmem:s0+$0x2300]  }
0xe5: {  	v5 =	vadd.s32 v5, v9;
	v9 =	vld [tilespmem:s0+$0x2400]  }
0xe6: {  	v5 =	vadd.s32 v5, v6  }
0xe7: {  	v5 =	vadd.s32 v5, v10  }
0xe8: {  	v5 =	vadd.s32 v5, v7  }
0xe9: {  	v5 =	vadd.s32 v5, v8  }
0xea: {  	v5 =	vadd.s32 v5, v9  }
0xeb: {  	[tilespmem:s0+$0x2500] =	vst v5;
	s0 =	simm.s32 $0xF0  }
0xec: {  	v6 =	vld [tilespmem:s0+$0x2500];
	_ =	sdelay $0x1  }
0xed: {  	s23 =	simm.s32 $0xE0  }
0xee: {  	v7 =	vld [tilespmem:s23+$0x2500];
	_ =	sdelay $0x1  }
0xef: {  	v5 =	vperm.xlane v6, v4  }
0xf0: {  	(xrf0) =	vadd.scan.msk.s32 $0xffff, v6  }
0xf1: {  	(xrf0) =	vadd.scan.msk.s32 $0xffff, v5  }
0xf2: {  	v8 =	vperm.xlane v7, v4;
	(xrf0) =	vadd.scan.msk.s32 $0xffff, v7;
	_ =	sdelay $0x3  }
0xf3: {  	(xrf0) =	vadd.scan.msk.s32 $0xffff, v8;
	v8, _, _ =	vpop (xrf0)  }
0xf4: {  	s2 =	simm.s32 $0xD0;
	v9, _, _ =	vpop (xrf0)  }
0xf5: {  	v5 =	vld [tilespmem:s2+$0x2500];
	(v2sf) =	vpush v8, $0xF;
	v11, _, _ =	vpop (xrf0)  }
0xf6: {  	(v2sf) =	vpush v11, $0xF;
	_ =	sdelay $0x3  }
0xf7: {  	s4 =	simm.s32 $0xC0;
	v10 =	vperm.xlane v5, v4;
	(xrf0) =	vadd.scan.msk.s32 $0xffff, v5  }
0xf8: {  	v8 =	vld [tilespmem:s4+$0x2500]  }
0xf9: {  	(xrf0) =	vadd.scan.msk.s32 $0xffff, v10;
	_ =	sdelay $0x1  }
0xfa: {  	v12, _, _ =	vpop (xrf0)  }
0xfb: {  	s5 =	simm.s32 $0x2C0;
	v9 =	vperm.xlane v9, v4;
	v10 =	vperm.xlane v12, v4  }
.LBB3_14:
0xfc: {  	s6 =	sshra.s32 s5, $0x2;
	p1 =	seq.s32 s5, $0x0;
	s5 =	sadd.s32 $0xFFFFFFC0, s5;
	v11 =	vperm.xlane v8, v4;
	(xrf0) =	vadd.scan.msk.s32 $0xffff, v8;
	v12, _, _ =	vpop (xrf0);
	v13 =	vsub.s32 s22, v6;
	v6 =	vmov v7  }
.Ltmp9:
0xfd: {  	v7 =	vmovc v5;
	v5 =	vmovc v8;
	(v2sf) =	vpush v12, $0xF;
	v12 =	vadd.s32 v9, v13;
	v8 =	vld [tilespmem:s6+$0x2500];
	v9 =	vmov v10;
	(pc) =	sbr.rel @!p1 .LBB3_14-.Ltmp9, $4  }
0xfe: {  	(xrf0) =	vadd.scan.msk.s32 $0xffff, v11;
	v10, _, _ =	vpop (xrf0);
	[tilespmem:s0+$0x2600] =	vst v12;
	s0 =	smov.u32 s23;
	s23 =	smov.u32 s2;
	s2 =	smov.u32 s4  }
0xff: {  	s4 =	smov.u32 s6;
	v10 =	vperm.xlane v10, v4  }
0x100: {  	s6 =	spop (v2sf)  }
0x101: {  	s22 =	sadd.s32 s22, s6  }
0x102: {  	v11, _, _ =	vpop (xrf0)  }
0x103: {  	(v2sf) =	vpush v11, $0xF;
	_ =	sdelay $0x6  }
0x104: {  	v39 =	vperm.xlane v8, v4  }
0x105: {  	(xrf0) =	vadd.scan.msk.s32 $0xffff, v8  }
0x106: {  	(xrf0) =	vadd.scan.msk.s32 $0xffff, v39;
	_ =	sdelay $0x3  }
0x107: {  	s5 =	spop (v2sf);
	v38, _, _ =	vpop (xrf0)  }
0x108: {  	v6 =	vsub.s32 s22, v6;
	s5 =	sadd.s32 s22, s5;
	v12, _, _ =	vpop (xrf0);
	s6 =	spop (v2sf)  }
0x109: {  	v6 =	vadd.s32 v9, v6;
	v7 =	vsub.s32 s5, v7;
	v40 =	vperm.xlane v38, v4;
	v41, _, _ =	vpop (xrf0);
	s5 =	sadd.s32 s5, s6;
	s22 =	spop (v2sf)  }
0x10a: {  	[tilespmem:s0+$0x2600] =	vst v6;
	v6 =	vadd.s32 v10, v7;
	v7 =	vperm.xlane v41, v4;
	v5 =	vsub.s32 s5, v5;
	s7 =	sadd.s32 s5, s22  }
0x10b: {  	[tilespmem:s23+$0x2600] =	vst v6;
	v5 =	vadd.s32 v40, v5;
	v6 =	vsub.s32 s7, v8  }
0x10c: {  	[tilespmem:s2+$0x2600] =	vst v5;
	v5 =	vadd.s32 v7, v6  }
0x10d: {  	[tilespmem:s4+$0x2600] =	vst v5  }
0x10e: {  	v5 =	vld [tilespmem:$0x2600]  }
0x10f: {  	v6 =	vld [tilespmem:$0x2610]  }
0x110: {  	(v2sf) =	vpush v12, $0xF;
	v7 =	vld [tilespmem:$0x2620]  }
0x111: {  	v42 =	vld [tilespmem:$0x2630]  }
0x112: {  	v43 =	vld [tilespmem:$0x2640]  }
0x113: {  	vm4 =	vlt.s32 v5, s20;
	v5 =	vld [tilespmem:$0x2650]  }
0x114: {  	v44 =	vsel vm4, $0x1, v1;
	vm4 =	vlt.s32 v6, s20;
	v6 =	vld [tilespmem:$0x2660]  }
0x115: {  	(xrf0) =	vadd.scan.msk.s32 $0xffff, v44;
	v45 =	vsel vm4, $0x1, v1;
	vm4 =	vlt.s32 v7, s20;
	v7 =	vld [tilespmem:$0x2670]  }
0x116: {  	v47 =	vld [tilespmem:$0x2680];
	(xrf0) =	vadd.scan.msk.s32 $0xffff, v45;
	v46 =	vsel vm4, $0x1, v1;
	vm4 =	vlt.s32 v42, s20  }
0x117: {  	v49 =	vld [tilespmem:$0x2690];
	(xrf0) =	vadd.scan.msk.s32 $0xffff, v46;
	v48 =	vsel vm4, $0x1, v1;
	vm4 =	vlt.s32 v43, s20  }
0x118: {  	(xrf0) =	vadd.scan.msk.s32 $0xffff, v48;
	v50 =	vsel vm4, $0x1, v1;
	vm4 =	vlt.s32 v5, s20;
	v5 =	vld [tilespmem:$0x26A0]  }
0x119: {  	(xrf0) =	vadd.scan.msk.s32 $0xffff, v50;
	v51 =	vsel vm4, $0x1, v1;
	vm4 =	vlt.s32 v6, s20;
	v6 =	vld [tilespmem:$0x26B0]  }
0x11a: {  	(xrf0) =	vadd.scan.msk.s32 $0xffff, v51;
	v52 =	vsel vm4, $0x1, v1;
	vm4 =	vlt.s32 v7, s20;
	v7 =	vld [tilespmem:$0x26C0]  }
0x11b: {  	v55 =	vld [tilespmem:$0x26D0];
	v53, _, _ =	vpop (xrf0);
	(xrf0) =	vadd.scan.msk.s32 $0xffff, v52;
	v54 =	vsel vm4, $0x1, v1;
	vm4 =	vlt.s32 v47, s20  }
0x11c: {  	v58 =	vld [tilespmem:$0x26E0];
	(v2sf) =	vpush v53, $0xF;
	v56, _, _ =	vpop (xrf0);
	(xrf0) =	vadd.scan.msk.s32 $0xffff, v54;
	v57 =	vsel vm4, $0x1, v1;
	vm4 =	vlt.s32 v49, s20  }
0x11d: {  	(v2sf) =	vpush v56, $0xF;
	v59, _, _ =	vpop (xrf0);
	(xrf0) =	vadd.scan.msk.s32 $0xffff, v57;
	v60 =	vsel vm4, $0x1, v1;
	vm4 =	vlt.s32 v5, s20;
	v5 =	vld [tilespmem:$0x26F0]  }
0x11e: {  	(v2sf) =	vpush v59, $0xF;
	v61, _, _ =	vpop (xrf0);
	(xrf0) =	vadd.scan.msk.s32 $0xffff, v60;
	v62 =	vsel vm4, $0x1, v1;
	vm4 =	vlt.s32 v6, s20  }
0x11f: {  	s22 =	spop (v2sf);
	(v2sf) =	vpush v61, $0xF;
	v6, _, _ =	vpop (xrf0);
	(xrf0) =	vadd.scan.msk.s32 $0xffff, v62;
	v63 =	vsel vm4, $0x1, v1;
	vm4 =	vlt.s32 v7, s20  }
0x120: {  	(v2sf) =	vpush v6, $0xF;
	v6, _, _ =	vpop (xrf0);
	(xrf0) =	vadd.scan.msk.s32 $0xffff, v63;
	v7 =	vsel vm4, $0x1, v1;
	vm4 =	vlt.s32 v55, s20  }
0x121: {  	(v2sf) =	vpush v6, $0xF;
	v6, _, _ =	vpop (xrf0);
	(xrf0) =	vadd.scan.msk.s32 $0xffff, v7;
	v7 =	vsel vm4, $0x1, v1;
	vm4 =	vlt.s32 v58, s20  }
0x122: {  	(v2sf) =	vpush v6, $0xF;
	v6, _, _ =	vpop (xrf0);
	(xrf0) =	vadd.scan.msk.s32 $0xffff, v7;
	v7 =	vsel vm4, $0x1, v1;
	vm4 =	vlt.s32 v5, s20  }
0x123: {  	(v2sf) =	vpush v6, $0xF;
	v6 =	vsel vm4, $0x1, v1  }
0x124: {  	v5, _, _ =	vpop (xrf0);
	(xrf0) =	vadd.scan.msk.s32 $0xffff, v7  }
0x125: {  	(v2sf) =	vpush v5, $0xF;
	v5, _, _ =	vpop (xrf0);
	(xrf0) =	vadd.scan.msk.s32 $0xffff, v6  }
0x126: {  	(v2sf) =	vpush v5, $0xF;
	v6, _, _ =	vpop (xrf0)  }
0x127: {  	v5, _, _ =	vpop (xrf0);
	(v2sf) =	vpush v6, $0xF  }
0x128: {  	v6, _, _ =	vpop (xrf0);
	(v2sf) =	vpush v5, $0xF  }
0x129: {  	v5, _, _ =	vpop (xrf0);
	(v2sf) =	vpush v6, $0xF  }
0x12a: {  	v6, _, _ =	vpop (xrf0);
	(v2sf) =	vpush v5, $0xF  }
0x12b: {  	(v2sf) =	vpush v6, $0xF;
	v5, _, _ =	vpop (xrf0)  }
0x12c: {  	s0 =	spop (v2sf);
	(v2sf) =	vpush v5, $0xF  }
0x12d: {  	s23 =	spop (v2sf)  }
0x12e: {  	s0 =	sadd.s32 s0, s23;
	s4 =	spop (v2sf)  }
0x12f: {  	s0 =	sadd.s32 s0, s4;
	s5 =	spop (v2sf)  }
0x130: {  	s0 =	sadd.s32 s0, s5;
	s6 =	spop (v2sf)  }
0x131: {  	s0 =	sadd.s32 s0, s6;
	s7 =	spop (v2sf)  }
0x132: {  	s0 =	sadd.s32 s0, s7;
	s22 =	spop (v2sf)  }
0x133: {  	s0 =	sadd.s32 s0, s22;
	s23 =	spop (v2sf)  }
0x134: {  	s0 =	sadd.s32 s0, s23;
	s4 =	spop (v2sf)  }
0x135: {  	s0 =	sadd.s32 s0, s4;
	s5 =	spop (v2sf)  }
0x136: {  	s0 =	sadd.s32 s0, s5;
	s6 =	spop (v2sf)  }
0x137: {  	s0 =	sadd.s32 s0, s6;
	s7 =	spop (v2sf)  }
0x138: {  	s0 =	sadd.s32 s0, s7;
	s22 =	spop (v2sf)  }
0x139: {  	s0 =	sadd.s32 s0, s22;
	s23 =	spop (v2sf)  }
0x13a: {  	s0 =	sadd.s32 s0, s23;
	s4 =	spop (v2sf)  }
0x13b: {  	s0 =	sadd.s32 s0, s4;
	s5 =	spop (v2sf)  }
0x13c: {  	s0 =	sadd.s32 s0, s5  }
0x13d: {  	s0 =	ssub.s32 $0x100, s0  }
0x13e: {  	s6 =	sand.u32 $0xFFFFFFF0, s0  }
0x13f: {  	v5 =	vld [tilespmem:s6+$0x2600];
	_ =	sdelay $0x1  }
0x140: {  	s7 =	sand.u32 $0xF, s0  }
0x141: {  	v6 =	vmov s7  }
0x142: {  	vm4 =	veq.s32 v6, v0  }
0x143: {  	v5 =	vnsel vm4, $0x0, v5  }
0x144: {  	(xrf0) =	vadd.scan.msk.s32 $0xffff, v5;
	_ =	sdelay $0x5  }
0x145: {  	v5, _, _ =	vpop (xrf0)  }
0x146: {  	(v2sf) =	vpush v5, $0xF;
	_ =	sdelay $0xe  }
0x147: {  	v5 =	vmov s0;
	s22 =	spop (v2sf)  }
0x148: {  	s0 =	sshll.u32 s19, $0x6;
	v5 =	vnsel vm0, $0x0, v5;
	s2 =	ssub.s32 s20, s22  }
0x149: {  	s23 =	sshrl.u32 s0, $0x2;
	v5 =	vsel vm1, s2, v5  }
.Ltmp10:
0x14a: {  	s2 =	sadd.s32 s23, s12;
	[tilespmem:$0x2700] =	vst v5;
	(pc) =	sbr.rel .LBB3_16-.Ltmp10, $4  }
0x14b: {  	[spmem:s2] =	stream.linear.scatter [tilespmem:s18], [sflag:$0x2], $0x10, $0x38;
	[tilespmem:$0xD728] =	vst v63  }
0x14c: {  	_ =	swait.ge [sflag:s13], $0x10  }
0x14d: {  	[sflag:s13] =	ssyncset.done $0x0  }
0x14e: {  	[sflag:s13] =	ssyncadd.s32 $0xFFFFFFF0  }
.LBB3_10:
.Ltmp11:
0x14f: {  	(pc) =	sbr.rel .LBB3_13-.Ltmp11, $2  }
0x150: {  	_ =	sdelay $0x2  }
0x151: {  	s0 =	simm.s32 $0x0  }
.LBB3_17:
0x152: {  	s0 =	simm.s32 $0x0  }
0x153: {  	v2 =	vld [tilespmem:s0+$0x0]  }
0x154: {  	v3 =	vld [tilespmem:s0+$0x20];
	_ =	sdelay $0x1  }
0x155: {  	v4 =	vld [tilespmem:s0+$0x10]  }
0x156: {  	v0 =	vmov s8;
	s19 =	simm.s32 $0x40;
	v6 =	vld [tilespmem:s0+$0x30]  }
0x157: {  	v1 =	vimm.s32 $0x0;
	v8 =	vld [tilespmem:s19+$0x0];
	vm2 =	vgt.s32 v2, v0  }
0x158: {  	v10 =	vld [tilespmem:s19+$0x20];
	v7 =	vsel vm2, $0x1, v1;
	vm2 =	vgt.s32 v3, v0  }
0x159: {  	vm3 =	veq.s32 v2, v0;
	v2 =	vld [tilespmem:s19+$0x10];
	v9 =	vsel vm2, $0x1, v1;
	(xrf0) =	vadd.scan.msk.s32 $0xffff, v7  }
0x15a: {  	vm4 =	veq.s32 v3, v0;
	v3 =	vld [tilespmem:s19+$0x30];
	v7 =	vsel vm3, $0x1, v1;
	vm3 =	veq.s32 v4, v0;
	(xrf0) =	vadd.scan.msk.s32 $0xffff, v9  }
0x15b: {  	vm5 =	veq.s32 v6, v0;
	vm2 =	vgt.s32 v4, v0;
	v4 =	vsel vm3, $0x1, v1;
	(xrf0) =	vadd.scan.msk.s32 $0xffff, v7  }
0x15c: {  	vm3 =	veq.s32 v8, v0;
	v7 =	vsel vm2, $0x1, v1;
	vm2 =	vgt.s32 v6, v0;
	(xrf0) =	vadd.scan.msk.s32 $0xffff, v4  }
0x15d: {  	v6 =	vsel vm5, $0x1, v1;
	v9 =	vsel vm2, $0x1, v1;
	vm2 =	vgt.s32 v8, v0;
	(xrf0) =	vadd.scan.msk.s32 $0xffff, v7  }
0x15e: {  	s20 =	simm.s32 $0x80;
	v4 =	vsel vm4, $0x1, v1;
	v8 =	vsel vm3, $0x1, v1;
	v7 =	vsel vm2, $0x1, v1;
	(xrf0) =	vadd.scan.msk.s32 $0xffff, v9  }
0x15f: {  	vm3 =	veq.s32 v10, v0;
	vm2 =	vgt.s32 v2, v0;
	vm10 =	vgt.s32 v3, v0;
	v9 =	vld [tilespmem:s20+$0x0];
	v12, _, _ =	vpop (xrf0);
	(xrf0) =	vadd.scan.msk.s32 $0xffff, v6  }
0x160: {  	vm11 =	veq.s32 v3, v0;
	v11 =	vsel vm2, $0x1, v1;
	vm2 =	vgt.s32 v10, v0;
	v6 =	vld [tilespmem:s20+$0x10];
	v3, _, _ =	vpop (xrf0);
	(xrf0) =	vadd.scan.msk.s32 $0xffff, v4  }
0x161: {  	v14 =	vsel vm10, $0x1, v1;
	v10 =	vsel vm2, $0x1, v1;
	(v2sf) =	vpush v12, $0xF;
	v4 =	vld [tilespmem:s20+$0x20];
	(xrf0) =	vadd.scan.msk.s32 $0xffff, v7;
	v7, _, _ =	vpop (xrf0)  }
0x162: {  	vm2 =	veq.s32 v2, v0;
	v2 =	vsel vm3, $0x1, v1;
	(xrf0) =	vadd.scan.msk.s32 $0xffff, v10;
	(v2sf) =	vpush v7, $0xF;
	v7, _, _ =	vpop (xrf0)  }
0x163: {  	v12 =	vsel vm11, $0x1, v1;
	v13 =	vsel vm2, $0x1, v1;
	v10 =	vld [tilespmem:s20+$0x30];
	(xrf0) =	vadd.scan.msk.s32 $0xffff, v8;
	v8, _, _ =	vpop (xrf0);
	(v2sf) =	vpush v3, $0xF  }
0x164: {  	vm2 =	vgt.s32 v9, v0;
	vm3 =	veq.s32 v9, v0;
	(xrf0) =	vadd.scan.msk.s32 $0xffff, v13;
	(v2sf) =	vpush v8, $0xF;
	v3, _, _ =	vpop (xrf0)  }
0x165: {  	v8 =	vsel vm2, $0x1, v1;
	v9 =	vsel vm3, $0x1, v1;
	(xrf0) =	vadd.scan.msk.s32 $0xffff, v11;
	(v2sf) =	vpush v3, $0xF;
	v3, _, _ =	vpop (xrf0)  }
0x166: {  	s21 =	simm.s32 $0xC0;
	vm2 =	vgt.s32 v6, v0;
	vm3 =	veq.s32 v4, v0;
	(xrf0) =	vadd.scan.msk.s32 $0xffff, v14;
	(v2sf) =	vpush v7, $0xF;
	v7, _, _ =	vpop (xrf0)  }
0x167: {  	v11 =	vld [tilespmem:s21+$0x0];
	v13 =	vsel vm2, $0x1, v1;
	vm2 =	vgt.s32 v4, v0;
	v4, _, _ =	vpop (xrf0);
	(xrf0) =	vadd.scan.msk.s32 $0xffff, v12;
	(v2sf) =	vpush v7, $0xF  }
0x168: {  	v7 =	vld [tilespmem:s21+$0x10];
	vm12 =	vgt.s32 v10, v0;
	vm13 =	veq.s32 v10, v0;
	(v2sf) =	vpush v4, $0xF;
	v4, _, _ =	vpop (xrf0);
	(xrf0) =	vadd.scan.msk.s32 $0xffff, v2  }
0x169: {  	v10 =	vsel vm2, $0x1, v1;
	vm2 =	veq.s32 v6, v0;
	v2 =	vld [tilespmem:s21+$0x20];
	(xrf0) =	vadd.scan.msk.s32 $0xffff, v8;
	v8, _, _ =	vpop (xrf0);
	(v2sf) =	vpush v3, $0xF  }
0x16a: {  	v12 =	vsel vm13, $0x1, v1;
	v14 =	vsel vm12, $0x1, v1;
	(xrf0) =	vadd.scan.msk.s32 $0xffff, v10;
	(v2sf) =	vpush v8, $0xF;
	v6, _, _ =	vpop (xrf0)  }
0x16b: {  	v3 =	vsel vm3, $0x1, v1;
	v10 =	vsel vm2, $0x1, v1;
	(xrf0) =	vadd.scan.msk.s32 $0xffff, v9;
	v9, _, _ =	vpop (xrf0);
	(v2sf) =	vpush v4, $0xF  }
0x16c: {  	v8 =	vld [tilespmem:s21+$0x30];
	vm2 =	vgt.s32 v11, v0;
	vm3 =	veq.s32 v11, v0;
	(xrf0) =	vadd.scan.msk.s32 $0xffff, v10;
	(v2sf) =	vpush v9, $0xF;
	v4, _, _ =	vpop (xrf0)  }
0x16d: {  	v11 =	vsel vm3, $0x1, v1;
	v9 =	vsel vm2, $0x1, v1;
	(xrf0) =	vadd.scan.msk.s32 $0xffff, v13;
	(v2sf) =	vpush v4, $0xF;
	v4, _, _ =	vpop (xrf0)  }
0x16e: {  	vm2 =	vgt.s32 v7, v0;
	vm3 =	veq.s32 v2, v0;
	(xrf0) =	vadd.scan.msk.s32 $0xffff, v14;
	(v2sf) =	vpush v6, $0xF;
	v6, _, _ =	vpop (xrf0)  }
0x16f: {  	v14 =	vsel vm2, $0x1, v1;
	vm2 =	vgt.s32 v2, v0;
	v2, _, _ =	vpop (xrf0);
	(v2sf) =	vpush v6, $0xF  }
0x170: {  	(xrf0) =	vadd.scan.msk.s32 $0xffff, v12;
	s22 =	spop (v2sf);
	(v2sf) =	vpush v2, $0xF;
	v2, _, _ =	vpop (xrf0)  }
0x171: {  	vm14 =	vgt.s32 v8, v0;
	vm15 =	veq.s32 v8, v0;
	(xrf0) =	vadd.scan.msk.s32 $0xffff, v3;
	v8, _, _ =	vpop (xrf0);
	(v2sf) =	vpush v4, $0xF  }
0x172: {  	v3 =	vsel vm2, $0x1, v1;
	(xrf0) =	vadd.scan.msk.s32 $0xffff, v9;
	s4 =	spop (v2sf);
	(v2sf) =	vpush v8, $0xF;
	v10, _, _ =	vpop (xrf0)  }
0x173: {  	(xrf0) =	vadd.scan.msk.s32 $0xffff, v3;
	s5 =	spop (v2sf);
	v8, _, _ =	vpop (xrf0);
	(v2sf) =	vpush v2, $0xF  }
0x174: {  	s2 =	simm.s32 $0x100;
	(xrf0) =	vadd.scan.msk.s32 $0xffff, v11;
	s23 =	spop (v2sf);
	(v2sf) =	vpush v8, $0xF;
	v11, _, _ =	vpop (xrf0)  }
0x175: {  	v13 =	vld [tilespmem:s2+$0x0];
	s8 =	spop (v2sf);
	(v2sf) =	vpush v11, $0xF;
	_ =	sdelay $0x1  }
0x176: {  	v3 =	vld [tilespmem:s2+$0x10]  }
0x177: {  	vm2 =	veq.s32 v7, v0;
	v2 =	vld [tilespmem:s2+$0x20]  }
0x178: {  	v6 =	vsel vm15, $0x1, v1;
	s6 =	sadd.s32 $0x0, s22;
	v7 =	vsel vm2, $0x1, v1  }
0x179: {  	s0 =	simm.s32 $0x500;
	v4 =	vsel vm3, $0x1, v1;
	vm2 =	vgt.s32 v13, v0;
	vm3 =	veq.s32 v13, v0;
	(xrf0) =	vadd.scan.msk.s32 $0xffff, v7;
	s6 =	sadd.s32 s23, s6;
	v7 =	vld [tilespmem:s2+$0x30]  }
0x17a: {  	v12 =	vsel vm14, $0x1, v1;
	s12 =	sadd.s32 $0x0, s4;
	v9 =	vsel vm2, $0x1, v1;
	v8 =	vsel vm3, $0x1, v1;
	(xrf0) =	vadd.scan.msk.s32 $0xffff, v14;
	v11, _, _ =	vpop (xrf0);
	s10 =	sadd.s32 s5, s6;
	s13 =	spop (v2sf)  }
.LBB3_18:
0x17b: {  	s2 =	sshra.s32 s0, $0x2;
	vm3 =	vgt.s32 v3, v0  }
0x17c: {  	vm2 =	veq.s32 v2, v0;
	(xrf0) =	vadd.scan.msk.s32 $0xffff, v12;
	(v2sf) =	vpush v10, $0xF;
	v10, _, _ =	vpop (xrf0);
	s4 =	sadd.s32 s13, s12;
	s5 =	spop (v2sf);
	v12 =	vmov v3;
	s6 =	smov.u32 s0  }
0x17d: {  	v13 =	vld [tilespmem:s2+$0x0];
	s6 =	sadd.s32 $0x100, s0;
	v14 =	vsel vm3, $0x1, v1;
	vm3 =	vgt.s32 v2, v0;
	v2, _, _ =	vpop (xrf0);
	(xrf0) =	vadd.scan.msk.s32 $0xffff, v6;
	(v2sf) =	vpush v10, $0xF;
	s12 =	spop (v2sf);
	s4 =	sadd.s32 s5, s4  }
0x17e: {  	p0 =	sne.s32 s0, $0x1300;
	s0 =	sadd.s32 s8, s10;
	v3 =	vld [tilespmem:s2+$0x10];
	vm4 =	vgt.s32 v7, v0;
	vm5 =	veq.s32 v7, v0;
	(v2sf) =	vpush v2, $0xF;
	v15, _, _ =	vpop (xrf0);
	(xrf0) =	vadd.scan.msk.s32 $0xffff, v4;
	s5 =	spop (v2sf)  }
.Ltmp12:
0x17f: {  	v7 =	vsel vm3, $0x1, v1;
	v2 =	vld [tilespmem:s2+$0x20];
	v6 =	vsel vm5, $0x1, v1;
	(xrf0) =	vadd.scan.msk.s32 $0xffff, v9;
	v9, _, _ =	vpop (xrf0);
	(v2sf) =	vpush v11, $0xF;
	s10 =	spop (v2sf);
	s4 =	sadd.s32 s5, s4;
	(pc) =	sbr.rel @p0 .LBB3_18-.Ltmp12, $4  }
0x180: {  	vm3 =	veq.s32 v12, v0;
	v4 =	vsel vm2, $0x1, v1;
	(xrf0) =	vadd.scan.msk.s32 $0xffff, v7;
	(v2sf) =	vpush v9, $0xF;
	v10, _, _ =	vpop (xrf0);
	s5 =	spop (v2sf)  }
0x181: {  	s0 =	sadd.s32 s0, s12;
	v12 =	vsel vm4, $0x1, v1;
	v9 =	vsel vm3, $0x1, v1;
	v7 =	vld [tilespmem:s2+$0x30];
	(xrf0) =	vadd.scan.msk.s32 $0xffff, v8;
	v8, _, _ =	vpop (xrf0);
	(v2sf) =	vpush v15, $0xF;
	s2 =	spop (v2sf)  }
0x182: {  	s12 =	sadd.s32 s4, s10;
	vm2 =	vgt.s32 v13, v0;
	vm3 =	veq.s32 v13, v0;
	(xrf0) =	vadd.scan.msk.s32 $0xffff, v9;
	(v2sf) =	vpush v8, $0xF;
	v11, _, _ =	vpop (xrf0);
	s0 =	sadd.s32 s2, s0;
	s8 =	spop (v2sf)  }
0x183: {  	v9 =	vsel vm2, $0x1, v1;
	v8 =	vsel vm3, $0x1, v1;
	(xrf0) =	vadd.scan.msk.s32 $0xffff, v14;
	(v2sf) =	vpush v11, $0xF;
	v11, _, _ =	vpop (xrf0);
	s10 =	sadd.s32 s5, s0;
	s13 =	spop (v2sf);
	s0 =	smov.u32 s6  }
0x184: {  	(xrf0) =	vadd.scan.msk.s32 $0xffff, v12;
	v60, _, _ =	vpop (xrf0)  }
0x185: {  	(v2sf) =	vpush v10, $0xF;
	s0 =	spop (v2sf);
	vm2 =	vgt.s32 v2, v0;
	v61, _, _ =	vpop (xrf0);
	(xrf0) =	vadd.scan.msk.s32 $0xffff, v6  }
0x186: {  	(v2sf) =	vpush v60, $0xF;
	s2 =	spop (v2sf);
	v6, _, _ =	vpop (xrf0);
	(xrf0) =	vadd.scan.msk.s32 $0xffff, v4;
	v4 =	vsel vm2, $0x1, v1  }
0x187: {  	vm12 =	veq.s32 v3, v0;
	(v2sf) =	vpush v61, $0xF;
	s4 =	spop (v2sf)  }
0x188: {  	vm3 =	vgt.s32 v3, v0;
	v3 =	vsel vm12, $0x1, v1;
	(xrf0) =	vadd.scan.msk.s32 $0xffff, v9;
	v62, _, _ =	vpop (xrf0);
	(v2sf) =	vpush v11, $0xF;
	s14 =	spop (v2sf)  }
0x189: {  	(xrf0) =	vadd.scan.msk.s32 $0xffff, v4;
	(v2sf) =	vpush v62, $0xF;
	s15 =	spop (v2sf);
	v4, _, _ =	vpop (xrf0)  }
0x18a: {  	vm15 =	veq.s32 v2, v0;
	vm13 =	vgt.s32 v7, v0;
	(xrf0) =	vadd.scan.msk.s32 $0xffff, v8;
	(v2sf) =	vpush v6, $0xF;
	s5 =	spop (v2sf);
	v63, _, _ =	vpop (xrf0)  }
0x18b: {  	vm14 =	veq.s32 v7, v0;
	v6 =	vsel vm3, $0x1, v1;
	(xrf0) =	vadd.scan.msk.s32 $0xffff, v3;
	s6 =	spop (v2sf);
	(v2sf) =	vpush v63, $0xF;
	v3, _, _ =	vpop (xrf0)  }
0x18c: {  	v7 =	vsel vm13, $0x1, v1;
	v2 =	vsel vm14, $0x1, v1;
	(xrf0) =	vadd.scan.msk.s32 $0xffff, v6;
	s16 =	spop (v2sf);
	(v2sf) =	vpush v3, $0xF;
	v3, _, _ =	vpop (xrf0)  }
0x18d: {  	v1 =	vsel vm15, $0x1, v1;
	(xrf0) =	vadd.scan.msk.s32 $0xffff, v7;
	s17 =	spop (v2sf);
	(v2sf) =	vpush v4, $0xF;
	v4, _, _ =	vpop (xrf0)  }
0x18e: {  	(xrf0) =	vadd.scan.msk.s32 $0xffff, v2;
	s18 =	spop (v2sf);
	v6, _, _ =	vpop (xrf0);
	(v2sf) =	vpush v4, $0xF  }
0x18f: {  	s19 =	spop (v2sf);
	(v2sf) =	vpush v6, $0xF;
	v2, _, _ =	vpop (xrf0);
	(xrf0) =	vadd.scan.msk.s32 $0xffff, v1  }
0x190: {  	s20 =	spop (v2sf);
	v1, _, _ =	vpop (xrf0);
	(v2sf) =	vpush v3, $0xF  }
0x191: {  	s21 =	spop (v2sf);
	(v2sf) =	vpush v1, $0xF;
	v1, _, _ =	vpop (xrf0)  }
0x192: {  	s22 =	spop (v2sf);
	v3, _, _ =	vpop (xrf0);
	(v2sf) =	vpush v2, $0xF  }
0x193: {  	s23 =	spop (v2sf);
	(v2sf) =	vpush v3, $0xF;
	v2, _, _ =	vpop (xrf0)  }
0x194: {  	s7 =	spop (v2sf);
	(v2sf) =	vpush v2, $0xF;
	v2, _, _ =	vpop (xrf0)  }
0x195: {  	s12 =	sadd.s32 s13, s12;
	s8 =	sadd.s32 s8, s10;
	s10 =	spop (v2sf);
	(v2sf) =	vpush v1, $0xF;
	v1, _, _ =	vpop (xrf0)  }
0x196: {  	s0 =	sadd.s32 s0, s12;
	s2 =	sadd.s32 s8, s2;
	s12 =	spop (v2sf);
	(v2sf) =	vpush v1, $0xF  }
0x197: {  	s0 =	sadd.s32 s4, s0;
	s2 =	sadd.s32 s5, s2;
	s13 =	spop (v2sf);
	(v2sf) =	vpush v2, $0xF  }
0x198: {  	s0 =	sadd.s32 s0, s14;
	s2 =	sadd.s32 s15, s2;
	s15 =	spop (v2sf)  }
0x199: {  	s0 =	sadd.s32 s16, s0;
	s2 =	sadd.s32 s6, s2;
	s16 =	spop (v2sf)  }
0x19a: {  	s0 =	sadd.s32 s17, s0;
	s2 =	sadd.s32 s2, s18;
	s18 =	spop (v2sf)  }
0x19b: {  	s0 =	sadd.s32 s19, s0;
	s2 =	sadd.s32 s22, s2;
	s19 =	spop (v2sf)  }
0x19c: {  	s0 =	sadd.s32 s0, s20;
	s2 =	sadd.s32 s21, s2;
	s21 =	spop (v2sf)  }
0x19d: {  	s0 =	sadd.s32 s7, s0;
	s2 =	sadd.s32 s23, s2;
	s22 =	spop (v2sf)  }
0x19e: {  	s0 =	sadd.s32 s10, s0;
	s2 =	sadd.s32 s2, s12;
	s23 =	spop (v2sf)  }
0x19f: {  	s0 =	sadd.s32 s13, s0;
	s2 =	sadd.s32 s18, s2;
	s10 =	spop (v2sf)  }
0x1a0: {  	s0 =	sadd.s32 s0, s15;
	s2 =	sadd.s32 s16, s2;
	s12 =	spop (v2sf)  }
0x1a1: {  	s0 =	sadd.s32 s21, s0;
	s2 =	sadd.s32 s19, s2;
	s13 =	spop (v2sf)  }
0x1a2: {  	s0 =	sadd.s32 s22, s0;
	s2 =	sadd.s32 s2, s23;
	s14 =	spop (v2sf)  }
0x1a3: {  	s0 =	sadd.s32 s10, s0;
	s2 =	sadd.s32 s14, s2;
	s15 =	spop (v2sf)  }
0x1a4: {  	s0 =	sadd.s32 s0, s12;
	s2 =	sadd.s32 s13, s2;
	s16 =	spop (v2sf)  }
0x1a5: {  	s0 =	sadd.s32 s16, s0;
	s17 =	spop (v2sf);
	s2 =	sadd.s32 s15, s2  }
0x1a6: {  	s0 =	sadd.s32 s17, s0;
	s18 =	spop (v2sf);
	v1 =	vmov s2  }
0x1a7: {  	s10 =	sshll.u32 s28, $0x6;
	s0 =	sadd.s32 s18, s0;
	v1 =	vnsel vm0, $0x0, v1  }
0x1a8: {  	s19 =	sshrl.u32 s10, $0x2;
	v1 =	vsel vm1, s0, v1  }
0x1a9: {  	s21 =	simm.s32 $0x2700;
	s22 =	simm.s32 $0x2;
	s20 =	sadd.s32 s19, s31;
	[tilespmem:$0x2700] =	vst v1  }
0x1aa: {  	[spmem:s20] =	stream.linear.scatter [tilespmem:s21], [sflag:$0x2], $0x10, $0x38;
	[tilespmem:$0xD728] =	vst v63  }
0x1ab: {  	_ =	swait.ge [sflag:s22], $0x10  }
0x1ac: {  	v1 =	vlaneseq.u32;
	[sflag:s22] =	ssyncset.done $0x0  }
0x1ad: {  	v1 =	vmul.u32 $0x10, v1;
	[sflag:s22] =	ssyncadd.s32 $0xFFFFFFF0  }
0x1ae: {  	s23 =	simm.s32 $0x2500;
	[bflag:$0x0] =	sbarrier.arrive $0xFFFF  }
0x1af: {  	v2 =	vor.u32 $0x1, v1;
	[tilespmem:s23], [sflag:$0x2] =	stream.linear.gather [spmem:s31], $0x100, $0x38;
	[tilespmem:$0xD728] =	vst v63  }
0x1b0: {  	_ =	swait.ge [sflag:s22], $0x100  }
0x1b1: {  	[sflag:s22] =	ssyncset.done $0x0  }
0x1b2: {  	[sflag:s22] =	ssyncadd.s32 $0xFFFFFF00  }
0x1b3: {  	v1 =	vld.idx.msk [tilespmem:v1+s23+$0x0], $0xffff  }
0x1b4: {  	v4 =	vimm.s32 $0x7FFFFFFF;
	s2 =	simm.s32 $0x0;
	s0 =	simm.s32 $0x40;
	v3 =	vld.idx.msk [tilespmem:v2+s23+$0x0], $0xffff;
	v2 =	vimm.s32 $0x0  }
.LBB3_20:
0x1b5: {  	p0 =	seq.s32 s0, $0xFC0;
	[tilespmem:s2+$0x2710] =	vst v2;
	s4 =	smov.u32 s0;
	s0 =	sadd.s32 $0x40, s0  }
.Ltmp13:
0x1b6: {  	[tilespmem:s2+$0x2B10] =	vst v4;
	(pc) =	sbr.rel @!p0 .LBB3_20-.Ltmp13, $2  }
0x1b7: {  	_ =	sdelay $0x2  }
0x1b8: {  	s2 =	sshra.s32 s4, $0x2  }
0x1b9: {  	(xrf0) =	vadd.scan.msk.s32 $0xffff, v3;
	_ =	sdelay $0x3  }
0x1ba: {  	[tilespmem:s2+$0x2710] =	vst v2;
	v2 =	vbroadcast v5, $0xF;
	_ =	sdelay $0x1  }
0x1bb: {  	[tilespmem:s2+$0x2B10] =	vst v4;
	v2 =	vadd.s32 v2, v3;
	v4, _, _ =	vpop (xrf0)  }
0x1bc: {  	v2 =	vsub.s32 v2, v4  }
0x1bd: {  	vm0 =	vgt.s32 v2, $0x0  }
0x1be: {  	v4 =	vnsel vm0, $0x0, v2  }
0x1bf: {  	v5 =	vmov s28;
	v2 =	vlaneseq.u32;
	vm0 =	vlt.s32 v3, v4  }
0x1c0: {  	vm1 =	veq.s32 v5, v2;
	v3 =	vsel vm0, v3, v4  }
0x1c1: {  	v4 =	vnsel vm1, $0x0, v3  }
0x1c2: {  	(xrf0) =	vadd.scan.msk.s32 $0xffff, v4  }
0x1c3: {  	s14 =	simm.s32 $0x20  }
0x1c4: {  	v6 =	vld [tilespmem:s14+$0xFFFFFFE0];
	_ =	sdelay $0x3  }
0x1c5: {  	v4, _, _ =	vpop (xrf0)  }
0x1c6: {  	vm0 =	veq.s32 v6, v0;
	v5 =	vbroadcast v4, $0xF;
	v4 =	vimm.s32 $0x0  }
0x1c7: {  	v7 =	vsel vm0, $0x1, v4  }
0x1c8: {  	(xrf0) =	vadd.scan.msk.s32 $0xffff, v7;
	_ =	sdelay $0x4  }
0x1c9: {  	s0 =	simm.s32 $0x0;
	v7 =	vsel vm0, $0xFFFFFFFF, v4  }
0x1ca: {  	v7 =	vadd.s32 s0, v7;
	v8, _, _ =	vpop (xrf0)  }
0x1cb: {  	v7 =	vadd.s32 v8, v7  }
0x1cc: {  	vm1 =	vlt.s32 v7, v5  }
0x1cd: {  	vm2 =	vgt.s32 v6, v0;
	vm0 =	vmand vm0, vm1  }
0x1ce: {  	vm0 =	vmor vm2, vm0  }
0x1cf: {  	v7 =	vsel vm0, $0x1, v4  }
0x1d0: {  	(xrf0) =	vadd.scan.msk.s32 $0xffff, v7;
	_ =	sdelay $0x5  }
0x1d1: {  	v9, _, _ =	vpop (xrf0)  }
0x1d2: {  	v7 =	vsub.s32 v9, v7  }
0x1d3: {  	v7 =	vadd.s32 s0, v7;
	_ =	sdelay $0x3  }
0x1d4: {  	s12 =	simm.s32 $0x2710;
	s13 =	sadd.s32 $0x0, s30  }
0x1d5: {  	s8 =	simm.s32 $0x2B10;
	(v2sf) =	vpush v8, $0xF;
	v8 =	vor.u32 s13, v2;
	[tilespmem:v7+s12+$0x0] =	vst.idx.msk vm0, v6  }
0x1d6: {  	[tilespmem:v7+s8+$0x0] =	vst.idx.msk vm0, v8  }
0x1d7: {  	v6 =	vld [tilespmem:s14+$0xFFFFFFF0];
	_ =	sdelay $0x4  }
0x1d8: {  	vm0 =	veq.s32 v6, v0  }
0x1d9: {  	v7 =	vsel vm0, $0x1, v4  }
0x1da: {  	(xrf0) =	vadd.scan.msk.s32 $0xffff, v7;
	_ =	sdelay $0x3  }
0x1db: {  	(v2sf) =	vpush v9, $0xF;
	_ =	sdelay $0x1  }
0x1dc: {  	s16 =	spop (v2sf);
	v7 =	vsel vm0, $0xFFFFFFFF, v4;
	v8, _, _ =	vpop (xrf0)  }
0x1dd: {  	s0 =	sadd.s32 $0x0, s16;
	v7 =	vadd.s32 v7, v8  }
0x1de: {  	v7 =	vadd.s32 s0, v7  }
0x1df: {  	vm1 =	vlt.s32 v7, v5  }
0x1e0: {  	vm2 =	vgt.s32 v6, v0;
	vm0 =	vmand vm0, vm1  }
0x1e1: {  	vm0 =	vmor vm2, vm0  }
0x1e2: {  	v7 =	vsel vm0, $0x1, v4  }
0x1e3: {  	(xrf0) =	vadd.scan.msk.s32 $0xffff, v7;
	_ =	sdelay $0x5  }
0x1e4: {  	s17 =	spop (v2sf);
	v62, _, _ =	vpop (xrf0)  }
0x1e5: {  	s2 =	sadd.s32 $0x0, s17;
	v7 =	vsub.s32 v62, v7  }
0x1e6: {  	v7 =	vadd.s32 s2, v7;
	_ =	sdelay $0x3  }
0x1e7: {  	s4 =	sadd.s32 $0x10, s13  }
0x1e8: {  	(v2sf) =	vpush v8, $0xF;
	v8 =	vor.u32 s4, v2;
	[tilespmem:v7+s12+$0x0] =	vst.idx.msk vm0, v6  }
0x1e9: {  	[tilespmem:v7+s8+$0x0] =	vst.idx.msk vm0, v8  }
0x1ea: {  	v6 =	vld [tilespmem:s14+$0x0];
	_ =	sdelay $0x4  }
0x1eb: {  	vm0 =	veq.s32 v6, v0  }
0x1ec: {  	v7 =	vsel vm0, $0x1, v4  }
0x1ed: {  	(xrf0) =	vadd.scan.msk.s32 $0xffff, v7;
	_ =	sdelay $0x3  }
0x1ee: {  	(v2sf) =	vpush v62, $0xF;
	_ =	sdelay $0x1  }
0x1ef: {  	s18 =	spop (v2sf);
	v7 =	vsel vm0, $0xFFFFFFFF, v4;
	v8, _, _ =	vpop (xrf0)  }
0x1f0: {  	s0 =	sadd.s32 s0, s18;
	v7 =	vadd.s32 v7, v8  }
0x1f1: {  	v7 =	vadd.s32 s0, v7  }
0x1f2: {  	vm1 =	vlt.s32 v7, v5  }
0x1f3: {  	vm2 =	vgt.s32 v6, v0;
	vm0 =	vmand vm0, vm1  }
0x1f4: {  	vm0 =	vmor vm2, vm0  }
0x1f5: {  	v7 =	vsel vm0, $0x1, v4  }
0x1f6: {  	(xrf0) =	vadd.scan.msk.s32 $0xffff, v7;
	_ =	sdelay $0x5  }
0x1f7: {  	s19 =	spop (v2sf);
	v63, _, _ =	vpop (xrf0)  }
0x1f8: {  	s2 =	sadd.s32 s2, s19;
	v7 =	vsub.s32 v63, v7  }
0x1f9: {  	v7 =	vadd.s32 s2, v7;
	_ =	sdelay $0x3  }
0x1fa: {  	s20 =	sadd.s32 $0x20, s13  }
0x1fb: {  	(v2sf) =	vpush v8, $0xF;
	[tilespmem:v7+s12+$0x0] =	vst.idx.msk vm0, v6;
	v6 =	vor.u32 s20, v2  }
0x1fc: {  	[tilespmem:v7+s8+$0x0] =	vst.idx.msk vm0, v6  }
0x1fd: {  	v6 =	vld [tilespmem:s14+$0x10];
	_ =	sdelay $0x4  }
0x1fe: {  	vm0 =	veq.s32 v6, v0  }
0x1ff: {  	v7 =	vsel vm0, $0x1, v4  }
0x200: {  	(xrf0) =	vadd.scan.msk.s32 $0xffff, v7;
	_ =	sdelay $0x3  }
0x201: {  	(v2sf) =	vpush v63, $0xF;
	_ =	sdelay $0x1  }
0x202: {  	s21 =	spop (v2sf);
	v7 =	vsel vm0, $0xFFFFFFFF, v4;
	v8, _, _ =	vpop (xrf0)  }
0x203: {  	s4 =	sadd.s32 s0, s21;
	v7 =	vadd.s32 v7, v8  }
0x204: {  	v7 =	vadd.s32 s4, v7  }
0x205: {  	vm1 =	vlt.s32 v7, v5  }
0x206: {  	vm0 =	vmand vm0, vm1;
	vm1 =	vgt.s32 v6, v0  }
0x207: {  	vm0 =	vmor vm1, vm0  }
0x208: {  	v7 =	vsel vm0, $0x1, v4  }
0x209: {  	(xrf0) =	vadd.scan.msk.s32 $0xffff, v7;
	_ =	sdelay $0x5  }
0x20a: {  	s22 =	spop (v2sf);
	(v2sf) =	vpush v8, $0xF;
	v8, _, _ =	vpop (xrf0)  }
0x20b: {  	s0 =	sadd.s32 s2, s22;
	v7 =	vsub.s32 v8, v7;
	(v2sf) =	vpush v8, $0xF  }
0x20c: {  	v7 =	vadd.s32 s0, v7;
	_ =	sdelay $0x3  }
0x20d: {  	s23 =	sadd.s32 $0x30, s13  }
0x20e: {  	v8 =	vor.u32 s23, v2;
	[tilespmem:v7+s12+$0x0] =	vst.idx.msk vm0, v6  }
0x20f: {  	s13 =	simm.s32 $0x60;
	[tilespmem:v7+s8+$0x0] =	vst.idx.msk vm0, v8  }
0x210: {  	v6 =	vld [tilespmem:s13+$0xFFFFFFE0];
	_ =	sdelay $0x4  }
0x211: {  	vm0 =	veq.s32 v6, v0  }
0x212: {  	s15 =	simm.s32 $0x80;
	s31 =	spop (v2sf);
	v8 =	vsel vm0, $0x1, v4  }
0x213: {  	s14 =	simm.s32 $0x40;
	s17 =	sadd.s32 s4, s31;
	v7 =	vsel vm0, $0xFFFFFFFF, v4;
	(xrf0) =	vadd.scan.msk.s32 $0xffff, v8;
	s2 =	spop (v2sf)  }
.LBB3_22:
0x214: {  	p0 =	sne.s32 s15, $0x4C0  }
0x215: {  	s19 =	sadd.s32 s0, s2;
	s0 =	smov.u32 s15;
	s15 =	sadd.s32 $0x40, s15  }
0x216: {  	_ =	sdelay $0x3  }
0x217: {  	v7 =	vadd.s32 s17, v7;
	v8, _, _ =	vpop (xrf0)  }
0x218: {  	v7 =	vadd.s32 v8, v7;
	(v2sf) =	vpush v8, $0xF  }
0x219: {  	vm1 =	vlt.s32 v7, v5  }
0x21a: {  	vm2 =	vgt.s32 v6, v0;
	vm0 =	vmand vm0, vm1  }
0x21b: {  	vm0 =	vmor vm2, vm0  }
0x21c: {  	v7 =	vsel vm0, $0x1, v4  }
0x21d: {  	(xrf0) =	vadd.scan.msk.s32 $0xffff, v7;
	_ =	sdelay $0x5  }
0x21e: {  	v8, _, _ =	vpop (xrf0)  }
0x21f: {  	v7 =	vsub.s32 v8, v7;
	(v2sf) =	vpush v8, $0xF  }
0x220: {  	v7 =	vadd.s32 s19, v7;
	_ =	sdelay $0x1  }
0x221: {  	s2 =	spop (v2sf);
	_ =	sdelay $0x1  }
0x222: {  	s4 =	sadd.s32 s14, s30;
	s14 =	smov.u32 s0  }
0x223: {  	s0 =	sadd.s32 $0x10, s4;
	s18 =	sadd.s32 $0x20, s4;
	s16 =	sadd.s32 $0x30, s4;
	v8 =	vor.u32 s4, v2;
	[tilespmem:v7+s12+$0x0] =	vst.idx.msk vm0, v6  }
0x224: {  	[tilespmem:v7+s8+$0x0] =	vst.idx.msk vm0, v8  }
0x225: {  	v6 =	vld [tilespmem:s13+$0xFFFFFFF0];
	_ =	sdelay $0x4  }
0x226: {  	vm0 =	veq.s32 v6, v0  }
0x227: {  	v7 =	vsel vm0, $0x1, v4  }
0x228: {  	s4 =	spop (v2sf);
	(xrf0) =	vadd.scan.msk.s32 $0xffff, v7;
	_ =	sdelay $0x5  }
0x229: {  	v7 =	vsel vm0, $0xFFFFFFFF, v4;
	v8, _, _ =	vpop (xrf0)  }
0x22a: {  	s2 =	sadd.s32 s17, s2;
	v7 =	vadd.s32 v7, v8;
	(v2sf) =	vpush v8, $0xF  }
0x22b: {  	v7 =	vadd.s32 s2, v7  }
0x22c: {  	vm1 =	vlt.s32 v7, v5  }
0x22d: {  	vm2 =	vgt.s32 v6, v0;
	vm0 =	vmand vm0, vm1  }
0x22e: {  	vm0 =	vmor vm2, vm0  }
0x22f: {  	v7 =	vsel vm0, $0x1, v4  }
0x230: {  	(xrf0) =	vadd.scan.msk.s32 $0xffff, v7;
	_ =	sdelay $0x5  }
0x231: {  	v8, _, _ =	vpop (xrf0)  }
0x232: {  	s4 =	sadd.s32 s19, s4;
	v7 =	vsub.s32 v8, v7;
	(v2sf) =	vpush v8, $0xF  }
0x233: {  	v7 =	vadd.s32 s4, v7  }
0x234: {  	s5 =	spop (v2sf)  }
0x235: {  	s19 =	sadd.s32 s2, s5;
	_ =	sdelay $0x2  }
0x236: {  	v8 =	vor.u32 s0, v2;
	[tilespmem:v7+s12+$0x0] =	vst.idx.msk vm0, v6  }
0x237: {  	[tilespmem:v7+s8+$0x0] =	vst.idx.msk vm0, v8  }
0x238: {  	v6 =	vld [tilespmem:s13+$0x0];
	_ =	sdelay $0x4  }
0x239: {  	vm0 =	veq.s32 v6, v0  }
0x23a: {  	v7 =	vsel vm0, $0x1, v4  }
0x23b: {  	s0 =	spop (v2sf);
	(xrf0) =	vadd.scan.msk.s32 $0xffff, v7  }
0x23c: {  	s17 =	sadd.s32 s4, s0;
	_ =	sdelay $0x4  }
0x23d: {  	v7 =	vsel vm0, $0xFFFFFFFF, v4;
	v8, _, _ =	vpop (xrf0)  }
0x23e: {  	v7 =	vadd.s32 v7, v8;
	(v2sf) =	vpush v8, $0xF  }
0x23f: {  	v7 =	vadd.s32 s19, v7  }
0x240: {  	vm1 =	vlt.s32 v7, v5  }
0x241: {  	vm2 =	vgt.s32 v6, v0;
	vm0 =	vmand vm0, vm1  }
0x242: {  	vm0 =	vmor vm2, vm0  }
0x243: {  	v7 =	vsel vm0, $0x1, v4  }
0x244: {  	(xrf0) =	vadd.scan.msk.s32 $0xffff, v7;
	_ =	sdelay $0x5  }
0x245: {  	v8, _, _ =	vpop (xrf0)  }
0x246: {  	v7 =	vsub.s32 v8, v7;
	(v2sf) =	vpush v8, $0xF  }
0x247: {  	v7 =	vadd.s32 s17, v7  }
0x248: {  	s0 =	spop (v2sf);
	_ =	sdelay $0x3  }
0x249: {  	v8 =	vor.u32 s18, v2;
	[tilespmem:v7+s12+$0x0] =	vst.idx.msk vm0, v6  }
0x24a: {  	[tilespmem:v7+s8+$0x0] =	vst.idx.msk vm0, v8  }
0x24b: {  	v6 =	vld [tilespmem:s13+$0x10];
	_ =	sdelay $0x4  }
0x24c: {  	vm0 =	veq.s32 v6, v0  }
0x24d: {  	v7 =	vsel vm0, $0x1, v4  }
0x24e: {  	s2 =	spop (v2sf);
	(xrf0) =	vadd.scan.msk.s32 $0xffff, v7;
	_ =	sdelay $0x5  }
0x24f: {  	v7 =	vsel vm0, $0xFFFFFFFF, v4;
	v8, _, _ =	vpop (xrf0)  }
0x250: {  	s4 =	sadd.s32 s19, s0;
	v7 =	vadd.s32 v7, v8;
	(v2sf) =	vpush v8, $0xF  }
0x251: {  	v7 =	vadd.s32 s4, v7  }
0x252: {  	vm1 =	vlt.s32 v7, v5  }
0x253: {  	vm2 =	vgt.s32 v6, v0;
	vm0 =	vmand vm0, vm1  }
0x254: {  	vm0 =	vmor vm2, vm0  }
0x255: {  	v7 =	vsel vm0, $0x1, v4  }
0x256: {  	(xrf0) =	vadd.scan.msk.s32 $0xffff, v7;
	_ =	sdelay $0x5  }
0x257: {  	v8, _, _ =	vpop (xrf0)  }
0x258: {  	s0 =	sadd.s32 s17, s2;
	v7 =	vsub.s32 v8, v7;
	(v2sf) =	vpush v8, $0xF  }
0x259: {  	v7 =	vadd.s32 s0, v7  }
0x25a: {  	s2 =	spop (v2sf)  }
0x25b: {  	s17 =	sadd.s32 s4, s2;
	_ =	sdelay $0x2  }
0x25c: {  	v8 =	vor.u32 s16, v2;
	[tilespmem:v7+s12+$0x0] =	vst.idx.msk vm0, v6  }
0x25d: {  	s13 =	sadd.s32 $0x40, s13;
	[tilespmem:v7+s8+$0x0] =	vst.idx.msk vm0, v8  }
0x25e: {  	v6 =	vld [tilespmem:s13+$0xFFFFFFE0];
	_ =	sdelay $0x2  }
.Ltmp14:
0x25f: {  	(pc) =	sbr.rel @p0 .LBB3_22-.Ltmp14, $4  }
0x260: {  	_ = 	snop  }
0x261: {  	vm0 =	veq.s32 v6, v0  }
0x262: {  	v7 =	vsel vm0, $0xFFFFFFFF, v4;
	v8 =	vsel vm0, $0x1, v4  }
0x263: {  	(xrf0) =	vadd.scan.msk.s32 $0xffff, v8;
	s2 =	spop (v2sf)  }
0x264: {  	_ =	sdelay $0x4  }
0x265: {  	v7 =	vadd.s32 s17, v7;
	v8, _, _ =	vpop (xrf0)  }
0x266: {  	v7 =	vadd.s32 v8, v7  }
0x267: {  	vm1 =	vlt.s32 v7, v5  }
0x268: {  	vm2 =	vgt.s32 v6, v0;
	vm0 =	vmand vm0, vm1  }
0x269: {  	vm0 =	vmor vm2, vm0  }
0x26a: {  	v46 =	vsel vm0, $0x1, v4  }
0x26b: {  	(xrf0) =	vadd.scan.msk.s32 $0xffff, v46;
	_ =	sdelay $0x5  }
0x26c: {  	v9, _, _ =	vpop (xrf0)  }
0x26d: {  	s0 =	sadd.s32 s0, s2;
	v7 =	vsub.s32 v9, v46  }
0x26e: {  	v7 =	vadd.s32 s0, v7;
	_ =	sdelay $0x3  }
0x26f: {  	s14 =	sadd.s32 s14, s30  }
0x270: {  	v47 =	vor.u32 s14, v2;
	(v2sf) =	vpush v8, $0xF;
	[tilespmem:v7+s12+$0x0] =	vst.idx.msk vm0, v6  }
0x271: {  	[tilespmem:v7+s8+$0x0] =	vst.idx.msk vm0, v47  }
0x272: {  	v6 =	vld [tilespmem:s13+$0xFFFFFFF0];
	_ =	sdelay $0x4  }
0x273: {  	vm7 =	veq.s32 v6, v0  }
0x274: {  	v48 =	vsel vm7, $0x1, v4  }
0x275: {  	(xrf0) =	vadd.scan.msk.s32 $0xffff, v48;
	_ =	sdelay $0x3  }
0x276: {  	(v2sf) =	vpush v9, $0xF;
	_ =	sdelay $0x1  }
0x277: {  	s5 =	spop (v2sf);
	v49 =	vsel vm7, $0xFFFFFFFF, v4;
	v50, _, _ =	vpop (xrf0)  }
0x278: {  	s2 =	sadd.s32 s17, s5;
	v7 =	vadd.s32 v49, v50  }
0x279: {  	v7 =	vadd.s32 s2, v7  }
0x27a: {  	vm8 =	vlt.s32 v7, v5  }
0x27b: {  	vm9 =	vgt.s32 v6, v0;
	vm0 =	vmand vm7, vm8  }
0x27c: {  	vm0 =	vmor vm9, vm0  }
0x27d: {  	v51 =	vsel vm0, $0x1, v4  }
0x27e: {  	(xrf0) =	vadd.scan.msk.s32 $0xffff, v51;
	_ =	sdelay $0x5  }
0x27f: {  	s4 =	spop (v2sf);
	v52, _, _ =	vpop (xrf0)  }
0x280: {  	s0 =	sadd.s32 s0, s4;
	v7 =	vsub.s32 v52, v51  }
0x281: {  	v7 =	vadd.s32 s0, v7;
	_ =	sdelay $0x3  }
0x282: {  	s6 =	sadd.s32 $0x10, s14  }
0x283: {  	v53 =	vor.u32 s6, v2;
	(v2sf) =	vpush v50, $0xF;
	[tilespmem:v7+s12+$0x0] =	vst.idx.msk vm0, v6  }
0x284: {  	[tilespmem:v7+s8+$0x0] =	vst.idx.msk vm0, v53  }
0x285: {  	v6 =	vld [tilespmem:s13+$0x0];
	_ =	sdelay $0x4  }
0x286: {  	vm10 =	veq.s32 v6, v0  }
0x287: {  	v54 =	vsel vm10, $0x1, v4  }
0x288: {  	(xrf0) =	vadd.scan.msk.s32 $0xffff, v54;
	_ =	sdelay $0x3  }
0x289: {  	(v2sf) =	vpush v52, $0xF;
	_ =	sdelay $0x1  }
0x28a: {  	s7 =	spop (v2sf);
	v55 =	vsel vm10, $0xFFFFFFFF, v4;
	v56, _, _ =	vpop (xrf0)  }
0x28b: {  	s2 =	sadd.s32 s2, s7;
	v7 =	vadd.s32 v55, v56  }
0x28c: {  	v7 =	vadd.s32 s2, v7  }
0x28d: {  	vm11 =	vlt.s32 v7, v5  }
0x28e: {  	vm12 =	vgt.s32 v6, v0;
	vm0 =	vmand vm10, vm11  }
0x28f: {  	vm0 =	vmor vm12, vm0  }
0x290: {  	v57 =	vsel vm0, $0x1, v4  }
0x291: {  	(xrf0) =	vadd.scan.msk.s32 $0xffff, v57;
	_ =	sdelay $0x5  }
0x292: {  	s15 =	spop (v2sf);
	v58, _, _ =	vpop (xrf0)  }
0x293: {  	s0 =	sadd.s32 s0, s15;
	v7 =	vsub.s32 v58, v57  }
0x294: {  	v7 =	vadd.s32 s0, v7;
	_ =	sdelay $0x3  }
0x295: {  	s16 =	sadd.s32 $0x20, s14  }
0x296: {  	v59 =	vor.u32 s16, v2;
	(v2sf) =	vpush v56, $0xF;
	[tilespmem:v7+s12+$0x0] =	vst.idx.msk vm0, v6  }
0x297: {  	[tilespmem:v7+s8+$0x0] =	vst.idx.msk vm0, v59  }
0x298: {  	v6 =	vld [tilespmem:s13+$0x10];
	_ =	sdelay $0x4  }
0x299: {  	vm13 =	veq.s32 v6, v0  }
0x29a: {  	v60 =	vsel vm13, $0x1, v4  }
0x29b: {  	(xrf0) =	vadd.scan.msk.s32 $0xffff, v60;
	_ =	sdelay $0x5  }
0x29c: {  	s17 =	spop (v2sf);
	v61 =	vsel vm13, $0xFFFFFFFF, v4;
	v62, _, _ =	vpop (xrf0)  }
0x29d: {  	s2 =	sadd.s32 s2, s17;
	v7 =	vadd.s32 v61, v62  }
0x29e: {  	v7 =	vadd.s32 s2, v7  }
0x29f: {  	vm14 =	vlt.s32 v7, v5  }
0x2a0: {  	(v2sf) =	vpush v58, $0xF;
	vm15 =	vgt.s32 v6, v0;
	vm0 =	vmand vm13, vm14  }
0x2a1: {  	vm0 =	vmor vm15, vm0  }
0x2a2: {  	v0 =	vsel vm0, $0x1, v4  }
0x2a3: {  	(xrf0) =	vadd.scan.msk.s32 $0xffff, v0;
	_ =	sdelay $0x4  }
0x2a4: {  	(v2sf) =	vpush v62, $0xF  }
0x2a5: {  	v63, _, _ =	vpop (xrf0)  }
0x2a6: {  	(v2sf) =	vpush v63, $0xF;
	_ =	sdelay $0x4  }
0x2a7: {  	s18 =	spop (v2sf)  }
0x2a8: {  	s0 =	sadd.s32 s0, s18;
	v0 =	vsub.s32 v63, v0  }
0x2a9: {  	v4 =	vadd.s32 s0, v0  }
0x2aa: {  	v0 =	vadd.s32 v1, v3  }
0x2ab: {  	(xrf0) =	vadd.scan.msk.s32 $0xffff, v0;
	_ =	sdelay $0x1  }
0x2ac: {  	s19 =	sadd.s32 $0x30, s14  }
0x2ad: {  	v1 =	vor.u32 s19, v2;
	[tilespmem:v4+s12+$0x0] =	vst.idx.msk vm0, v6  }
0x2ae: {  	s21 =	simm.s32 $0x2710;
	s0 =	sadd.s32 s29, s26;
	s20 =	spop (v2sf);
	[tilespmem:v4+s8+$0x0] =	vst.idx.msk vm0, v1  }
0x2af: {  	[spmem:s0] =	stream.linear.scatter [tilespmem:s21], [sflag:$0x2], $0x400, $0x38;
	[tilespmem:$0xD728] =	vst v63  }
0x2b0: {  	s8 =	simm.s32 $0x2;
	v1, _, _ =	vpop (xrf0);
	s22 =	spop (v2sf)  }
0x2b1: {  	_ =	swait.ge [sflag:s8], $0x400  }
0x2b2: {  	s23 =	simm.s32 $0x2B10;
	[sflag:s8] =	ssyncset.done $0x0  }
0x2b3: {  	p0 =	sne.s32 s28, $0x0;
	s0 =	sadd.s32 s29, s25;
	[sflag:s8] =	ssyncadd.s32 $0xFFFFFC00  }
0x2b4: {  	[spmem:s0] =	stream.linear.scatter [tilespmem:s23], [sflag:$0x2], $0x400, $0x38;
	[tilespmem:$0xD728] =	vst v63  }
.Ltmp15:
0x2b5: {  	_ =	swait.ge [sflag:s8], $0x400;
	(pc) =	sbr.rel @p0 .LBB3_52-.Ltmp15, $4  }
0x2b6: {  	[sflag:s8] =	ssyncset.done $0x0  }
0x2b7: {  	[sflag:s8] =	ssyncadd.s32 $0xFFFFFC00  }
0x2b8: {  	s10 =	sadd.s32 s10, s24;
	s29 =	sshll.u32 s28, $0x3;
	[bflag:$0x0] =	sbarrier.arrive $0xFFFF  }
0x2b9: {  	s28 =	sadd.s32 s3, s29;
	s30 =	sor.u32 $0x80, s29;
	s31 =	sor.u32 $0x100, s29  }
0x2ba: {  	s12 =	simm.s32 $0x2F10  }
0x2bb: {  	[tilespmem:s12], [sflag:$0x2] =	stream.linear.gather [spmem:s26], $0x4000, $0x38;
	[tilespmem:$0xD728] =	vst v63  }
0x2bc: {  	_ =	swait.ge [sflag:s8], $0x4000  }
0x2bd: {  	[sflag:s8] =	ssyncset.done $0x0  }
0x2be: {  	s13 =	simm.s32 $0x6F10;
	[sflag:s8] =	ssyncadd.s32 $0xFFFFC000  }
0x2bf: {  	[tilespmem:s13], [sflag:$0x2] =	stream.linear.gather [spmem:s25], $0x4000, $0x38;
	[tilespmem:$0xD728] =	vst v63  }
0x2c0: {  	_ =	swait.ge [sflag:s8], $0x4000  }
0x2c1: {  	[sflag:s8] =	ssyncset.done $0x0  }
0x2c2: {  	v1 =	vsub.s32 v1, v0;
	s14 =	simm.s32 $0x0;
	v2 =	vimm.s32 $0x0;
	v3 =	vimm.s32 $0x7FFFFFFF;
	s0 =	simm.s32 $0x0;
	[sflag:s8] =	ssyncadd.s32 $0xFFFFC000  }
.LBB3_25:
0x2c3: {  	p1 =	sne.s32 s0, $0xFC0  }
.Ltmp16:
0x2c4: {  	_ = 	snop;
	(pc) =	sbr.rel @p1 .LBB3_25-.Ltmp16, $4  }
0x2c5: {  	_ = 	snop  }
0x2c6: {  	s2 =	sshra.s32 s0, $0x2  }
0x2c7: {  	[tilespmem:s2+$0xAF10] =	vst v2  }
0x2c8: {  	s0 =	sadd.s32 $0x40, s0;
	[tilespmem:s2+$0xB310] =	vst v3  }
.Ltmp17:
0x2c9: {  	(pc) =	sbr.rel .LBB3_27-.Ltmp17, $2  }
0x2ca: {  	_ =	sdelay $0x2  }
0x2cb: {  	v2 =	vlaneseq.u32;
	s15 =	simm.s32 $0xAF10;
	s16 =	simm.s32 $0xB310  }
.LBB3_29:
0x2cc: {  	s5 =	smov.u32 s12;
	s4 =	smov.u32 s13  }
.LBB3_33:
0x2cd: {  	_ =	sdelay $0x4  }
0x2ce: {  	v8 =	vor.u32 s2, v2;
	v9 =	vshll.u32 v5, $0x4;
	[tilespmem:v4+s15+$0x0] =	vst.idx.msk @p1 vm0, v6;
	s0 =	sadd.s32 @p1 $0x10, s5;
	s2 =	smov.u32 s12  }
0x2cf: {  	v62 =	vshra.s32 v5, $0x6;
	vm1 =	vlt.s32 v8, v3;
	v3 =	vand.u32 $0x3F0, v9;
	[tilespmem:v4+s16+$0x0] =	vst.idx.msk @p1 vm0, v7;
	s2 =	smov.u32 @p1 s0;
	s0 =	sadd.s32 @p1 $0x10, s4;
	s4 =	smov.u32 s13  }
0x2d0: {  	v4 =	vld [tilespmem:s2+$0x0];
	v3 =	vor.u32 v62, v3;
	s4 =	smov.u32 @p1 s0  }
0x2d1: {  	v63 =	vld [tilespmem:s4+$0x0];
	_ =	sdelay $0x3  }
0x2d2: {  	[tilespmem:v3+s15+$0x0] =	vst.idx.msk vm1, v4  }
0x2d3: {  	[tilespmem:v3+s16+$0x0] =	vst.idx.msk vm1, v63  }
.LBB3_34:
0x2d4: {  	s14 =	sadd.s32 $0x1, s14  }
0x2d5: {  	p1 =	sne.s32 s14, $0x10  }
.Ltmp18:
0x2d6: {  	_ = 	snop;
	(pc) =	sbr.rel @!p1 .LBB3_35-.Ltmp18, $2  }
0x2d7: {  	_ =	sdelay $0x2  }
0x2d8: {  	s12 =	sadd.s32 $0x400, s12;
	s13 =	sadd.s32 $0x400, s13  }
.LBB3_27:
0x2d9: {  	v3 =	vmov s14  }
0x2da: {  	vm0 =	veq.s32 v3, v2  }
0x2db: {  	v3 =	vnsel vm0, $0x0, v0  }
0x2dc: {  	(xrf0) =	vadd.scan.msk.s32 $0xffff, v3;
	_ =	sdelay $0x2  }
0x2dd: {  	v3 =	vnsel vm0, $0x0, v1;
	_ =	sdelay $0x2  }
0x2de: {  	(xrf0) =	vadd.scan.msk.s32 $0xffff, v3;
	v3, _, _ =	vpop (xrf0)  }
0x2df: {  	(v2sf) =	vpush v3, $0xF;
	_ =	sdelay $0x6  }
0x2e0: {  	v4, _, _ =	vpop (xrf0)  }
0x2e1: {  	(v2sf) =	vpush v4, $0xF;
	_ =	sdelay $0x6  }
0x2e2: {  	s0 =	spop (v2sf)  }
0x2e3: {  	s0 =	sadd.s32 $0xF, s0  }
0x2e4: {  	s4 =	sshra.s32 s0, $0x4  }
0x2e5: {  	p1 =	slt.s32 s4, $0x1  }
.Ltmp19:
0x2e6: {  	_ = 	snop;
	(pc) =	sbr.rel @p1 .LBB3_34-.Ltmp19, $2  }
0x2e7: {  	_ =	sdelay $0x2  }
0x2e8: {  	s0 =	spop (v2sf)  }
0x2e9: {  	p2 =	sne.s32 s4, $0x1  }
.Ltmp20:
0x2ea: {  	_ = 	snop;
	(pc) =	sbr.rel @!p2 .LBB3_29-.Ltmp20, $3  }
0x2eb: {  	_ =	sdelay $0x1  }
0x2ec: {  	s5 =	sadd.s32 $0x0, s0  }
0x2ed: {  	v3 =	vbroadcast v3, $0xF;
	s2 =	simm.s32 $0x0;
	s4 =	sadd.s32 $0xFFFFFFFF, s4;
	p1 =	por $0x0, $0x0;
	v5 =	vadd.s32 s5, v2  }
0x2ee: {  	v4 =	vshll.u32 v5, $0x4;
	v7 =	vor.u32 s2, v2  }
0x2ef: {  	p2 =	sne.s32 s4, $0x1;
	v5 =	vshra.s32 v5, $0x6;
	v4 =	vand.u32 $0x3F0, v4;
	vm0 =	vlt.s32 v7, v3  }
.Ltmp21:
0x2f0: {  	v6 =	vld [tilespmem:s12+$0x0];
	v4 =	vor.u32 v5, v4;
	(pc) =	sbr.rel @!p2 .LBB3_31-.Ltmp21, $3  }
0x2f1: {  	v7 =	vld [tilespmem:s13+$0x0];
	_ =	sdelay $0x1  }
0x2f2: {  	s5 =	sadd.s32 $0x10, s0;
	s2 =	simm.s32 $0x10;
	s17 =	sadd.s32 $0xFFFFFFFF, s4  }
0x2f3: {  	p1 =	por $0x1, $0x1;
	s4 =	smov.u32 s13;
	v5 =	vadd.s32 s5, v2;
	s5 =	smov.u32 s12  }
.LBB3_32:
0x2f4: {  	p2 =	sne.s32 s17, $0x1;
	v8 =	vor.u32 s2, v2;
	v9 =	vshll.u32 v5, $0x4;
	[tilespmem:v4+s15+$0x0] =	vst.idx.msk vm0, v6  }
0x2f5: {  	v5 =	vshra.s32 v5, $0x6;
	s5 =	sadd.s32 $0x10, s5;
	v9 =	vand.u32 $0x3F0, v9;
	[tilespmem:v4+s16+$0x0] =	vst.idx.msk vm0, v7;
	vm0 =	vlt.s32 v8, v3  }
.Ltmp22:
0x2f6: {  	s4 =	sadd.s32 $0x10, s4;
	v6 =	vld [tilespmem:s5+$0x0];
	v4 =	vor.u32 v5, v9;
	(pc) =	sbr.rel @p2 .LBB3_32-.Ltmp22, $4  }
0x2f7: {  	v7 =	vld [tilespmem:s4+$0x0]  }
0x2f8: {  	s2 =	sadd.s32 $0x10, s2  }
0x2f9: {  	s6 =	sadd.s32 s2, s0  }
0x2fa: {  	s17 =	sadd.s32 $0xFFFFFFFF, s17;
	v5 =	vadd.s32 s6, v2  }
.Ltmp23:
0x2fb: {  	_ = 	snop;
	(pc) =	sbr.rel .LBB3_33-.Ltmp23, $1  }
0x2fc: {  	_ =	sdelay $0x3  }
.LBB3_31:
.Ltmp24:
0x2fd: {  	(pc) =	sbr.rel .LBB3_33-.Ltmp24, $2  }
0x2fe: {  	_ =	sdelay $0x2  }
0x2ff: {  	s5 =	smov.u32 s12;
	s4 =	smov.u32 s13  }
.LBB3_35:
0x300: {  	s12 =	simm.s32 $0x0;
	v0 =	vimm.s32 $0x0;
	v2 =	vlaneseq.u32;
	s13 =	simm.s32 $0xBF10;
	s14 =	simm.s32 $0xB710  }
0x301: {  	v3 =	vimm.s32 $0x1;
	s15 =	simm.s32 $0xBB10;
	s16 =	simm.s32 $0xAF10;
	s17 =	simm.s32 $0xB310;
	v1 =	vor.u32 $0x3F0, v2;
	v2 =	vand.u32 $0x7, v2  }
.LBB3_36:
0x302: {  	[tilespmem:$0xBF10] =	vst v0  }
0x303: {  	[tilespmem:$0xBF20] =	vst v0  }
0x304: {  	[tilespmem:$0xBF30] =	vst v0  }
0x305: {  	[tilespmem:$0xBF40] =	vst v0  }
0x306: {  	[tilespmem:$0xBF50] =	vst v0  }
0x307: {  	[tilespmem:$0xBF60] =	vst v0  }
0x308: {  	[tilespmem:$0xBF70] =	vst v0  }
0x309: {  	[tilespmem:$0xBF80] =	vst v0  }
0x30a: {  	[tilespmem:$0xBF90] =	vst v0  }
0x30b: {  	[tilespmem:$0xBFA0] =	vst v0  }
0x30c: {  	[tilespmem:$0xBFB0] =	vst v0  }
0x30d: {  	[tilespmem:$0xBFC0] =	vst v0  }
0x30e: {  	[tilespmem:$0xBFD0] =	vst v0  }
0x30f: {  	[tilespmem:$0xBFE0] =	vst v0  }
0x310: {  	[tilespmem:$0xBFF0] =	vst v0  }
0x311: {  	[tilespmem:$0xC000] =	vst v0  }
0x312: {  	[tilespmem:$0xC010] =	vst v0  }
0x313: {  	[tilespmem:$0xC020] =	vst v0  }
0x314: {  	[tilespmem:$0xC030] =	vst v0  }
0x315: {  	[tilespmem:$0xC040] =	vst v0  }
0x316: {  	[tilespmem:$0xC050] =	vst v0  }
0x317: {  	[tilespmem:$0xC060] =	vst v0  }
0x318: {  	[tilespmem:$0xC070] =	vst v0  }
0x319: {  	[tilespmem:$0xC080] =	vst v0  }
0x31a: {  	[tilespmem:$0xC090] =	vst v0  }
0x31b: {  	[tilespmem:$0xC0A0] =	vst v0  }
0x31c: {  	[tilespmem:$0xC0B0] =	vst v0  }
0x31d: {  	[tilespmem:$0xC0C0] =	vst v0  }
0x31e: {  	[tilespmem:$0xC0D0] =	vst v0  }
0x31f: {  	[tilespmem:$0xC0E0] =	vst v0  }
0x320: {  	[tilespmem:$0xC0F0] =	vst v0  }
0x321: {  	[tilespmem:$0xC100] =	vst v0  }
0x322: {  	[tilespmem:$0xC110] =	vst v0  }
0x323: {  	[tilespmem:$0xC120] =	vst v0  }
0x324: {  	[tilespmem:$0xC130] =	vst v0  }
0x325: {  	[tilespmem:$0xC140] =	vst v0  }
0x326: {  	[tilespmem:$0xC150] =	vst v0  }
0x327: {  	[tilespmem:$0xC160] =	vst v0  }
0x328: {  	[tilespmem:$0xC170] =	vst v0  }
0x329: {  	[tilespmem:$0xC180] =	vst v0  }
0x32a: {  	[tilespmem:$0xC190] =	vst v0  }
0x32b: {  	[tilespmem:$0xC1A0] =	vst v0  }
0x32c: {  	[tilespmem:$0xC1B0] =	vst v0  }
0x32d: {  	[tilespmem:$0xC1C0] =	vst v0  }
0x32e: {  	[tilespmem:$0xC1D0] =	vst v0  }
0x32f: {  	[tilespmem:$0xC1E0] =	vst v0  }
0x330: {  	[tilespmem:$0xC1F0] =	vst v0  }
0x331: {  	[tilespmem:$0xC200] =	vst v0  }
0x332: {  	[tilespmem:$0xC210] =	vst v0  }
0x333: {  	[tilespmem:$0xC220] =	vst v0  }
0x334: {  	[tilespmem:$0xC230] =	vst v0  }
0x335: {  	[tilespmem:$0xC240] =	vst v0  }
0x336: {  	[tilespmem:$0xC250] =	vst v0  }
0x337: {  	[tilespmem:$0xC260] =	vst v0  }
0x338: {  	[tilespmem:$0xC270] =	vst v0  }
0x339: {  	[tilespmem:$0xC280] =	vst v0  }
0x33a: {  	[tilespmem:$0xC290] =	vst v0  }
0x33b: {  	[tilespmem:$0xC2A0] =	vst v0  }
0x33c: {  	[tilespmem:$0xC2B0] =	vst v0  }
0x33d: {  	[tilespmem:$0xC2C0] =	vst v0  }
0x33e: {  	[tilespmem:$0xC2D0] =	vst v0  }
0x33f: {  	[tilespmem:$0xC2E0] =	vst v0;
	s18 =	smul.u32 $0xC, s12  }
0x340: {  	[tilespmem:$0xC2F0] =	vst v0  }
0x341: {  	[tilespmem:$0xC300] =	vst v0;
	s0 =	simm.s32 $0x0;
	v4 =	vmov s18  }
.LBB3_37:
0x342: {  	s2 =	sshra.s32 s0, $0x2  }
0x343: {  	v5 =	vld [tilespmem:s2+$0xAF10];
	_ =	sdelay $0x4  }
0x344: {  	v5 =	vshra.s32 v5, v4  }
0x345: {  	v5 =	vshll.u32 v5, $0x4  }
0x346: {  	v5 =	vxor.u32 v1, v5  }
0x347: {  	v5 =	vand.u32 $0x3F8, v5  }
0x348: {  	v5 =	vor.u32 v2, v5;
	_ =	sdelay $0x4  }
0x349: {  	[tilespmem:v5+s13+$0x0] =	vst.idx.add.s32.msk $0xffff, v3  }
0x34a: {  	v5 =	vld [tilespmem:s2+$0xAF20];
	_ =	sdelay $0x4  }
0x34b: {  	v5 =	vshra.s32 v5, v4  }
0x34c: {  	v5 =	vshll.u32 v5, $0x4  }
0x34d: {  	v5 =	vxor.u32 v1, v5  }
0x34e: {  	v5 =	vand.u32 $0x3F8, v5  }
0x34f: {  	v5 =	vor.u32 v2, v5;
	_ =	sdelay $0x4  }
0x350: {  	[tilespmem:v5+s13+$0x0] =	vst.idx.add.s32.msk $0xffff, v3  }
0x351: {  	v5 =	vld [tilespmem:s2+$0xAF30];
	_ =	sdelay $0x4  }
0x352: {  	v5 =	vshra.s32 v5, v4  }
0x353: {  	v5 =	vshll.u32 v5, $0x4  }
0x354: {  	v5 =	vxor.u32 v1, v5  }
0x355: {  	v5 =	vand.u32 $0x3F8, v5  }
0x356: {  	v5 =	vor.u32 v2, v5;
	_ =	sdelay $0x4  }
0x357: {  	[tilespmem:v5+s13+$0x0] =	vst.idx.add.s32.msk $0xffff, v3  }
0x358: {  	v5 =	vld [tilespmem:s2+$0xAF40];
	_ =	sdelay $0x4  }
0x359: {  	v5 =	vshra.s32 v5, v4  }
0x35a: {  	v5 =	vshll.u32 v5, $0x4  }
0x35b: {  	v5 =	vxor.u32 v1, v5  }
0x35c: {  	v5 =	vand.u32 $0x3F8, v5  }
0x35d: {  	p1 =	sne.s32 s0, $0xF00;
	v5 =	vor.u32 v2, v5  }
.Ltmp25:
0x35e: {  	_ = 	snop;
	(pc) =	sbr.rel @p1 .LBB3_37-.Ltmp25, $2  }
0x35f: {  	_ =	sdelay $0x2  }
0x360: {  	s0 =	sadd.s32 $0x100, s0;
	s19 =	simm.s32 $0x0;
	[tilespmem:v5+s13+$0x0] =	vst.idx.add.s32.msk $0xffff, v3  }
0x361: {  	s2 =	sshra.s32 s19, $0x2  }
0x362: {  	v5 =	vld [tilespmem:s2+$0xBF10];
	_ =	sdelay $0x4  }
0x363: {  	(xrf0) =	vadd.scan.msk.s32 $0xffff, v5;
	_ =	sdelay $0x5  }
0x364: {  	v6, _, _ =	vpop (xrf0)  }
0x365: {  	(v2sf) =	vpush v6, $0xF  }
0x366: {  	v5 =	vsub.s32 s19, v5  }
0x367: {  	s4 =	sadd.s32 $0x40, s19;
	v5 =	vadd.s32 v6, v5  }
0x368: {  	s0 =	sshra.s32 s4, $0x2;
	s4 =	sadd.s32 $0x40, s4;
	[tilespmem:s2+$0xBF10] =	vst v5;
	s2 =	simm.s32 $0x0  }
.LBB3_39:
0x369: {  	p1 =	sne.s32 s4, $0xFC0;
	v5 =	vld [tilespmem:s0+$0xBF10];
	_ =	sdelay $0x4  }
0x36a: {  	(xrf0) =	vadd.scan.msk.s32 $0xffff, v5;
	_ =	sdelay $0x5  }
.Ltmp26:
0x36b: {  	v6, _, _ =	vpop (xrf0);
	s5 =	spop (v2sf);
	(pc) =	sbr.rel @p1 .LBB3_39-.Ltmp26, $4  }
0x36c: {  	(v2sf) =	vpush v6, $0xF;
	s2 =	sadd.s32 s2, s5  }
0x36d: {  	v5 =	vsub.s32 s2, v5  }
0x36e: {  	v5 =	vadd.s32 v6, v5  }
0x36f: {  	[tilespmem:s0+$0xBF10] =	vst v5;
	s0 =	sshra.s32 s4, $0x2;
	s4 =	sadd.s32 $0x40, s4  }
0x370: {  	v5 =	vld [tilespmem:s0+$0xBF10];
	_ =	sdelay $0x4  }
0x371: {  	(xrf0) =	vadd.scan.msk.s32 $0xffff, v5;
	_ =	sdelay $0x5  }
0x372: {  	v6, _, _ =	vpop (xrf0)  }
0x373: {  	(v2sf) =	vpush v6, $0xF;
	_ =	sdelay $0xa  }
0x374: {  	s4 =	spop (v2sf)  }
0x375: {  	s2 =	sadd.s32 s2, s4  }
0x376: {  	v5 =	vsub.s32 s2, v5  }
0x377: {  	v5 =	vadd.s32 v6, v5  }
0x378: {  	[tilespmem:s0+$0xBF10] =	vst v5;
	s26 =	spop (v2sf)  }
.LBB3_41:
0x379: {  	s0 =	sshra.s32 s19, $0x2  }
0x37a: {  	v5 =	vld [tilespmem:s0+$0xAF10];
	_ =	sdelay $0x4  }
0x37b: {  	v6 =	vshra.s32 v5, v4  }
0x37c: {  	v6 =	vshll.u32 v6, $0x4  }
0x37d: {  	v6 =	vxor.u32 v1, v6  }
0x37e: {  	v6 =	vand.u32 $0x3F8, v6  }
0x37f: {  	v6 =	vor.u32 v2, v6;
	_ =	sdelay $0x4  }
0x380: {  	v7 =	vld.idx.msk [tilespmem:v6+s13+$0x0], $0xffff;
	_ =	sdelay $0x4  }
0x381: {  	v8 =	vshll.u32 v7, $0x4  }
0x382: {  	v9 =	vshra.s32 v7, $0x6;
	v8 =	vand.u32 $0x3F0, v8  }
0x383: {  	v8 =	vor.u32 v9, v8;
	_ =	sdelay $0x2  }
0x384: {  	v7 =	vadd.s32 $0x1, v7  }
0x385: {  	[tilespmem:v6+s13+$0x0] =	vst.idx.msk $0xffff, v7  }
0x386: {  	[tilespmem:v8+s14+$0x0] =	vst.idx.msk $0xffff, v5  }
0x387: {  	v5 =	vld [tilespmem:s0+$0xB310];
	_ =	sdelay $0x4  }
0x388: {  	[tilespmem:v8+s15+$0x0] =	vst.idx.msk $0xffff, v5  }
0x389: {  	v5 =	vld [tilespmem:s0+$0xAF20];
	_ =	sdelay $0x4  }
0x38a: {  	v6 =	vshra.s32 v5, v4  }
0x38b: {  	v6 =	vshll.u32 v6, $0x4  }
0x38c: {  	v6 =	vxor.u32 v1, v6  }
0x38d: {  	v6 =	vand.u32 $0x3F8, v6  }
0x38e: {  	v6 =	vor.u32 v2, v6;
	_ =	sdelay $0x4  }
0x38f: {  	v7 =	vld.idx.msk [tilespmem:v6+s13+$0x0], $0xffff;
	_ =	sdelay $0x4  }
0x390: {  	v58 =	vshll.u32 v7, $0x4  }
0x391: {  	v59 =	vshra.s32 v7, $0x6;
	v8 =	vand.u32 $0x3F0, v58  }
0x392: {  	v8 =	vor.u32 v59, v8;
	_ =	sdelay $0x2  }
0x393: {  	v7 =	vadd.s32 $0x1, v7  }
0x394: {  	[tilespmem:v6+s13+$0x0] =	vst.idx.msk $0xffff, v7  }
0x395: {  	[tilespmem:v8+s14+$0x0] =	vst.idx.msk $0xffff, v5  }
0x396: {  	v5 =	vld [tilespmem:s0+$0xB320];
	_ =	sdelay $0x4  }
0x397: {  	[tilespmem:v8+s15+$0x0] =	vst.idx.msk $0xffff, v5  }
0x398: {  	v5 =	vld [tilespmem:s0+$0xAF30];
	_ =	sdelay $0x4  }
0x399: {  	v6 =	vshra.s32 v5, v4  }
0x39a: {  	v6 =	vshll.u32 v6, $0x4  }
0x39b: {  	v6 =	vxor.u32 v1, v6  }
0x39c: {  	v6 =	vand.u32 $0x3F8, v6  }
0x39d: {  	v6 =	vor.u32 v2, v6;
	_ =	sdelay $0x4  }
0x39e: {  	v7 =	vld.idx.msk [tilespmem:v6+s13+$0x0], $0xffff;
	_ =	sdelay $0x4  }
0x39f: {  	v60 =	vshll.u32 v7, $0x4  }
0x3a0: {  	v61 =	vshra.s32 v7, $0x6;
	v8 =	vand.u32 $0x3F0, v60  }
0x3a1: {  	v8 =	vor.u32 v61, v8;
	_ =	sdelay $0x2  }
0x3a2: {  	v7 =	vadd.s32 $0x1, v7  }
0x3a3: {  	[tilespmem:v6+s13+$0x0] =	vst.idx.msk $0xffff, v7  }
0x3a4: {  	[tilespmem:v8+s14+$0x0] =	vst.idx.msk $0xffff, v5  }
0x3a5: {  	v5 =	vld [tilespmem:s0+$0xB330];
	_ =	sdelay $0x4  }
0x3a6: {  	[tilespmem:v8+s15+$0x0] =	vst.idx.msk $0xffff, v5  }
0x3a7: {  	v5 =	vld [tilespmem:s0+$0xAF40];
	_ =	sdelay $0x4  }
0x3a8: {  	v6 =	vshra.s32 v5, v4  }
0x3a9: {  	v6 =	vshll.u32 v6, $0x4  }
0x3aa: {  	v6 =	vxor.u32 v1, v6  }
0x3ab: {  	v6 =	vand.u32 $0x3F8, v6  }
0x3ac: {  	v6 =	vor.u32 v2, v6;
	_ =	sdelay $0x4  }
0x3ad: {  	v7 =	vld.idx.msk [tilespmem:v6+s13+$0x0], $0xffff;
	_ =	sdelay $0x4  }
0x3ae: {  	v62 =	vshll.u32 v7, $0x4  }
0x3af: {  	v63 =	vshra.s32 v7, $0x6;
	v8 =	vand.u32 $0x3F0, v62  }
0x3b0: {  	v8 =	vor.u32 v63, v8;
	_ =	sdelay $0x2  }
0x3b1: {  	v7 =	vadd.s32 $0x1, v7  }
0x3b2: {  	[tilespmem:v6+s13+$0x0] =	vst.idx.msk $0xffff, v7  }
0x3b3: {  	[tilespmem:v8+s14+$0x0] =	vst.idx.msk $0xffff, v5  }
0x3b4: {  	p1 =	sne.s32 s19, $0xF00;
	v5 =	vld [tilespmem:s0+$0xB340]  }
.Ltmp27:
0x3b5: {  	_ = 	snop;
	(pc) =	sbr.rel @p1 .LBB3_41-.Ltmp27, $2  }
0x3b6: {  	_ =	sdelay $0x2  }
0x3b7: {  	s19 =	sadd.s32 $0x100, s19;
	[tilespmem:v8+s15+$0x0] =	vst.idx.msk $0xffff, v5  }
0x3b8: {  	[tilespmem:$0xBF10] =	vst v0  }
0x3b9: {  	[tilespmem:$0xBF20] =	vst v0  }
0x3ba: {  	[tilespmem:$0xBF30] =	vst v0  }
0x3bb: {  	[tilespmem:$0xBF40] =	vst v0  }
0x3bc: {  	[tilespmem:$0xBF50] =	vst v0  }
0x3bd: {  	[tilespmem:$0xBF60] =	vst v0  }
0x3be: {  	[tilespmem:$0xBF70] =	vst v0  }
0x3bf: {  	[tilespmem:$0xBF80] =	vst v0  }
0x3c0: {  	[tilespmem:$0xBF90] =	vst v0  }
0x3c1: {  	[tilespmem:$0xBFA0] =	vst v0  }
0x3c2: {  	[tilespmem:$0xBFB0] =	vst v0  }
0x3c3: {  	[tilespmem:$0xBFC0] =	vst v0  }
0x3c4: {  	[tilespmem:$0xBFD0] =	vst v0  }
0x3c5: {  	[tilespmem:$0xBFE0] =	vst v0  }
0x3c6: {  	[tilespmem:$0xBFF0] =	vst v0  }
0x3c7: {  	[tilespmem:$0xC000] =	vst v0  }
0x3c8: {  	[tilespmem:$0xC010] =	vst v0  }
0x3c9: {  	[tilespmem:$0xC020] =	vst v0  }
0x3ca: {  	[tilespmem:$0xC030] =	vst v0  }
0x3cb: {  	[tilespmem:$0xC040] =	vst v0  }
0x3cc: {  	[tilespmem:$0xC050] =	vst v0  }
0x3cd: {  	[tilespmem:$0xC060] =	vst v0  }
0x3ce: {  	[tilespmem:$0xC070] =	vst v0  }
0x3cf: {  	[tilespmem:$0xC080] =	vst v0  }
0x3d0: {  	[tilespmem:$0xC090] =	vst v0  }
0x3d1: {  	[tilespmem:$0xC0A0] =	vst v0  }
0x3d2: {  	[tilespmem:$0xC0B0] =	vst v0  }
0x3d3: {  	[tilespmem:$0xC0C0] =	vst v0  }
0x3d4: {  	[tilespmem:$0xC0D0] =	vst v0  }
0x3d5: {  	[tilespmem:$0xC0E0] =	vst v0  }
0x3d6: {  	[tilespmem:$0xC0F0] =	vst v0  }
0x3d7: {  	[tilespmem:$0xC100] =	vst v0  }
0x3d8: {  	[tilespmem:$0xC110] =	vst v0  }
0x3d9: {  	[tilespmem:$0xC120] =	vst v0  }
0x3da: {  	[tilespmem:$0xC130] =	vst v0  }
0x3db: {  	[tilespmem:$0xC140] =	vst v0  }
0x3dc: {  	[tilespmem:$0xC150] =	vst v0  }
0x3dd: {  	[tilespmem:$0xC160] =	vst v0  }
0x3de: {  	[tilespmem:$0xC170] =	vst v0  }
0x3df: {  	[tilespmem:$0xC180] =	vst v0  }
0x3e0: {  	[tilespmem:$0xC190] =	vst v0  }
0x3e1: {  	[tilespmem:$0xC1A0] =	vst v0  }
0x3e2: {  	[tilespmem:$0xC1B0] =	vst v0  }
0x3e3: {  	[tilespmem:$0xC1C0] =	vst v0  }
0x3e4: {  	[tilespmem:$0xC1D0] =	vst v0  }
0x3e5: {  	[tilespmem:$0xC1E0] =	vst v0  }
0x3e6: {  	[tilespmem:$0xC1F0] =	vst v0  }
0x3e7: {  	[tilespmem:$0xC200] =	vst v0  }
0x3e8: {  	[tilespmem:$0xC210] =	vst v0  }
0x3e9: {  	[tilespmem:$0xC220] =	vst v0  }
0x3ea: {  	[tilespmem:$0xC230] =	vst v0  }
0x3eb: {  	[tilespmem:$0xC240] =	vst v0  }
0x3ec: {  	[tilespmem:$0xC250] =	vst v0  }
0x3ed: {  	[tilespmem:$0xC260] =	vst v0  }
0x3ee: {  	[tilespmem:$0xC270] =	vst v0  }
0x3ef: {  	[tilespmem:$0xC280] =	vst v0  }
0x3f0: {  	[tilespmem:$0xC290] =	vst v0  }
0x3f1: {  	[tilespmem:$0xC2A0] =	vst v0  }
0x3f2: {  	[tilespmem:$0xC2B0] =	vst v0  }
0x3f3: {  	[tilespmem:$0xC2C0] =	vst v0  }
0x3f4: {  	[tilespmem:$0xC2D0] =	vst v0  }
0x3f5: {  	[tilespmem:$0xC2E0] =	vst v0  }
0x3f6: {  	[tilespmem:$0xC2F0] =	vst v0;
	s0 =	sadd.s32 $0x6, s18  }
0x3f7: {  	[tilespmem:$0xC300] =	vst v0;
	s18 =	simm.s32 $0x0;
	v4 =	vmov s0;
	s0 =	simm.s32 $0x0  }
.LBB3_43:
0x3f8: {  	s2 =	sshra.s32 s0, $0x2  }
0x3f9: {  	v5 =	vld [tilespmem:s2+$0xB710];
	_ =	sdelay $0x4  }
0x3fa: {  	v5 =	vshra.s32 v5, v4  }
0x3fb: {  	v5 =	vshll.u32 v5, $0x4  }
0x3fc: {  	v5 =	vxor.u32 v1, v5  }
0x3fd: {  	v5 =	vand.u32 $0x3F8, v5  }
0x3fe: {  	v5 =	vor.u32 v2, v5;
	_ =	sdelay $0x4  }
0x3ff: {  	[tilespmem:v5+s13+$0x0] =	vst.idx.add.s32.msk $0xffff, v3  }
0x400: {  	v5 =	vld [tilespmem:s2+$0xB720];
	_ =	sdelay $0x4  }
0x401: {  	v5 =	vshra.s32 v5, v4  }
0x402: {  	v5 =	vshll.u32 v5, $0x4  }
0x403: {  	v5 =	vxor.u32 v1, v5  }
0x404: {  	v5 =	vand.u32 $0x3F8, v5  }
0x405: {  	v5 =	vor.u32 v2, v5;
	_ =	sdelay $0x4  }
0x406: {  	[tilespmem:v5+s13+$0x0] =	vst.idx.add.s32.msk $0xffff, v3  }
0x407: {  	v5 =	vld [tilespmem:s2+$0xB730];
	_ =	sdelay $0x4  }
0x408: {  	v5 =	vshra.s32 v5, v4  }
0x409: {  	v5 =	vshll.u32 v5, $0x4  }
0x40a: {  	v5 =	vxor.u32 v1, v5  }
0x40b: {  	v5 =	vand.u32 $0x3F8, v5  }
0x40c: {  	v5 =	vor.u32 v2, v5;
	_ =	sdelay $0x4  }
0x40d: {  	[tilespmem:v5+s13+$0x0] =	vst.idx.add.s32.msk $0xffff, v3  }
0x40e: {  	v5 =	vld [tilespmem:s2+$0xB740];
	_ =	sdelay $0x4  }
0x40f: {  	v5 =	vshra.s32 v5, v4  }
0x410: {  	v5 =	vshll.u32 v5, $0x4  }
0x411: {  	v5 =	vxor.u32 v1, v5  }
0x412: {  	v5 =	vand.u32 $0x3F8, v5  }
0x413: {  	p1 =	sne.s32 s0, $0xF00;
	v5 =	vor.u32 v2, v5  }
.Ltmp28:
0x414: {  	_ = 	snop;
	(pc) =	sbr.rel @p1 .LBB3_43-.Ltmp28, $2  }
0x415: {  	_ =	sdelay $0x2  }
0x416: {  	s0 =	sadd.s32 $0x100, s0;
	[tilespmem:v5+s13+$0x0] =	vst.idx.add.s32.msk $0xffff, v3  }
0x417: {  	s4 =	sshra.s32 s18, $0x2  }
0x418: {  	v5 =	vld [tilespmem:s4+$0xBF10];
	_ =	sdelay $0x4  }
0x419: {  	(xrf0) =	vadd.scan.msk.s32 $0xffff, v5;
	_ =	sdelay $0x5  }
0x41a: {  	v6, _, _ =	vpop (xrf0)  }
0x41b: {  	(v2sf) =	vpush v6, $0xF  }
0x41c: {  	v5 =	vsub.s32 s18, v5  }
0x41d: {  	s2 =	sadd.s32 $0x40, s18;
	v5 =	vadd.s32 v6, v5  }
0x41e: {  	s0 =	sshra.s32 s2, $0x2;
	s2 =	sadd.s32 $0x40, s2;
	[tilespmem:s4+$0xBF10] =	vst v5  }
.LBB3_45:
0x41f: {  	p1 =	sne.s32 s2, $0xFC0;
	v5 =	vld [tilespmem:s0+$0xBF10];
	_ =	sdelay $0x4  }
0x420: {  	(xrf0) =	vadd.scan.msk.s32 $0xffff, v5;
	_ =	sdelay $0x5  }
.Ltmp29:
0x421: {  	v6, _, _ =	vpop (xrf0);
	s4 =	spop (v2sf);
	(pc) =	sbr.rel @p1 .LBB3_45-.Ltmp29, $4  }
0x422: {  	(v2sf) =	vpush v6, $0xF;
	s18 =	sadd.s32 s18, s4  }
0x423: {  	v5 =	vsub.s32 s18, v5  }
0x424: {  	v5 =	vadd.s32 v6, v5  }
0x425: {  	[tilespmem:s0+$0xBF10] =	vst v5;
	s0 =	sshra.s32 s2, $0x2;
	s2 =	sadd.s32 $0x40, s2  }
0x426: {  	v5 =	vld [tilespmem:s0+$0xBF10];
	_ =	sdelay $0x4  }
0x427: {  	(xrf0) =	vadd.scan.msk.s32 $0xffff, v5;
	_ =	sdelay $0x5  }
0x428: {  	v6, _, _ =	vpop (xrf0)  }
0x429: {  	(v2sf) =	vpush v6, $0xF;
	_ =	sdelay $0xa  }
0x42a: {  	s2 =	spop (v2sf)  }
0x42b: {  	s2 =	sadd.s32 s18, s2  }
0x42c: {  	v5 =	vsub.s32 s2, v5  }
0x42d: {  	v5 =	vadd.s32 v6, v5  }
0x42e: {  	[tilespmem:s0+$0xBF10] =	vst v5;
	s0 =	simm.s32 $0x0;
	s26 =	spop (v2sf)  }
.LBB3_47:
0x42f: {  	s2 =	sshra.s32 s0, $0x2  }
0x430: {  	v5 =	vld [tilespmem:s2+$0xB710];
	_ =	sdelay $0x4  }
0x431: {  	v6 =	vshra.s32 v5, v4  }
0x432: {  	v6 =	vshll.u32 v6, $0x4  }
0x433: {  	v6 =	vxor.u32 v1, v6  }
0x434: {  	v6 =	vand.u32 $0x3F8, v6  }
0x435: {  	v6 =	vor.u32 v2, v6;
	_ =	sdelay $0x4  }
0x436: {  	v7 =	vld.idx.msk [tilespmem:v6+s13+$0x0], $0xffff;
	_ =	sdelay $0x4  }
0x437: {  	v8 =	vshll.u32 v7, $0x4  }
0x438: {  	v9 =	vshra.s32 v7, $0x6;
	v8 =	vand.u32 $0x3F0, v8  }
0x439: {  	p1 =	seq.s32 s12, $0x2;
	v8 =	vor.u32 v9, v8  }
0x43a: {  	v8 =	vpsel p1, v7, v8;
	_ =	sdelay $0x2  }
0x43b: {  	v7 =	vadd.s32 $0x1, v7  }
0x43c: {  	[tilespmem:v6+s13+$0x0] =	vst.idx.msk $0xffff, v7  }
0x43d: {  	[tilespmem:v8+s16+$0x0] =	vst.idx.msk $0xffff, v5  }
0x43e: {  	v5 =	vld [tilespmem:s2+$0xBB10];
	_ =	sdelay $0x4  }
0x43f: {  	[tilespmem:v8+s17+$0x0] =	vst.idx.msk $0xffff, v5  }
0x440: {  	v5 =	vld [tilespmem:s2+$0xB720];
	_ =	sdelay $0x4  }
0x441: {  	v6 =	vshra.s32 v5, v4  }
0x442: {  	v6 =	vshll.u32 v6, $0x4  }
0x443: {  	v6 =	vxor.u32 v1, v6  }
0x444: {  	v6 =	vand.u32 $0x3F8, v6  }
0x445: {  	v6 =	vor.u32 v2, v6;
	_ =	sdelay $0x4  }
0x446: {  	v7 =	vld.idx.msk [tilespmem:v6+s13+$0x0], $0xffff;
	_ =	sdelay $0x4  }
0x447: {  	v58 =	vshll.u32 v7, $0x4  }
0x448: {  	v59 =	vshra.s32 v7, $0x6;
	v8 =	vand.u32 $0x3F0, v58  }
0x449: {  	v8 =	vor.u32 v59, v8  }
0x44a: {  	v8 =	vpsel p1, v7, v8;
	_ =	sdelay $0x2  }
0x44b: {  	v7 =	vadd.s32 $0x1, v7  }
0x44c: {  	[tilespmem:v6+s13+$0x0] =	vst.idx.msk $0xffff, v7  }
0x44d: {  	[tilespmem:v8+s16+$0x0] =	vst.idx.msk $0xffff, v5  }
0x44e: {  	v5 =	vld [tilespmem:s2+$0xBB20];
	_ =	sdelay $0x4  }
0x44f: {  	[tilespmem:v8+s17+$0x0] =	vst.idx.msk $0xffff, v5  }
0x450: {  	v5 =	vld [tilespmem:s2+$0xB730];
	_ =	sdelay $0x4  }
0x451: {  	v6 =	vshra.s32 v5, v4  }
0x452: {  	v6 =	vshll.u32 v6, $0x4  }
0x453: {  	v6 =	vxor.u32 v1, v6  }
0x454: {  	v6 =	vand.u32 $0x3F8, v6  }
0x455: {  	v6 =	vor.u32 v2, v6;
	_ =	sdelay $0x4  }
0x456: {  	v7 =	vld.idx.msk [tilespmem:v6+s13+$0x0], $0xffff;
	_ =	sdelay $0x4  }
0x457: {  	v60 =	vshll.u32 v7, $0x4  }
0x458: {  	v61 =	vshra.s32 v7, $0x6;
	v8 =	vand.u32 $0x3F0, v60  }
0x459: {  	v8 =	vor.u32 v61, v8  }
0x45a: {  	v8 =	vpsel p1, v7, v8;
	_ =	sdelay $0x2  }
0x45b: {  	v7 =	vadd.s32 $0x1, v7  }
0x45c: {  	[tilespmem:v6+s13+$0x0] =	vst.idx.msk $0xffff, v7  }
0x45d: {  	[tilespmem:v8+s16+$0x0] =	vst.idx.msk $0xffff, v5  }
0x45e: {  	v5 =	vld [tilespmem:s2+$0xBB30];
	_ =	sdelay $0x4  }
0x45f: {  	[tilespmem:v8+s17+$0x0] =	vst.idx.msk $0xffff, v5  }
0x460: {  	v5 =	vld [tilespmem:s2+$0xB740];
	_ =	sdelay $0x4  }
0x461: {  	v6 =	vshra.s32 v5, v4  }
0x462: {  	v6 =	vshll.u32 v6, $0x4  }
0x463: {  	v6 =	vxor.u32 v1, v6  }
0x464: {  	v6 =	vand.u32 $0x3F8, v6  }
0x465: {  	v6 =	vor.u32 v2, v6;
	_ =	sdelay $0x4  }
0x466: {  	v7 =	vld.idx.msk [tilespmem:v6+s13+$0x0], $0xffff;
	_ =	sdelay $0x4  }
0x467: {  	v62 =	vshll.u32 v7, $0x4  }
0x468: {  	v63 =	vshra.s32 v7, $0x6;
	v8 =	vand.u32 $0x3F0, v62  }
0x469: {  	v8 =	vor.u32 v63, v8  }
0x46a: {  	v8 =	vpsel p1, v7, v8;
	_ =	sdelay $0x2  }
0x46b: {  	v7 =	vadd.s32 $0x1, v7  }
0x46c: {  	[tilespmem:v6+s13+$0x0] =	vst.idx.msk $0xffff, v7  }
0x46d: {  	[tilespmem:v8+s16+$0x0] =	vst.idx.msk $0xffff, v5  }
0x46e: {  	p1 =	sne.s32 s0, $0xF00;
	v5 =	vld [tilespmem:s2+$0xBB40]  }
.Ltmp30:
0x46f: {  	_ = 	snop;
	(pc) =	sbr.rel @p1 .LBB3_47-.Ltmp30, $2  }
0x470: {  	_ =	sdelay $0x2  }
0x471: {  	s0 =	sadd.s32 $0x100, s0;
	[tilespmem:v8+s17+$0x0] =	vst.idx.msk $0xffff, v5  }
0x472: {  	s12 =	sadd.s32 $0x1, s12  }
0x473: {  	p1 =	sne.s32 s12, $0x3  }
.Ltmp31:
0x474: {  	_ = 	snop;
	(pc) =	sbr.rel @p1 .LBB3_36-.Ltmp31, $1  }
0x475: {  	_ =	sdelay $0x3  }
0x476: {  	s0 =	simm.s32 $0x0  }
0x477: {  	v0 =	vld [tilespmem:s0+$0xB310]  }
0x478: {  	s2 =	simm.s32 $0x40  }
.LBB3_50:
0x479: {  	p1 =	sne.s32 s2, $0xFC0  }
.Ltmp32:
0x47a: {  	_ = 	snop;
	(pc) =	sbr.rel @p1 .LBB3_50-.Ltmp32, $4  }
0x47b: {  	_ = 	snop  }
0x47c: {  	s4 =	sshra.s32 s2, $0x2;
	s2 =	sadd.s32 $0x40, s2;
	vm0 =	vlt.s32 v0, $0x4E1F  }
0x47d: {  	v1 =	vnsel vm0, $0x4E1F, v0;
	v0 =	vld [tilespmem:s4+$0xB310]  }
0x47e: {  	[tilespmem:s0+$0x2710] =	vst v1;
	s0 =	smov.u32 s4  }
0x47f: {  	_ =	sdelay $0x2  }
0x480: {  	vm0 =	vlt.s32 v0, $0x4E1F  }
0x481: {  	v0 =	vnsel vm0, $0x4E1F, v0  }
0x482: {  	s26 =	simm.s32 $0x2710;
	s2 =	simm.s32 $0x2;
	[tilespmem:s0+$0x2710] =	vst v0  }
0x483: {  	[spmem:s24] =	stream.linear.scatter [tilespmem:s26], [sflag:$0x2], $0x400, $0x38;
	[tilespmem:$0xD728] =	vst v63  }
0x484: {  	_ =	swait.ge [sflag:s2], $0x400  }
0x485: {  	[sflag:s2] =	ssyncset.done $0x0  }
0x486: {  	s4 =	simm.s32 $0x0;
	s5 =	rddreg [dreg:$0x14];
	[sflag:s2] =	ssyncadd.s32 $0xFFFFFC00  }
0x487: {  	[hbm4b:s5+s4] =	stream.linear.scatter [tilespmem:s26], [sflag:$0x2], $0x400, $0x38;
	[tilespmem:$0xD728] =	vst v63  }
0x488: {  	_ =	swait.ge [sflag:s2], $0x400  }
0x489: {  	[sflag:s2] =	ssyncset.done $0x0  }
0x48a: {  	[sflag:s2] =	ssyncadd.s32 $0xFFFFFC00  }
.LBB3_52:
0x48b: {  	[bflag:$0x0] =	sbarrier.arrive $0xFFFF;
	s0 =	simm.s32 $0xC310  }
0x48c: {  	[tilespmem:s0], [sflag:$0x2] =	stream.linear.gather [spmem:s10], $0x40, $0x38;
	[tilespmem:$0xD728] =	vst v63  }
0x48d: {  	_ =	swait.ge [sflag:s8], $0x40  }
0x48e: {  	[sflag:s8] =	ssyncset.done $0x0  }
0x48f: {  	[sflag:s8] =	ssyncadd.s32 $0xFFFFFFC0  }
0x490: {  	s2 =	simm.s32 $0x40;
	s4 =	simm.s32 $0xC350;
	s5 =	rddreg [dreg:$0x1]  }
0x491: {  	[tilespmem:s4], [sflag:$0x1] =	stream.indirect.gather [hbm4b:s5+s2], $0x1, s0, s2, $0xb8;
	[tilespmem:$0xD728] =	vst v63  }
0x492: {  	s10 =	simm.s32 $0xC390;
	s12 =	rddreg [dreg:$0x2]  }
0x493: {  	[tilespmem:s10], [sflag:$0x1] =	stream.indirect.gather [hbm4b:s12+s2], $0x1, s0, s2, $0xb8;
	[tilespmem:$0xD728] =	vst v63  }
0x494: {  	s13 =	simm.s32 $0xC3D0;
	s14 =	rddreg [dreg:$0x3]  }
0x495: {  	[tilespmem:s13], [sflag:$0x1] =	stream.indirect.gather [hbm4b:s14+s2], $0x1, s0, s2, $0xb8;
	[tilespmem:$0xD728] =	vst v63  }
0x496: {  	s15 =	simm.s32 $0xC410;
	s16 =	rddreg [dreg:$0x4]  }
0x497: {  	[tilespmem:s15], [sflag:$0x1] =	stream.indirect.gather [hbm4b:s16+s2], $0x1, s0, s2, $0xb8;
	[tilespmem:$0xD728] =	vst v63  }
0x498: {  	s17 =	simm.s32 $0xC450;
	s18 =	rddreg [dreg:$0x5]  }
0x499: {  	[tilespmem:s17], [sflag:$0x1] =	stream.indirect.gather [hbm4b:s18+s2], $0x1, s0, s2, $0xb8;
	[tilespmem:$0xD728] =	vst v63  }
0x49a: {  	s19 =	simm.s32 $0xC490;
	s20 =	rddreg [dreg:$0x6]  }
0x49b: {  	[tilespmem:s19], [sflag:$0x1] =	stream.indirect.gather [hbm4b:s20+s2], $0x1, s0, s2, $0xb8;
	[tilespmem:$0xD728] =	vst v63  }
0x49c: {  	s21 =	simm.s32 $0xC4D0;
	s22 =	rddreg [dreg:$0x7]  }
0x49d: {  	[tilespmem:s21], [sflag:$0x1] =	stream.indirect.gather [hbm4b:s22+s2], $0x1, s0, s2, $0xb8;
	[tilespmem:$0xD728] =	vst v63  }
0x49e: {  	s23 =	simm.s32 $0xC510;
	s24 =	rddreg [dreg:$0x8]  }
0x49f: {  	[tilespmem:s23], [sflag:$0x1] =	stream.indirect.gather [hbm4b:s24+s2], $0x1, s0, s2, $0xb8;
	[tilespmem:$0xD728] =	vst v63  }
0x4a0: {  	s25 =	simm.s32 $0xC550;
	s26 =	rddreg [dreg:$0x9]  }
0x4a1: {  	[tilespmem:s25], [sflag:$0x1] =	stream.indirect.gather [hbm4b:s26+s2], $0x1, s0, s2, $0xb8;
	[tilespmem:$0xD728] =	vst v63  }
0x4a2: {  	s6 =	simm.s32 $0xC590;
	s7 =	rddreg [dreg:$0xa]  }
0x4a3: {  	[tilespmem:s6], [sflag:$0x1] =	stream.indirect.gather [hbm4b:s7+s2], $0x1, s0, s2, $0xb8;
	[tilespmem:$0xD728] =	vst v63  }
0x4a4: {  	s8 =	simm.s32 $0xC5D0;
	s10 =	rddreg [dreg:$0xb]  }
0x4a5: {  	[tilespmem:s8], [sflag:$0x1] =	stream.indirect.gather [hbm4b:s10+s2], $0x1, s0, s2, $0xb8;
	[tilespmem:$0xD728] =	vst v63  }
0x4a6: {  	s12 =	simm.s32 $0xC610;
	s13 =	rddreg [dreg:$0xc]  }
0x4a7: {  	[tilespmem:s12], [sflag:$0x1] =	stream.indirect.gather [hbm4b:s13+s2], $0x1, s0, s2, $0xb8;
	[tilespmem:$0xD728] =	vst v63  }
0x4a8: {  	s14 =	simm.s32 $0xC650;
	s15 =	rddreg [dreg:$0xd]  }
0x4a9: {  	[tilespmem:s14], [sflag:$0x1] =	stream.indirect.gather [hbm4b:s15+s2], $0x1, s0, s2, $0xb8;
	[tilespmem:$0xD728] =	vst v63  }
0x4aa: {  	s16 =	simm.s32 $0xC690  }
0x4ab: {  	[tilespmem:s16], [sflag:$0x1] =	stream.indirect.gather [hbm4b:s11+s2], $0x1, s0, s2, $0xb8;
	[tilespmem:$0xD728] =	vst v63  }
0x4ac: {  	s17 =	simm.s32 $0xC6D0  }
0x4ad: {  	[tilespmem:s17], [sflag:$0x1] =	stream.indirect.gather [hbm4b:s9+s2], $0x1, s0, s2, $0xb8;
	[tilespmem:$0xD728] =	vst v63  }
0x4ae: {  	s18 =	simm.s32 $0xC710;
	s19 =	rddreg [dreg:$0x13]  }
0x4af: {  	[tilespmem:s18], [sflag:$0x1] =	stream.indirect.gather [hbm4b:s19+s2], $0x1, s0, s2, $0xb8;
	[tilespmem:$0xD728] =	vst v63  }
0x4b0: {  	s20 =	simm.s32 $0xC750;
	s21 =	rddreg [dreg:$0x12]  }
0x4b1: {  	[tilespmem:s20], [sflag:$0x1] =	stream.indirect.gather [hbm4b:s21+s2], $0x1, s0, s2, $0xb8;
	[tilespmem:$0xD728] =	vst v63  }
0x4b2: {  	s22 =	simm.s32 $0xC790;
	s23 =	rddreg [dreg:$0x11]  }
0x4b3: {  	[tilespmem:s22], [sflag:$0x1] =	stream.indirect.gather [hbm4b:s23+s2], $0x1, s0, s2, $0xb8;
	[tilespmem:$0xD728] =	vst v63  }
0x4b4: {  	s24 =	simm.s32 $0xC7D0;
	s25 =	rddreg [dreg:$0x10];
	s26 =	simm.s32 $0x1  }
0x4b5: {  	[tilespmem:s24], [sflag:$0x1] =	stream.indirect.gather [hbm4b:s25+s2], $0x1, s0, s2, $0xb8;
	[tilespmem:$0xD728] =	vst v63  }
0x4b6: {  	_ =	swait.ge [sflag:s26], $0x40  }
0x4b7: {  	[sflag:s26] =	ssyncset.done $0x0  }
0x4b8: {  	[sflag:s26] =	ssyncadd.s32 $0xFFFFFFC0  }
0x4b9: {  	_ =	swait.ge [sflag:s26], $0x40  }
0x4ba: {  	[sflag:s26] =	ssyncset.done $0x0  }
0x4bb: {  	[sflag:s26] =	ssyncadd.s32 $0xFFFFFFC0  }
0x4bc: {  	_ =	swait.ge [sflag:s26], $0x40  }
0x4bd: {  	[sflag:s26] =	ssyncset.done $0x0  }
0x4be: {  	[sflag:s26] =	ssyncadd.s32 $0xFFFFFFC0  }
0x4bf: {  	_ =	swait.ge [sflag:s26], $0x40  }
0x4c0: {  	[sflag:s26] =	ssyncset.done $0x0  }
0x4c1: {  	[sflag:s26] =	ssyncadd.s32 $0xFFFFFFC0  }
0x4c2: {  	_ =	swait.ge [sflag:s26], $0x40  }
0x4c3: {  	[sflag:s26] =	ssyncset.done $0x0  }
0x4c4: {  	[sflag:s26] =	ssyncadd.s32 $0xFFFFFFC0  }
0x4c5: {  	_ =	swait.ge [sflag:s26], $0x40  }
0x4c6: {  	[sflag:s26] =	ssyncset.done $0x0  }
0x4c7: {  	[sflag:s26] =	ssyncadd.s32 $0xFFFFFFC0  }
0x4c8: {  	_ =	swait.ge [sflag:s26], $0x40  }
0x4c9: {  	[sflag:s26] =	ssyncset.done $0x0  }
0x4ca: {  	[sflag:s26] =	ssyncadd.s32 $0xFFFFFFC0  }
0x4cb: {  	_ =	swait.ge [sflag:s26], $0x40  }
0x4cc: {  	[sflag:s26] =	ssyncset.done $0x0  }
0x4cd: {  	[sflag:s26] =	ssyncadd.s32 $0xFFFFFFC0  }
0x4ce: {  	_ =	swait.ge [sflag:s26], $0x40  }
0x4cf: {  	[sflag:s26] =	ssyncset.done $0x0  }
0x4d0: {  	[sflag:s26] =	ssyncadd.s32 $0xFFFFFFC0  }
0x4d1: {  	_ =	swait.ge [sflag:s26], $0x40  }
0x4d2: {  	[sflag:s26] =	ssyncset.done $0x0  }
0x4d3: {  	[sflag:s26] =	ssyncadd.s32 $0xFFFFFFC0  }
0x4d4: {  	_ =	swait.ge [sflag:s26], $0x40  }
0x4d5: {  	[sflag:s26] =	ssyncset.done $0x0  }
0x4d6: {  	[sflag:s26] =	ssyncadd.s32 $0xFFFFFFC0  }
0x4d7: {  	_ =	swait.ge [sflag:s26], $0x40  }
0x4d8: {  	[sflag:s26] =	ssyncset.done $0x0  }
0x4d9: {  	[sflag:s26] =	ssyncadd.s32 $0xFFFFFFC0  }
0x4da: {  	_ =	swait.ge [sflag:s26], $0x40  }
0x4db: {  	[sflag:s26] =	ssyncset.done $0x0  }
0x4dc: {  	[sflag:s26] =	ssyncadd.s32 $0xFFFFFFC0  }
0x4dd: {  	_ =	swait.ge [sflag:s26], $0x40  }
0x4de: {  	[sflag:s26] =	ssyncset.done $0x0  }
0x4df: {  	[sflag:s26] =	ssyncadd.s32 $0xFFFFFFC0  }
0x4e0: {  	_ =	swait.ge [sflag:s26], $0x40  }
0x4e1: {  	[sflag:s26] =	ssyncset.done $0x0  }
0x4e2: {  	[sflag:s26] =	ssyncadd.s32 $0xFFFFFFC0  }
0x4e3: {  	_ =	swait.ge [sflag:s26], $0x40  }
0x4e4: {  	[sflag:s26] =	ssyncset.done $0x0  }
0x4e5: {  	[sflag:s26] =	ssyncadd.s32 $0xFFFFFFC0  }
0x4e6: {  	_ =	swait.ge [sflag:s26], $0x40  }
0x4e7: {  	[sflag:s26] =	ssyncset.done $0x0  }
0x4e8: {  	[sflag:s26] =	ssyncadd.s32 $0xFFFFFFC0  }
0x4e9: {  	_ =	swait.ge [sflag:s26], $0x40  }
0x4ea: {  	[sflag:s26] =	ssyncset.done $0x0  }
0x4eb: {  	[sflag:s26] =	ssyncadd.s32 $0xFFFFFFC0  }
0x4ec: {  	_ =	swait.ge [sflag:s26], $0x40  }
0x4ed: {  	[sflag:s26] =	ssyncset.done $0x0  }
0x4ee: {  	s4 =	simm.s32 $0x0;
	[sflag:s26] =	ssyncadd.s32 $0xFFFFFFC0  }
0x4ef: {  	v4 =	vld [tilespmem:s4+$0xC410]  }
0x4f0: {  	v6 =	vld [tilespmem:s4+$0xC450];
	_ =	sdelay $0x2  }
0x4f1: {  	v1 =	vld [tilespmem:s4+$0xC6D0]  }
0x4f2: {  	v2 =	vld [tilespmem:s4+$0xC710]  }
0x4f3: {  	v3 =	vld [tilespmem:s4+$0xC750];
	v0 =	vmul.f32 v6, v6;
	v5 =	vmul.f32 v4, v4;
	_ =	sdelay $0x1  }
0x4f4: {  	v0 =	vadd.f32 v0, v5  }
0x4f5: {  	v1 =	vsub.f32 $0.0e+00, v1;
	v5 =	vld [tilespmem:s4+$0xC650]  }
0x4f6: {  	v2 =	vsub.f32 $0.0e+00, v2;
	v8 =	vshra.s32 v0, $0x1  }
0x4f7: {  	v3 =	vsub.f32 $0.0e+00, v3;
	v1 =	vmul.f32 $1.442695020e+00, v1;
	v8 =	vadd.s32 $0x1FBD1DF5, v8  }
0x4f8: {  	v7 =	vld [tilespmem:s4+$0xC610];
	v2 =	vmul.f32 $1.442695020e+00, v2;
	(erf) = vrcp.f32 v8  }
0x4f9: {  	v3 =	vmul.f32 $1.442695020e+00, v3;
	(erf) = vpow2.f32 v1  }
0x4fa: {  	v9 =	vld [tilespmem:s4+$0xC5D0];
	v1 =	vmul.f32 $1.442695020e+00, v5;
	(erf) = vpow2.f32 v2  }
0x4fb: {  	(erf) = vpow2.f32 v3  }
0x4fc: {  	(erf) = vpow2.f32 v1  }
0x4fd: {  	v10 =	vld [tilespmem:s4+$0xC790];
	v2 =	vmul.f32 $1.442695020e+00, v7  }
0x4fe: {  	v11 =	vld [tilespmem:s4+$0xC7D0]  }
0x4ff: {  	v5 =	vld [tilespmem:s4+$0xC490];
	v3 =	vmul.f32 $1.442695020e+00, v9  }
0x500: {  	v7 =	vld [tilespmem:s4+$0xC590];
	(erf) = vpow2.f32 v2  }
0x501: {  	(erf) = vpow2.f32 v3;
	v2 =	vpop (erf)  }
0x502: {  	v56 =	vld [tilespmem:s4+$0xC690];
	v13 =	vpop (erf)  }
0x503: {  	v12 =	vld [tilespmem:s4+$0xC3D0];
	v16 =	vmul.f32 v2, v0;
	v15 =	vpop (erf)  }
0x504: {  	vm0 =	vgt.f32 v11, v10;
	v1 =	vld [tilespmem:s4+$0xC4D0];
	v14 =	vmul.f32 $5.000000000e-01, v5;
	v57 =	vadd.f32 $1.000000000e+00, v13;
	v17 =	vpop (erf)  }
0x505: {  	v7 =	vmul.f32 v7, v5;
	v8 =	vadd.f32 v8, v16;
	v61 =	vadd.f32 $1.000000000e+00, v15;
	v58 =	vpop (erf)  }
0x506: {  	(erf) = vrcp.f32 v57;
	v63 =	vadd.f32 $1.000000000e+00, v17;
	v11 =	vmul.f32 v58, v5  }
0x507: {  	v3 =	vimm.s32 $0x0;
	v5 =	vmul.f32 $5.000000000e-01, v8;
	(erf) = vrcp.f32 v61  }
0x508: {  	v59 =	vsel vm0, $0x1, v3;
	(erf) = vrcp.f32 v63  }
0x509: {  	v12 =	vadd.f32 v14, v12;
	v9 =	vadd.f32 v56, v1;
	v60 =	vpop (erf);
	(erf) = vrcp.f32 v5  }
0x50a: {  	s5 =	sadd.s32 s1, s30;
	[tilespmem:s4+$0xCA90] =	vst v59;
	v62 =	vpop (erf)  }
0x50b: {  	s7 =	sadd.s32 $0x280, s28;
	s6 =	sadd.s32 $0x300, s28;
	s10 =	sadd.s32 $0x200, s28;
	v7 =	vadd.f32 v7, v12;
	[tilespmem:s4+$0xC990] =	vst v9;
	v4 =	vmul.f32 v62, v4;
	v8 =	vmul.f32 $5.000000000e-01, v11  }
0x50c: {  	s8 =	sadd.s32 s1, s29;
	s12 =	sadd.s32 s3, s30;
	s13 =	simm.s32 $0x10;
	v1 =	vld [tilespmem:s4+$0xC350];
	[tilespmem:s4+$0xC950] =	vst v11  }
0x50d: {  	s11 =	sadd.s32 s3, s31;
	s3 =	sadd.s32 s1, s31;
	s31 =	rddreg [dreg:$0xf];
	v2 =	vld [tilespmem:s4+$0xC510];
	[tilespmem:s4+$0xC8D0] =	vst v4;
	v7 =	vsub.f32 v7, v8  }
0x50e: {  	s9 =	sadd.s32 $0x180, s28;
	s2 =	simm.s32 $0x80;
	s1 =	sadd.s32 s31, s29;
	v6 =	vmul.f32 v60, v6;
	v4 =	vld [tilespmem:s13+$0xC410]  }
.LBB3_53:
0x50f: {  	p1 =	sne.s32 s2, $0xC0;
	v8 =	vld [tilespmem:s13+$0xC450];
	[tilespmem:s4+$0xC890] =	vst v7;
	v7 =	vpop (erf)  }
0x510: {  	v9 =	vld [tilespmem:s13+$0xC6D0];
	[tilespmem:s4+$0xC9D0] =	vst v7;
	v7 =	vpop (erf)  }
0x511: {  	v10 =	vld [tilespmem:s13+$0xC710];
	[tilespmem:s4+$0xCA10] =	vst v7;
	v7 =	vpop (erf)  }
0x512: {  	v11 =	vld [tilespmem:s13+$0xC750];
	[tilespmem:s4+$0xCA50] =	vst v7;
	v7 =	vpop (erf)  }
0x513: {  	v12 =	vld [tilespmem:s13+$0xC650];
	v7 =	vmul.f32 v7, v0;
	[tilespmem:s4+$0xC910] =	vst v6  }
0x514: {  	v14 =	vmul.f32 v4, v4;
	v6 =	vld [tilespmem:s13+$0xC5D0];
	v13 =	vmul.f32 v8, v8  }
0x515: {  	v15 =	vld [tilespmem:s13+$0xC610];
	v9 =	vsub.f32 $0.0e+00, v9;
	v5 =	vadd.f32 v7, v5  }
0x516: {  	v7 =	vld [tilespmem:s13+$0xC490];
	v13 =	vadd.f32 v13, v14;
	v10 =	vsub.f32 $0.0e+00, v10  }
0x517: {  	v14 =	vld [tilespmem:s13+$0xC3D0];
	v9 =	vmul.f32 $1.442695020e+00, v9;
	v11 =	vsub.f32 $0.0e+00, v11;
	v5 =	vmul.f32 $5.000000000e-01, v5  }
0x518: {  	v16 =	vld [tilespmem:s13+$0xC590];
	v17 =	vshra.s32 v13, $0x1;
	v12 =	vmul.f32 $1.442695020e+00, v12;
	v10 =	vmul.f32 $1.442695020e+00, v10  }
0x519: {  	v18 =	vld [tilespmem:s13+$0xC510];
	v17 =	vadd.s32 $0x1FBD1DF5, v17;
	v11 =	vmul.f32 $1.442695020e+00, v11;
	(erf) = vrcp.f32 v5  }
0x51a: {  	v19 =	vld [tilespmem:s13+$0xC350];
	v15 =	vmul.f32 $1.442695020e+00, v15;
	(erf) = vrcp.f32 v17  }
0x51b: {  	v6 =	vmul.f32 $1.442695020e+00, v6;
	v20 =	vld [tilespmem:s13+$0xC4D0];
	(erf) = vpow2.f32 v9  }
0x51c: {  	v21 =	vmul.f32 $5.000000000e-01, v7;
	v9 =	vld [tilespmem:s13+$0xC690];
	(erf) = vpow2.f32 v10  }
0x51d: {  	v10 =	vmul.f32 v16, v7;
	v16 =	vld [tilespmem:s13+$0xC790];
	(erf) = vpow2.f32 v11  }
0x51e: {  	v11 =	vadd.f32 v21, v14;
	v14 =	vld [tilespmem:s13+$0xC7D0];
	(erf) = vpow2.f32 v12  }
0x51f: {  	(erf) = vpow2.f32 v15  }
0x520: {  	v10 =	vadd.f32 v10, v11;
	(erf) = vpow2.f32 v6  }
0x521: {  	v11 =	vadd.f32 v9, v20  }
0x522: {  	v9 =	vpop (erf)  }
0x523: {  	[tilespmem:s13+$0xC990] =	vst v11;
	vm0 =	vgt.f32 v14, v16;
	v6 =	vpop (erf);
	v9 =	vmul.f32 v9, v0;
	v0 =	vmov v13  }
0x524: {  	v6 =	vmul.f32 v6, v0;
	v14 =	vsel vm0, $0x1, v3;
	v12 =	vpop (erf);
	v13 =	vld [tilespmem:s4+$0xC550]  }
0x525: {  	v12 =	vadd.f32 $1.000000000e+00, v12;
	[tilespmem:s13+$0xCA90] =	vst v14;
	v11 =	vpop (erf);
	v5 =	vadd.f32 v9, v5  }
0x526: {  	v16 =	vadd.f32 v17, v6;
	v17 =	vadd.f32 $1.000000000e+00, v11;
	v11 =	vpop (erf);
	v14 =	vld [tilespmem:s4+$0xC390]  }
0x527: {  	v11 =	vadd.f32 $1.000000000e+00, v11;
	v15 =	vpop (erf);
	(erf) = vrcp.f32 v12;
	v12 =	vmul.f32 $5.000000000e-01, v5  }
0x528: {  	v5 =	vmul.f32 $5.000000000e-01, v16;
	v6 =	vpop (erf);
	(erf) = vrcp.f32 v17  }
0x529: {  	v9 =	vpop (erf);
	(erf) = vrcp.f32 v11;
	v11 =	vmul.f32 v12, v13  }
0x52a: {  	v7 =	vmul.f32 v15, v7;
	(erf) = vrcp.f32 v5  }
.Ltmp33:
0x52b: {  	v6 =	vmul.f32 v6, v8;
	v8 =	vmul.f32 v12, v2;
	v2 =	vmovc v18;
	v11 =	vadd.f32 v11, v14;
	(pc) =	sbr.rel @p1 .LBB3_53-.Ltmp33, $4  }
0x52c: {  	v4 =	vmul.f32 v9, v4;
	v9 =	vmul.f32 $5.000000000e-01, v7;
	[tilespmem:s13+$0xC950] =	vst v7  }
0x52d: {  	v8 =	vadd.f32 v8, v1;
	v1 =	vmov v19;
	[tilespmem:s4+$0xC850] =	vst v11  }
0x52e: {  	s0 =	sshra.s32 s2, $0x2;
	v7 =	vsub.f32 v10, v9;
	[tilespmem:s13+$0xC8D0] =	vst v4  }
0x52f: {  	s2 =	sadd.s32 $0x40, s2;
	v4 =	vld [tilespmem:s0+$0xC410];
	[tilespmem:s4+$0xC810] =	vst v8;
	s4 =	smov.u32 s13;
	s13 =	smov.u32 s0  }
0x530: {  	v8 =	vld [tilespmem:s13+$0xC450];
	v25 =	vpop (erf)  }
0x531: {  	[tilespmem:s4+$0xC890] =	vst v7;
	v10 =	vpop (erf)  }
0x532: {  	v9 =	vld [tilespmem:s13+$0xC6D0];
	v26 =	vpop (erf)  }
0x533: {  	[tilespmem:s4+$0xC9D0] =	vst v25;
	v12 =	vpop (erf)  }
0x534: {  	v11 =	vld [tilespmem:s13+$0xC710];
	[tilespmem:s4+$0xCA10] =	vst v10;
	v27 =	vmul.f32 v12, v0  }
0x535: {  	v28 =	vld [tilespmem:s13+$0xC750];
	v14 =	vmul.f32 v4, v4;
	v13 =	vmul.f32 v8, v8  }
0x536: {  	v5 =	vadd.f32 v27, v5  }
0x537: {  	v9 =	vsub.f32 $0.0e+00, v9;
	v29 =	vadd.f32 v13, v14  }
0x538: {  	v5 =	vmul.f32 $5.000000000e-01, v5  }
0x539: {  	v11 =	vsub.f32 $0.0e+00, v11;
	v9 =	vmul.f32 $1.442695020e+00, v9;
	v13 =	vshra.s32 v29, $0x1  }
0x53a: {  	v12 =	vsub.f32 $0.0e+00, v28;
	v13 =	vadd.s32 $0x1FBD1DF5, v13;
	(erf) = vrcp.f32 v5  }
0x53b: {  	v30 =	vmul.f32 $1.442695020e+00, v11;
	(erf) = vrcp.f32 v13  }
0x53c: {  	[tilespmem:s4+$0xCA50] =	vst v26;
	v12 =	vmul.f32 $1.442695020e+00, v12;
	(erf) = vpow2.f32 v9  }
0x53d: {  	v31 =	vld [tilespmem:s13+$0xC650];
	[tilespmem:s4+$0xC910] =	vst v6;
	(erf) = vpow2.f32 v30  }
0x53e: {  	v6 =	vld [tilespmem:s13+$0xC5D0];
	(erf) = vpow2.f32 v12  }
0x53f: {  	v32 =	vld [tilespmem:s13+$0xC610];
	_ =	sdelay $0x3  }
0x540: {  	v33 =	vmul.f32 $1.442695020e+00, v31;
	v34 =	vpop (erf)  }
0x541: {  	v7 =	vmul.f32 $1.442695020e+00, v32;
	v6 =	vmul.f32 $1.442695020e+00, v6;
	v35 =	vpop (erf)  }
0x542: {  	(erf) = vpow2.f32 v33;
	v36 =	vmul.f32 v35, v29;
	v37 =	vpop (erf)  }
0x543: {  	(erf) = vpow2.f32 v7;
	v38 =	vadd.f32 $1.000000000e+00, v37;
	v39 =	vpop (erf)  }
0x544: {  	(erf) = vpow2.f32 v6;
	v40 =	vadd.f32 v13, v36;
	v41 =	vadd.f32 $1.000000000e+00, v39;
	v42 =	vpop (erf)  }
0x545: {  	v12 =	vadd.f32 $1.000000000e+00, v42;
	(erf) = vrcp.f32 v38  }
0x546: {  	v6 =	vmul.f32 $5.000000000e-01, v40;
	(erf) = vrcp.f32 v41  }
0x547: {  	(erf) = vrcp.f32 v12  }
0x548: {  	(erf) = vrcp.f32 v6;
	_ =	sdelay $0x1  }
0x549: {  	v44 =	vld [tilespmem:s13+$0xC4D0]  }
0x54a: {  	v45 =	vld [tilespmem:s13+$0xC690];
	v47 =	vpop (erf)  }
0x54b: {  	v16 =	vpop (erf)  }
0x54c: {  	v18 =	vpop (erf)  }
0x54d: {  	v20 =	vpop (erf)  }
0x54e: {  	v48 =	vpop (erf)  }
0x54f: {  	v46 =	vld [tilespmem:s13+$0xC790];
	v9 =	vadd.f32 v45, v44;
	v23 =	vpop (erf)  }
0x550: {  	v15 =	vld [tilespmem:s13+$0xC7D0];
	v50 =	vpop (erf)  }
0x551: {  	[tilespmem:s13+$0xC990] =	vst v9;
	v9 =	vmul.f32 v50, v29;
	_ =	sdelay $0x1  }
0x552: {  	v49 =	vmul.f32 v34, v0;
	v52 =	vadd.f32 v9, v6;
	_ =	sdelay $0x1  }
0x553: {  	vm0 =	vgt.f32 v15, v46;
	v0 =	vadd.f32 v49, v5;
	v5 =	vmul.f32 $5.000000000e-01, v52  }
0x554: {  	v3 =	vsel vm0, $0x1, v3;
	v51 =	vld [tilespmem:s4+$0xC550]  }
0x555: {  	v43 =	vld [tilespmem:s13+$0xC490];
	[tilespmem:s13+$0xCA90] =	vst v3;
	(erf) = vrcp.f32 v5  }
0x556: {  	v3 =	vld [tilespmem:s4+$0xC390]  }
0x557: {  	v0 =	vmul.f32 $5.000000000e-01, v0;
	_ =	sdelay $0x1  }
0x558: {  	v11 =	vmul.f32 v0, v51  }
0x559: {  	v17 =	vld [tilespmem:s13+$0xC3D0];
	v7 =	vmul.f32 v47, v43  }
0x55a: {  	v19 =	vld [tilespmem:s13+$0xC590];
	v0 =	vmul.f32 v0, v2;
	v55 =	vadd.f32 v11, v3  }
0x55b: {  	v21 =	vld [tilespmem:s13+$0xC510];
	[tilespmem:s13+$0xC950] =	vst v7;
	v57 =	vmul.f32 v18, v4  }
0x55c: {  	v22 =	vld [tilespmem:s13+$0xC350];
	v0 =	vadd.f32 v0, v1;
	[tilespmem:s4+$0xC850] =	vst v55  }
0x55d: {  	[tilespmem:s13+$0xC8D0] =	vst v57;
	v61 =	vpop (erf)  }
0x55e: {  	[tilespmem:s4+$0xC810] =	vst v0;
	v62 =	vmul.f32 v61, v29  }
0x55f: {  	v53 =	vmul.f32 $5.000000000e-01, v43;
	v63 =	vld [tilespmem:s13+$0xC550]  }
0x560: {  	v0 =	vadd.f32 v62, v5  }
0x561: {  	v54 =	vmul.f32 v19, v43;
	v60 =	vmul.f32 v16, v8;
	v2 =	vld [tilespmem:s13+$0xC390];
	v6 =	vadd.f32 v53, v17  }
0x562: {  	v0 =	vmul.f32 $5.000000000e-01, v0  }
0x563: {  	v58 =	vmul.f32 $5.000000000e-01, v7;
	[tilespmem:s13+$0xC910] =	vst v60;
	v56 =	vadd.f32 v54, v6  }
0x564: {  	[tilespmem:s13+$0xC9D0] =	vst v20;
	v1 =	vmul.f32 v0, v63  }
0x565: {  	[tilespmem:s13+$0xCA10] =	vst v48;
	v59 =	vsub.f32 v56, v58;
	v0 =	vmul.f32 v0, v21  }
0x566: {  	[tilespmem:s13+$0xCA50] =	vst v23;
	v1 =	vadd.f32 v1, v2  }
0x567: {  	[tilespmem:s13+$0xC890] =	vst v59;
	v0 =	vadd.f32 v0, v22  }
0x568: {  	[tilespmem:s13+$0xC850] =	vst v1  }
0x569: {  	s0 =	simm.s32 $0x0;
	s2 =	simm.s32 $0xC810;
	s20 =	simm.s32 $0x2;
	[tilespmem:s13+$0xC810] =	vst v0  }
0x56a: {  	[hbm4b:s28+s0] =	stream.linear.scatter [tilespmem:s2], [sflag:$0x2], $0x40, $0x38;
	[tilespmem:$0xD728] =	vst v63  }
0x56b: {  	_ =	swait.ge [sflag:s20], $0x40  }
0x56c: {  	[sflag:s20] =	ssyncset.done $0x0  }
0x56d: {  	s21 =	simm.s32 $0xC850;
	[sflag:s20] =	ssyncadd.s32 $0xFFFFFFC0  }
0x56e: {  	[hbm4b:s12+s0] =	stream.linear.scatter [tilespmem:s21], [sflag:$0x2], $0x40, $0x38;
	[tilespmem:$0xD728] =	vst v63  }
0x56f: {  	_ =	swait.ge [sflag:s20], $0x40  }
0x570: {  	[sflag:s20] =	ssyncset.done $0x0  }
0x571: {  	s22 =	simm.s32 $0xC890;
	[sflag:s20] =	ssyncadd.s32 $0xFFFFFFC0  }
0x572: {  	[hbm4b:s11+s0] =	stream.linear.scatter [tilespmem:s22], [sflag:$0x2], $0x40, $0x38;
	[tilespmem:$0xD728] =	vst v63  }
0x573: {  	_ =	swait.ge [sflag:s20], $0x40  }
0x574: {  	[sflag:s20] =	ssyncset.done $0x0  }
0x575: {  	s23 =	simm.s32 $0xC8D0;
	[sflag:s20] =	ssyncadd.s32 $0xFFFFFFC0  }
0x576: {  	[hbm4b:s9+s0] =	stream.linear.scatter [tilespmem:s23], [sflag:$0x2], $0x40, $0x38;
	[tilespmem:$0xD728] =	vst v63  }
0x577: {  	_ =	swait.ge [sflag:s20], $0x40  }
0x578: {  	[sflag:s20] =	ssyncset.done $0x0  }
0x579: {  	s24 =	simm.s32 $0xC910;
	[sflag:s20] =	ssyncadd.s32 $0xFFFFFFC0  }
0x57a: {  	[hbm4b:s10+s0] =	stream.linear.scatter [tilespmem:s24], [sflag:$0x2], $0x40, $0x38;
	[tilespmem:$0xD728] =	vst v63  }
0x57b: {  	_ =	swait.ge [sflag:s20], $0x40  }
0x57c: {  	[sflag:s20] =	ssyncset.done $0x0  }
0x57d: {  	s25 =	simm.s32 $0xC950;
	[sflag:s20] =	ssyncadd.s32 $0xFFFFFFC0  }
0x57e: {  	[hbm4b:s7+s0] =	stream.linear.scatter [tilespmem:s25], [sflag:$0x2], $0x40, $0x38;
	[tilespmem:$0xD728] =	vst v63  }
0x57f: {  	_ =	swait.ge [sflag:s20], $0x40  }
0x580: {  	[sflag:s20] =	ssyncset.done $0x0  }
0x581: {  	s26 =	simm.s32 $0xC990;
	[sflag:s20] =	ssyncadd.s32 $0xFFFFFFC0  }
0x582: {  	[hbm4b:s6+s0] =	stream.linear.scatter [tilespmem:s26], [sflag:$0x2], $0x40, $0x38;
	[tilespmem:$0xD728] =	vst v63  }
0x583: {  	_ =	swait.ge [sflag:s20], $0x40  }
0x584: {  	[sflag:s20] =	ssyncset.done $0x0  }
0x585: {  	s28 =	simm.s32 $0xC9D0;
	[sflag:s20] =	ssyncadd.s32 $0xFFFFFFC0  }
0x586: {  	[hbm4b:s8+s0] =	stream.linear.scatter [tilespmem:s28], [sflag:$0x2], $0x40, $0x38;
	[tilespmem:$0xD728] =	vst v63  }
0x587: {  	_ =	swait.ge [sflag:s20], $0x40  }
0x588: {  	[sflag:s20] =	ssyncset.done $0x0  }
0x589: {  	s29 =	simm.s32 $0xCA10;
	[sflag:s20] =	ssyncadd.s32 $0xFFFFFFC0  }
0x58a: {  	[hbm4b:s5+s0] =	stream.linear.scatter [tilespmem:s29], [sflag:$0x2], $0x40, $0x38;
	[tilespmem:$0xD728] =	vst v63  }
0x58b: {  	_ =	swait.ge [sflag:s20], $0x40  }
0x58c: {  	[sflag:s20] =	ssyncset.done $0x0  }
0x58d: {  	s30 =	simm.s32 $0xCA50;
	[sflag:s20] =	ssyncadd.s32 $0xFFFFFFC0  }
0x58e: {  	[hbm4b:s3+s0] =	stream.linear.scatter [tilespmem:s30], [sflag:$0x2], $0x40, $0x38;
	[tilespmem:$0xD728] =	vst v63  }
0x58f: {  	_ =	swait.ge [sflag:s20], $0x40  }
0x590: {  	[sflag:s20] =	ssyncset.done $0x0  }
0x591: {  	s31 =	simm.s32 $0xCA90;
	[sflag:s20] =	ssyncadd.s32 $0xFFFFFFC0  }
0x592: {  	[hbm4b:s1+s0] =	stream.linear.scatter [tilespmem:s31], [sflag:$0x2], $0x40, $0x38;
	[tilespmem:$0xD728] =	vst v63  }
0x593: {  	_ =	swait.ge [sflag:s20], $0x40  }
0x594: {  	[sflag:s20] =	ssyncset.done $0x0  }
0x595: {  	[sflag:s20] =	ssyncadd.s32 $0xFFFFFFC0  }
0x596: {  	_ =	sfence.sel $0x180000  }
0x597: {  	[bflag:$0x0] =	sbarrier.arrive $0xFFFF  }
0x598: {  	_ =	strace $0x90000047  }
0x599: {  	[bflag:$0x2] =	sbarrier.arrive $0xFFFF  }
0x59a: {  	s0 =	rddreg [dreg:$0xe]  }
0x59b: {  	s0 =	sadd.s32 @!p0 $0x100000, s0  }
0x59c: {  	[sflag:s0] =	ssyncadd.tile.s32 @!p0 $0x1;
	_ =	shalt  }
.Lfunc_end3:
_tile_overlayer_lowered:
.L_overlay_start_3:
0x59d: {  	(tag) =	ssettag $0x3  }
0x59e: {  	s0 =	rddreg [dreg:$0x0];
	s2 =	stileid.u32  }
0x59f: {  	s1 =	rddreg [dreg:$0x1];
	p0 =	sne.s32 s2, $0x0  }
0x5a0: {  	s3 =	rddreg [dreg:$0x2];
	[bflag:$0x3] =	sbarrier.arrive $0xFFFF;
	s2 =	simm.s32 @!p0 $0x1C02  }
0x5a1: {  	[timem:s3], [sflag:s2] =	dma.local @!p0 [hbm:s0], s1  }
0x5a2: {  	s0 =	simm.s32 @!p0 $0x2  }
0x5a3: {  	_ =	swait.ge @!p0 [sflag:s0], s1  }
0x5a4: {  	s1 =	ssub.s32 @!p0 $0x0, s1;
	[sflag:s0] =	ssyncset.done @!p0 $0x0  }
0x5a5: {  	[sflag:s0] =	ssyncadd.s32 @!p0 s1  }
0x5a6: {  	[bflag:$0x3] =	sbarrier.arrive $0xFFFF  }
0x5a7: {  	_ =	shalt  }

</sc_bundles>
